<compile_context>
chip_gen: v7x
topology: tpu7x:2x2x1
jax: 0.10.2.dev20260603
libtpu: 0.0.44.dev20260713+nightly
codegen_flags: <defaults>
</compile_context>

<pallas_src>
import functools

import jax
import jax.numpy as jnp
from jax import lax
from jax.experimental import pallas as pl
from jax.experimental.pallas import tpu as pltpu
from jax.experimental.pallas import tpu_sc as plsc

N = 50000
F = 100000
B = 4

NC = 2
NS = 16
NCOL = 13
C0 = 7

N_PAD = 50176
F_PAD = 102400
FH = F_PAD // 2
CH = 3200
NCHUNK = FH // CH
NGRP = CH // 16
PB = 3136


def _sc_scatter(d_flat, fa_hbm, fb_hbm, fc_hbm):
  mesh = plsc.VectorSubcoreMesh(core_axis_name="c", subcore_axis_name="s")

  @functools.partial(
      pl.kernel,
      mesh=mesh,
      compiler_params=pltpu.CompilerParams(needs_layout_passes=False),
      out_type=(
          jax.ShapeDtypeStruct((NCOL * N_PAD,), jnp.float32),
          jax.ShapeDtypeStruct((NCOL * N_PAD,), jnp.float32),
      ),
      scratch_types=[
          pltpu.VMEM((N_PAD,), jnp.float32),
          pltpu.VMEM((N_PAD,), jnp.float32),
          pltpu.VMEM((PB,), jnp.float32),
          pltpu.VMEM((CH,), jnp.int32),
          pltpu.VMEM((CH,), jnp.int32),
          pltpu.VMEM((CH,), jnp.int32),
          pltpu.VMEM((CH,), jnp.int32),
          pltpu.VMEM((CH,), jnp.int32),
          pltpu.VMEM((CH,), jnp.int32),
          pltpu.SemaphoreType.DMA,
          pltpu.SemaphoreType.DMA,
      ],
  )
  def k(d_hbm, fa, fb, fc, s_hbm, p_hbm, dcol, scol, pbuf,
        ia0, ib0, ic0, ia1, ib1, ic1, sem0, sem1):
    c = lax.axis_index("c")
    s = lax.axis_index("s")
    ncols = jnp.where(c == 0, C0, NCOL - C0)
    col = c * C0 + s // 2
    h = s % 2
    active = s < 2 * ncols
    bufs = ((ia0, ib0, ic0, sem0), (ia1, ib1, ic1, sem1))

    @pl.when(active)
    def _work():
      def fire(kc, st):
        base = h * FH + kc * CH
        a, b, cc, sm = st
        return (pltpu.async_copy(fa.at[pl.ds(base, CH)], a, sm),
                pltpu.async_copy(fb.at[pl.ds(base, CH)], b, sm),
                pltpu.async_copy(fc.at[pl.ds(base, CH)], cc, sm))

      hs = fire(0, bufs[0])

      pltpu.sync_copy(d_hbm.at[pl.ds(col * N_PAD, N_PAD)], dcol)

      def zrow(i, carry):
        scol[pl.ds(i * 16, 16)] = jnp.zeros((16,), jnp.float32)
        return carry

      lax.fori_loop(0, N_PAD // 16, zrow, 0)

      for kc in range(NCHUNK):
        ia, ib, ic, _ = bufs[kc % 2]
        for hh in hs:
          hh.wait()
        if kc + 1 < NCHUNK:
          hs = fire(kc + 1, bufs[(kc + 1) % 2])

        @plsc.parallel_loop(0, NGRP, 1, unroll=4)
        def grp(g):
          va = ia[pl.ds(g * 16, 16)]
          vb = ib[pl.ds(g * 16, 16)]
          vc = ic[pl.ds(g * 16, 16)]
          t = (plsc.load_gather(dcol, [va])
               + plsc.load_gather(dcol, [vb])
               + plsc.load_gather(dcol, [vc]))
          plsc.addupdate_scatter(scol, [va], t)
          plsc.addupdate_scatter(scol, [vb], t)
          plsc.addupdate_scatter(scol, [vc], t)

    @pl.when(active & (h == 1))
    def _publish():
      pltpu.sync_copy(scol, p_hbm.at[pl.ds(col * N_PAD, N_PAD)])

    plsc.subcore_barrier()

    @pl.when(active & (h == 0))
    def _combine():
      for j in range(N_PAD // PB):
        pltpu.sync_copy(
            p_hbm.at[pl.ds(col * N_PAD + j * PB, PB)], pbuf)

        def arow(i, carry):
          o = j * PB + i * 16
          scol[pl.ds(o, 16)] = scol[pl.ds(o, 16)] + pbuf[pl.ds(i * 16, 16)]
          return carry

        lax.fori_loop(0, PB // 16, arow, 0)
      pltpu.sync_copy(scol, s_hbm.at[pl.ds(col * N_PAD, N_PAD)])

  return k(d_flat, fa_hbm, fb_hbm, fc_hbm)[0]


def _tc_final(st, dt):

  def body(s_ref, d_ref, o_ref):
    S = s_ref[...]
    d = d_ref[...]
    s12 = S[12:13, :]
    cnt = s12 * (1.0 / 3.0)
    deg = jnp.maximum(s12 * (2.0 / 3.0), 1.0)
    x = (S[:12, :] - cnt * d[:12, :]) / deg - d[:12, :]
    o_ref[0, 0] = jnp.sum(jnp.abs(x)) * (1.0 / (B * N * 3))

  return pl.pallas_call(
      body,
      out_shape=jax.ShapeDtypeStruct((1, 1), jnp.float32),
      out_specs=pl.BlockSpec(memory_space=pltpu.SMEM),
  )(st, dt)[0, 0]


def kernel(vert1, vert2, faces):
  d = vert1 - vert2
  dcols = jnp.transpose(d, (0, 2, 1)).reshape(B * 3, N)
  dt = jnp.concatenate([dcols, jnp.ones((1, N), jnp.float32)], axis=0)
  dt = jnp.concatenate(
      [dt, jnp.zeros((NCOL, N_PAD - N), jnp.float32)], axis=1)
  pad_idx = jnp.full((F_PAD - F,), N, jnp.int32)
  fcols = faces.astype(jnp.int32)
  fa = jnp.concatenate([fcols[:, 0], pad_idx])
  fb = jnp.concatenate([fcols[:, 1], pad_idx])
  fc = jnp.concatenate([fcols[:, 2], pad_idx])
  st = _sc_scatter(dt.reshape(-1), fa, fb, fc).reshape(NCOL, N_PAD)
  return _tc_final(st, dt)

# --- scband reference (transcript-rebuilt; emitter-appended) ---
"""Pipeline reference for scband-mesh-laplacian-loss-26628797235299 (READ-ONLY COPY).

The authoritative reference and input builder live on the scoring server;
editing this copy changes nothing except your own understanding.
"""

import jax, jax.numpy as jnp
import numpy as np

NUM_POINT = 50000
NUM_FACES = 100000
BATCH = 4


def setup_inputs(seed: int = 0):
    key = jax.random.key(seed)
    k1, k2, k3 = jax.random.split(key, 3)
    vert1 = jax.random.normal(k1, (BATCH, NUM_POINT, 3), dtype=jnp.float32)
    vert2 = jax.random.normal(k2, (BATCH, NUM_POINT, 3), dtype=jnp.float32)
    faces = jax.random.randint(k3, (NUM_FACES, 3), 0, NUM_POINT, dtype=jnp.int64) if jax.config.jax_enable_x64 else jax.random.randint(k3, (NUM_FACES, 3), 0, NUM_POINT, dtype=jnp.int32)
    return {"vert1": vert1, "vert2": vert2, "faces": faces}


def _uniform_laplacian(vert, faces, num_point):
    # build symmetric edge list from triangle faces (duplicates kept, as in
    # sparse-matrix construction with coalesced/summed duplicate entries)
    i, j, k = faces[:, 0], faces[:, 1], faces[:, 2]
    src = jnp.concatenate([i, j, j, k, k, i])
    dst = jnp.concatenate([j, i, k, j, i, k])
    deg = jnp.zeros((num_point,), jnp.float32).at[dst].add(1.0)
    deg = jnp.maximum(deg, 1.0)

    def per_batch(v):
        nbr_sum = jnp.zeros((num_point, v.shape[-1]), v.dtype).at[dst].add(v[src])
        return nbr_sum / deg[:, None] - v

    return jax.vmap(per_batch)(vert)


def reference(vert1, vert2, faces):
    lap1 = _uniform_laplacian(vert1, faces, NUM_POINT)
    lap2 = _uniform_laplacian(vert2, faces, NUM_POINT)
    # metric = L1Loss with default mean reduction
    return jnp.mean(jnp.abs(lap1 - lap2))

if __name__ == "__main__":
    import jax
    _d = setup_inputs()
    print(jax.jit(kernel)(*tuple(_d.values())))

</pallas_src>

<mosaic_0001>
#map = affine_map<(d0, d1) -> (0)>
module attributes {stable_mosaic.version = 14 : i64} {
  func.func @k(%arg0: i32, %arg1: i32, %arg2: memref<652288xf32, #tpu.memory_space<hbm>>, %arg3: memref<102400xi32, #tpu.memory_space<hbm>>, %arg4: memref<102400xi32, #tpu.memory_space<hbm>>, %arg5: memref<102400xi32, #tpu.memory_space<hbm>>, %arg6: memref<652288xf32, #tpu.memory_space<hbm>>, %arg7: memref<652288xf32, #tpu.memory_space<hbm>>, %arg8: memref<50176xf32, #tpu.memory_space<vmem>>, %arg9: memref<50176xf32, #tpu.memory_space<vmem>>, %arg10: memref<3136xf32, #tpu.memory_space<vmem>>, %arg11: memref<3200xi32, #tpu.memory_space<vmem>>, %arg12: memref<3200xi32, #tpu.memory_space<vmem>>, %arg13: memref<3200xi32, #tpu.memory_space<vmem>>, %arg14: memref<3200xi32, #tpu.memory_space<vmem>>, %arg15: memref<3200xi32, #tpu.memory_space<vmem>>, %arg16: memref<3200xi32, #tpu.memory_space<vmem>>, %arg17: memref<!tpu.dma_semaphore, #tpu.memory_space<semaphore_mem>>, %arg18: memref<!tpu.dma_semaphore, #tpu.memory_space<semaphore_mem>>) attributes {dimension_semantics = [#tpu.dimension_semantics<core_parallel>, #tpu.dimension_semantics<subcore_parallel>], iteration_bounds = array<i64: 2, 16>, scalar_prefetch = 0 : i64, scratch_operands = 11 : i64, tpu.core_type = #tpu.core_type<sc_vector_subcore>, window_params = [{transform_indices = #map}, {transform_indices = #map}, {transform_indices = #map}, {transform_indices = #map}, {transform_indices = #map}, {transform_indices = #map}]} {
    %eq3A = arith.constant 0 : i32
    %eq3A_0 = arith.cmpi eq, %arg0, %eq3A : i32
    %jit3A = arith.constant 7 : i32
    %jit3A_1 = arith.constant 6 : i32
    %select_n3A = arith.select %eq3A_0, %jit3A, %jit3A_1 : i32
    %mul3A = arith.constant 7 : i32
    %mul3A_2 = arith.muli %arg0, %mul3A : i32
    %jit3A_3 = arith.constant 2 : i32
    %div3A = arith.divsi %arg1, %jit3A_3 : i32
    %sign3A = arith.constant 0 : i32
    %sign3A_4 = arith.cmpi sgt, %arg1, %sign3A : i32
    %sign3A_5 = arith.extui %sign3A_4 : i1 to i32
    %sign3A_6 = arith.constant 0 : i32
    %sign3A_7 = arith.cmpi slt, %arg1, %sign3A_6 : i32
    %sign3A_8 = arith.extui %sign3A_7 : i1 to i32
    %sign3A_9 = arith.subi %sign3A_5, %sign3A_8 : i32
    %sign3A_10 = arith.constant 0 : i32
    %sign3A_11 = arith.cmpi sgt, %jit3A_3, %sign3A_10 : i32
    %sign3A_12 = arith.extui %sign3A_11 : i1 to i32
    %sign3A_13 = arith.constant 0 : i32
    %sign3A_14 = arith.cmpi slt, %jit3A_3, %sign3A_13 : i32
    %sign3A_15 = arith.extui %sign3A_14 : i1 to i32
    %sign3A_16 = arith.subi %sign3A_12, %sign3A_15 : i32
    %ne3A = arith.cmpi ne, %sign3A_9, %sign3A_16 : i32
    %rem3A = arith.remsi %arg1, %jit3A_3 : i32
    %ne3A_17 = arith.constant 0 : i32
    %ne3A_18 = arith.cmpi ne, %rem3A, %ne3A_17 : i32
    %and3A = arith.andi %ne3A, %ne3A_18 : i1
    %sub3A = arith.constant 1 : i32
    %sub3A_19 = arith.subi %div3A, %sub3A : i32
    %select_n3A_20 = arith.select %and3A, %sub3A_19, %div3A : i32
    %add3A = arith.addi %mul3A_2, %select_n3A_20 : i32
    %jit3A_21 = arith.constant 2 : i32
    %eq3A_22 = arith.constant 0 : i32
    %eq3A_23 = arith.cmpi eq, %jit3A_21, %eq3A_22 : i32
    %jit3A_24 = arith.constant 1 : i32
    %select_n3A_25 = arith.select %eq3A_23, %jit3A_24, %jit3A_21 : i32
    %rem3A_26 = arith.remsi %arg1, %select_n3A_25 : i32
    %ne3A_27 = arith.constant 0 : i32
    %ne3A_28 = arith.cmpi ne, %rem3A_26, %ne3A_27 : i32
    %lt3A = arith.constant 0 : i32
    %lt3A_29 = arith.cmpi slt, %rem3A_26, %lt3A : i32
    %lt3A_30 = arith.constant 0 : i32
    %lt3A_31 = arith.cmpi slt, %select_n3A_25, %lt3A_30 : i32
    %ne3A_32 = arith.xori %lt3A_29, %lt3A_31 : i1
    %and3A_33 = arith.andi %ne3A_32, %ne3A_28 : i1
    %add3A_34 = arith.addi %rem3A_26, %select_n3A_25 : i32
    %select_n3A_35 = arith.select %and3A_33, %add3A_34, %rem3A_26 : i32
    %mul3A_36 = arith.constant 2 : i32
    %mul3A_37 = arith.muli %mul3A_36, %select_n3A : i32
    %lt3A_38 = arith.cmpi slt, %arg1, %mul3A_37 : i32
    %convert_element_type3A = arith.extui %lt3A_38 : i1 to i32
    %cond3A = arith.constant 0 : i32
    %cond3A_39 = arith.cmpi ne, %convert_element_type3A, %cond3A : i32
    scf.if %cond3A_39 {
      %mul3A_52 = arith.constant 51200 : i32
      %mul3A_53 = arith.muli %select_n3A_35, %mul3A_52 : i32
      %add3A_54 = arith.constant 0 : i32
      %add3A_55 = arith.addi %mul3A_53, %add3A_54 : i32
      %dma_start3A = tpu.memref_slice %arg3[%add3A_55] : memref<102400xi32, #tpu.memory_space<hbm>> -> memref<3200xi32, #tpu.memory_space<hbm>>
      %dma_start3A_56 = tpu.memref_slice %arg3[%add3A_55] : memref<102400xi32, #tpu.memory_space<hbm>> -> memref<3200xi32, #tpu.memory_space<hbm>>
      tpu.enqueue_dma source(%dma_start3A_56 : memref<3200xi32, #tpu.memory_space<hbm>>) target(%arg11 : memref<3200xi32, #tpu.memory_space<vmem>>) target_semaphore(%arg17 : memref<!tpu.dma_semaphore, #tpu.memory_space<semaphore_mem>>)
      %dma_start3A_57 = tpu.memref_slice %arg4[%add3A_55] : memref<102400xi32, #tpu.memory_space<hbm>> -> memref<3200xi32, #tpu.memory_space<hbm>>
      %dma_start3A_58 = tpu.memref_slice %arg4[%add3A_55] : memref<102400xi32, #tpu.memory_space<hbm>> -> memref<3200xi32, #tpu.memory_space<hbm>>
      tpu.enqueue_dma source(%dma_start3A_58 : memref<3200xi32, #tpu.memory_space<hbm>>) target(%arg12 : memref<3200xi32, #tpu.memory_space<vmem>>) target_semaphore(%arg17 : memref<!tpu.dma_semaphore, #tpu.memory_space<semaphore_mem>>)
      %dma_start3A_59 = tpu.memref_slice %arg5[%add3A_55] : memref<102400xi32, #tpu.memory_space<hbm>> -> memref<3200xi32, #tpu.memory_space<hbm>>
      %dma_start3A_60 = tpu.memref_slice %arg5[%add3A_55] : memref<102400xi32, #tpu.memory_space<hbm>> -> memref<3200xi32, #tpu.memory_space<hbm>>
      tpu.enqueue_dma source(%dma_start3A_60 : memref<3200xi32, #tpu.memory_space<hbm>>) target(%arg13 : memref<3200xi32, #tpu.memory_space<vmem>>) target_semaphore(%arg17 : memref<!tpu.dma_semaphore, #tpu.memory_space<semaphore_mem>>)
      %mul3A_61 = arith.constant 50176 : i32
      %mul3A_62 = arith.muli %add3A, %mul3A_61 : i32
      "tpu.region"() ({
        %run_scoped3A = tpu.sem_alloc : memref<!tpu.dma_semaphore, #tpu.memory_space<semaphore_mem>>
        %dma_start3A_360 = tpu.memref_slice %arg2[%mul3A_62] : memref<652288xf32, #tpu.memory_space<hbm>> -> memref<50176xf32, #tpu.memory_space<hbm>>
        %dma_start3A_361 = tpu.memref_slice %arg2[%mul3A_62] : memref<652288xf32, #tpu.memory_space<hbm>> -> memref<50176xf32, #tpu.memory_space<hbm>>
        tpu.enqueue_dma source(%dma_start3A_361 : memref<50176xf32, #tpu.memory_space<hbm>>) target(%arg8 : memref<50176xf32, #tpu.memory_space<vmem>>) target_semaphore(%run_scoped3A : memref<!tpu.dma_semaphore, #tpu.memory_space<semaphore_mem>>)
        %dma_wait3A_362 = tpu.memref_slice %arg2[%mul3A_62] : memref<652288xf32, #tpu.memory_space<hbm>> -> memref<50176xf32, #tpu.memory_space<hbm>>
        %dma_wait3A_363 = tpu.memref_slice %arg2[%mul3A_62] : memref<652288xf32, #tpu.memory_space<hbm>> -> memref<50176xf32, #tpu.memory_space<hbm>>
        tpu.wait_dma2 semaphore(%run_scoped3A : memref<!tpu.dma_semaphore, #tpu.memory_space<semaphore_mem>>) src(%dma_wait3A_363 : memref<50176xf32, #tpu.memory_space<hbm>>) dst(%arg8 : memref<50176xf32, #tpu.memory_space<vmem>>)
        tpu.yield
      }) : () -> ()
      %scan3A = arith.constant 0 : i32
      %scan3A_63 = arith.constant 0 : i32
      %scan3A_64 = arith.constant 3136 : i32
      %scan3A_65 = arith.addi %scan3A_63, %scan3A_64 : i32
      %scan3A_66 = arith.constant 1 : i32
      scf.for %scan3A_360 = %scan3A_63 to %scan3A_65 step %scan3A_66  : i32 {
        %broadcast_in_dim3A = arith.constant 0.000000e+00 : f32
        %broadcast_in_dim3A_361 = vector.broadcast %broadcast_in_dim3A : f32 to vector<16xf32>
        %mul3A_362 = arith.constant 16 : i32
        %mul3A_363 = arith.muli %scan3A_360, %mul3A_362 : i32
        %swap3A = arith.index_cast %mul3A_363 : i32 to index
        %swap3A_364 = tpu.vector_load %arg9[%swap3A] {strides = array<i32>} : memref<50176xf32, #tpu.memory_space<vmem>>, vector<16xf32>,
        tpu.vector_store %arg9[%swap3A], %broadcast_in_dim3A_361 {strides = array<i32>} : memref<50176xf32, #tpu.memory_space<vmem>>, vector<16xf32>,
      }
      %scan3A_67 = arith.constant 3136 : i32
      %dma_wait3A = tpu.memref_slice %arg3[%add3A_55] : memref<102400xi32, #tpu.memory_space<hbm>> -> memref<3200xi32, #tpu.memory_space<hbm>>
      %dma_wait3A_68 = tpu.memref_slice %arg3[%add3A_55] : memref<102400xi32, #tpu.memory_space<hbm>> -> memref<3200xi32, #tpu.memory_space<hbm>>
      tpu.wait_dma2 semaphore(%arg17 : memref<!tpu.dma_semaphore, #tpu.memory_space<semaphore_mem>>) src(%dma_wait3A_68 : memref<3200xi32, #tpu.memory_space<hbm>>) dst(%arg11 : memref<3200xi32, #tpu.memory_space<vmem>>)
      %dma_wait3A_69 = tpu.memref_slice %arg4[%add3A_55] : memref<102400xi32, #tpu.memory_space<hbm>> -> memref<3200xi32, #tpu.memory_space<hbm>>
      %dma_wait3A_70 = tpu.memref_slice %arg4[%add3A_55] : memref<102400xi32, #tpu.memory_space<hbm>> -> memref<3200xi32, #tpu.memory_space<hbm>>
      tpu.wait_dma2 semaphore(%arg17 : memref<!tpu.dma_semaphore, #tpu.memory_space<semaphore_mem>>) src(%dma_wait3A_70 : memref<3200xi32, #tpu.memory_space<hbm>>) dst(%arg12 : memref<3200xi32, #tpu.memory_space<vmem>>)
      %dma_wait3A_71 = tpu.memref_slice %arg5[%add3A_55] : memref<102400xi32, #tpu.memory_space<hbm>> -> memref<3200xi32, #tpu.memory_space<hbm>>
      %dma_wait3A_72 = tpu.memref_slice %arg5[%add3A_55] : memref<102400xi32, #tpu.memory_space<hbm>> -> memref<3200xi32, #tpu.memory_space<hbm>>
      tpu.wait_dma2 semaphore(%arg17 : memref<!tpu.dma_semaphore, #tpu.memory_space<semaphore_mem>>) src(%dma_wait3A_72 : memref<3200xi32, #tpu.memory_space<hbm>>) dst(%arg13 : memref<3200xi32, #tpu.memory_space<vmem>>)
      %mul3A_73 = arith.constant 51200 : i32
      %mul3A_74 = arith.muli %select_n3A_35, %mul3A_73 : i32
      %add3A_75 = arith.constant 3200 : i32
      %add3A_76 = arith.addi %mul3A_74, %add3A_75 : i32
      %dma_start3A_77 = tpu.memref_slice %arg3[%add3A_76] : memref<102400xi32, #tpu.memory_space<hbm>> -> memref<3200xi32, #tpu.memory_space<hbm>>
      %dma_start3A_78 = tpu.memref_slice %arg3[%add3A_76] : memref<102400xi32, #tpu.memory_space<hbm>> -> memref<3200xi32, #tpu.memory_space<hbm>>
      tpu.enqueue_dma source(%dma_start3A_78 : memref<3200xi32, #tpu.memory_space<hbm>>) target(%arg14 : memref<3200xi32, #tpu.memory_space<vmem>>) target_semaphore(%arg18 : memref<!tpu.dma_semaphore, #tpu.memory_space<semaphore_mem>>)
      %dma_start3A_79 = tpu.memref_slice %arg4[%add3A_76] : memref<102400xi32, #tpu.memory_space<hbm>> -> memref<3200xi32, #tpu.memory_space<hbm>>
      %dma_start3A_80 = tpu.memref_slice %arg4[%add3A_76] : memref<102400xi32, #tpu.memory_space<hbm>> -> memref<3200xi32, #tpu.memory_space<hbm>>
      tpu.enqueue_dma source(%dma_start3A_80 : memref<3200xi32, #tpu.memory_space<hbm>>) target(%arg15 : memref<3200xi32, #tpu.memory_space<vmem>>) target_semaphore(%arg18 : memref<!tpu.dma_semaphore, #tpu.memory_space<semaphore_mem>>)
      %dma_start3A_81 = tpu.memref_slice %arg5[%add3A_76] : memref<102400xi32, #tpu.memory_space<hbm>> -> memref<3200xi32, #tpu.memory_space<hbm>>
      %dma_start3A_82 = tpu.memref_slice %arg5[%add3A_76] : memref<102400xi32, #tpu.memory_space<hbm>> -> memref<3200xi32, #tpu.memory_space<hbm>>
      tpu.enqueue_dma source(%dma_start3A_82 : memref<3200xi32, #tpu.memory_space<hbm>>) target(%arg16 : memref<3200xi32, #tpu.memory_space<vmem>>) target_semaphore(%arg18 : memref<!tpu.dma_semaphore, #tpu.memory_space<semaphore_mem>>)
      %parallel_loop3A = arith.constant 0 : i32
      %parallel_loop3A_83 = arith.constant 200 : i32
      %parallel_loop3A_84 = arith.constant 1 : i32
      scf.for %parallel_loop3A_360 = %parallel_loop3A to %parallel_loop3A_83 step %parallel_loop3A_84  : i32 {
        %parallel_loop3A_361 = arith.constant 16 : i32
        %parallel_loop3A_362 = arith.muli %parallel_loop3A_360, %parallel_loop3A_361 : i32
        %parallel_loop3A_363 = arith.index_cast %parallel_loop3A_362 : i32 to index
        %parallel_loop3A_364 = tpu.vector_load %arg11[%parallel_loop3A_363] {strides = array<i32>} : memref<3200xi32, #tpu.memory_space<vmem>>, vector<16xi32>,
        %parallel_loop3A_365 = arith.constant 16 : i32
        %parallel_loop3A_366 = arith.muli %parallel_loop3A_360, %parallel_loop3A_365 : i32
        %parallel_loop3A_367 = arith.index_cast %parallel_loop3A_366 : i32 to index
        %parallel_loop3A_368 = tpu.vector_load %arg12[%parallel_loop3A_367] {strides = array<i32>} : memref<3200xi32, #tpu.memory_space<vmem>>, vector<16xi32>,
        %parallel_loop3A_369 = arith.constant 16 : i32
        %parallel_loop3A_370 = arith.muli %parallel_loop3A_360, %parallel_loop3A_369 : i32
        %parallel_loop3A_371 = arith.index_cast %parallel_loop3A_370 : i32 to index
        %parallel_loop3A_372 = tpu.vector_load %arg13[%parallel_loop3A_371] {strides = array<i32>} : memref<3200xi32, #tpu.memory_space<vmem>>, vector<16xi32>,
        %parallel_loop3A_373 = tpu.vector_load_idx %arg8[%parallel_loop3A_364] : memref<50176xf32, #tpu.memory_space<vmem>>[vector<16xi32>], vector<16xf32>,
        %parallel_loop3A_374 = tpu.vector_load_idx %arg8[%parallel_loop3A_368] : memref<50176xf32, #tpu.memory_space<vmem>>[vector<16xi32>], vector<16xf32>,
        %parallel_loop3A_375 = arith.addf %parallel_loop3A_373, %parallel_loop3A_374 : vector<16xf32>
        %parallel_loop3A_376 = tpu.vector_load_idx %arg8[%parallel_loop3A_372] : memref<50176xf32, #tpu.memory_space<vmem>>[vector<16xi32>], vector<16xf32>,
        %parallel_loop3A_377 = arith.addf %parallel_loop3A_375, %parallel_loop3A_376 : vector<16xf32>
        tpu.vector_store_idx %arg9[%parallel_loop3A_364], %parallel_loop3A_377 {add = true} : memref<50176xf32, #tpu.memory_space<vmem>>[vector<16xi32>], vector<16xf32>,
        tpu.vector_store_idx %arg9[%parallel_loop3A_368], %parallel_loop3A_377 {add = true} : memref<50176xf32, #tpu.memory_space<vmem>>[vector<16xi32>], vector<16xf32>,
        tpu.vector_store_idx %arg9[%parallel_loop3A_372], %parallel_loop3A_377 {add = true} : memref<50176xf32, #tpu.memory_space<vmem>>[vector<16xi32>], vector<16xf32>,
      } {sc.loop_unroll_factor = 4 : i64, sc.parallel_access}
      %dma_wait3A_85 = tpu.memref_slice %arg3[%add3A_76] : memref<102400xi32, #tpu.memory_space<hbm>> -> memref<3200xi32, #tpu.memory_space<hbm>>
      %dma_wait3A_86 = tpu.memref_slice %arg3[%add3A_76] : memref<102400xi32, #tpu.memory_space<hbm>> -> memref<3200xi32, #tpu.memory_space<hbm>>
      tpu.wait_dma2 semaphore(%arg18 : memref<!tpu.dma_semaphore, #tpu.memory_space<semaphore_mem>>) src(%dma_wait3A_86 : memref<3200xi32, #tpu.memory_space<hbm>>) dst(%arg14 : memref<3200xi32, #tpu.memory_space<vmem>>)
      %dma_wait3A_87 = tpu.memref_slice %arg4[%add3A_76] : memref<102400xi32, #tpu.memory_space<hbm>> -> memref<3200xi32, #tpu.memory_space<hbm>>
      %dma_wait3A_88 = tpu.memref_slice %arg4[%add3A_76] : memref<102400xi32, #tpu.memory_space<hbm>> -> memref<3200xi32, #tpu.memory_space<hbm>>
      tpu.wait_dma2 semaphore(%arg18 : memref<!tpu.dma_semaphore, #tpu.memory_space<semaphore_mem>>) src(%dma_wait3A_88 : memref<3200xi32, #tpu.memory_space<hbm>>) dst(%arg15 : memref<3200xi32, #tpu.memory_space<vmem>>)
      %dma_wait3A_89 = tpu.memref_slice %arg5[%add3A_76] : memref<102400xi32, #tpu.memory_space<hbm>> -> memref<3200xi32, #tpu.memory_space<hbm>>
      %dma_wait3A_90 = tpu.memref_slice %arg5[%add3A_76] : memref<102400xi32, #tpu.memory_space<hbm>> -> memref<3200xi32, #tpu.memory_space<hbm>>
      tpu.wait_dma2 semaphore(%arg18 : memref<!tpu.dma_semaphore, #tpu.memory_space<semaphore_mem>>) src(%dma_wait3A_90 : memref<3200xi32, #tpu.memory_space<hbm>>) dst(%arg16 : memref<3200xi32, #tpu.memory_space<vmem>>)
      %mul3A_91 = arith.constant 51200 : i32
      %mul3A_92 = arith.muli %select_n3A_35, %mul3A_91 : i32
      %add3A_93 = arith.constant 6400 : i32
      %add3A_94 = arith.addi %mul3A_92, %add3A_93 : i32
      %dma_start3A_95 = tpu.memref_slice %arg3[%add3A_94] : memref<102400xi32, #tpu.memory_space<hbm>> -> memref<3200xi32, #tpu.memory_space<hbm>>
      %dma_start3A_96 = tpu.memref_slice %arg3[%add3A_94] : memref<102400xi32, #tpu.memory_space<hbm>> -> memref<3200xi32, #tpu.memory_space<hbm>>
      tpu.enqueue_dma source(%dma_start3A_96 : memref<3200xi32, #tpu.memory_space<hbm>>) target(%arg11 : memref<3200xi32, #tpu.memory_space<vmem>>) target_semaphore(%arg17 : memref<!tpu.dma_semaphore, #tpu.memory_space<semaphore_mem>>)
      %dma_start3A_97 = tpu.memref_slice %arg4[%add3A_94] : memref<102400xi32, #tpu.memory_space<hbm>> -> memref<3200xi32, #tpu.memory_space<hbm>>
      %dma_start3A_98 = tpu.memref_slice %arg4[%add3A_94] : memref<102400xi32, #tpu.memory_space<hbm>> -> memref<3200xi32, #tpu.memory_space<hbm>>
      tpu.enqueue_dma source(%dma_start3A_98 : memref<3200xi32, #tpu.memory_space<hbm>>) target(%arg12 : memref<3200xi32, #tpu.memory_space<vmem>>) target_semaphore(%arg17 : memref<!tpu.dma_semaphore, #tpu.memory_space<semaphore_mem>>)
      %dma_start3A_99 = tpu.memref_slice %arg5[%add3A_94] : memref<102400xi32, #tpu.memory_space<hbm>> -> memref<3200xi32, #tpu.memory_space<hbm>>
      %dma_start3A_100 = tpu.memref_slice %arg5[%add3A_94] : memref<102400xi32, #tpu.memory_space<hbm>> -> memref<3200xi32, #tpu.memory_space<hbm>>
      tpu.enqueue_dma source(%dma_start3A_100 : memref<3200xi32, #tpu.memory_space<hbm>>) target(%arg13 : memref<3200xi32, #tpu.memory_space<vmem>>) target_semaphore(%arg17 : memref<!tpu.dma_semaphore, #tpu.memory_space<semaphore_mem>>)
      %parallel_loop3A_101 = arith.constant 0 : i32
      %parallel_loop3A_102 = arith.constant 200 : i32
      %parallel_loop3A_103 = arith.constant 1 : i32
      scf.for %parallel_loop3A_360 = %parallel_loop3A_101 to %parallel_loop3A_102 step %parallel_loop3A_103  : i32 {
        %parallel_loop3A_361 = arith.constant 16 : i32
        %parallel_loop3A_362 = arith.muli %parallel_loop3A_360, %parallel_loop3A_361 : i32
        %parallel_loop3A_363 = arith.index_cast %parallel_loop3A_362 : i32 to index
        %parallel_loop3A_364 = tpu.vector_load %arg14[%parallel_loop3A_363] {strides = array<i32>} : memref<3200xi32, #tpu.memory_space<vmem>>, vector<16xi32>,
        %parallel_loop3A_365 = arith.constant 16 : i32
        %parallel_loop3A_366 = arith.muli %parallel_loop3A_360, %parallel_loop3A_365 : i32
        %parallel_loop3A_367 = arith.index_cast %parallel_loop3A_366 : i32 to index
        %parallel_loop3A_368 = tpu.vector_load %arg15[%parallel_loop3A_367] {strides = array<i32>} : memref<3200xi32, #tpu.memory_space<vmem>>, vector<16xi32>,
        %parallel_loop3A_369 = arith.constant 16 : i32
        %parallel_loop3A_370 = arith.muli %parallel_loop3A_360, %parallel_loop3A_369 : i32
        %parallel_loop3A_371 = arith.index_cast %parallel_loop3A_370 : i32 to index
        %parallel_loop3A_372 = tpu.vector_load %arg16[%parallel_loop3A_371] {strides = array<i32>} : memref<3200xi32, #tpu.memory_space<vmem>>, vector<16xi32>,
        %parallel_loop3A_373 = tpu.vector_load_idx %arg8[%parallel_loop3A_364] : memref<50176xf32, #tpu.memory_space<vmem>>[vector<16xi32>], vector<16xf32>,
        %parallel_loop3A_374 = tpu.vector_load_idx %arg8[%parallel_loop3A_368] : memref<50176xf32, #tpu.memory_space<vmem>>[vector<16xi32>], vector<16xf32>,
        %parallel_loop3A_375 = arith.addf %parallel_loop3A_373, %parallel_loop3A_374 : vector<16xf32>
        %parallel_loop3A_376 = tpu.vector_load_idx %arg8[%parallel_loop3A_372] : memref<50176xf32, #tpu.memory_space<vmem>>[vector<16xi32>], vector<16xf32>,
        %parallel_loop3A_377 = arith.addf %parallel_loop3A_375, %parallel_loop3A_376 : vector<16xf32>
        tpu.vector_store_idx %arg9[%parallel_loop3A_364], %parallel_loop3A_377 {add = true} : memref<50176xf32, #tpu.memory_space<vmem>>[vector<16xi32>], vector<16xf32>,
        tpu.vector_store_idx %arg9[%parallel_loop3A_368], %parallel_loop3A_377 {add = true} : memref<50176xf32, #tpu.memory_space<vmem>>[vector<16xi32>], vector<16xf32>,
        tpu.vector_store_idx %arg9[%parallel_loop3A_372], %parallel_loop3A_377 {add = true} : memref<50176xf32, #tpu.memory_space<vmem>>[vector<16xi32>], vector<16xf32>,
      } {sc.loop_unroll_factor = 4 : i64, sc.parallel_access}
      %dma_wait3A_104 = tpu.memref_slice %arg3[%add3A_94] : memref<102400xi32, #tpu.memory_space<hbm>> -> memref<3200xi32, #tpu.memory_space<hbm>>
      %dma_wait3A_105 = tpu.memref_slice %arg3[%add3A_94] : memref<102400xi32, #tpu.memory_space<hbm>> -> memref<3200xi32, #tpu.memory_space<hbm>>
      tpu.wait_dma2 semaphore(%arg17 : memref<!tpu.dma_semaphore, #tpu.memory_space<semaphore_mem>>) src(%dma_wait3A_105 : memref<3200xi32, #tpu.memory_space<hbm>>) dst(%arg11 : memref<3200xi32, #tpu.memory_space<vmem>>)
      %dma_wait3A_106 = tpu.memref_slice %arg4[%add3A_94] : memref<102400xi32, #tpu.memory_space<hbm>> -> memref<3200xi32, #tpu.memory_space<hbm>>
      %dma_wait3A_107 = tpu.memref_slice %arg4[%add3A_94] : memref<102400xi32, #tpu.memory_space<hbm>> -> memref<3200xi32, #tpu.memory_space<hbm>>
      tpu.wait_dma2 semaphore(%arg17 : memref<!tpu.dma_semaphore, #tpu.memory_space<semaphore_mem>>) src(%dma_wait3A_107 : memref<3200xi32, #tpu.memory_space<hbm>>) dst(%arg12 : memref<3200xi32, #tpu.memory_space<vmem>>)
      %dma_wait3A_108 = tpu.memref_slice %arg5[%add3A_94] : memref<102400xi32, #tpu.memory_space<hbm>> -> memref<3200xi32, #tpu.memory_space<hbm>>
      %dma_wait3A_109 = tpu.memref_slice %arg5[%add3A_94] : memref<102400xi32, #tpu.memory_space<hbm>> -> memref<3200xi32, #tpu.memory_space<hbm>>
      tpu.wait_dma2 semaphore(%arg17 : memref<!tpu.dma_semaphore, #tpu.memory_space<semaphore_mem>>) src(%dma_wait3A_109 : memref<3200xi32, #tpu.memory_space<hbm>>) dst(%arg13 : memref<3200xi32, #tpu.memory_space<vmem>>)
      %mul3A_110 = arith.constant 51200 : i32
      %mul3A_111 = arith.muli %select_n3A_35, %mul3A_110 : i32
      %add3A_112 = arith.constant 9600 : i32
      %add3A_113 = arith.addi %mul3A_111, %add3A_112 : i32
      %dma_start3A_114 = tpu.memref_slice %arg3[%add3A_113] : memref<102400xi32, #tpu.memory_space<hbm>> -> memref<3200xi32, #tpu.memory_space<hbm>>
      %dma_start3A_115 = tpu.memref_slice %arg3[%add3A_113] : memref<102400xi32, #tpu.memory_space<hbm>> -> memref<3200xi32, #tpu.memory_space<hbm>>
      tpu.enqueue_dma source(%dma_start3A_115 : memref<3200xi32, #tpu.memory_space<hbm>>) target(%arg14 : memref<3200xi32, #tpu.memory_space<vmem>>) target_semaphore(%arg18 : memref<!tpu.dma_semaphore, #tpu.memory_space<semaphore_mem>>)
      %dma_start3A_116 = tpu.memref_slice %arg4[%add3A_113] : memref<102400xi32, #tpu.memory_space<hbm>> -> memref<3200xi32, #tpu.memory_space<hbm>>
      %dma_start3A_117 = tpu.memref_slice %arg4[%add3A_113] : memref<102400xi32, #tpu.memory_space<hbm>> -> memref<3200xi32, #tpu.memory_space<hbm>>
      tpu.enqueue_dma source(%dma_start3A_117 : memref<3200xi32, #tpu.memory_space<hbm>>) target(%arg15 : memref<3200xi32, #tpu.memory_space<vmem>>) target_semaphore(%arg18 : memref<!tpu.dma_semaphore, #tpu.memory_space<semaphore_mem>>)
      %dma_start3A_118 = tpu.memref_slice %arg5[%add3A_113] : memref<102400xi32, #tpu.memory_space<hbm>> -> memref<3200xi32, #tpu.memory_space<hbm>>
      %dma_start3A_119 = tpu.memref_slice %arg5[%add3A_113] : memref<102400xi32, #tpu.memory_space<hbm>> -> memref<3200xi32, #tpu.memory_space<hbm>>
      tpu.enqueue_dma source(%dma_start3A_119 : memref<3200xi32, #tpu.memory_space<hbm>>) target(%arg16 : memref<3200xi32, #tpu.memory_space<vmem>>) target_semaphore(%arg18 : memref<!tpu.dma_semaphore, #tpu.memory_space<semaphore_mem>>)
      %parallel_loop3A_120 = arith.constant 0 : i32
      %parallel_loop3A_121 = arith.constant 200 : i32
      %parallel_loop3A_122 = arith.constant 1 : i32
      scf.for %parallel_loop3A_360 = %parallel_loop3A_120 to %parallel_loop3A_121 step %parallel_loop3A_122  : i32 {
        %parallel_loop3A_361 = arith.constant 16 : i32
        %parallel_loop3A_362 = arith.muli %parallel_loop3A_360, %parallel_loop3A_361 : i32
        %parallel_loop3A_363 = arith.index_cast %parallel_loop3A_362 : i32 to index
        %parallel_loop3A_364 = tpu.vector_load %arg11[%parallel_loop3A_363] {strides = array<i32>} : memref<3200xi32, #tpu.memory_space<vmem>>, vector<16xi32>,
        %parallel_loop3A_365 = arith.constant 16 : i32
        %parallel_loop3A_366 = arith.muli %parallel_loop3A_360, %parallel_loop3A_365 : i32
        %parallel_loop3A_367 = arith.index_cast %parallel_loop3A_366 : i32 to index
        %parallel_loop3A_368 = tpu.vector_load %arg12[%parallel_loop3A_367] {strides = array<i32>} : memref<3200xi32, #tpu.memory_space<vmem>>, vector<16xi32>,
        %parallel_loop3A_369 = arith.constant 16 : i32
        %parallel_loop3A_370 = arith.muli %parallel_loop3A_360, %parallel_loop3A_369 : i32
        %parallel_loop3A_371 = arith.index_cast %parallel_loop3A_370 : i32 to index
        %parallel_loop3A_372 = tpu.vector_load %arg13[%parallel_loop3A_371] {strides = array<i32>} : memref<3200xi32, #tpu.memory_space<vmem>>, vector<16xi32>,
        %parallel_loop3A_373 = tpu.vector_load_idx %arg8[%parallel_loop3A_364] : memref<50176xf32, #tpu.memory_space<vmem>>[vector<16xi32>], vector<16xf32>,
        %parallel_loop3A_374 = tpu.vector_load_idx %arg8[%parallel_loop3A_368] : memref<50176xf32, #tpu.memory_space<vmem>>[vector<16xi32>], vector<16xf32>,
        %parallel_loop3A_375 = arith.addf %parallel_loop3A_373, %parallel_loop3A_374 : vector<16xf32>
        %parallel_loop3A_376 = tpu.vector_load_idx %arg8[%parallel_loop3A_372] : memref<50176xf32, #tpu.memory_space<vmem>>[vector<16xi32>], vector<16xf32>,
        %parallel_loop3A_377 = arith.addf %parallel_loop3A_375, %parallel_loop3A_376 : vector<16xf32>
        tpu.vector_store_idx %arg9[%parallel_loop3A_364], %parallel_loop3A_377 {add = true} : memref<50176xf32, #tpu.memory_space<vmem>>[vector<16xi32>], vector<16xf32>,
        tpu.vector_store_idx %arg9[%parallel_loop3A_368], %parallel_loop3A_377 {add = true} : memref<50176xf32, #tpu.memory_space<vmem>>[vector<16xi32>], vector<16xf32>,
        tpu.vector_store_idx %arg9[%parallel_loop3A_372], %parallel_loop3A_377 {add = true} : memref<50176xf32, #tpu.memory_space<vmem>>[vector<16xi32>], vector<16xf32>,
      } {sc.loop_unroll_factor = 4 : i64, sc.parallel_access}
      %dma_wait3A_123 = tpu.memref_slice %arg3[%add3A_113] : memref<102400xi32, #tpu.memory_space<hbm>> -> memref<3200xi32, #tpu.memory_space<hbm>>
      %dma_wait3A_124 = tpu.memref_slice %arg3[%add3A_113] : memref<102400xi32, #tpu.memory_space<hbm>> -> memref<3200xi32, #tpu.memory_space<hbm>>
      tpu.wait_dma2 semaphore(%arg18 : memref<!tpu.dma_semaphore, #tpu.memory_space<semaphore_mem>>) src(%dma_wait3A_124 : memref<3200xi32, #tpu.memory_space<hbm>>) dst(%arg14 : memref<3200xi32, #tpu.memory_space<vmem>>)
      %dma_wait3A_125 = tpu.memref_slice %arg4[%add3A_113] : memref<102400xi32, #tpu.memory_space<hbm>> -> memref<3200xi32, #tpu.memory_space<hbm>>
      %dma_wait3A_126 = tpu.memref_slice %arg4[%add3A_113] : memref<102400xi32, #tpu.memory_space<hbm>> -> memref<3200xi32, #tpu.memory_space<hbm>>
      tpu.wait_dma2 semaphore(%arg18 : memref<!tpu.dma_semaphore, #tpu.memory_space<semaphore_mem>>) src(%dma_wait3A_126 : memref<3200xi32, #tpu.memory_space<hbm>>) dst(%arg15 : memref<3200xi32, #tpu.memory_space<vmem>>)
      %dma_wait3A_127 = tpu.memref_slice %arg5[%add3A_113] : memref<102400xi32, #tpu.memory_space<hbm>> -> memref<3200xi32, #tpu.memory_space<hbm>>
      %dma_wait3A_128 = tpu.memref_slice %arg5[%add3A_113] : memref<102400xi32, #tpu.memory_space<hbm>> -> memref<3200xi32, #tpu.memory_space<hbm>>
      tpu.wait_dma2 semaphore(%arg18 : memref<!tpu.dma_semaphore, #tpu.memory_space<semaphore_mem>>) src(%dma_wait3A_128 : memref<3200xi32, #tpu.memory_space<hbm>>) dst(%arg16 : memref<3200xi32, #tpu.memory_space<vmem>>)
      %mul3A_129 = arith.constant 51200 : i32
      %mul3A_130 = arith.muli %select_n3A_35, %mul3A_129 : i32
      %add3A_131 = arith.constant 12800 : i32
      %add3A_132 = arith.addi %mul3A_130, %add3A_131 : i32
      %dma_start3A_133 = tpu.memref_slice %arg3[%add3A_132] : memref<102400xi32, #tpu.memory_space<hbm>> -> memref<3200xi32, #tpu.memory_space<hbm>>
      %dma_start3A_134 = tpu.memref_slice %arg3[%add3A_132] : memref<102400xi32, #tpu.memory_space<hbm>> -> memref<3200xi32, #tpu.memory_space<hbm>>
      tpu.enqueue_dma source(%dma_start3A_134 : memref<3200xi32, #tpu.memory_space<hbm>>) target(%arg11 : memref<3200xi32, #tpu.memory_space<vmem>>) target_semaphore(%arg17 : memref<!tpu.dma_semaphore, #tpu.memory_space<semaphore_mem>>)
      %dma_start3A_135 = tpu.memref_slice %arg4[%add3A_132] : memref<102400xi32, #tpu.memory_space<hbm>> -> memref<3200xi32, #tpu.memory_space<hbm>>
      %dma_start3A_136 = tpu.memref_slice %arg4[%add3A_132] : memref<102400xi32, #tpu.memory_space<hbm>> -> memref<3200xi32, #tpu.memory_space<hbm>>
      tpu.enqueue_dma source(%dma_start3A_136 : memref<3200xi32, #tpu.memory_space<hbm>>) target(%arg12 : memref<3200xi32, #tpu.memory_space<vmem>>) target_semaphore(%arg17 : memref<!tpu.dma_semaphore, #tpu.memory_space<semaphore_mem>>)
      %dma_start3A_137 = tpu.memref_slice %arg5[%add3A_132] : memref<102400xi32, #tpu.memory_space<hbm>> -> memref<3200xi32, #tpu.memory_space<hbm>>
      %dma_start3A_138 = tpu.memref_slice %arg5[%add3A_132] : memref<102400xi32, #tpu.memory_space<hbm>> -> memref<3200xi32, #tpu.memory_space<hbm>>
      tpu.enqueue_dma source(%dma_start3A_138 : memref<3200xi32, #tpu.memory_space<hbm>>) target(%arg13 : memref<3200xi32, #tpu.memory_space<vmem>>) target_semaphore(%arg17 : memref<!tpu.dma_semaphore, #tpu.memory_space<semaphore_mem>>)
      %parallel_loop3A_139 = arith.constant 0 : i32
      %parallel_loop3A_140 = arith.constant 200 : i32
      %parallel_loop3A_141 = arith.constant 1 : i32
      scf.for %parallel_loop3A_360 = %parallel_loop3A_139 to %parallel_loop3A_140 step %parallel_loop3A_141  : i32 {
        %parallel_loop3A_361 = arith.constant 16 : i32
        %parallel_loop3A_362 = arith.muli %parallel_loop3A_360, %parallel_loop3A_361 : i32
        %parallel_loop3A_363 = arith.index_cast %parallel_loop3A_362 : i32 to index
        %parallel_loop3A_364 = tpu.vector_load %arg14[%parallel_loop3A_363] {strides = array<i32>} : memref<3200xi32, #tpu.memory_space<vmem>>, vector<16xi32>,
        %parallel_loop3A_365 = arith.constant 16 : i32
        %parallel_loop3A_366 = arith.muli %parallel_loop3A_360, %parallel_loop3A_365 : i32
        %parallel_loop3A_367 = arith.index_cast %parallel_loop3A_366 : i32 to index
        %parallel_loop3A_368 = tpu.vector_load %arg15[%parallel_loop3A_367] {strides = array<i32>} : memref<3200xi32, #tpu.memory_space<vmem>>, vector<16xi32>,
        %parallel_loop3A_369 = arith.constant 16 : i32
        %parallel_loop3A_370 = arith.muli %parallel_loop3A_360, %parallel_loop3A_369 : i32
        %parallel_loop3A_371 = arith.index_cast %parallel_loop3A_370 : i32 to index
        %parallel_loop3A_372 = tpu.vector_load %arg16[%parallel_loop3A_371] {strides = array<i32>} : memref<3200xi32, #tpu.memory_space<vmem>>, vector<16xi32>,
        %parallel_loop3A_373 = tpu.vector_load_idx %arg8[%parallel_loop3A_364] : memref<50176xf32, #tpu.memory_space<vmem>>[vector<16xi32>], vector<16xf32>,
        %parallel_loop3A_374 = tpu.vector_load_idx %arg8[%parallel_loop3A_368] : memref<50176xf32, #tpu.memory_space<vmem>>[vector<16xi32>], vector<16xf32>,
        %parallel_loop3A_375 = arith.addf %parallel_loop3A_373, %parallel_loop3A_374 : vector<16xf32>
        %parallel_loop3A_376 = tpu.vector_load_idx %arg8[%parallel_loop3A_372] : memref<50176xf32, #tpu.memory_space<vmem>>[vector<16xi32>], vector<16xf32>,
        %parallel_loop3A_377 = arith.addf %parallel_loop3A_375, %parallel_loop3A_376 : vector<16xf32>
        tpu.vector_store_idx %arg9[%parallel_loop3A_364], %parallel_loop3A_377 {add = true} : memref<50176xf32, #tpu.memory_space<vmem>>[vector<16xi32>], vector<16xf32>,
        tpu.vector_store_idx %arg9[%parallel_loop3A_368], %parallel_loop3A_377 {add = true} : memref<50176xf32, #tpu.memory_space<vmem>>[vector<16xi32>], vector<16xf32>,
        tpu.vector_store_idx %arg9[%parallel_loop3A_372], %parallel_loop3A_377 {add = true} : memref<50176xf32, #tpu.memory_space<vmem>>[vector<16xi32>], vector<16xf32>,
      } {sc.loop_unroll_factor = 4 : i64, sc.parallel_access}
      %dma_wait3A_142 = tpu.memref_slice %arg3[%add3A_132] : memref<102400xi32, #tpu.memory_space<hbm>> -> memref<3200xi32, #tpu.memory_space<hbm>>
      %dma_wait3A_143 = tpu.memref_slice %arg3[%add3A_132] : memref<102400xi32, #tpu.memory_space<hbm>> -> memref<3200xi32, #tpu.memory_space<hbm>>
      tpu.wait_dma2 semaphore(%arg17 : memref<!tpu.dma_semaphore, #tpu.memory_space<semaphore_mem>>) src(%dma_wait3A_143 : memref<3200xi32, #tpu.memory_space<hbm>>) dst(%arg11 : memref<3200xi32, #tpu.memory_space<vmem>>)
      %dma_wait3A_144 = tpu.memref_slice %arg4[%add3A_132] : memref<102400xi32, #tpu.memory_space<hbm>> -> memref<3200xi32, #tpu.memory_space<hbm>>
      %dma_wait3A_145 = tpu.memref_slice %arg4[%add3A_132] : memref<102400xi32, #tpu.memory_space<hbm>> -> memref<3200xi32, #tpu.memory_space<hbm>>
      tpu.wait_dma2 semaphore(%arg17 : memref<!tpu.dma_semaphore, #tpu.memory_space<semaphore_mem>>) src(%dma_wait3A_145 : memref<3200xi32, #tpu.memory_space<hbm>>) dst(%arg12 : memref<3200xi32, #tpu.memory_space<vmem>>)
      %dma_wait3A_146 = tpu.memref_slice %arg5[%add3A_132] : memref<102400xi32, #tpu.memory_space<hbm>> -> memref<3200xi32, #tpu.memory_space<hbm>>
      %dma_wait3A_147 = tpu.memref_slice %arg5[%add3A_132] : memref<102400xi32, #tpu.memory_space<hbm>> -> memref<3200xi32, #tpu.memory_space<hbm>>
      tpu.wait_dma2 semaphore(%arg17 : memref<!tpu.dma_semaphore, #tpu.memory_space<semaphore_mem>>) src(%dma_wait3A_147 : memref<3200xi32, #tpu.memory_space<hbm>>) dst(%arg13 : memref<3200xi32, #tpu.memory_space<vmem>>)
      %mul3A_148 = arith.constant 51200 : i32
      %mul3A_149 = arith.muli %select_n3A_35, %mul3A_148 : i32
      %add3A_150 = arith.constant 16000 : i32
      %add3A_151 = arith.addi %mul3A_149, %add3A_150 : i32
      %dma_start3A_152 = tpu.memref_slice %arg3[%add3A_151] : memref<102400xi32, #tpu.memory_space<hbm>> -> memref<3200xi32, #tpu.memory_space<hbm>>
      %dma_start3A_153 = tpu.memref_slice %arg3[%add3A_151] : memref<102400xi32, #tpu.memory_space<hbm>> -> memref<3200xi32, #tpu.memory_space<hbm>>
      tpu.enqueue_dma source(%dma_start3A_153 : memref<3200xi32, #tpu.memory_space<hbm>>) target(%arg14 : memref<3200xi32, #tpu.memory_space<vmem>>) target_semaphore(%arg18 : memref<!tpu.dma_semaphore, #tpu.memory_space<semaphore_mem>>)
      %dma_start3A_154 = tpu.memref_slice %arg4[%add3A_151] : memref<102400xi32, #tpu.memory_space<hbm>> -> memref<3200xi32, #tpu.memory_space<hbm>>
      %dma_start3A_155 = tpu.memref_slice %arg4[%add3A_151] : memref<102400xi32, #tpu.memory_space<hbm>> -> memref<3200xi32, #tpu.memory_space<hbm>>
      tpu.enqueue_dma source(%dma_start3A_155 : memref<3200xi32, #tpu.memory_space<hbm>>) target(%arg15 : memref<3200xi32, #tpu.memory_space<vmem>>) target_semaphore(%arg18 : memref<!tpu.dma_semaphore, #tpu.memory_space<semaphore_mem>>)
      %dma_start3A_156 = tpu.memref_slice %arg5[%add3A_151] : memref<102400xi32, #tpu.memory_space<hbm>> -> memref<3200xi32, #tpu.memory_space<hbm>>
      %dma_start3A_157 = tpu.memref_slice %arg5[%add3A_151] : memref<102400xi32, #tpu.memory_space<hbm>> -> memref<3200xi32, #tpu.memory_space<hbm>>
      tpu.enqueue_dma source(%dma_start3A_157 : memref<3200xi32, #tpu.memory_space<hbm>>) target(%arg16 : memref<3200xi32, #tpu.memory_space<vmem>>) target_semaphore(%arg18 : memref<!tpu.dma_semaphore, #tpu.memory_space<semaphore_mem>>)
      %parallel_loop3A_158 = arith.constant 0 : i32
      %parallel_loop3A_159 = arith.constant 200 : i32
      %parallel_loop3A_160 = arith.constant 1 : i32
      scf.for %parallel_loop3A_360 = %parallel_loop3A_158 to %parallel_loop3A_159 step %parallel_loop3A_160  : i32 {
        %parallel_loop3A_361 = arith.constant 16 : i32
        %parallel_loop3A_362 = arith.muli %parallel_loop3A_360, %parallel_loop3A_361 : i32
        %parallel_loop3A_363 = arith.index_cast %parallel_loop3A_362 : i32 to index
        %parallel_loop3A_364 = tpu.vector_load %arg11[%parallel_loop3A_363] {strides = array<i32>} : memref<3200xi32, #tpu.memory_space<vmem>>, vector<16xi32>,
        %parallel_loop3A_365 = arith.constant 16 : i32
        %parallel_loop3A_366 = arith.muli %parallel_loop3A_360, %parallel_loop3A_365 : i32
        %parallel_loop3A_367 = arith.index_cast %parallel_loop3A_366 : i32 to index
        %parallel_loop3A_368 = tpu.vector_load %arg12[%parallel_loop3A_367] {strides = array<i32>} : memref<3200xi32, #tpu.memory_space<vmem>>, vector<16xi32>,
        %parallel_loop3A_369 = arith.constant 16 : i32
        %parallel_loop3A_370 = arith.muli %parallel_loop3A_360, %parallel_loop3A_369 : i32
        %parallel_loop3A_371 = arith.index_cast %parallel_loop3A_370 : i32 to index
        %parallel_loop3A_372 = tpu.vector_load %arg13[%parallel_loop3A_371] {strides = array<i32>} : memref<3200xi32, #tpu.memory_space<vmem>>, vector<16xi32>,
        %parallel_loop3A_373 = tpu.vector_load_idx %arg8[%parallel_loop3A_364] : memref<50176xf32, #tpu.memory_space<vmem>>[vector<16xi32>], vector<16xf32>,
        %parallel_loop3A_374 = tpu.vector_load_idx %arg8[%parallel_loop3A_368] : memref<50176xf32, #tpu.memory_space<vmem>>[vector<16xi32>], vector<16xf32>,
        %parallel_loop3A_375 = arith.addf %parallel_loop3A_373, %parallel_loop3A_374 : vector<16xf32>
        %parallel_loop3A_376 = tpu.vector_load_idx %arg8[%parallel_loop3A_372] : memref<50176xf32, #tpu.memory_space<vmem>>[vector<16xi32>], vector<16xf32>,
        %parallel_loop3A_377 = arith.addf %parallel_loop3A_375, %parallel_loop3A_376 : vector<16xf32>
        tpu.vector_store_idx %arg9[%parallel_loop3A_364], %parallel_loop3A_377 {add = true} : memref<50176xf32, #tpu.memory_space<vmem>>[vector<16xi32>], vector<16xf32>,
        tpu.vector_store_idx %arg9[%parallel_loop3A_368], %parallel_loop3A_377 {add = true} : memref<50176xf32, #tpu.memory_space<vmem>>[vector<16xi32>], vector<16xf32>,
        tpu.vector_store_idx %arg9[%parallel_loop3A_372], %parallel_loop3A_377 {add = true} : memref<50176xf32, #tpu.memory_space<vmem>>[vector<16xi32>], vector<16xf32>,
      } {sc.loop_unroll_factor = 4 : i64, sc.parallel_access}
      %dma_wait3A_161 = tpu.memref_slice %arg3[%add3A_151] : memref<102400xi32, #tpu.memory_space<hbm>> -> memref<3200xi32, #tpu.memory_space<hbm>>
      %dma_wait3A_162 = tpu.memref_slice %arg3[%add3A_151] : memref<102400xi32, #tpu.memory_space<hbm>> -> memref<3200xi32, #tpu.memory_space<hbm>>
      tpu.wait_dma2 semaphore(%arg18 : memref<!tpu.dma_semaphore, #tpu.memory_space<semaphore_mem>>) src(%dma_wait3A_162 : memref<3200xi32, #tpu.memory_space<hbm>>) dst(%arg14 : memref<3200xi32, #tpu.memory_space<vmem>>)
      %dma_wait3A_163 = tpu.memref_slice %arg4[%add3A_151] : memref<102400xi32, #tpu.memory_space<hbm>> -> memref<3200xi32, #tpu.memory_space<hbm>>
      %dma_wait3A_164 = tpu.memref_slice %arg4[%add3A_151] : memref<102400xi32, #tpu.memory_space<hbm>> -> memref<3200xi32, #tpu.memory_space<hbm>>
      tpu.wait_dma2 semaphore(%arg18 : memref<!tpu.dma_semaphore, #tpu.memory_space<semaphore_mem>>) src(%dma_wait3A_164 : memref<3200xi32, #tpu.memory_space<hbm>>) dst(%arg15 : memref<3200xi32, #tpu.memory_space<vmem>>)
      %dma_wait3A_165 = tpu.memref_slice %arg5[%add3A_151] : memref<102400xi32, #tpu.memory_space<hbm>> -> memref<3200xi32, #tpu.memory_space<hbm>>
      %dma_wait3A_166 = tpu.memref_slice %arg5[%add3A_151] : memref<102400xi32, #tpu.memory_space<hbm>> -> memref<3200xi32, #tpu.memory_space<hbm>>
      tpu.wait_dma2 semaphore(%arg18 : memref<!tpu.dma_semaphore, #tpu.memory_space<semaphore_mem>>) src(%dma_wait3A_166 : memref<3200xi32, #tpu.memory_space<hbm>>) dst(%arg16 : memref<3200xi32, #tpu.memory_space<vmem>>)
      %mul3A_167 = arith.constant 51200 : i32
      %mul3A_168 = arith.muli %select_n3A_35, %mul3A_167 : i32
      %add3A_169 = arith.constant 19200 : i32
      %add3A_170 = arith.addi %mul3A_168, %add3A_169 : i32
      %dma_start3A_171 = tpu.memref_slice %arg3[%add3A_170] : memref<102400xi32, #tpu.memory_space<hbm>> -> memref<3200xi32, #tpu.memory_space<hbm>>
      %dma_start3A_172 = tpu.memref_slice %arg3[%add3A_170] : memref<102400xi32, #tpu.memory_space<hbm>> -> memref<3200xi32, #tpu.memory_space<hbm>>
      tpu.enqueue_dma source(%dma_start3A_172 : memref<3200xi32, #tpu.memory_space<hbm>>) target(%arg11 : memref<3200xi32, #tpu.memory_space<vmem>>) target_semaphore(%arg17 : memref<!tpu.dma_semaphore, #tpu.memory_space<semaphore_mem>>)
      %dma_start3A_173 = tpu.memref_slice %arg4[%add3A_170] : memref<102400xi32, #tpu.memory_space<hbm>> -> memref<3200xi32, #tpu.memory_space<hbm>>
      %dma_start3A_174 = tpu.memref_slice %arg4[%add3A_170] : memref<102400xi32, #tpu.memory_space<hbm>> -> memref<3200xi32, #tpu.memory_space<hbm>>
      tpu.enqueue_dma source(%dma_start3A_174 : memref<3200xi32, #tpu.memory_space<hbm>>) target(%arg12 : memref<3200xi32, #tpu.memory_space<vmem>>) target_semaphore(%arg17 : memref<!tpu.dma_semaphore, #tpu.memory_space<semaphore_mem>>)
      %dma_start3A_175 = tpu.memref_slice %arg5[%add3A_170] : memref<102400xi32, #tpu.memory_space<hbm>> -> memref<3200xi32, #tpu.memory_space<hbm>>
      %dma_start3A_176 = tpu.memref_slice %arg5[%add3A_170] : memref<102400xi32, #tpu.memory_space<hbm>> -> memref<3200xi32, #tpu.memory_space<hbm>>
      tpu.enqueue_dma source(%dma_start3A_176 : memref<3200xi32, #tpu.memory_space<hbm>>) target(%arg13 : memref<3200xi32, #tpu.memory_space<vmem>>) target_semaphore(%arg17 : memref<!tpu.dma_semaphore, #tpu.memory_space<semaphore_mem>>)
      %parallel_loop3A_177 = arith.constant 0 : i32
      %parallel_loop3A_178 = arith.constant 200 : i32
      %parallel_loop3A_179 = arith.constant 1 : i32
      scf.for %parallel_loop3A_360 = %parallel_loop3A_177 to %parallel_loop3A_178 step %parallel_loop3A_179  : i32 {
        %parallel_loop3A_361 = arith.constant 16 : i32
        %parallel_loop3A_362 = arith.muli %parallel_loop3A_360, %parallel_loop3A_361 : i32
        %parallel_loop3A_363 = arith.index_cast %parallel_loop3A_362 : i32 to index
        %parallel_loop3A_364 = tpu.vector_load %arg14[%parallel_loop3A_363] {strides = array<i32>} : memref<3200xi32, #tpu.memory_space<vmem>>, vector<16xi32>,
        %parallel_loop3A_365 = arith.constant 16 : i32
        %parallel_loop3A_366 = arith.muli %parallel_loop3A_360, %parallel_loop3A_365 : i32
        %parallel_loop3A_367 = arith.index_cast %parallel_loop3A_366 : i32 to index
        %parallel_loop3A_368 = tpu.vector_load %arg15[%parallel_loop3A_367] {strides = array<i32>} : memref<3200xi32, #tpu.memory_space<vmem>>, vector<16xi32>,
        %parallel_loop3A_369 = arith.constant 16 : i32
        %parallel_loop3A_370 = arith.muli %parallel_loop3A_360, %parallel_loop3A_369 : i32
        %parallel_loop3A_371 = arith.index_cast %parallel_loop3A_370 : i32 to index
        %parallel_loop3A_372 = tpu.vector_load %arg16[%parallel_loop3A_371] {strides = array<i32>} : memref<3200xi32, #tpu.memory_space<vmem>>, vector<16xi32>,
        %parallel_loop3A_373 = tpu.vector_load_idx %arg8[%parallel_loop3A_364] : memref<50176xf32, #tpu.memory_space<vmem>>[vector<16xi32>], vector<16xf32>,
        %parallel_loop3A_374 = tpu.vector_load_idx %arg8[%parallel_loop3A_368] : memref<50176xf32, #tpu.memory_space<vmem>>[vector<16xi32>], vector<16xf32>,
        %parallel_loop3A_375 = arith.addf %parallel_loop3A_373, %parallel_loop3A_374 : vector<16xf32>
        %parallel_loop3A_376 = tpu.vector_load_idx %arg8[%parallel_loop3A_372] : memref<50176xf32, #tpu.memory_space<vmem>>[vector<16xi32>], vector<16xf32>,
        %parallel_loop3A_377 = arith.addf %parallel_loop3A_375, %parallel_loop3A_376 : vector<16xf32>
        tpu.vector_store_idx %arg9[%parallel_loop3A_364], %parallel_loop3A_377 {add = true} : memref<50176xf32, #tpu.memory_space<vmem>>[vector<16xi32>], vector<16xf32>,
        tpu.vector_store_idx %arg9[%parallel_loop3A_368], %parallel_loop3A_377 {add = true} : memref<50176xf32, #tpu.memory_space<vmem>>[vector<16xi32>], vector<16xf32>,
        tpu.vector_store_idx %arg9[%parallel_loop3A_372], %parallel_loop3A_377 {add = true} : memref<50176xf32, #tpu.memory_space<vmem>>[vector<16xi32>], vector<16xf32>,
      } {sc.loop_unroll_factor = 4 : i64, sc.parallel_access}
      %dma_wait3A_180 = tpu.memref_slice %arg3[%add3A_170] : memref<102400xi32, #tpu.memory_space<hbm>> -> memref<3200xi32, #tpu.memory_space<hbm>>
      %dma_wait3A_181 = tpu.memref_slice %arg3[%add3A_170] : memref<102400xi32, #tpu.memory_space<hbm>> -> memref<3200xi32, #tpu.memory_space<hbm>>
      tpu.wait_dma2 semaphore(%arg17 : memref<!tpu.dma_semaphore, #tpu.memory_space<semaphore_mem>>) src(%dma_wait3A_181 : memref<3200xi32, #tpu.memory_space<hbm>>) dst(%arg11 : memref<3200xi32, #tpu.memory_space<vmem>>)
      %dma_wait3A_182 = tpu.memref_slice %arg4[%add3A_170] : memref<102400xi32, #tpu.memory_space<hbm>> -> memref<3200xi32, #tpu.memory_space<hbm>>
      %dma_wait3A_183 = tpu.memref_slice %arg4[%add3A_170] : memref<102400xi32, #tpu.memory_space<hbm>> -> memref<3200xi32, #tpu.memory_space<hbm>>
      tpu.wait_dma2 semaphore(%arg17 : memref<!tpu.dma_semaphore, #tpu.memory_space<semaphore_mem>>) src(%dma_wait3A_183 : memref<3200xi32, #tpu.memory_space<hbm>>) dst(%arg12 : memref<3200xi32, #tpu.memory_space<vmem>>)
      %dma_wait3A_184 = tpu.memref_slice %arg5[%add3A_170] : memref<102400xi32, #tpu.memory_space<hbm>> -> memref<3200xi32, #tpu.memory_space<hbm>>
      %dma_wait3A_185 = tpu.memref_slice %arg5[%add3A_170] : memref<102400xi32, #tpu.memory_space<hbm>> -> memref<3200xi32, #tpu.memory_space<hbm>>
      tpu.wait_dma2 semaphore(%arg17 : memref<!tpu.dma_semaphore, #tpu.memory_space<semaphore_mem>>) src(%dma_wait3A_185 : memref<3200xi32, #tpu.memory_space<hbm>>) dst(%arg13 : memref<3200xi32, #tpu.memory_space<vmem>>)
      %mul3A_186 = arith.constant 51200 : i32
      %mul3A_187 = arith.muli %select_n3A_35, %mul3A_186 : i32
      %add3A_188 = arith.constant 22400 : i32
      %add3A_189 = arith.addi %mul3A_187, %add3A_188 : i32
      %dma_start3A_190 = tpu.memref_slice %arg3[%add3A_189] : memref<102400xi32, #tpu.memory_space<hbm>> -> memref<3200xi32, #tpu.memory_space<hbm>>
      %dma_start3A_191 = tpu.memref_slice %arg3[%add3A_189] : memref<102400xi32, #tpu.memory_space<hbm>> -> memref<3200xi32, #tpu.memory_space<hbm>>
      tpu.enqueue_dma source(%dma_start3A_191 : memref<3200xi32, #tpu.memory_space<hbm>>) target(%arg14 : memref<3200xi32, #tpu.memory_space<vmem>>) target_semaphore(%arg18 : memref<!tpu.dma_semaphore, #tpu.memory_space<semaphore_mem>>)
      %dma_start3A_192 = tpu.memref_slice %arg4[%add3A_189] : memref<102400xi32, #tpu.memory_space<hbm>> -> memref<3200xi32, #tpu.memory_space<hbm>>
      %dma_start3A_193 = tpu.memref_slice %arg4[%add3A_189] : memref<102400xi32, #tpu.memory_space<hbm>> -> memref<3200xi32, #tpu.memory_space<hbm>>
      tpu.enqueue_dma source(%dma_start3A_193 : memref<3200xi32, #tpu.memory_space<hbm>>) target(%arg15 : memref<3200xi32, #tpu.memory_space<vmem>>) target_semaphore(%arg18 : memref<!tpu.dma_semaphore, #tpu.memory_space<semaphore_mem>>)
      %dma_start3A_194 = tpu.memref_slice %arg5[%add3A_189] : memref<102400xi32, #tpu.memory_space<hbm>> -> memref<3200xi32, #tpu.memory_space<hbm>>
      %dma_start3A_195 = tpu.memref_slice %arg5[%add3A_189] : memref<102400xi32, #tpu.memory_space<hbm>> -> memref<3200xi32, #tpu.memory_space<hbm>>
      tpu.enqueue_dma source(%dma_start3A_195 : memref<3200xi32, #tpu.memory_space<hbm>>) target(%arg16 : memref<3200xi32, #tpu.memory_space<vmem>>) target_semaphore(%arg18 : memref<!tpu.dma_semaphore, #tpu.memory_space<semaphore_mem>>)
      %parallel_loop3A_196 = arith.constant 0 : i32
      %parallel_loop3A_197 = arith.constant 200 : i32
      %parallel_loop3A_198 = arith.constant 1 : i32
      scf.for %parallel_loop3A_360 = %parallel_loop3A_196 to %parallel_loop3A_197 step %parallel_loop3A_198  : i32 {
        %parallel_loop3A_361 = arith.constant 16 : i32
        %parallel_loop3A_362 = arith.muli %parallel_loop3A_360, %parallel_loop3A_361 : i32
        %parallel_loop3A_363 = arith.index_cast %parallel_loop3A_362 : i32 to index
        %parallel_loop3A_364 = tpu.vector_load %arg11[%parallel_loop3A_363] {strides = array<i32>} : memref<3200xi32, #tpu.memory_space<vmem>>, vector<16xi32>,
        %parallel_loop3A_365 = arith.constant 16 : i32
        %parallel_loop3A_366 = arith.muli %parallel_loop3A_360, %parallel_loop3A_365 : i32
        %parallel_loop3A_367 = arith.index_cast %parallel_loop3A_366 : i32 to index
        %parallel_loop3A_368 = tpu.vector_load %arg12[%parallel_loop3A_367] {strides = array<i32>} : memref<3200xi32, #tpu.memory_space<vmem>>, vector<16xi32>,
        %parallel_loop3A_369 = arith.constant 16 : i32
        %parallel_loop3A_370 = arith.muli %parallel_loop3A_360, %parallel_loop3A_369 : i32
        %parallel_loop3A_371 = arith.index_cast %parallel_loop3A_370 : i32 to index
        %parallel_loop3A_372 = tpu.vector_load %arg13[%parallel_loop3A_371] {strides = array<i32>} : memref<3200xi32, #tpu.memory_space<vmem>>, vector<16xi32>,
        %parallel_loop3A_373 = tpu.vector_load_idx %arg8[%parallel_loop3A_364] : memref<50176xf32, #tpu.memory_space<vmem>>[vector<16xi32>], vector<16xf32>,
        %parallel_loop3A_374 = tpu.vector_load_idx %arg8[%parallel_loop3A_368] : memref<50176xf32, #tpu.memory_space<vmem>>[vector<16xi32>], vector<16xf32>,
        %parallel_loop3A_375 = arith.addf %parallel_loop3A_373, %parallel_loop3A_374 : vector<16xf32>
        %parallel_loop3A_376 = tpu.vector_load_idx %arg8[%parallel_loop3A_372] : memref<50176xf32, #tpu.memory_space<vmem>>[vector<16xi32>], vector<16xf32>,
        %parallel_loop3A_377 = arith.addf %parallel_loop3A_375, %parallel_loop3A_376 : vector<16xf32>
        tpu.vector_store_idx %arg9[%parallel_loop3A_364], %parallel_loop3A_377 {add = true} : memref<50176xf32, #tpu.memory_space<vmem>>[vector<16xi32>], vector<16xf32>,
        tpu.vector_store_idx %arg9[%parallel_loop3A_368], %parallel_loop3A_377 {add = true} : memref<50176xf32, #tpu.memory_space<vmem>>[vector<16xi32>], vector<16xf32>,
        tpu.vector_store_idx %arg9[%parallel_loop3A_372], %parallel_loop3A_377 {add = true} : memref<50176xf32, #tpu.memory_space<vmem>>[vector<16xi32>], vector<16xf32>,
      } {sc.loop_unroll_factor = 4 : i64, sc.parallel_access}
      %dma_wait3A_199 = tpu.memref_slice %arg3[%add3A_189] : memref<102400xi32, #tpu.memory_space<hbm>> -> memref<3200xi32, #tpu.memory_space<hbm>>
      %dma_wait3A_200 = tpu.memref_slice %arg3[%add3A_189] : memref<102400xi32, #tpu.memory_space<hbm>> -> memref<3200xi32, #tpu.memory_space<hbm>>
      tpu.wait_dma2 semaphore(%arg18 : memref<!tpu.dma_semaphore, #tpu.memory_space<semaphore_mem>>) src(%dma_wait3A_200 : memref<3200xi32, #tpu.memory_space<hbm>>) dst(%arg14 : memref<3200xi32, #tpu.memory_space<vmem>>)
      %dma_wait3A_201 = tpu.memref_slice %arg4[%add3A_189] : memref<102400xi32, #tpu.memory_space<hbm>> -> memref<3200xi32, #tpu.memory_space<hbm>>
      %dma_wait3A_202 = tpu.memref_slice %arg4[%add3A_189] : memref<102400xi32, #tpu.memory_space<hbm>> -> memref<3200xi32, #tpu.memory_space<hbm>>
      tpu.wait_dma2 semaphore(%arg18 : memref<!tpu.dma_semaphore, #tpu.memory_space<semaphore_mem>>) src(%dma_wait3A_202 : memref<3200xi32, #tpu.memory_space<hbm>>) dst(%arg15 : memref<3200xi32, #tpu.memory_space<vmem>>)
      %dma_wait3A_203 = tpu.memref_slice %arg5[%add3A_189] : memref<102400xi32, #tpu.memory_space<hbm>> -> memref<3200xi32, #tpu.memory_space<hbm>>
      %dma_wait3A_204 = tpu.memref_slice %arg5[%add3A_189] : memref<102400xi32, #tpu.memory_space<hbm>> -> memref<3200xi32, #tpu.memory_space<hbm>>
      tpu.wait_dma2 semaphore(%arg18 : memref<!tpu.dma_semaphore, #tpu.memory_space<semaphore_mem>>) src(%dma_wait3A_204 : memref<3200xi32, #tpu.memory_space<hbm>>) dst(%arg16 : memref<3200xi32, #tpu.memory_space<vmem>>)
      %mul3A_205 = arith.constant 51200 : i32
      %mul3A_206 = arith.muli %select_n3A_35, %mul3A_205 : i32
      %add3A_207 = arith.constant 25600 : i32
      %add3A_208 = arith.addi %mul3A_206, %add3A_207 : i32
      %dma_start3A_209 = tpu.memref_slice %arg3[%add3A_208] : memref<102400xi32, #tpu.memory_space<hbm>> -> memref<3200xi32, #tpu.memory_space<hbm>>
      %dma_start3A_210 = tpu.memref_slice %arg3[%add3A_208] : memref<102400xi32, #tpu.memory_space<hbm>> -> memref<3200xi32, #tpu.memory_space<hbm>>
      tpu.enqueue_dma source(%dma_start3A_210 : memref<3200xi32, #tpu.memory_space<hbm>>) target(%arg11 : memref<3200xi32, #tpu.memory_space<vmem>>) target_semaphore(%arg17 : memref<!tpu.dma_semaphore, #tpu.memory_space<semaphore_mem>>)
      %dma_start3A_211 = tpu.memref_slice %arg4[%add3A_208] : memref<102400xi32, #tpu.memory_space<hbm>> -> memref<3200xi32, #tpu.memory_space<hbm>>
      %dma_start3A_212 = tpu.memref_slice %arg4[%add3A_208] : memref<102400xi32, #tpu.memory_space<hbm>> -> memref<3200xi32, #tpu.memory_space<hbm>>
      tpu.enqueue_dma source(%dma_start3A_212 : memref<3200xi32, #tpu.memory_space<hbm>>) target(%arg12 : memref<3200xi32, #tpu.memory_space<vmem>>) target_semaphore(%arg17 : memref<!tpu.dma_semaphore, #tpu.memory_space<semaphore_mem>>)
      %dma_start3A_213 = tpu.memref_slice %arg5[%add3A_208] : memref<102400xi32, #tpu.memory_space<hbm>> -> memref<3200xi32, #tpu.memory_space<hbm>>
      %dma_start3A_214 = tpu.memref_slice %arg5[%add3A_208] : memref<102400xi32, #tpu.memory_space<hbm>> -> memref<3200xi32, #tpu.memory_space<hbm>>
      tpu.enqueue_dma source(%dma_start3A_214 : memref<3200xi32, #tpu.memory_space<hbm>>) target(%arg13 : memref<3200xi32, #tpu.memory_space<vmem>>) target_semaphore(%arg17 : memref<!tpu.dma_semaphore, #tpu.memory_space<semaphore_mem>>)
      %parallel_loop3A_215 = arith.constant 0 : i32
      %parallel_loop3A_216 = arith.constant 200 : i32
      %parallel_loop3A_217 = arith.constant 1 : i32
      scf.for %parallel_loop3A_360 = %parallel_loop3A_215 to %parallel_loop3A_216 step %parallel_loop3A_217  : i32 {
        %parallel_loop3A_361 = arith.constant 16 : i32
        %parallel_loop3A_362 = arith.muli %parallel_loop3A_360, %parallel_loop3A_361 : i32
        %parallel_loop3A_363 = arith.index_cast %parallel_loop3A_362 : i32 to index
        %parallel_loop3A_364 = tpu.vector_load %arg14[%parallel_loop3A_363] {strides = array<i32>} : memref<3200xi32, #tpu.memory_space<vmem>>, vector<16xi32>,
        %parallel_loop3A_365 = arith.constant 16 : i32
        %parallel_loop3A_366 = arith.muli %parallel_loop3A_360, %parallel_loop3A_365 : i32
        %parallel_loop3A_367 = arith.index_cast %parallel_loop3A_366 : i32 to index
        %parallel_loop3A_368 = tpu.vector_load %arg15[%parallel_loop3A_367] {strides = array<i32>} : memref<3200xi32, #tpu.memory_space<vmem>>, vector<16xi32>,
        %parallel_loop3A_369 = arith.constant 16 : i32
        %parallel_loop3A_370 = arith.muli %parallel_loop3A_360, %parallel_loop3A_369 : i32
        %parallel_loop3A_371 = arith.index_cast %parallel_loop3A_370 : i32 to index
        %parallel_loop3A_372 = tpu.vector_load %arg16[%parallel_loop3A_371] {strides = array<i32>} : memref<3200xi32, #tpu.memory_space<vmem>>, vector<16xi32>,
        %parallel_loop3A_373 = tpu.vector_load_idx %arg8[%parallel_loop3A_364] : memref<50176xf32, #tpu.memory_space<vmem>>[vector<16xi32>], vector<16xf32>,
        %parallel_loop3A_374 = tpu.vector_load_idx %arg8[%parallel_loop3A_368] : memref<50176xf32, #tpu.memory_space<vmem>>[vector<16xi32>], vector<16xf32>,
        %parallel_loop3A_375 = arith.addf %parallel_loop3A_373, %parallel_loop3A_374 : vector<16xf32>
        %parallel_loop3A_376 = tpu.vector_load_idx %arg8[%parallel_loop3A_372] : memref<50176xf32, #tpu.memory_space<vmem>>[vector<16xi32>], vector<16xf32>,
        %parallel_loop3A_377 = arith.addf %parallel_loop3A_375, %parallel_loop3A_376 : vector<16xf32>
        tpu.vector_store_idx %arg9[%parallel_loop3A_364], %parallel_loop3A_377 {add = true} : memref<50176xf32, #tpu.memory_space<vmem>>[vector<16xi32>], vector<16xf32>,
        tpu.vector_store_idx %arg9[%parallel_loop3A_368], %parallel_loop3A_377 {add = true} : memref<50176xf32, #tpu.memory_space<vmem>>[vector<16xi32>], vector<16xf32>,
        tpu.vector_store_idx %arg9[%parallel_loop3A_372], %parallel_loop3A_377 {add = true} : memref<50176xf32, #tpu.memory_space<vmem>>[vector<16xi32>], vector<16xf32>,
      } {sc.loop_unroll_factor = 4 : i64, sc.parallel_access}
      %dma_wait3A_218 = tpu.memref_slice %arg3[%add3A_208] : memref<102400xi32, #tpu.memory_space<hbm>> -> memref<3200xi32, #tpu.memory_space<hbm>>
      %dma_wait3A_219 = tpu.memref_slice %arg3[%add3A_208] : memref<102400xi32, #tpu.memory_space<hbm>> -> memref<3200xi32, #tpu.memory_space<hbm>>
      tpu.wait_dma2 semaphore(%arg17 : memref<!tpu.dma_semaphore, #tpu.memory_space<semaphore_mem>>) src(%dma_wait3A_219 : memref<3200xi32, #tpu.memory_space<hbm>>) dst(%arg11 : memref<3200xi32, #tpu.memory_space<vmem>>)
      %dma_wait3A_220 = tpu.memref_slice %arg4[%add3A_208] : memref<102400xi32, #tpu.memory_space<hbm>> -> memref<3200xi32, #tpu.memory_space<hbm>>
      %dma_wait3A_221 = tpu.memref_slice %arg4[%add3A_208] : memref<102400xi32, #tpu.memory_space<hbm>> -> memref<3200xi32, #tpu.memory_space<hbm>>
      tpu.wait_dma2 semaphore(%arg17 : memref<!tpu.dma_semaphore, #tpu.memory_space<semaphore_mem>>) src(%dma_wait3A_221 : memref<3200xi32, #tpu.memory_space<hbm>>) dst(%arg12 : memref<3200xi32, #tpu.memory_space<vmem>>)
      %dma_wait3A_222 = tpu.memref_slice %arg5[%add3A_208] : memref<102400xi32, #tpu.memory_space<hbm>> -> memref<3200xi32, #tpu.memory_space<hbm>>
      %dma_wait3A_223 = tpu.memref_slice %arg5[%add3A_208] : memref<102400xi32, #tpu.memory_space<hbm>> -> memref<3200xi32, #tpu.memory_space<hbm>>
      tpu.wait_dma2 semaphore(%arg17 : memref<!tpu.dma_semaphore, #tpu.memory_space<semaphore_mem>>) src(%dma_wait3A_223 : memref<3200xi32, #tpu.memory_space<hbm>>) dst(%arg13 : memref<3200xi32, #tpu.memory_space<vmem>>)
      %mul3A_224 = arith.constant 51200 : i32
      %mul3A_225 = arith.muli %select_n3A_35, %mul3A_224 : i32
      %add3A_226 = arith.constant 28800 : i32
      %add3A_227 = arith.addi %mul3A_225, %add3A_226 : i32
      %dma_start3A_228 = tpu.memref_slice %arg3[%add3A_227] : memref<102400xi32, #tpu.memory_space<hbm>> -> memref<3200xi32, #tpu.memory_space<hbm>>
      %dma_start3A_229 = tpu.memref_slice %arg3[%add3A_227] : memref<102400xi32, #tpu.memory_space<hbm>> -> memref<3200xi32, #tpu.memory_space<hbm>>
      tpu.enqueue_dma source(%dma_start3A_229 : memref<3200xi32, #tpu.memory_space<hbm>>) target(%arg14 : memref<3200xi32, #tpu.memory_space<vmem>>) target_semaphore(%arg18 : memref<!tpu.dma_semaphore, #tpu.memory_space<semaphore_mem>>)
      %dma_start3A_230 = tpu.memref_slice %arg4[%add3A_227] : memref<102400xi32, #tpu.memory_space<hbm>> -> memref<3200xi32, #tpu.memory_space<hbm>>
      %dma_start3A_231 = tpu.memref_slice %arg4[%add3A_227] : memref<102400xi32, #tpu.memory_space<hbm>> -> memref<3200xi32, #tpu.memory_space<hbm>>
      tpu.enqueue_dma source(%dma_start3A_231 : memref<3200xi32, #tpu.memory_space<hbm>>) target(%arg15 : memref<3200xi32, #tpu.memory_space<vmem>>) target_semaphore(%arg18 : memref<!tpu.dma_semaphore, #tpu.memory_space<semaphore_mem>>)
      %dma_start3A_232 = tpu.memref_slice %arg5[%add3A_227] : memref<102400xi32, #tpu.memory_space<hbm>> -> memref<3200xi32, #tpu.memory_space<hbm>>
      %dma_start3A_233 = tpu.memref_slice %arg5[%add3A_227] : memref<102400xi32, #tpu.memory_space<hbm>> -> memref<3200xi32, #tpu.memory_space<hbm>>
      tpu.enqueue_dma source(%dma_start3A_233 : memref<3200xi32, #tpu.memory_space<hbm>>) target(%arg16 : memref<3200xi32, #tpu.memory_space<vmem>>) target_semaphore(%arg18 : memref<!tpu.dma_semaphore, #tpu.memory_space<semaphore_mem>>)
      %parallel_loop3A_234 = arith.constant 0 : i32
      %parallel_loop3A_235 = arith.constant 200 : i32
      %parallel_loop3A_236 = arith.constant 1 : i32
      scf.for %parallel_loop3A_360 = %parallel_loop3A_234 to %parallel_loop3A_235 step %parallel_loop3A_236  : i32 {
        %parallel_loop3A_361 = arith.constant 16 : i32
        %parallel_loop3A_362 = arith.muli %parallel_loop3A_360, %parallel_loop3A_361 : i32
        %parallel_loop3A_363 = arith.index_cast %parallel_loop3A_362 : i32 to index
        %parallel_loop3A_364 = tpu.vector_load %arg11[%parallel_loop3A_363] {strides = array<i32>} : memref<3200xi32, #tpu.memory_space<vmem>>, vector<16xi32>,
        %parallel_loop3A_365 = arith.constant 16 : i32
        %parallel_loop3A_366 = arith.muli %parallel_loop3A_360, %parallel_loop3A_365 : i32
        %parallel_loop3A_367 = arith.index_cast %parallel_loop3A_366 : i32 to index
        %parallel_loop3A_368 = tpu.vector_load %arg12[%parallel_loop3A_367] {strides = array<i32>} : memref<3200xi32, #tpu.memory_space<vmem>>, vector<16xi32>,
        %parallel_loop3A_369 = arith.constant 16 : i32
        %parallel_loop3A_370 = arith.muli %parallel_loop3A_360, %parallel_loop3A_369 : i32
        %parallel_loop3A_371 = arith.index_cast %parallel_loop3A_370 : i32 to index
        %parallel_loop3A_372 = tpu.vector_load %arg13[%parallel_loop3A_371] {strides = array<i32>} : memref<3200xi32, #tpu.memory_space<vmem>>, vector<16xi32>,
        %parallel_loop3A_373 = tpu.vector_load_idx %arg8[%parallel_loop3A_364] : memref<50176xf32, #tpu.memory_space<vmem>>[vector<16xi32>], vector<16xf32>,
        %parallel_loop3A_374 = tpu.vector_load_idx %arg8[%parallel_loop3A_368] : memref<50176xf32, #tpu.memory_space<vmem>>[vector<16xi32>], vector<16xf32>,
        %parallel_loop3A_375 = arith.addf %parallel_loop3A_373, %parallel_loop3A_374 : vector<16xf32>
        %parallel_loop3A_376 = tpu.vector_load_idx %arg8[%parallel_loop3A_372] : memref<50176xf32, #tpu.memory_space<vmem>>[vector<16xi32>], vector<16xf32>,
        %parallel_loop3A_377 = arith.addf %parallel_loop3A_375, %parallel_loop3A_376 : vector<16xf32>
        tpu.vector_store_idx %arg9[%parallel_loop3A_364], %parallel_loop3A_377 {add = true} : memref<50176xf32, #tpu.memory_space<vmem>>[vector<16xi32>], vector<16xf32>,
        tpu.vector_store_idx %arg9[%parallel_loop3A_368], %parallel_loop3A_377 {add = true} : memref<50176xf32, #tpu.memory_space<vmem>>[vector<16xi32>], vector<16xf32>,
        tpu.vector_store_idx %arg9[%parallel_loop3A_372], %parallel_loop3A_377 {add = true} : memref<50176xf32, #tpu.memory_space<vmem>>[vector<16xi32>], vector<16xf32>,
      } {sc.loop_unroll_factor = 4 : i64, sc.parallel_access}
      %dma_wait3A_237 = tpu.memref_slice %arg3[%add3A_227] : memref<102400xi32, #tpu.memory_space<hbm>> -> memref<3200xi32, #tpu.memory_space<hbm>>
      %dma_wait3A_238 = tpu.memref_slice %arg3[%add3A_227] : memref<102400xi32, #tpu.memory_space<hbm>> -> memref<3200xi32, #tpu.memory_space<hbm>>
      tpu.wait_dma2 semaphore(%arg18 : memref<!tpu.dma_semaphore, #tpu.memory_space<semaphore_mem>>) src(%dma_wait3A_238 : memref<3200xi32, #tpu.memory_space<hbm>>) dst(%arg14 : memref<3200xi32, #tpu.memory_space<vmem>>)
      %dma_wait3A_239 = tpu.memref_slice %arg4[%add3A_227] : memref<102400xi32, #tpu.memory_space<hbm>> -> memref<3200xi32, #tpu.memory_space<hbm>>
      %dma_wait3A_240 = tpu.memref_slice %arg4[%add3A_227] : memref<102400xi32, #tpu.memory_space<hbm>> -> memref<3200xi32, #tpu.memory_space<hbm>>
      tpu.wait_dma2 semaphore(%arg18 : memref<!tpu.dma_semaphore, #tpu.memory_space<semaphore_mem>>) src(%dma_wait3A_240 : memref<3200xi32, #tpu.memory_space<hbm>>) dst(%arg15 : memref<3200xi32, #tpu.memory_space<vmem>>)
      %dma_wait3A_241 = tpu.memref_slice %arg5[%add3A_227] : memref<102400xi32, #tpu.memory_space<hbm>> -> memref<3200xi32, #tpu.memory_space<hbm>>
      %dma_wait3A_242 = tpu.memref_slice %arg5[%add3A_227] : memref<102400xi32, #tpu.memory_space<hbm>> -> memref<3200xi32, #tpu.memory_space<hbm>>
      tpu.wait_dma2 semaphore(%arg18 : memref<!tpu.dma_semaphore, #tpu.memory_space<semaphore_mem>>) src(%dma_wait3A_242 : memref<3200xi32, #tpu.memory_space<hbm>>) dst(%arg16 : memref<3200xi32, #tpu.memory_space<vmem>>)
      %mul3A_243 = arith.constant 51200 : i32
      %mul3A_244 = arith.muli %select_n3A_35, %mul3A_243 : i32
      %add3A_245 = arith.constant 32000 : i32
      %add3A_246 = arith.addi %mul3A_244, %add3A_245 : i32
      %dma_start3A_247 = tpu.memref_slice %arg3[%add3A_246] : memref<102400xi32, #tpu.memory_space<hbm>> -> memref<3200xi32, #tpu.memory_space<hbm>>
      %dma_start3A_248 = tpu.memref_slice %arg3[%add3A_246] : memref<102400xi32, #tpu.memory_space<hbm>> -> memref<3200xi32, #tpu.memory_space<hbm>>
      tpu.enqueue_dma source(%dma_start3A_248 : memref<3200xi32, #tpu.memory_space<hbm>>) target(%arg11 : memref<3200xi32, #tpu.memory_space<vmem>>) target_semaphore(%arg17 : memref<!tpu.dma_semaphore, #tpu.memory_space<semaphore_mem>>)
      %dma_start3A_249 = tpu.memref_slice %arg4[%add3A_246] : memref<102400xi32, #tpu.memory_space<hbm>> -> memref<3200xi32, #tpu.memory_space<hbm>>
      %dma_start3A_250 = tpu.memref_slice %arg4[%add3A_246] : memref<102400xi32, #tpu.memory_space<hbm>> -> memref<3200xi32, #tpu.memory_space<hbm>>
      tpu.enqueue_dma source(%dma_start3A_250 : memref<3200xi32, #tpu.memory_space<hbm>>) target(%arg12 : memref<3200xi32, #tpu.memory_space<vmem>>) target_semaphore(%arg17 : memref<!tpu.dma_semaphore, #tpu.memory_space<semaphore_mem>>)
      %dma_start3A_251 = tpu.memref_slice %arg5[%add3A_246] : memref<102400xi32, #tpu.memory_space<hbm>> -> memref<3200xi32, #tpu.memory_space<hbm>>
      %dma_start3A_252 = tpu.memref_slice %arg5[%add3A_246] : memref<102400xi32, #tpu.memory_space<hbm>> -> memref<3200xi32, #tpu.memory_space<hbm>>
      tpu.enqueue_dma source(%dma_start3A_252 : memref<3200xi32, #tpu.memory_space<hbm>>) target(%arg13 : memref<3200xi32, #tpu.memory_space<vmem>>) target_semaphore(%arg17 : memref<!tpu.dma_semaphore, #tpu.memory_space<semaphore_mem>>)
      %parallel_loop3A_253 = arith.constant 0 : i32
      %parallel_loop3A_254 = arith.constant 200 : i32
      %parallel_loop3A_255 = arith.constant 1 : i32
      scf.for %parallel_loop3A_360 = %parallel_loop3A_253 to %parallel_loop3A_254 step %parallel_loop3A_255  : i32 {
        %parallel_loop3A_361 = arith.constant 16 : i32
        %parallel_loop3A_362 = arith.muli %parallel_loop3A_360, %parallel_loop3A_361 : i32
        %parallel_loop3A_363 = arith.index_cast %parallel_loop3A_362 : i32 to index
        %parallel_loop3A_364 = tpu.vector_load %arg14[%parallel_loop3A_363] {strides = array<i32>} : memref<3200xi32, #tpu.memory_space<vmem>>, vector<16xi32>,
        %parallel_loop3A_365 = arith.constant 16 : i32
        %parallel_loop3A_366 = arith.muli %parallel_loop3A_360, %parallel_loop3A_365 : i32
        %parallel_loop3A_367 = arith.index_cast %parallel_loop3A_366 : i32 to index
        %parallel_loop3A_368 = tpu.vector_load %arg15[%parallel_loop3A_367] {strides = array<i32>} : memref<3200xi32, #tpu.memory_space<vmem>>, vector<16xi32>,
        %parallel_loop3A_369 = arith.constant 16 : i32
        %parallel_loop3A_370 = arith.muli %parallel_loop3A_360, %parallel_loop3A_369 : i32
        %parallel_loop3A_371 = arith.index_cast %parallel_loop3A_370 : i32 to index
        %parallel_loop3A_372 = tpu.vector_load %arg16[%parallel_loop3A_371] {strides = array<i32>} : memref<3200xi32, #tpu.memory_space<vmem>>, vector<16xi32>,
        %parallel_loop3A_373 = tpu.vector_load_idx %arg8[%parallel_loop3A_364] : memref<50176xf32, #tpu.memory_space<vmem>>[vector<16xi32>], vector<16xf32>,
        %parallel_loop3A_374 = tpu.vector_load_idx %arg8[%parallel_loop3A_368] : memref<50176xf32, #tpu.memory_space<vmem>>[vector<16xi32>], vector<16xf32>,
        %parallel_loop3A_375 = arith.addf %parallel_loop3A_373, %parallel_loop3A_374 : vector<16xf32>
        %parallel_loop3A_376 = tpu.vector_load_idx %arg8[%parallel_loop3A_372] : memref<50176xf32, #tpu.memory_space<vmem>>[vector<16xi32>], vector<16xf32>,
        %parallel_loop3A_377 = arith.addf %parallel_loop3A_375, %parallel_loop3A_376 : vector<16xf32>
        tpu.vector_store_idx %arg9[%parallel_loop3A_364], %parallel_loop3A_377 {add = true} : memref<50176xf32, #tpu.memory_space<vmem>>[vector<16xi32>], vector<16xf32>,
        tpu.vector_store_idx %arg9[%parallel_loop3A_368], %parallel_loop3A_377 {add = true} : memref<50176xf32, #tpu.memory_space<vmem>>[vector<16xi32>], vector<16xf32>,
        tpu.vector_store_idx %arg9[%parallel_loop3A_372], %parallel_loop3A_377 {add = true} : memref<50176xf32, #tpu.memory_space<vmem>>[vector<16xi32>], vector<16xf32>,
      } {sc.loop_unroll_factor = 4 : i64, sc.parallel_access}
      %dma_wait3A_256 = tpu.memref_slice %arg3[%add3A_246] : memref<102400xi32, #tpu.memory_space<hbm>> -> memref<3200xi32, #tpu.memory_space<hbm>>
      %dma_wait3A_257 = tpu.memref_slice %arg3[%add3A_246] : memref<102400xi32, #tpu.memory_space<hbm>> -> memref<3200xi32, #tpu.memory_space<hbm>>
      tpu.wait_dma2 semaphore(%arg17 : memref<!tpu.dma_semaphore, #tpu.memory_space<semaphore_mem>>) src(%dma_wait3A_257 : memref<3200xi32, #tpu.memory_space<hbm>>) dst(%arg11 : memref<3200xi32, #tpu.memory_space<vmem>>)
      %dma_wait3A_258 = tpu.memref_slice %arg4[%add3A_246] : memref<102400xi32, #tpu.memory_space<hbm>> -> memref<3200xi32, #tpu.memory_space<hbm>>
      %dma_wait3A_259 = tpu.memref_slice %arg4[%add3A_246] : memref<102400xi32, #tpu.memory_space<hbm>> -> memref<3200xi32, #tpu.memory_space<hbm>>
      tpu.wait_dma2 semaphore(%arg17 : memref<!tpu.dma_semaphore, #tpu.memory_space<semaphore_mem>>) src(%dma_wait3A_259 : memref<3200xi32, #tpu.memory_space<hbm>>) dst(%arg12 : memref<3200xi32, #tpu.memory_space<vmem>>)
      %dma_wait3A_260 = tpu.memref_slice %arg5[%add3A_246] : memref<102400xi32, #tpu.memory_space<hbm>> -> memref<3200xi32, #tpu.memory_space<hbm>>
      %dma_wait3A_261 = tpu.memref_slice %arg5[%add3A_246] : memref<102400xi32, #tpu.memory_space<hbm>> -> memref<3200xi32, #tpu.memory_space<hbm>>
      tpu.wait_dma2 semaphore(%arg17 : memref<!tpu.dma_semaphore, #tpu.memory_space<semaphore_mem>>) src(%dma_wait3A_261 : memref<3200xi32, #tpu.memory_space<hbm>>) dst(%arg13 : memref<3200xi32, #tpu.memory_space<vmem>>)
      %mul3A_262 = arith.constant 51200 : i32
      %mul3A_263 = arith.muli %select_n3A_35, %mul3A_262 : i32
      %add3A_264 = arith.constant 35200 : i32
      %add3A_265 = arith.addi %mul3A_263, %add3A_264 : i32
      %dma_start3A_266 = tpu.memref_slice %arg3[%add3A_265] : memref<102400xi32, #tpu.memory_space<hbm>> -> memref<3200xi32, #tpu.memory_space<hbm>>
      %dma_start3A_267 = tpu.memref_slice %arg3[%add3A_265] : memref<102400xi32, #tpu.memory_space<hbm>> -> memref<3200xi32, #tpu.memory_space<hbm>>
      tpu.enqueue_dma source(%dma_start3A_267 : memref<3200xi32, #tpu.memory_space<hbm>>) target(%arg14 : memref<3200xi32, #tpu.memory_space<vmem>>) target_semaphore(%arg18 : memref<!tpu.dma_semaphore, #tpu.memory_space<semaphore_mem>>)
      %dma_start3A_268 = tpu.memref_slice %arg4[%add3A_265] : memref<102400xi32, #tpu.memory_space<hbm>> -> memref<3200xi32, #tpu.memory_space<hbm>>
      %dma_start3A_269 = tpu.memref_slice %arg4[%add3A_265] : memref<102400xi32, #tpu.memory_space<hbm>> -> memref<3200xi32, #tpu.memory_space<hbm>>
      tpu.enqueue_dma source(%dma_start3A_269 : memref<3200xi32, #tpu.memory_space<hbm>>) target(%arg15 : memref<3200xi32, #tpu.memory_space<vmem>>) target_semaphore(%arg18 : memref<!tpu.dma_semaphore, #tpu.memory_space<semaphore_mem>>)
      %dma_start3A_270 = tpu.memref_slice %arg5[%add3A_265] : memref<102400xi32, #tpu.memory_space<hbm>> -> memref<3200xi32, #tpu.memory_space<hbm>>
      %dma_start3A_271 = tpu.memref_slice %arg5[%add3A_265] : memref<102400xi32, #tpu.memory_space<hbm>> -> memref<3200xi32, #tpu.memory_space<hbm>>
      tpu.enqueue_dma source(%dma_start3A_271 : memref<3200xi32, #tpu.memory_space<hbm>>) target(%arg16 : memref<3200xi32, #tpu.memory_space<vmem>>) target_semaphore(%arg18 : memref<!tpu.dma_semaphore, #tpu.memory_space<semaphore_mem>>)
      %parallel_loop3A_272 = arith.constant 0 : i32
      %parallel_loop3A_273 = arith.constant 200 : i32
      %parallel_loop3A_274 = arith.constant 1 : i32
      scf.for %parallel_loop3A_360 = %parallel_loop3A_272 to %parallel_loop3A_273 step %parallel_loop3A_274  : i32 {
        %parallel_loop3A_361 = arith.constant 16 : i32
        %parallel_loop3A_362 = arith.muli %parallel_loop3A_360, %parallel_loop3A_361 : i32
        %parallel_loop3A_363 = arith.index_cast %parallel_loop3A_362 : i32 to index
        %parallel_loop3A_364 = tpu.vector_load %arg11[%parallel_loop3A_363] {strides = array<i32>} : memref<3200xi32, #tpu.memory_space<vmem>>, vector<16xi32>,
        %parallel_loop3A_365 = arith.constant 16 : i32
        %parallel_loop3A_366 = arith.muli %parallel_loop3A_360, %parallel_loop3A_365 : i32
        %parallel_loop3A_367 = arith.index_cast %parallel_loop3A_366 : i32 to index
        %parallel_loop3A_368 = tpu.vector_load %arg12[%parallel_loop3A_367] {strides = array<i32>} : memref<3200xi32, #tpu.memory_space<vmem>>, vector<16xi32>,
        %parallel_loop3A_369 = arith.constant 16 : i32
        %parallel_loop3A_370 = arith.muli %parallel_loop3A_360, %parallel_loop3A_369 : i32
        %parallel_loop3A_371 = arith.index_cast %parallel_loop3A_370 : i32 to index
        %parallel_loop3A_372 = tpu.vector_load %arg13[%parallel_loop3A_371] {strides = array<i32>} : memref<3200xi32, #tpu.memory_space<vmem>>, vector<16xi32>,
        %parallel_loop3A_373 = tpu.vector_load_idx %arg8[%parallel_loop3A_364] : memref<50176xf32, #tpu.memory_space<vmem>>[vector<16xi32>], vector<16xf32>,
        %parallel_loop3A_374 = tpu.vector_load_idx %arg8[%parallel_loop3A_368] : memref<50176xf32, #tpu.memory_space<vmem>>[vector<16xi32>], vector<16xf32>,
        %parallel_loop3A_375 = arith.addf %parallel_loop3A_373, %parallel_loop3A_374 : vector<16xf32>
        %parallel_loop3A_376 = tpu.vector_load_idx %arg8[%parallel_loop3A_372] : memref<50176xf32, #tpu.memory_space<vmem>>[vector<16xi32>], vector<16xf32>,
        %parallel_loop3A_377 = arith.addf %parallel_loop3A_375, %parallel_loop3A_376 : vector<16xf32>
        tpu.vector_store_idx %arg9[%parallel_loop3A_364], %parallel_loop3A_377 {add = true} : memref<50176xf32, #tpu.memory_space<vmem>>[vector<16xi32>], vector<16xf32>,
        tpu.vector_store_idx %arg9[%parallel_loop3A_368], %parallel_loop3A_377 {add = true} : memref<50176xf32, #tpu.memory_space<vmem>>[vector<16xi32>], vector<16xf32>,
        tpu.vector_store_idx %arg9[%parallel_loop3A_372], %parallel_loop3A_377 {add = true} : memref<50176xf32, #tpu.memory_space<vmem>>[vector<16xi32>], vector<16xf32>,
      } {sc.loop_unroll_factor = 4 : i64, sc.parallel_access}
      %dma_wait3A_275 = tpu.memref_slice %arg3[%add3A_265] : memref<102400xi32, #tpu.memory_space<hbm>> -> memref<3200xi32, #tpu.memory_space<hbm>>
      %dma_wait3A_276 = tpu.memref_slice %arg3[%add3A_265] : memref<102400xi32, #tpu.memory_space<hbm>> -> memref<3200xi32, #tpu.memory_space<hbm>>
      tpu.wait_dma2 semaphore(%arg18 : memref<!tpu.dma_semaphore, #tpu.memory_space<semaphore_mem>>) src(%dma_wait3A_276 : memref<3200xi32, #tpu.memory_space<hbm>>) dst(%arg14 : memref<3200xi32, #tpu.memory_space<vmem>>)
      %dma_wait3A_277 = tpu.memref_slice %arg4[%add3A_265] : memref<102400xi32, #tpu.memory_space<hbm>> -> memref<3200xi32, #tpu.memory_space<hbm>>
      %dma_wait3A_278 = tpu.memref_slice %arg4[%add3A_265] : memref<102400xi32, #tpu.memory_space<hbm>> -> memref<3200xi32, #tpu.memory_space<hbm>>
      tpu.wait_dma2 semaphore(%arg18 : memref<!tpu.dma_semaphore, #tpu.memory_space<semaphore_mem>>) src(%dma_wait3A_278 : memref<3200xi32, #tpu.memory_space<hbm>>) dst(%arg15 : memref<3200xi32, #tpu.memory_space<vmem>>)
      %dma_wait3A_279 = tpu.memref_slice %arg5[%add3A_265] : memref<102400xi32, #tpu.memory_space<hbm>> -> memref<3200xi32, #tpu.memory_space<hbm>>
      %dma_wait3A_280 = tpu.memref_slice %arg5[%add3A_265] : memref<102400xi32, #tpu.memory_space<hbm>> -> memref<3200xi32, #tpu.memory_space<hbm>>
      tpu.wait_dma2 semaphore(%arg18 : memref<!tpu.dma_semaphore, #tpu.memory_space<semaphore_mem>>) src(%dma_wait3A_280 : memref<3200xi32, #tpu.memory_space<hbm>>) dst(%arg16 : memref<3200xi32, #tpu.memory_space<vmem>>)
      %mul3A_281 = arith.constant 51200 : i32
      %mul3A_282 = arith.muli %select_n3A_35, %mul3A_281 : i32
      %add3A_283 = arith.constant 38400 : i32
      %add3A_284 = arith.addi %mul3A_282, %add3A_283 : i32
      %dma_start3A_285 = tpu.memref_slice %arg3[%add3A_284] : memref<102400xi32, #tpu.memory_space<hbm>> -> memref<3200xi32, #tpu.memory_space<hbm>>
      %dma_start3A_286 = tpu.memref_slice %arg3[%add3A_284] : memref<102400xi32, #tpu.memory_space<hbm>> -> memref<3200xi32, #tpu.memory_space<hbm>>
      tpu.enqueue_dma source(%dma_start3A_286 : memref<3200xi32, #tpu.memory_space<hbm>>) target(%arg11 : memref<3200xi32, #tpu.memory_space<vmem>>) target_semaphore(%arg17 : memref<!tpu.dma_semaphore, #tpu.memory_space<semaphore_mem>>)
      %dma_start3A_287 = tpu.memref_slice %arg4[%add3A_284] : memref<102400xi32, #tpu.memory_space<hbm>> -> memref<3200xi32, #tpu.memory_space<hbm>>
      %dma_start3A_288 = tpu.memref_slice %arg4[%add3A_284] : memref<102400xi32, #tpu.memory_space<hbm>> -> memref<3200xi32, #tpu.memory_space<hbm>>
      tpu.enqueue_dma source(%dma_start3A_288 : memref<3200xi32, #tpu.memory_space<hbm>>) target(%arg12 : memref<3200xi32, #tpu.memory_space<vmem>>) target_semaphore(%arg17 : memref<!tpu.dma_semaphore, #tpu.memory_space<semaphore_mem>>)
      %dma_start3A_289 = tpu.memref_slice %arg5[%add3A_284] : memref<102400xi32, #tpu.memory_space<hbm>> -> memref<3200xi32, #tpu.memory_space<hbm>>
      %dma_start3A_290 = tpu.memref_slice %arg5[%add3A_284] : memref<102400xi32, #tpu.memory_space<hbm>> -> memref<3200xi32, #tpu.memory_space<hbm>>
      tpu.enqueue_dma source(%dma_start3A_290 : memref<3200xi32, #tpu.memory_space<hbm>>) target(%arg13 : memref<3200xi32, #tpu.memory_space<vmem>>) target_semaphore(%arg17 : memref<!tpu.dma_semaphore, #tpu.memory_space<semaphore_mem>>)
      %parallel_loop3A_291 = arith.constant 0 : i32
      %parallel_loop3A_292 = arith.constant 200 : i32
      %parallel_loop3A_293 = arith.constant 1 : i32
      scf.for %parallel_loop3A_360 = %parallel_loop3A_291 to %parallel_loop3A_292 step %parallel_loop3A_293  : i32 {
        %parallel_loop3A_361 = arith.constant 16 : i32
        %parallel_loop3A_362 = arith.muli %parallel_loop3A_360, %parallel_loop3A_361 : i32
        %parallel_loop3A_363 = arith.index_cast %parallel_loop3A_362 : i32 to index
        %parallel_loop3A_364 = tpu.vector_load %arg14[%parallel_loop3A_363] {strides = array<i32>} : memref<3200xi32, #tpu.memory_space<vmem>>, vector<16xi32>,
        %parallel_loop3A_365 = arith.constant 16 : i32
        %parallel_loop3A_366 = arith.muli %parallel_loop3A_360, %parallel_loop3A_365 : i32
        %parallel_loop3A_367 = arith.index_cast %parallel_loop3A_366 : i32 to index
        %parallel_loop3A_368 = tpu.vector_load %arg15[%parallel_loop3A_367] {strides = array<i32>} : memref<3200xi32, #tpu.memory_space<vmem>>, vector<16xi32>,
        %parallel_loop3A_369 = arith.constant 16 : i32
        %parallel_loop3A_370 = arith.muli %parallel_loop3A_360, %parallel_loop3A_369 : i32
        %parallel_loop3A_371 = arith.index_cast %parallel_loop3A_370 : i32 to index
        %parallel_loop3A_372 = tpu.vector_load %arg16[%parallel_loop3A_371] {strides = array<i32>} : memref<3200xi32, #tpu.memory_space<vmem>>, vector<16xi32>,
        %parallel_loop3A_373 = tpu.vector_load_idx %arg8[%parallel_loop3A_364] : memref<50176xf32, #tpu.memory_space<vmem>>[vector<16xi32>], vector<16xf32>,
        %parallel_loop3A_374 = tpu.vector_load_idx %arg8[%parallel_loop3A_368] : memref<50176xf32, #tpu.memory_space<vmem>>[vector<16xi32>], vector<16xf32>,
        %parallel_loop3A_375 = arith.addf %parallel_loop3A_373, %parallel_loop3A_374 : vector<16xf32>
        %parallel_loop3A_376 = tpu.vector_load_idx %arg8[%parallel_loop3A_372] : memref<50176xf32, #tpu.memory_space<vmem>>[vector<16xi32>], vector<16xf32>,
        %parallel_loop3A_377 = arith.addf %parallel_loop3A_375, %parallel_loop3A_376 : vector<16xf32>
        tpu.vector_store_idx %arg9[%parallel_loop3A_364], %parallel_loop3A_377 {add = true} : memref<50176xf32, #tpu.memory_space<vmem>>[vector<16xi32>], vector<16xf32>,
        tpu.vector_store_idx %arg9[%parallel_loop3A_368], %parallel_loop3A_377 {add = true} : memref<50176xf32, #tpu.memory_space<vmem>>[vector<16xi32>], vector<16xf32>,
        tpu.vector_store_idx %arg9[%parallel_loop3A_372], %parallel_loop3A_377 {add = true} : memref<50176xf32, #tpu.memory_space<vmem>>[vector<16xi32>], vector<16xf32>,
      } {sc.loop_unroll_factor = 4 : i64, sc.parallel_access}
      %dma_wait3A_294 = tpu.memref_slice %arg3[%add3A_284] : memref<102400xi32, #tpu.memory_space<hbm>> -> memref<3200xi32, #tpu.memory_space<hbm>>
      %dma_wait3A_295 = tpu.memref_slice %arg3[%add3A_284] : memref<102400xi32, #tpu.memory_space<hbm>> -> memref<3200xi32, #tpu.memory_space<hbm>>
      tpu.wait_dma2 semaphore(%arg17 : memref<!tpu.dma_semaphore, #tpu.memory_space<semaphore_mem>>) src(%dma_wait3A_295 : memref<3200xi32, #tpu.memory_space<hbm>>) dst(%arg11 : memref<3200xi32, #tpu.memory_space<vmem>>)
      %dma_wait3A_296 = tpu.memref_slice %arg4[%add3A_284] : memref<102400xi32, #tpu.memory_space<hbm>> -> memref<3200xi32, #tpu.memory_space<hbm>>
      %dma_wait3A_297 = tpu.memref_slice %arg4[%add3A_284] : memref<102400xi32, #tpu.memory_space<hbm>> -> memref<3200xi32, #tpu.memory_space<hbm>>
      tpu.wait_dma2 semaphore(%arg17 : memref<!tpu.dma_semaphore, #tpu.memory_space<semaphore_mem>>) src(%dma_wait3A_297 : memref<3200xi32, #tpu.memory_space<hbm>>) dst(%arg12 : memref<3200xi32, #tpu.memory_space<vmem>>)
      %dma_wait3A_298 = tpu.memref_slice %arg5[%add3A_284] : memref<102400xi32, #tpu.memory_space<hbm>> -> memref<3200xi32, #tpu.memory_space<hbm>>
      %dma_wait3A_299 = tpu.memref_slice %arg5[%add3A_284] : memref<102400xi32, #tpu.memory_space<hbm>> -> memref<3200xi32, #tpu.memory_space<hbm>>
      tpu.wait_dma2 semaphore(%arg17 : memref<!tpu.dma_semaphore, #tpu.memory_space<semaphore_mem>>) src(%dma_wait3A_299 : memref<3200xi32, #tpu.memory_space<hbm>>) dst(%arg13 : memref<3200xi32, #tpu.memory_space<vmem>>)
      %mul3A_300 = arith.constant 51200 : i32
      %mul3A_301 = arith.muli %select_n3A_35, %mul3A_300 : i32
      %add3A_302 = arith.constant 41600 : i32
      %add3A_303 = arith.addi %mul3A_301, %add3A_302 : i32
      %dma_start3A_304 = tpu.memref_slice %arg3[%add3A_303] : memref<102400xi32, #tpu.memory_space<hbm>> -> memref<3200xi32, #tpu.memory_space<hbm>>
      %dma_start3A_305 = tpu.memref_slice %arg3[%add3A_303] : memref<102400xi32, #tpu.memory_space<hbm>> -> memref<3200xi32, #tpu.memory_space<hbm>>
      tpu.enqueue_dma source(%dma_start3A_305 : memref<3200xi32, #tpu.memory_space<hbm>>) target(%arg14 : memref<3200xi32, #tpu.memory_space<vmem>>) target_semaphore(%arg18 : memref<!tpu.dma_semaphore, #tpu.memory_space<semaphore_mem>>)
      %dma_start3A_306 = tpu.memref_slice %arg4[%add3A_303] : memref<102400xi32, #tpu.memory_space<hbm>> -> memref<3200xi32, #tpu.memory_space<hbm>>
      %dma_start3A_307 = tpu.memref_slice %arg4[%add3A_303] : memref<102400xi32, #tpu.memory_space<hbm>> -> memref<3200xi32, #tpu.memory_space<hbm>>
      tpu.enqueue_dma source(%dma_start3A_307 : memref<3200xi32, #tpu.memory_space<hbm>>) target(%arg15 : memref<3200xi32, #tpu.memory_space<vmem>>) target_semaphore(%arg18 : memref<!tpu.dma_semaphore, #tpu.memory_space<semaphore_mem>>)
      %dma_start3A_308 = tpu.memref_slice %arg5[%add3A_303] : memref<102400xi32, #tpu.memory_space<hbm>> -> memref<3200xi32, #tpu.memory_space<hbm>>
      %dma_start3A_309 = tpu.memref_slice %arg5[%add3A_303] : memref<102400xi32, #tpu.memory_space<hbm>> -> memref<3200xi32, #tpu.memory_space<hbm>>
      tpu.enqueue_dma source(%dma_start3A_309 : memref<3200xi32, #tpu.memory_space<hbm>>) target(%arg16 : memref<3200xi32, #tpu.memory_space<vmem>>) target_semaphore(%arg18 : memref<!tpu.dma_semaphore, #tpu.memory_space<semaphore_mem>>)
      %parallel_loop3A_310 = arith.constant 0 : i32
      %parallel_loop3A_311 = arith.constant 200 : i32
      %parallel_loop3A_312 = arith.constant 1 : i32
      scf.for %parallel_loop3A_360 = %parallel_loop3A_310 to %parallel_loop3A_311 step %parallel_loop3A_312  : i32 {
        %parallel_loop3A_361 = arith.constant 16 : i32
        %parallel_loop3A_362 = arith.muli %parallel_loop3A_360, %parallel_loop3A_361 : i32
        %parallel_loop3A_363 = arith.index_cast %parallel_loop3A_362 : i32 to index
        %parallel_loop3A_364 = tpu.vector_load %arg11[%parallel_loop3A_363] {strides = array<i32>} : memref<3200xi32, #tpu.memory_space<vmem>>, vector<16xi32>,
        %parallel_loop3A_365 = arith.constant 16 : i32
        %parallel_loop3A_366 = arith.muli %parallel_loop3A_360, %parallel_loop3A_365 : i32
        %parallel_loop3A_367 = arith.index_cast %parallel_loop3A_366 : i32 to index
        %parallel_loop3A_368 = tpu.vector_load %arg12[%parallel_loop3A_367] {strides = array<i32>} : memref<3200xi32, #tpu.memory_space<vmem>>, vector<16xi32>,
        %parallel_loop3A_369 = arith.constant 16 : i32
        %parallel_loop3A_370 = arith.muli %parallel_loop3A_360, %parallel_loop3A_369 : i32
        %parallel_loop3A_371 = arith.index_cast %parallel_loop3A_370 : i32 to index
        %parallel_loop3A_372 = tpu.vector_load %arg13[%parallel_loop3A_371] {strides = array<i32>} : memref<3200xi32, #tpu.memory_space<vmem>>, vector<16xi32>,
        %parallel_loop3A_373 = tpu.vector_load_idx %arg8[%parallel_loop3A_364] : memref<50176xf32, #tpu.memory_space<vmem>>[vector<16xi32>], vector<16xf32>,
        %parallel_loop3A_374 = tpu.vector_load_idx %arg8[%parallel_loop3A_368] : memref<50176xf32, #tpu.memory_space<vmem>>[vector<16xi32>], vector<16xf32>,
        %parallel_loop3A_375 = arith.addf %parallel_loop3A_373, %parallel_loop3A_374 : vector<16xf32>
        %parallel_loop3A_376 = tpu.vector_load_idx %arg8[%parallel_loop3A_372] : memref<50176xf32, #tpu.memory_space<vmem>>[vector<16xi32>], vector<16xf32>,
        %parallel_loop3A_377 = arith.addf %parallel_loop3A_375, %parallel_loop3A_376 : vector<16xf32>
        tpu.vector_store_idx %arg9[%parallel_loop3A_364], %parallel_loop3A_377 {add = true} : memref<50176xf32, #tpu.memory_space<vmem>>[vector<16xi32>], vector<16xf32>,
        tpu.vector_store_idx %arg9[%parallel_loop3A_368], %parallel_loop3A_377 {add = true} : memref<50176xf32, #tpu.memory_space<vmem>>[vector<16xi32>], vector<16xf32>,
        tpu.vector_store_idx %arg9[%parallel_loop3A_372], %parallel_loop3A_377 {add = true} : memref<50176xf32, #tpu.memory_space<vmem>>[vector<16xi32>], vector<16xf32>,
      } {sc.loop_unroll_factor = 4 : i64, sc.parallel_access}
      %dma_wait3A_313 = tpu.memref_slice %arg3[%add3A_303] : memref<102400xi32, #tpu.memory_space<hbm>> -> memref<3200xi32, #tpu.memory_space<hbm>>
      %dma_wait3A_314 = tpu.memref_slice %arg3[%add3A_303] : memref<102400xi32, #tpu.memory_space<hbm>> -> memref<3200xi32, #tpu.memory_space<hbm>>
      tpu.wait_dma2 semaphore(%arg18 : memref<!tpu.dma_semaphore, #tpu.memory_space<semaphore_mem>>) src(%dma_wait3A_314 : memref<3200xi32, #tpu.memory_space<hbm>>) dst(%arg14 : memref<3200xi32, #tpu.memory_space<vmem>>)
      %dma_wait3A_315 = tpu.memref_slice %arg4[%add3A_303] : memref<102400xi32, #tpu.memory_space<hbm>> -> memref<3200xi32, #tpu.memory_space<hbm>>
      %dma_wait3A_316 = tpu.memref_slice %arg4[%add3A_303] : memref<102400xi32, #tpu.memory_space<hbm>> -> memref<3200xi32, #tpu.memory_space<hbm>>
      tpu.wait_dma2 semaphore(%arg18 : memref<!tpu.dma_semaphore, #tpu.memory_space<semaphore_mem>>) src(%dma_wait3A_316 : memref<3200xi32, #tpu.memory_space<hbm>>) dst(%arg15 : memref<3200xi32, #tpu.memory_space<vmem>>)
      %dma_wait3A_317 = tpu.memref_slice %arg5[%add3A_303] : memref<102400xi32, #tpu.memory_space<hbm>> -> memref<3200xi32, #tpu.memory_space<hbm>>
      %dma_wait3A_318 = tpu.memref_slice %arg5[%add3A_303] : memref<102400xi32, #tpu.memory_space<hbm>> -> memref<3200xi32, #tpu.memory_space<hbm>>
      tpu.wait_dma2 semaphore(%arg18 : memref<!tpu.dma_semaphore, #tpu.memory_space<semaphore_mem>>) src(%dma_wait3A_318 : memref<3200xi32, #tpu.memory_space<hbm>>) dst(%arg16 : memref<3200xi32, #tpu.memory_space<vmem>>)
      %mul3A_319 = arith.constant 51200 : i32
      %mul3A_320 = arith.muli %select_n3A_35, %mul3A_319 : i32
      %add3A_321 = arith.constant 44800 : i32
      %add3A_322 = arith.addi %mul3A_320, %add3A_321 : i32
      %dma_start3A_323 = tpu.memref_slice %arg3[%add3A_322] : memref<102400xi32, #tpu.memory_space<hbm>> -> memref<3200xi32, #tpu.memory_space<hbm>>
      %dma_start3A_324 = tpu.memref_slice %arg3[%add3A_322] : memref<102400xi32, #tpu.memory_space<hbm>> -> memref<3200xi32, #tpu.memory_space<hbm>>
      tpu.enqueue_dma source(%dma_start3A_324 : memref<3200xi32, #tpu.memory_space<hbm>>) target(%arg11 : memref<3200xi32, #tpu.memory_space<vmem>>) target_semaphore(%arg17 : memref<!tpu.dma_semaphore, #tpu.memory_space<semaphore_mem>>)
      %dma_start3A_325 = tpu.memref_slice %arg4[%add3A_322] : memref<102400xi32, #tpu.memory_space<hbm>> -> memref<3200xi32, #tpu.memory_space<hbm>>
      %dma_start3A_326 = tpu.memref_slice %arg4[%add3A_322] : memref<102400xi32, #tpu.memory_space<hbm>> -> memref<3200xi32, #tpu.memory_space<hbm>>
      tpu.enqueue_dma source(%dma_start3A_326 : memref<3200xi32, #tpu.memory_space<hbm>>) target(%arg12 : memref<3200xi32, #tpu.memory_space<vmem>>) target_semaphore(%arg17 : memref<!tpu.dma_semaphore, #tpu.memory_space<semaphore_mem>>)
      %dma_start3A_327 = tpu.memref_slice %arg5[%add3A_322] : memref<102400xi32, #tpu.memory_space<hbm>> -> memref<3200xi32, #tpu.memory_space<hbm>>
      %dma_start3A_328 = tpu.memref_slice %arg5[%add3A_322] : memref<102400xi32, #tpu.memory_space<hbm>> -> memref<3200xi32, #tpu.memory_space<hbm>>
      tpu.enqueue_dma source(%dma_start3A_328 : memref<3200xi32, #tpu.memory_space<hbm>>) target(%arg13 : memref<3200xi32, #tpu.memory_space<vmem>>) target_semaphore(%arg17 : memref<!tpu.dma_semaphore, #tpu.memory_space<semaphore_mem>>)
      %parallel_loop3A_329 = arith.constant 0 : i32
      %parallel_loop3A_330 = arith.constant 200 : i32
      %parallel_loop3A_331 = arith.constant 1 : i32
      scf.for %parallel_loop3A_360 = %parallel_loop3A_329 to %parallel_loop3A_330 step %parallel_loop3A_331  : i32 {
        %parallel_loop3A_361 = arith.constant 16 : i32
        %parallel_loop3A_362 = arith.muli %parallel_loop3A_360, %parallel_loop3A_361 : i32
        %parallel_loop3A_363 = arith.index_cast %parallel_loop3A_362 : i32 to index
        %parallel_loop3A_364 = tpu.vector_load %arg14[%parallel_loop3A_363] {strides = array<i32>} : memref<3200xi32, #tpu.memory_space<vmem>>, vector<16xi32>,
        %parallel_loop3A_365 = arith.constant 16 : i32
        %parallel_loop3A_366 = arith.muli %parallel_loop3A_360, %parallel_loop3A_365 : i32
        %parallel_loop3A_367 = arith.index_cast %parallel_loop3A_366 : i32 to index
        %parallel_loop3A_368 = tpu.vector_load %arg15[%parallel_loop3A_367] {strides = array<i32>} : memref<3200xi32, #tpu.memory_space<vmem>>, vector<16xi32>,
        %parallel_loop3A_369 = arith.constant 16 : i32
        %parallel_loop3A_370 = arith.muli %parallel_loop3A_360, %parallel_loop3A_369 : i32
        %parallel_loop3A_371 = arith.index_cast %parallel_loop3A_370 : i32 to index
        %parallel_loop3A_372 = tpu.vector_load %arg16[%parallel_loop3A_371] {strides = array<i32>} : memref<3200xi32, #tpu.memory_space<vmem>>, vector<16xi32>,
        %parallel_loop3A_373 = tpu.vector_load_idx %arg8[%parallel_loop3A_364] : memref<50176xf32, #tpu.memory_space<vmem>>[vector<16xi32>], vector<16xf32>,
        %parallel_loop3A_374 = tpu.vector_load_idx %arg8[%parallel_loop3A_368] : memref<50176xf32, #tpu.memory_space<vmem>>[vector<16xi32>], vector<16xf32>,
        %parallel_loop3A_375 = arith.addf %parallel_loop3A_373, %parallel_loop3A_374 : vector<16xf32>
        %parallel_loop3A_376 = tpu.vector_load_idx %arg8[%parallel_loop3A_372] : memref<50176xf32, #tpu.memory_space<vmem>>[vector<16xi32>], vector<16xf32>,
        %parallel_loop3A_377 = arith.addf %parallel_loop3A_375, %parallel_loop3A_376 : vector<16xf32>
        tpu.vector_store_idx %arg9[%parallel_loop3A_364], %parallel_loop3A_377 {add = true} : memref<50176xf32, #tpu.memory_space<vmem>>[vector<16xi32>], vector<16xf32>,
        tpu.vector_store_idx %arg9[%parallel_loop3A_368], %parallel_loop3A_377 {add = true} : memref<50176xf32, #tpu.memory_space<vmem>>[vector<16xi32>], vector<16xf32>,
        tpu.vector_store_idx %arg9[%parallel_loop3A_372], %parallel_loop3A_377 {add = true} : memref<50176xf32, #tpu.memory_space<vmem>>[vector<16xi32>], vector<16xf32>,
      } {sc.loop_unroll_factor = 4 : i64, sc.parallel_access}
      %dma_wait3A_332 = tpu.memref_slice %arg3[%add3A_322] : memref<102400xi32, #tpu.memory_space<hbm>> -> memref<3200xi32, #tpu.memory_space<hbm>>
      %dma_wait3A_333 = tpu.memref_slice %arg3[%add3A_322] : memref<102400xi32, #tpu.memory_space<hbm>> -> memref<3200xi32, #tpu.memory_space<hbm>>
      tpu.wait_dma2 semaphore(%arg17 : memref<!tpu.dma_semaphore, #tpu.memory_space<semaphore_mem>>) src(%dma_wait3A_333 : memref<3200xi32, #tpu.memory_space<hbm>>) dst(%arg11 : memref<3200xi32, #tpu.memory_space<vmem>>)
      %dma_wait3A_334 = tpu.memref_slice %arg4[%add3A_322] : memref<102400xi32, #tpu.memory_space<hbm>> -> memref<3200xi32, #tpu.memory_space<hbm>>
      %dma_wait3A_335 = tpu.memref_slice %arg4[%add3A_322] : memref<102400xi32, #tpu.memory_space<hbm>> -> memref<3200xi32, #tpu.memory_space<hbm>>
      tpu.wait_dma2 semaphore(%arg17 : memref<!tpu.dma_semaphore, #tpu.memory_space<semaphore_mem>>) src(%dma_wait3A_335 : memref<3200xi32, #tpu.memory_space<hbm>>) dst(%arg12 : memref<3200xi32, #tpu.memory_space<vmem>>)
      %dma_wait3A_336 = tpu.memref_slice %arg5[%add3A_322] : memref<102400xi32, #tpu.memory_space<hbm>> -> memref<3200xi32, #tpu.memory_space<hbm>>
      %dma_wait3A_337 = tpu.memref_slice %arg5[%add3A_322] : memref<102400xi32, #tpu.memory_space<hbm>> -> memref<3200xi32, #tpu.memory_space<hbm>>
      tpu.wait_dma2 semaphore(%arg17 : memref<!tpu.dma_semaphore, #tpu.memory_space<semaphore_mem>>) src(%dma_wait3A_337 : memref<3200xi32, #tpu.memory_space<hbm>>) dst(%arg13 : memref<3200xi32, #tpu.memory_space<vmem>>)
      %mul3A_338 = arith.constant 51200 : i32
      %mul3A_339 = arith.muli %select_n3A_35, %mul3A_338 : i32
      %add3A_340 = arith.constant 48000 : i32
      %add3A_341 = arith.addi %mul3A_339, %add3A_340 : i32
      %dma_start3A_342 = tpu.memref_slice %arg3[%add3A_341] : memref<102400xi32, #tpu.memory_space<hbm>> -> memref<3200xi32, #tpu.memory_space<hbm>>
      %dma_start3A_343 = tpu.memref_slice %arg3[%add3A_341] : memref<102400xi32, #tpu.memory_space<hbm>> -> memref<3200xi32, #tpu.memory_space<hbm>>
      tpu.enqueue_dma source(%dma_start3A_343 : memref<3200xi32, #tpu.memory_space<hbm>>) target(%arg14 : memref<3200xi32, #tpu.memory_space<vmem>>) target_semaphore(%arg18 : memref<!tpu.dma_semaphore, #tpu.memory_space<semaphore_mem>>)
      %dma_start3A_344 = tpu.memref_slice %arg4[%add3A_341] : memref<102400xi32, #tpu.memory_space<hbm>> -> memref<3200xi32, #tpu.memory_space<hbm>>
      %dma_start3A_345 = tpu.memref_slice %arg4[%add3A_341] : memref<102400xi32, #tpu.memory_space<hbm>> -> memref<3200xi32, #tpu.memory_space<hbm>>
      tpu.enqueue_dma source(%dma_start3A_345 : memref<3200xi32, #tpu.memory_space<hbm>>) target(%arg15 : memref<3200xi32, #tpu.memory_space<vmem>>) target_semaphore(%arg18 : memref<!tpu.dma_semaphore, #tpu.memory_space<semaphore_mem>>)
      %dma_start3A_346 = tpu.memref_slice %arg5[%add3A_341] : memref<102400xi32, #tpu.memory_space<hbm>> -> memref<3200xi32, #tpu.memory_space<hbm>>
      %dma_start3A_347 = tpu.memref_slice %arg5[%add3A_341] : memref<102400xi32, #tpu.memory_space<hbm>> -> memref<3200xi32, #tpu.memory_space<hbm>>
      tpu.enqueue_dma source(%dma_start3A_347 : memref<3200xi32, #tpu.memory_space<hbm>>) target(%arg16 : memref<3200xi32, #tpu.memory_space<vmem>>) target_semaphore(%arg18 : memref<!tpu.dma_semaphore, #tpu.memory_space<semaphore_mem>>)
      %parallel_loop3A_348 = arith.constant 0 : i32
      %parallel_loop3A_349 = arith.constant 200 : i32
      %parallel_loop3A_350 = arith.constant 1 : i32
      scf.for %parallel_loop3A_360 = %parallel_loop3A_348 to %parallel_loop3A_349 step %parallel_loop3A_350  : i32 {
        %parallel_loop3A_361 = arith.constant 16 : i32
        %parallel_loop3A_362 = arith.muli %parallel_loop3A_360, %parallel_loop3A_361 : i32
        %parallel_loop3A_363 = arith.index_cast %parallel_loop3A_362 : i32 to index
        %parallel_loop3A_364 = tpu.vector_load %arg11[%parallel_loop3A_363] {strides = array<i32>} : memref<3200xi32, #tpu.memory_space<vmem>>, vector<16xi32>,
        %parallel_loop3A_365 = arith.constant 16 : i32
        %parallel_loop3A_366 = arith.muli %parallel_loop3A_360, %parallel_loop3A_365 : i32
        %parallel_loop3A_367 = arith.index_cast %parallel_loop3A_366 : i32 to index
        %parallel_loop3A_368 = tpu.vector_load %arg12[%parallel_loop3A_367] {strides = array<i32>} : memref<3200xi32, #tpu.memory_space<vmem>>, vector<16xi32>,
        %parallel_loop3A_369 = arith.constant 16 : i32
        %parallel_loop3A_370 = arith.muli %parallel_loop3A_360, %parallel_loop3A_369 : i32
        %parallel_loop3A_371 = arith.index_cast %parallel_loop3A_370 : i32 to index
        %parallel_loop3A_372 = tpu.vector_load %arg13[%parallel_loop3A_371] {strides = array<i32>} : memref<3200xi32, #tpu.memory_space<vmem>>, vector<16xi32>,
        %parallel_loop3A_373 = tpu.vector_load_idx %arg8[%parallel_loop3A_364] : memref<50176xf32, #tpu.memory_space<vmem>>[vector<16xi32>], vector<16xf32>,
        %parallel_loop3A_374 = tpu.vector_load_idx %arg8[%parallel_loop3A_368] : memref<50176xf32, #tpu.memory_space<vmem>>[vector<16xi32>], vector<16xf32>,
        %parallel_loop3A_375 = arith.addf %parallel_loop3A_373, %parallel_loop3A_374 : vector<16xf32>
        %parallel_loop3A_376 = tpu.vector_load_idx %arg8[%parallel_loop3A_372] : memref<50176xf32, #tpu.memory_space<vmem>>[vector<16xi32>], vector<16xf32>,
        %parallel_loop3A_377 = arith.addf %parallel_loop3A_375, %parallel_loop3A_376 : vector<16xf32>
        tpu.vector_store_idx %arg9[%parallel_loop3A_364], %parallel_loop3A_377 {add = true} : memref<50176xf32, #tpu.memory_space<vmem>>[vector<16xi32>], vector<16xf32>,
        tpu.vector_store_idx %arg9[%parallel_loop3A_368], %parallel_loop3A_377 {add = true} : memref<50176xf32, #tpu.memory_space<vmem>>[vector<16xi32>], vector<16xf32>,
        tpu.vector_store_idx %arg9[%parallel_loop3A_372], %parallel_loop3A_377 {add = true} : memref<50176xf32, #tpu.memory_space<vmem>>[vector<16xi32>], vector<16xf32>,
      } {sc.loop_unroll_factor = 4 : i64, sc.parallel_access}
      %dma_wait3A_351 = tpu.memref_slice %arg3[%add3A_341] : memref<102400xi32, #tpu.memory_space<hbm>> -> memref<3200xi32, #tpu.memory_space<hbm>>
      %dma_wait3A_352 = tpu.memref_slice %arg3[%add3A_341] : memref<102400xi32, #tpu.memory_space<hbm>> -> memref<3200xi32, #tpu.memory_space<hbm>>
      tpu.wait_dma2 semaphore(%arg18 : memref<!tpu.dma_semaphore, #tpu.memory_space<semaphore_mem>>) src(%dma_wait3A_352 : memref<3200xi32, #tpu.memory_space<hbm>>) dst(%arg14 : memref<3200xi32, #tpu.memory_space<vmem>>)
      %dma_wait3A_353 = tpu.memref_slice %arg4[%add3A_341] : memref<102400xi32, #tpu.memory_space<hbm>> -> memref<3200xi32, #tpu.memory_space<hbm>>
      %dma_wait3A_354 = tpu.memref_slice %arg4[%add3A_341] : memref<102400xi32, #tpu.memory_space<hbm>> -> memref<3200xi32, #tpu.memory_space<hbm>>
      tpu.wait_dma2 semaphore(%arg18 : memref<!tpu.dma_semaphore, #tpu.memory_space<semaphore_mem>>) src(%dma_wait3A_354 : memref<3200xi32, #tpu.memory_space<hbm>>) dst(%arg15 : memref<3200xi32, #tpu.memory_space<vmem>>)
      %dma_wait3A_355 = tpu.memref_slice %arg5[%add3A_341] : memref<102400xi32, #tpu.memory_space<hbm>> -> memref<3200xi32, #tpu.memory_space<hbm>>
      %dma_wait3A_356 = tpu.memref_slice %arg5[%add3A_341] : memref<102400xi32, #tpu.memory_space<hbm>> -> memref<3200xi32, #tpu.memory_space<hbm>>
      tpu.wait_dma2 semaphore(%arg18 : memref<!tpu.dma_semaphore, #tpu.memory_space<semaphore_mem>>) src(%dma_wait3A_356 : memref<3200xi32, #tpu.memory_space<hbm>>) dst(%arg16 : memref<3200xi32, #tpu.memory_space<vmem>>)
      %parallel_loop3A_357 = arith.constant 0 : i32
      %parallel_loop3A_358 = arith.constant 200 : i32
      %parallel_loop3A_359 = arith.constant 1 : i32
      scf.for %parallel_loop3A_360 = %parallel_loop3A_357 to %parallel_loop3A_358 step %parallel_loop3A_359  : i32 {
        %parallel_loop3A_361 = arith.constant 16 : i32
        %parallel_loop3A_362 = arith.muli %parallel_loop3A_360, %parallel_loop3A_361 : i32
        %parallel_loop3A_363 = arith.index_cast %parallel_loop3A_362 : i32 to index
        %parallel_loop3A_364 = tpu.vector_load %arg14[%parallel_loop3A_363] {strides = array<i32>} : memref<3200xi32, #tpu.memory_space<vmem>>, vector<16xi32>,
        %parallel_loop3A_365 = arith.constant 16 : i32
        %parallel_loop3A_366 = arith.muli %parallel_loop3A_360, %parallel_loop3A_365 : i32
        %parallel_loop3A_367 = arith.index_cast %parallel_loop3A_366 : i32 to index
        %parallel_loop3A_368 = tpu.vector_load %arg15[%parallel_loop3A_367] {strides = array<i32>} : memref<3200xi32, #tpu.memory_space<vmem>>, vector<16xi32>,
        %parallel_loop3A_369 = arith.constant 16 : i32
        %parallel_loop3A_370 = arith.muli %parallel_loop3A_360, %parallel_loop3A_369 : i32
        %parallel_loop3A_371 = arith.index_cast %parallel_loop3A_370 : i32 to index
        %parallel_loop3A_372 = tpu.vector_load %arg16[%parallel_loop3A_371] {strides = array<i32>} : memref<3200xi32, #tpu.memory_space<vmem>>, vector<16xi32>,
        %parallel_loop3A_373 = tpu.vector_load_idx %arg8[%parallel_loop3A_364] : memref<50176xf32, #tpu.memory_space<vmem>>[vector<16xi32>], vector<16xf32>,
        %parallel_loop3A_374 = tpu.vector_load_idx %arg8[%parallel_loop3A_368] : memref<50176xf32, #tpu.memory_space<vmem>>[vector<16xi32>], vector<16xf32>,
        %parallel_loop3A_375 = arith.addf %parallel_loop3A_373, %parallel_loop3A_374 : vector<16xf32>
        %parallel_loop3A_376 = tpu.vector_load_idx %arg8[%parallel_loop3A_372] : memref<50176xf32, #tpu.memory_space<vmem>>[vector<16xi32>], vector<16xf32>,
        %parallel_loop3A_377 = arith.addf %parallel_loop3A_375, %parallel_loop3A_376 : vector<16xf32>
        tpu.vector_store_idx %arg9[%parallel_loop3A_364], %parallel_loop3A_377 {add = true} : memref<50176xf32, #tpu.memory_space<vmem>>[vector<16xi32>], vector<16xf32>,
        tpu.vector_store_idx %arg9[%parallel_loop3A_368], %parallel_loop3A_377 {add = true} : memref<50176xf32, #tpu.memory_space<vmem>>[vector<16xi32>], vector<16xf32>,
        tpu.vector_store_idx %arg9[%parallel_loop3A_372], %parallel_loop3A_377 {add = true} : memref<50176xf32, #tpu.memory_space<vmem>>[vector<16xi32>], vector<16xf32>,
      } {sc.loop_unroll_factor = 4 : i64, sc.parallel_access}
    } else {
    }
    %eq3A_40 = arith.constant 1 : i32
    %eq3A_41 = arith.cmpi eq, %select_n3A_35, %eq3A_40 : i32
    %and3A_42 = arith.andi %lt3A_38, %eq3A_41 : i1
    %convert_element_type3A_43 = arith.extui %and3A_42 : i1 to i32
    %cond3A_44 = arith.constant 0 : i32
    %cond3A_45 = arith.cmpi ne, %convert_element_type3A_43, %cond3A_44 : i32
    scf.if %cond3A_45 {
      %mul3A_52 = arith.constant 50176 : i32
      %mul3A_53 = arith.muli %add3A, %mul3A_52 : i32
      "tpu.region"() ({
        %run_scoped3A = tpu.sem_alloc : memref<!tpu.dma_semaphore, #tpu.memory_space<semaphore_mem>>
        %dma_start3A = tpu.memref_slice %arg7[%mul3A_53] : memref<652288xf32, #tpu.memory_space<hbm>> -> memref<50176xf32, #tpu.memory_space<hbm>>
        %dma_start3A_54 = tpu.memref_slice %arg7[%mul3A_53] : memref<652288xf32, #tpu.memory_space<hbm>> -> memref<50176xf32, #tpu.memory_space<hbm>>
        tpu.enqueue_dma source(%arg9 : memref<50176xf32, #tpu.memory_space<vmem>>) target(%dma_start3A_54 : memref<50176xf32, #tpu.memory_space<hbm>>) target_semaphore(%run_scoped3A : memref<!tpu.dma_semaphore, #tpu.memory_space<semaphore_mem>>)
        %dma_wait3A = tpu.memref_slice %arg7[%mul3A_53] : memref<652288xf32, #tpu.memory_space<hbm>> -> memref<50176xf32, #tpu.memory_space<hbm>>
        %dma_wait3A_55 = tpu.memref_slice %arg7[%mul3A_53] : memref<652288xf32, #tpu.memory_space<hbm>> -> memref<50176xf32, #tpu.memory_space<hbm>>
        tpu.wait_dma2 semaphore(%run_scoped3A : memref<!tpu.dma_semaphore, #tpu.memory_space<semaphore_mem>>) src(%arg9 : memref<50176xf32, #tpu.memory_space<vmem>>) dst(%dma_wait3A_55 : memref<50176xf32, #tpu.memory_space<hbm>>)
        tpu.yield
      }) : () -> ()
    } else {
    }
    %barrier3A = arith.constant 0 : index
    tpu.barrier barrier_id(%barrier3A)
    %eq3A_46 = arith.constant 0 : i32
    %eq3A_47 = arith.cmpi eq, %select_n3A_35, %eq3A_46 : i32
    %and3A_48 = arith.andi %lt3A_38, %eq3A_47 : i1
    %convert_element_type3A_49 = arith.extui %and3A_48 : i1 to i32
    %cond3A_50 = arith.constant 0 : i32
    %cond3A_51 = arith.cmpi ne, %convert_element_type3A_49, %cond3A_50 : i32
    scf.if %cond3A_51 {
      %mul3A_52 = arith.constant 50176 : i32
      %mul3A_53 = arith.muli %add3A, %mul3A_52 : i32
      %add3A_54 = arith.constant 0 : i32
      %add3A_55 = arith.addi %mul3A_53, %add3A_54 : i32
      "tpu.region"() ({
        %run_scoped3A = tpu.sem_alloc : memref<!tpu.dma_semaphore, #tpu.memory_space<semaphore_mem>>
        %dma_start3A = tpu.memref_slice %arg7[%add3A_55] : memref<652288xf32, #tpu.memory_space<hbm>> -> memref<3136xf32, #tpu.memory_space<hbm>>
        %dma_start3A_213 = tpu.memref_slice %arg7[%add3A_55] : memref<652288xf32, #tpu.memory_space<hbm>> -> memref<3136xf32, #tpu.memory_space<hbm>>
        tpu.enqueue_dma source(%dma_start3A_213 : memref<3136xf32, #tpu.memory_space<hbm>>) target(%arg10 : memref<3136xf32, #tpu.memory_space<vmem>>) target_semaphore(%run_scoped3A : memref<!tpu.dma_semaphore, #tpu.memory_space<semaphore_mem>>)
        %dma_wait3A = tpu.memref_slice %arg7[%add3A_55] : memref<652288xf32, #tpu.memory_space<hbm>> -> memref<3136xf32, #tpu.memory_space<hbm>>
        %dma_wait3A_214 = tpu.memref_slice %arg7[%add3A_55] : memref<652288xf32, #tpu.memory_space<hbm>> -> memref<3136xf32, #tpu.memory_space<hbm>>
        tpu.wait_dma2 semaphore(%run_scoped3A : memref<!tpu.dma_semaphore, #tpu.memory_space<semaphore_mem>>) src(%dma_wait3A_214 : memref<3136xf32, #tpu.memory_space<hbm>>) dst(%arg10 : memref<3136xf32, #tpu.memory_space<vmem>>)
        tpu.yield
      }) : () -> ()
      %scan3A = arith.constant 0 : i32
      %scan3A_56 = arith.constant 0 : i32
      %scan3A_57 = arith.constant 196 : i32
      %scan3A_58 = arith.addi %scan3A_56, %scan3A_57 : i32
      %scan3A_59 = arith.constant 1 : i32
      scf.for %scan3A_213 = %scan3A_56 to %scan3A_58 step %scan3A_59  : i32 {
        %mul3A_214 = arith.constant 16 : i32
        %mul3A_215 = arith.muli %scan3A_213, %mul3A_214 : i32
        %add3A_216 = arith.constant 0 : i32
        %add3A_217 = arith.addi %add3A_216, %mul3A_215 : i32
        %get3A = arith.index_cast %add3A_217 : i32 to index
        %get3A_218 = tpu.vector_load %arg9[%get3A] {strides = array<i32>} : memref<50176xf32, #tpu.memory_space<vmem>>, vector<16xf32>,
        %mul3A_219 = arith.constant 16 : i32
        %mul3A_220 = arith.muli %scan3A_213, %mul3A_219 : i32
        %get3A_221 = arith.index_cast %mul3A_220 : i32 to index
        %get3A_222 = tpu.vector_load %arg10[%get3A_221] {strides = array<i32>} : memref<3136xf32, #tpu.memory_space<vmem>>, vector<16xf32>,
        %add3A_223 = arith.addf %get3A_218, %get3A_222 : vector<16xf32>
        %swap3A = arith.index_cast %add3A_217 : i32 to index
        %swap3A_224 = tpu.vector_load %arg9[%swap3A] {strides = array<i32>} : memref<50176xf32, #tpu.memory_space<vmem>>, vector<16xf32>,
        tpu.vector_store %arg9[%swap3A], %add3A_223 {strides = array<i32>} : memref<50176xf32, #tpu.memory_space<vmem>>, vector<16xf32>,
      }
      %scan3A_60 = arith.constant 196 : i32
      %mul3A_61 = arith.constant 50176 : i32
      %mul3A_62 = arith.muli %add3A, %mul3A_61 : i32
      %add3A_63 = arith.constant 3136 : i32
      %add3A_64 = arith.addi %mul3A_62, %add3A_63 : i32
      "tpu.region"() ({
        %run_scoped3A = tpu.sem_alloc : memref<!tpu.dma_semaphore, #tpu.memory_space<semaphore_mem>>
        %dma_start3A = tpu.memref_slice %arg7[%add3A_64] : memref<652288xf32, #tpu.memory_space<hbm>> -> memref<3136xf32, #tpu.memory_space<hbm>>
        %dma_start3A_213 = tpu.memref_slice %arg7[%add3A_64] : memref<652288xf32, #tpu.memory_space<hbm>> -> memref<3136xf32, #tpu.memory_space<hbm>>
        tpu.enqueue_dma source(%dma_start3A_213 : memref<3136xf32, #tpu.memory_space<hbm>>) target(%arg10 : memref<3136xf32, #tpu.memory_space<vmem>>) target_semaphore(%run_scoped3A : memref<!tpu.dma_semaphore, #tpu.memory_space<semaphore_mem>>)
        %dma_wait3A = tpu.memref_slice %arg7[%add3A_64] : memref<652288xf32, #tpu.memory_space<hbm>> -> memref<3136xf32, #tpu.memory_space<hbm>>
        %dma_wait3A_214 = tpu.memref_slice %arg7[%add3A_64] : memref<652288xf32, #tpu.memory_space<hbm>> -> memref<3136xf32, #tpu.memory_space<hbm>>
        tpu.wait_dma2 semaphore(%run_scoped3A : memref<!tpu.dma_semaphore, #tpu.memory_space<semaphore_mem>>) src(%dma_wait3A_214 : memref<3136xf32, #tpu.memory_space<hbm>>) dst(%arg10 : memref<3136xf32, #tpu.memory_space<vmem>>)
        tpu.yield
      }) : () -> ()
      %scan3A_65 = arith.constant 0 : i32
      %scan3A_66 = arith.constant 0 : i32
      %scan3A_67 = arith.constant 196 : i32
      %scan3A_68 = arith.addi %scan3A_66, %scan3A_67 : i32
      %scan3A_69 = arith.constant 1 : i32
      scf.for %scan3A_213 = %scan3A_66 to %scan3A_68 step %scan3A_69  : i32 {
        %mul3A_214 = arith.constant 16 : i32
        %mul3A_215 = arith.muli %scan3A_213, %mul3A_214 : i32
        %add3A_216 = arith.constant 3136 : i32
        %add3A_217 = arith.addi %add3A_216, %mul3A_215 : i32
        %get3A = arith.index_cast %add3A_217 : i32 to index
        %get3A_218 = tpu.vector_load %arg9[%get3A] {strides = array<i32>} : memref<50176xf32, #tpu.memory_space<vmem>>, vector<16xf32>,
        %mul3A_219 = arith.constant 16 : i32
        %mul3A_220 = arith.muli %scan3A_213, %mul3A_219 : i32
        %get3A_221 = arith.index_cast %mul3A_220 : i32 to index
        %get3A_222 = tpu.vector_load %arg10[%get3A_221] {strides = array<i32>} : memref<3136xf32, #tpu.memory_space<vmem>>, vector<16xf32>,
        %add3A_223 = arith.addf %get3A_218, %get3A_222 : vector<16xf32>
        %swap3A = arith.index_cast %add3A_217 : i32 to index
        %swap3A_224 = tpu.vector_load %arg9[%swap3A] {strides = array<i32>} : memref<50176xf32, #tpu.memory_space<vmem>>, vector<16xf32>,
        tpu.vector_store %arg9[%swap3A], %add3A_223 {strides = array<i32>} : memref<50176xf32, #tpu.memory_space<vmem>>, vector<16xf32>,
      }
      %scan3A_70 = arith.constant 196 : i32
      %mul3A_71 = arith.constant 50176 : i32
      %mul3A_72 = arith.muli %add3A, %mul3A_71 : i32
      %add3A_73 = arith.constant 6272 : i32
      %add3A_74 = arith.addi %mul3A_72, %add3A_73 : i32
      "tpu.region"() ({
        %run_scoped3A = tpu.sem_alloc : memref<!tpu.dma_semaphore, #tpu.memory_space<semaphore_mem>>
        %dma_start3A = tpu.memref_slice %arg7[%add3A_74] : memref<652288xf32, #tpu.memory_space<hbm>> -> memref<3136xf32, #tpu.memory_space<hbm>>
        %dma_start3A_213 = tpu.memref_slice %arg7[%add3A_74] : memref<652288xf32, #tpu.memory_space<hbm>> -> memref<3136xf32, #tpu.memory_space<hbm>>
        tpu.enqueue_dma source(%dma_start3A_213 : memref<3136xf32, #tpu.memory_space<hbm>>) target(%arg10 : memref<3136xf32, #tpu.memory_space<vmem>>) target_semaphore(%run_scoped3A : memref<!tpu.dma_semaphore, #tpu.memory_space<semaphore_mem>>)
        %dma_wait3A = tpu.memref_slice %arg7[%add3A_74] : memref<652288xf32, #tpu.memory_space<hbm>> -> memref<3136xf32, #tpu.memory_space<hbm>>
        %dma_wait3A_214 = tpu.memref_slice %arg7[%add3A_74] : memref<652288xf32, #tpu.memory_space<hbm>> -> memref<3136xf32, #tpu.memory_space<hbm>>
        tpu.wait_dma2 semaphore(%run_scoped3A : memref<!tpu.dma_semaphore, #tpu.memory_space<semaphore_mem>>) src(%dma_wait3A_214 : memref<3136xf32, #tpu.memory_space<hbm>>) dst(%arg10 : memref<3136xf32, #tpu.memory_space<vmem>>)
        tpu.yield
      }) : () -> ()
      %scan3A_75 = arith.constant 0 : i32
      %scan3A_76 = arith.constant 0 : i32
      %scan3A_77 = arith.constant 196 : i32
      %scan3A_78 = arith.addi %scan3A_76, %scan3A_77 : i32
      %scan3A_79 = arith.constant 1 : i32
      scf.for %scan3A_213 = %scan3A_76 to %scan3A_78 step %scan3A_79  : i32 {
        %mul3A_214 = arith.constant 16 : i32
        %mul3A_215 = arith.muli %scan3A_213, %mul3A_214 : i32
        %add3A_216 = arith.constant 6272 : i32
        %add3A_217 = arith.addi %add3A_216, %mul3A_215 : i32
        %get3A = arith.index_cast %add3A_217 : i32 to index
        %get3A_218 = tpu.vector_load %arg9[%get3A] {strides = array<i32>} : memref<50176xf32, #tpu.memory_space<vmem>>, vector<16xf32>,
        %mul3A_219 = arith.constant 16 : i32
        %mul3A_220 = arith.muli %scan3A_213, %mul3A_219 : i32
        %get3A_221 = arith.index_cast %mul3A_220 : i32 to index
        %get3A_222 = tpu.vector_load %arg10[%get3A_221] {strides = array<i32>} : memref<3136xf32, #tpu.memory_space<vmem>>, vector<16xf32>,
        %add3A_223 = arith.addf %get3A_218, %get3A_222 : vector<16xf32>
        %swap3A = arith.index_cast %add3A_217 : i32 to index
        %swap3A_224 = tpu.vector_load %arg9[%swap3A] {strides = array<i32>} : memref<50176xf32, #tpu.memory_space<vmem>>, vector<16xf32>,
        tpu.vector_store %arg9[%swap3A], %add3A_223 {strides = array<i32>} : memref<50176xf32, #tpu.memory_space<vmem>>, vector<16xf32>,
      }
      %scan3A_80 = arith.constant 196 : i32
      %mul3A_81 = arith.constant 50176 : i32
      %mul3A_82 = arith.muli %add3A, %mul3A_81 : i32
      %add3A_83 = arith.constant 9408 : i32
      %add3A_84 = arith.addi %mul3A_82, %add3A_83 : i32
      "tpu.region"() ({
        %run_scoped3A = tpu.sem_alloc : memref<!tpu.dma_semaphore, #tpu.memory_space<semaphore_mem>>
        %dma_start3A = tpu.memref_slice %arg7[%add3A_84] : memref<652288xf32, #tpu.memory_space<hbm>> -> memref<3136xf32, #tpu.memory_space<hbm>>
        %dma_start3A_213 = tpu.memref_slice %arg7[%add3A_84] : memref<652288xf32, #tpu.memory_space<hbm>> -> memref<3136xf32, #tpu.memory_space<hbm>>
        tpu.enqueue_dma source(%dma_start3A_213 : memref<3136xf32, #tpu.memory_space<hbm>>) target(%arg10 : memref<3136xf32, #tpu.memory_space<vmem>>) target_semaphore(%run_scoped3A : memref<!tpu.dma_semaphore, #tpu.memory_space<semaphore_mem>>)
        %dma_wait3A = tpu.memref_slice %arg7[%add3A_84] : memref<652288xf32, #tpu.memory_space<hbm>> -> memref<3136xf32, #tpu.memory_space<hbm>>
        %dma_wait3A_214 = tpu.memref_slice %arg7[%add3A_84] : memref<652288xf32, #tpu.memory_space<hbm>> -> memref<3136xf32, #tpu.memory_space<hbm>>
        tpu.wait_dma2 semaphore(%run_scoped3A : memref<!tpu.dma_semaphore, #tpu.memory_space<semaphore_mem>>) src(%dma_wait3A_214 : memref<3136xf32, #tpu.memory_space<hbm>>) dst(%arg10 : memref<3136xf32, #tpu.memory_space<vmem>>)
        tpu.yield
      }) : () -> ()
      %scan3A_85 = arith.constant 0 : i32
      %scan3A_86 = arith.constant 0 : i32
      %scan3A_87 = arith.constant 196 : i32
      %scan3A_88 = arith.addi %scan3A_86, %scan3A_87 : i32
      %scan3A_89 = arith.constant 1 : i32
      scf.for %scan3A_213 = %scan3A_86 to %scan3A_88 step %scan3A_89  : i32 {
        %mul3A_214 = arith.constant 16 : i32
        %mul3A_215 = arith.muli %scan3A_213, %mul3A_214 : i32
        %add3A_216 = arith.constant 9408 : i32
        %add3A_217 = arith.addi %add3A_216, %mul3A_215 : i32
        %get3A = arith.index_cast %add3A_217 : i32 to index
        %get3A_218 = tpu.vector_load %arg9[%get3A] {strides = array<i32>} : memref<50176xf32, #tpu.memory_space<vmem>>, vector<16xf32>,
        %mul3A_219 = arith.constant 16 : i32
        %mul3A_220 = arith.muli %scan3A_213, %mul3A_219 : i32
        %get3A_221 = arith.index_cast %mul3A_220 : i32 to index
        %get3A_222 = tpu.vector_load %arg10[%get3A_221] {strides = array<i32>} : memref<3136xf32, #tpu.memory_space<vmem>>, vector<16xf32>,
        %add3A_223 = arith.addf %get3A_218, %get3A_222 : vector<16xf32>
        %swap3A = arith.index_cast %add3A_217 : i32 to index
        %swap3A_224 = tpu.vector_load %arg9[%swap3A] {strides = array<i32>} : memref<50176xf32, #tpu.memory_space<vmem>>, vector<16xf32>,
        tpu.vector_store %arg9[%swap3A], %add3A_223 {strides = array<i32>} : memref<50176xf32, #tpu.memory_space<vmem>>, vector<16xf32>,
      }
      %scan3A_90 = arith.constant 196 : i32
      %mul3A_91 = arith.constant 50176 : i32
      %mul3A_92 = arith.muli %add3A, %mul3A_91 : i32
      %add3A_93 = arith.constant 12544 : i32
      %add3A_94 = arith.addi %mul3A_92, %add3A_93 : i32
      "tpu.region"() ({
        %run_scoped3A = tpu.sem_alloc : memref<!tpu.dma_semaphore, #tpu.memory_space<semaphore_mem>>
        %dma_start3A = tpu.memref_slice %arg7[%add3A_94] : memref<652288xf32, #tpu.memory_space<hbm>> -> memref<3136xf32, #tpu.memory_space<hbm>>
        %dma_start3A_213 = tpu.memref_slice %arg7[%add3A_94] : memref<652288xf32, #tpu.memory_space<hbm>> -> memref<3136xf32, #tpu.memory_space<hbm>>
        tpu.enqueue_dma source(%dma_start3A_213 : memref<3136xf32, #tpu.memory_space<hbm>>) target(%arg10 : memref<3136xf32, #tpu.memory_space<vmem>>) target_semaphore(%run_scoped3A : memref<!tpu.dma_semaphore, #tpu.memory_space<semaphore_mem>>)
        %dma_wait3A = tpu.memref_slice %arg7[%add3A_94] : memref<652288xf32, #tpu.memory_space<hbm>> -> memref<3136xf32, #tpu.memory_space<hbm>>
        %dma_wait3A_214 = tpu.memref_slice %arg7[%add3A_94] : memref<652288xf32, #tpu.memory_space<hbm>> -> memref<3136xf32, #tpu.memory_space<hbm>>
        tpu.wait_dma2 semaphore(%run_scoped3A : memref<!tpu.dma_semaphore, #tpu.memory_space<semaphore_mem>>) src(%dma_wait3A_214 : memref<3136xf32, #tpu.memory_space<hbm>>) dst(%arg10 : memref<3136xf32, #tpu.memory_space<vmem>>)
        tpu.yield
      }) : () -> ()
      %scan3A_95 = arith.constant 0 : i32
      %scan3A_96 = arith.constant 0 : i32
      %scan3A_97 = arith.constant 196 : i32
      %scan3A_98 = arith.addi %scan3A_96, %scan3A_97 : i32
      %scan3A_99 = arith.constant 1 : i32
      scf.for %scan3A_213 = %scan3A_96 to %scan3A_98 step %scan3A_99  : i32 {
        %mul3A_214 = arith.constant 16 : i32
        %mul3A_215 = arith.muli %scan3A_213, %mul3A_214 : i32
        %add3A_216 = arith.constant 12544 : i32
        %add3A_217 = arith.addi %add3A_216, %mul3A_215 : i32
        %get3A = arith.index_cast %add3A_217 : i32 to index
        %get3A_218 = tpu.vector_load %arg9[%get3A] {strides = array<i32>} : memref<50176xf32, #tpu.memory_space<vmem>>, vector<16xf32>,
        %mul3A_219 = arith.constant 16 : i32
        %mul3A_220 = arith.muli %scan3A_213, %mul3A_219 : i32
        %get3A_221 = arith.index_cast %mul3A_220 : i32 to index
        %get3A_222 = tpu.vector_load %arg10[%get3A_221] {strides = array<i32>} : memref<3136xf32, #tpu.memory_space<vmem>>, vector<16xf32>,
        %add3A_223 = arith.addf %get3A_218, %get3A_222 : vector<16xf32>
        %swap3A = arith.index_cast %add3A_217 : i32 to index
        %swap3A_224 = tpu.vector_load %arg9[%swap3A] {strides = array<i32>} : memref<50176xf32, #tpu.memory_space<vmem>>, vector<16xf32>,
        tpu.vector_store %arg9[%swap3A], %add3A_223 {strides = array<i32>} : memref<50176xf32, #tpu.memory_space<vmem>>, vector<16xf32>,
      }
      %scan3A_100 = arith.constant 196 : i32
      %mul3A_101 = arith.constant 50176 : i32
      %mul3A_102 = arith.muli %add3A, %mul3A_101 : i32
      %add3A_103 = arith.constant 15680 : i32
      %add3A_104 = arith.addi %mul3A_102, %add3A_103 : i32
      "tpu.region"() ({
        %run_scoped3A = tpu.sem_alloc : memref<!tpu.dma_semaphore, #tpu.memory_space<semaphore_mem>>
        %dma_start3A = tpu.memref_slice %arg7[%add3A_104] : memref<652288xf32, #tpu.memory_space<hbm>> -> memref<3136xf32, #tpu.memory_space<hbm>>
        %dma_start3A_213 = tpu.memref_slice %arg7[%add3A_104] : memref<652288xf32, #tpu.memory_space<hbm>> -> memref<3136xf32, #tpu.memory_space<hbm>>
        tpu.enqueue_dma source(%dma_start3A_213 : memref<3136xf32, #tpu.memory_space<hbm>>) target(%arg10 : memref<3136xf32, #tpu.memory_space<vmem>>) target_semaphore(%run_scoped3A : memref<!tpu.dma_semaphore, #tpu.memory_space<semaphore_mem>>)
        %dma_wait3A = tpu.memref_slice %arg7[%add3A_104] : memref<652288xf32, #tpu.memory_space<hbm>> -> memref<3136xf32, #tpu.memory_space<hbm>>
        %dma_wait3A_214 = tpu.memref_slice %arg7[%add3A_104] : memref<652288xf32, #tpu.memory_space<hbm>> -> memref<3136xf32, #tpu.memory_space<hbm>>
        tpu.wait_dma2 semaphore(%run_scoped3A : memref<!tpu.dma_semaphore, #tpu.memory_space<semaphore_mem>>) src(%dma_wait3A_214 : memref<3136xf32, #tpu.memory_space<hbm>>) dst(%arg10 : memref<3136xf32, #tpu.memory_space<vmem>>)
        tpu.yield
      }) : () -> ()
      %scan3A_105 = arith.constant 0 : i32
      %scan3A_106 = arith.constant 0 : i32
      %scan3A_107 = arith.constant 196 : i32
      %scan3A_108 = arith.addi %scan3A_106, %scan3A_107 : i32
      %scan3A_109 = arith.constant 1 : i32
      scf.for %scan3A_213 = %scan3A_106 to %scan3A_108 step %scan3A_109  : i32 {
        %mul3A_214 = arith.constant 16 : i32
        %mul3A_215 = arith.muli %scan3A_213, %mul3A_214 : i32
        %add3A_216 = arith.constant 15680 : i32
        %add3A_217 = arith.addi %add3A_216, %mul3A_215 : i32
        %get3A = arith.index_cast %add3A_217 : i32 to index
        %get3A_218 = tpu.vector_load %arg9[%get3A] {strides = array<i32>} : memref<50176xf32, #tpu.memory_space<vmem>>, vector<16xf32>,
        %mul3A_219 = arith.constant 16 : i32
        %mul3A_220 = arith.muli %scan3A_213, %mul3A_219 : i32
        %get3A_221 = arith.index_cast %mul3A_220 : i32 to index
        %get3A_222 = tpu.vector_load %arg10[%get3A_221] {strides = array<i32>} : memref<3136xf32, #tpu.memory_space<vmem>>, vector<16xf32>,
        %add3A_223 = arith.addf %get3A_218, %get3A_222 : vector<16xf32>
        %swap3A = arith.index_cast %add3A_217 : i32 to index
        %swap3A_224 = tpu.vector_load %arg9[%swap3A] {strides = array<i32>} : memref<50176xf32, #tpu.memory_space<vmem>>, vector<16xf32>,
        tpu.vector_store %arg9[%swap3A], %add3A_223 {strides = array<i32>} : memref<50176xf32, #tpu.memory_space<vmem>>, vector<16xf32>,
      }
      %scan3A_110 = arith.constant 196 : i32
      %mul3A_111 = arith.constant 50176 : i32
      %mul3A_112 = arith.muli %add3A, %mul3A_111 : i32
      %add3A_113 = arith.constant 18816 : i32
      %add3A_114 = arith.addi %mul3A_112, %add3A_113 : i32
      "tpu.region"() ({
        %run_scoped3A = tpu.sem_alloc : memref<!tpu.dma_semaphore, #tpu.memory_space<semaphore_mem>>
        %dma_start3A = tpu.memref_slice %arg7[%add3A_114] : memref<652288xf32, #tpu.memory_space<hbm>> -> memref<3136xf32, #tpu.memory_space<hbm>>
        %dma_start3A_213 = tpu.memref_slice %arg7[%add3A_114] : memref<652288xf32, #tpu.memory_space<hbm>> -> memref<3136xf32, #tpu.memory_space<hbm>>
        tpu.enqueue_dma source(%dma_start3A_213 : memref<3136xf32, #tpu.memory_space<hbm>>) target(%arg10 : memref<3136xf32, #tpu.memory_space<vmem>>) target_semaphore(%run_scoped3A : memref<!tpu.dma_semaphore, #tpu.memory_space<semaphore_mem>>)
        %dma_wait3A = tpu.memref_slice %arg7[%add3A_114] : memref<652288xf32, #tpu.memory_space<hbm>> -> memref<3136xf32, #tpu.memory_space<hbm>>
        %dma_wait3A_214 = tpu.memref_slice %arg7[%add3A_114] : memref<652288xf32, #tpu.memory_space<hbm>> -> memref<3136xf32, #tpu.memory_space<hbm>>
        tpu.wait_dma2 semaphore(%run_scoped3A : memref<!tpu.dma_semaphore, #tpu.memory_space<semaphore_mem>>) src(%dma_wait3A_214 : memref<3136xf32, #tpu.memory_space<hbm>>) dst(%arg10 : memref<3136xf32, #tpu.memory_space<vmem>>)
        tpu.yield
      }) : () -> ()
      %scan3A_115 = arith.constant 0 : i32
      %scan3A_116 = arith.constant 0 : i32
      %scan3A_117 = arith.constant 196 : i32
      %scan3A_118 = arith.addi %scan3A_116, %scan3A_117 : i32
      %scan3A_119 = arith.constant 1 : i32
      scf.for %scan3A_213 = %scan3A_116 to %scan3A_118 step %scan3A_119  : i32 {
        %mul3A_214 = arith.constant 16 : i32
        %mul3A_215 = arith.muli %scan3A_213, %mul3A_214 : i32
        %add3A_216 = arith.constant 18816 : i32
        %add3A_217 = arith.addi %add3A_216, %mul3A_215 : i32
        %get3A = arith.index_cast %add3A_217 : i32 to index
        %get3A_218 = tpu.vector_load %arg9[%get3A] {strides = array<i32>} : memref<50176xf32, #tpu.memory_space<vmem>>, vector<16xf32>,
        %mul3A_219 = arith.constant 16 : i32
        %mul3A_220 = arith.muli %scan3A_213, %mul3A_219 : i32
        %get3A_221 = arith.index_cast %mul3A_220 : i32 to index
        %get3A_222 = tpu.vector_load %arg10[%get3A_221] {strides = array<i32>} : memref<3136xf32, #tpu.memory_space<vmem>>, vector<16xf32>,
        %add3A_223 = arith.addf %get3A_218, %get3A_222 : vector<16xf32>
        %swap3A = arith.index_cast %add3A_217 : i32 to index
        %swap3A_224 = tpu.vector_load %arg9[%swap3A] {strides = array<i32>} : memref<50176xf32, #tpu.memory_space<vmem>>, vector<16xf32>,
        tpu.vector_store %arg9[%swap3A], %add3A_223 {strides = array<i32>} : memref<50176xf32, #tpu.memory_space<vmem>>, vector<16xf32>,
      }
      %scan3A_120 = arith.constant 196 : i32
      %mul3A_121 = arith.constant 50176 : i32
      %mul3A_122 = arith.muli %add3A, %mul3A_121 : i32
      %add3A_123 = arith.constant 21952 : i32
      %add3A_124 = arith.addi %mul3A_122, %add3A_123 : i32
      "tpu.region"() ({
        %run_scoped3A = tpu.sem_alloc : memref<!tpu.dma_semaphore, #tpu.memory_space<semaphore_mem>>
        %dma_start3A = tpu.memref_slice %arg7[%add3A_124] : memref<652288xf32, #tpu.memory_space<hbm>> -> memref<3136xf32, #tpu.memory_space<hbm>>
        %dma_start3A_213 = tpu.memref_slice %arg7[%add3A_124] : memref<652288xf32, #tpu.memory_space<hbm>> -> memref<3136xf32, #tpu.memory_space<hbm>>
        tpu.enqueue_dma source(%dma_start3A_213 : memref<3136xf32, #tpu.memory_space<hbm>>) target(%arg10 : memref<3136xf32, #tpu.memory_space<vmem>>) target_semaphore(%run_scoped3A : memref<!tpu.dma_semaphore, #tpu.memory_space<semaphore_mem>>)
        %dma_wait3A = tpu.memref_slice %arg7[%add3A_124] : memref<652288xf32, #tpu.memory_space<hbm>> -> memref<3136xf32, #tpu.memory_space<hbm>>
        %dma_wait3A_214 = tpu.memref_slice %arg7[%add3A_124] : memref<652288xf32, #tpu.memory_space<hbm>> -> memref<3136xf32, #tpu.memory_space<hbm>>
        tpu.wait_dma2 semaphore(%run_scoped3A : memref<!tpu.dma_semaphore, #tpu.memory_space<semaphore_mem>>) src(%dma_wait3A_214 : memref<3136xf32, #tpu.memory_space<hbm>>) dst(%arg10 : memref<3136xf32, #tpu.memory_space<vmem>>)
        tpu.yield
      }) : () -> ()
      %scan3A_125 = arith.constant 0 : i32
      %scan3A_126 = arith.constant 0 : i32
      %scan3A_127 = arith.constant 196 : i32
      %scan3A_128 = arith.addi %scan3A_126, %scan3A_127 : i32
      %scan3A_129 = arith.constant 1 : i32
      scf.for %scan3A_213 = %scan3A_126 to %scan3A_128 step %scan3A_129  : i32 {
        %mul3A_214 = arith.constant 16 : i32
        %mul3A_215 = arith.muli %scan3A_213, %mul3A_214 : i32
        %add3A_216 = arith.constant 21952 : i32
        %add3A_217 = arith.addi %add3A_216, %mul3A_215 : i32
        %get3A = arith.index_cast %add3A_217 : i32 to index
        %get3A_218 = tpu.vector_load %arg9[%get3A] {strides = array<i32>} : memref<50176xf32, #tpu.memory_space<vmem>>, vector<16xf32>,
        %mul3A_219 = arith.constant 16 : i32
        %mul3A_220 = arith.muli %scan3A_213, %mul3A_219 : i32
        %get3A_221 = arith.index_cast %mul3A_220 : i32 to index
        %get3A_222 = tpu.vector_load %arg10[%get3A_221] {strides = array<i32>} : memref<3136xf32, #tpu.memory_space<vmem>>, vector<16xf32>,
        %add3A_223 = arith.addf %get3A_218, %get3A_222 : vector<16xf32>
        %swap3A = arith.index_cast %add3A_217 : i32 to index
        %swap3A_224 = tpu.vector_load %arg9[%swap3A] {strides = array<i32>} : memref<50176xf32, #tpu.memory_space<vmem>>, vector<16xf32>,
        tpu.vector_store %arg9[%swap3A], %add3A_223 {strides = array<i32>} : memref<50176xf32, #tpu.memory_space<vmem>>, vector<16xf32>,
      }
      %scan3A_130 = arith.constant 196 : i32
      %mul3A_131 = arith.constant 50176 : i32
      %mul3A_132 = arith.muli %add3A, %mul3A_131 : i32
      %add3A_133 = arith.constant 25088 : i32
      %add3A_134 = arith.addi %mul3A_132, %add3A_133 : i32
      "tpu.region"() ({
        %run_scoped3A = tpu.sem_alloc : memref<!tpu.dma_semaphore, #tpu.memory_space<semaphore_mem>>
        %dma_start3A = tpu.memref_slice %arg7[%add3A_134] : memref<652288xf32, #tpu.memory_space<hbm>> -> memref<3136xf32, #tpu.memory_space<hbm>>
        %dma_start3A_213 = tpu.memref_slice %arg7[%add3A_134] : memref<652288xf32, #tpu.memory_space<hbm>> -> memref<3136xf32, #tpu.memory_space<hbm>>
        tpu.enqueue_dma source(%dma_start3A_213 : memref<3136xf32, #tpu.memory_space<hbm>>) target(%arg10 : memref<3136xf32, #tpu.memory_space<vmem>>) target_semaphore(%run_scoped3A : memref<!tpu.dma_semaphore, #tpu.memory_space<semaphore_mem>>)
        %dma_wait3A = tpu.memref_slice %arg7[%add3A_134] : memref<652288xf32, #tpu.memory_space<hbm>> -> memref<3136xf32, #tpu.memory_space<hbm>>
        %dma_wait3A_214 = tpu.memref_slice %arg7[%add3A_134] : memref<652288xf32, #tpu.memory_space<hbm>> -> memref<3136xf32, #tpu.memory_space<hbm>>
        tpu.wait_dma2 semaphore(%run_scoped3A : memref<!tpu.dma_semaphore, #tpu.memory_space<semaphore_mem>>) src(%dma_wait3A_214 : memref<3136xf32, #tpu.memory_space<hbm>>) dst(%arg10 : memref<3136xf32, #tpu.memory_space<vmem>>)
        tpu.yield
      }) : () -> ()
      %scan3A_135 = arith.constant 0 : i32
      %scan3A_136 = arith.constant 0 : i32
      %scan3A_137 = arith.constant 196 : i32
      %scan3A_138 = arith.addi %scan3A_136, %scan3A_137 : i32
      %scan3A_139 = arith.constant 1 : i32
      scf.for %scan3A_213 = %scan3A_136 to %scan3A_138 step %scan3A_139  : i32 {
        %mul3A_214 = arith.constant 16 : i32
        %mul3A_215 = arith.muli %scan3A_213, %mul3A_214 : i32
        %add3A_216 = arith.constant 25088 : i32
        %add3A_217 = arith.addi %add3A_216, %mul3A_215 : i32
        %get3A = arith.index_cast %add3A_217 : i32 to index
        %get3A_218 = tpu.vector_load %arg9[%get3A] {strides = array<i32>} : memref<50176xf32, #tpu.memory_space<vmem>>, vector<16xf32>,
        %mul3A_219 = arith.constant 16 : i32
        %mul3A_220 = arith.muli %scan3A_213, %mul3A_219 : i32
        %get3A_221 = arith.index_cast %mul3A_220 : i32 to index
        %get3A_222 = tpu.vector_load %arg10[%get3A_221] {strides = array<i32>} : memref<3136xf32, #tpu.memory_space<vmem>>, vector<16xf32>,
        %add3A_223 = arith.addf %get3A_218, %get3A_222 : vector<16xf32>
        %swap3A = arith.index_cast %add3A_217 : i32 to index
        %swap3A_224 = tpu.vector_load %arg9[%swap3A] {strides = array<i32>} : memref<50176xf32, #tpu.memory_space<vmem>>, vector<16xf32>,
        tpu.vector_store %arg9[%swap3A], %add3A_223 {strides = array<i32>} : memref<50176xf32, #tpu.memory_space<vmem>>, vector<16xf32>,
      }
      %scan3A_140 = arith.constant 196 : i32
      %mul3A_141 = arith.constant 50176 : i32
      %mul3A_142 = arith.muli %add3A, %mul3A_141 : i32
      %add3A_143 = arith.constant 28224 : i32
      %add3A_144 = arith.addi %mul3A_142, %add3A_143 : i32
      "tpu.region"() ({
        %run_scoped3A = tpu.sem_alloc : memref<!tpu.dma_semaphore, #tpu.memory_space<semaphore_mem>>
        %dma_start3A = tpu.memref_slice %arg7[%add3A_144] : memref<652288xf32, #tpu.memory_space<hbm>> -> memref<3136xf32, #tpu.memory_space<hbm>>
        %dma_start3A_213 = tpu.memref_slice %arg7[%add3A_144] : memref<652288xf32, #tpu.memory_space<hbm>> -> memref<3136xf32, #tpu.memory_space<hbm>>
        tpu.enqueue_dma source(%dma_start3A_213 : memref<3136xf32, #tpu.memory_space<hbm>>) target(%arg10 : memref<3136xf32, #tpu.memory_space<vmem>>) target_semaphore(%run_scoped3A : memref<!tpu.dma_semaphore, #tpu.memory_space<semaphore_mem>>)
        %dma_wait3A = tpu.memref_slice %arg7[%add3A_144] : memref<652288xf32, #tpu.memory_space<hbm>> -> memref<3136xf32, #tpu.memory_space<hbm>>
        %dma_wait3A_214 = tpu.memref_slice %arg7[%add3A_144] : memref<652288xf32, #tpu.memory_space<hbm>> -> memref<3136xf32, #tpu.memory_space<hbm>>
        tpu.wait_dma2 semaphore(%run_scoped3A : memref<!tpu.dma_semaphore, #tpu.memory_space<semaphore_mem>>) src(%dma_wait3A_214 : memref<3136xf32, #tpu.memory_space<hbm>>) dst(%arg10 : memref<3136xf32, #tpu.memory_space<vmem>>)
        tpu.yield
      }) : () -> ()
      %scan3A_145 = arith.constant 0 : i32
      %scan3A_146 = arith.constant 0 : i32
      %scan3A_147 = arith.constant 196 : i32
      %scan3A_148 = arith.addi %scan3A_146, %scan3A_147 : i32
      %scan3A_149 = arith.constant 1 : i32
      scf.for %scan3A_213 = %scan3A_146 to %scan3A_148 step %scan3A_149  : i32 {
        %mul3A_214 = arith.constant 16 : i32
        %mul3A_215 = arith.muli %scan3A_213, %mul3A_214 : i32
        %add3A_216 = arith.constant 28224 : i32
        %add3A_217 = arith.addi %add3A_216, %mul3A_215 : i32
        %get3A = arith.index_cast %add3A_217 : i32 to index
        %get3A_218 = tpu.vector_load %arg9[%get3A] {strides = array<i32>} : memref<50176xf32, #tpu.memory_space<vmem>>, vector<16xf32>,
        %mul3A_219 = arith.constant 16 : i32
        %mul3A_220 = arith.muli %scan3A_213, %mul3A_219 : i32
        %get3A_221 = arith.index_cast %mul3A_220 : i32 to index
        %get3A_222 = tpu.vector_load %arg10[%get3A_221] {strides = array<i32>} : memref<3136xf32, #tpu.memory_space<vmem>>, vector<16xf32>,
        %add3A_223 = arith.addf %get3A_218, %get3A_222 : vector<16xf32>
        %swap3A = arith.index_cast %add3A_217 : i32 to index
        %swap3A_224 = tpu.vector_load %arg9[%swap3A] {strides = array<i32>} : memref<50176xf32, #tpu.memory_space<vmem>>, vector<16xf32>,
        tpu.vector_store %arg9[%swap3A], %add3A_223 {strides = array<i32>} : memref<50176xf32, #tpu.memory_space<vmem>>, vector<16xf32>,
      }
      %scan3A_150 = arith.constant 196 : i32
      %mul3A_151 = arith.constant 50176 : i32
      %mul3A_152 = arith.muli %add3A, %mul3A_151 : i32
      %add3A_153 = arith.constant 31360 : i32
      %add3A_154 = arith.addi %mul3A_152, %add3A_153 : i32
      "tpu.region"() ({
        %run_scoped3A = tpu.sem_alloc : memref<!tpu.dma_semaphore, #tpu.memory_space<semaphore_mem>>
        %dma_start3A = tpu.memref_slice %arg7[%add3A_154] : memref<652288xf32, #tpu.memory_space<hbm>> -> memref<3136xf32, #tpu.memory_space<hbm>>
        %dma_start3A_213 = tpu.memref_slice %arg7[%add3A_154] : memref<652288xf32, #tpu.memory_space<hbm>> -> memref<3136xf32, #tpu.memory_space<hbm>>
        tpu.enqueue_dma source(%dma_start3A_213 : memref<3136xf32, #tpu.memory_space<hbm>>) target(%arg10 : memref<3136xf32, #tpu.memory_space<vmem>>) target_semaphore(%run_scoped3A : memref<!tpu.dma_semaphore, #tpu.memory_space<semaphore_mem>>)
        %dma_wait3A = tpu.memref_slice %arg7[%add3A_154] : memref<652288xf32, #tpu.memory_space<hbm>> -> memref<3136xf32, #tpu.memory_space<hbm>>
        %dma_wait3A_214 = tpu.memref_slice %arg7[%add3A_154] : memref<652288xf32, #tpu.memory_space<hbm>> -> memref<3136xf32, #tpu.memory_space<hbm>>
        tpu.wait_dma2 semaphore(%run_scoped3A : memref<!tpu.dma_semaphore, #tpu.memory_space<semaphore_mem>>) src(%dma_wait3A_214 : memref<3136xf32, #tpu.memory_space<hbm>>) dst(%arg10 : memref<3136xf32, #tpu.memory_space<vmem>>)
        tpu.yield
      }) : () -> ()
      %scan3A_155 = arith.constant 0 : i32
      %scan3A_156 = arith.constant 0 : i32
      %scan3A_157 = arith.constant 196 : i32
      %scan3A_158 = arith.addi %scan3A_156, %scan3A_157 : i32
      %scan3A_159 = arith.constant 1 : i32
      scf.for %scan3A_213 = %scan3A_156 to %scan3A_158 step %scan3A_159  : i32 {
        %mul3A_214 = arith.constant 16 : i32
        %mul3A_215 = arith.muli %scan3A_213, %mul3A_214 : i32
        %add3A_216 = arith.constant 31360 : i32
        %add3A_217 = arith.addi %add3A_216, %mul3A_215 : i32
        %get3A = arith.index_cast %add3A_217 : i32 to index
        %get3A_218 = tpu.vector_load %arg9[%get3A] {strides = array<i32>} : memref<50176xf32, #tpu.memory_space<vmem>>, vector<16xf32>,
        %mul3A_219 = arith.constant 16 : i32
        %mul3A_220 = arith.muli %scan3A_213, %mul3A_219 : i32
        %get3A_221 = arith.index_cast %mul3A_220 : i32 to index
        %get3A_222 = tpu.vector_load %arg10[%get3A_221] {strides = array<i32>} : memref<3136xf32, #tpu.memory_space<vmem>>, vector<16xf32>,
        %add3A_223 = arith.addf %get3A_218, %get3A_222 : vector<16xf32>
        %swap3A = arith.index_cast %add3A_217 : i32 to index
        %swap3A_224 = tpu.vector_load %arg9[%swap3A] {strides = array<i32>} : memref<50176xf32, #tpu.memory_space<vmem>>, vector<16xf32>,
        tpu.vector_store %arg9[%swap3A], %add3A_223 {strides = array<i32>} : memref<50176xf32, #tpu.memory_space<vmem>>, vector<16xf32>,
      }
      %scan3A_160 = arith.constant 196 : i32
      %mul3A_161 = arith.constant 50176 : i32
      %mul3A_162 = arith.muli %add3A, %mul3A_161 : i32
      %add3A_163 = arith.constant 34496 : i32
      %add3A_164 = arith.addi %mul3A_162, %add3A_163 : i32
      "tpu.region"() ({
        %run_scoped3A = tpu.sem_alloc : memref<!tpu.dma_semaphore, #tpu.memory_space<semaphore_mem>>
        %dma_start3A = tpu.memref_slice %arg7[%add3A_164] : memref<652288xf32, #tpu.memory_space<hbm>> -> memref<3136xf32, #tpu.memory_space<hbm>>
        %dma_start3A_213 = tpu.memref_slice %arg7[%add3A_164] : memref<652288xf32, #tpu.memory_space<hbm>> -> memref<3136xf32, #tpu.memory_space<hbm>>
        tpu.enqueue_dma source(%dma_start3A_213 : memref<3136xf32, #tpu.memory_space<hbm>>) target(%arg10 : memref<3136xf32, #tpu.memory_space<vmem>>) target_semaphore(%run_scoped3A : memref<!tpu.dma_semaphore, #tpu.memory_space<semaphore_mem>>)
        %dma_wait3A = tpu.memref_slice %arg7[%add3A_164] : memref<652288xf32, #tpu.memory_space<hbm>> -> memref<3136xf32, #tpu.memory_space<hbm>>
        %dma_wait3A_214 = tpu.memref_slice %arg7[%add3A_164] : memref<652288xf32, #tpu.memory_space<hbm>> -> memref<3136xf32, #tpu.memory_space<hbm>>
        tpu.wait_dma2 semaphore(%run_scoped3A : memref<!tpu.dma_semaphore, #tpu.memory_space<semaphore_mem>>) src(%dma_wait3A_214 : memref<3136xf32, #tpu.memory_space<hbm>>) dst(%arg10 : memref<3136xf32, #tpu.memory_space<vmem>>)
        tpu.yield
      }) : () -> ()
      %scan3A_165 = arith.constant 0 : i32
      %scan3A_166 = arith.constant 0 : i32
      %scan3A_167 = arith.constant 196 : i32
      %scan3A_168 = arith.addi %scan3A_166, %scan3A_167 : i32
      %scan3A_169 = arith.constant 1 : i32
      scf.for %scan3A_213 = %scan3A_166 to %scan3A_168 step %scan3A_169  : i32 {
        %mul3A_214 = arith.constant 16 : i32
        %mul3A_215 = arith.muli %scan3A_213, %mul3A_214 : i32
        %add3A_216 = arith.constant 34496 : i32
        %add3A_217 = arith.addi %add3A_216, %mul3A_215 : i32
        %get3A = arith.index_cast %add3A_217 : i32 to index
        %get3A_218 = tpu.vector_load %arg9[%get3A] {strides = array<i32>} : memref<50176xf32, #tpu.memory_space<vmem>>, vector<16xf32>,
        %mul3A_219 = arith.constant 16 : i32
        %mul3A_220 = arith.muli %scan3A_213, %mul3A_219 : i32
        %get3A_221 = arith.index_cast %mul3A_220 : i32 to index
        %get3A_222 = tpu.vector_load %arg10[%get3A_221] {strides = array<i32>} : memref<3136xf32, #tpu.memory_space<vmem>>, vector<16xf32>,
        %add3A_223 = arith.addf %get3A_218, %get3A_222 : vector<16xf32>
        %swap3A = arith.index_cast %add3A_217 : i32 to index
        %swap3A_224 = tpu.vector_load %arg9[%swap3A] {strides = array<i32>} : memref<50176xf32, #tpu.memory_space<vmem>>, vector<16xf32>,
        tpu.vector_store %arg9[%swap3A], %add3A_223 {strides = array<i32>} : memref<50176xf32, #tpu.memory_space<vmem>>, vector<16xf32>,
      }
      %scan3A_170 = arith.constant 196 : i32
      %mul3A_171 = arith.constant 50176 : i32
      %mul3A_172 = arith.muli %add3A, %mul3A_171 : i32
      %add3A_173 = arith.constant 37632 : i32
      %add3A_174 = arith.addi %mul3A_172, %add3A_173 : i32
      "tpu.region"() ({
        %run_scoped3A = tpu.sem_alloc : memref<!tpu.dma_semaphore, #tpu.memory_space<semaphore_mem>>
        %dma_start3A = tpu.memref_slice %arg7[%add3A_174] : memref<652288xf32, #tpu.memory_space<hbm>> -> memref<3136xf32, #tpu.memory_space<hbm>>
        %dma_start3A_213 = tpu.memref_slice %arg7[%add3A_174] : memref<652288xf32, #tpu.memory_space<hbm>> -> memref<3136xf32, #tpu.memory_space<hbm>>
        tpu.enqueue_dma source(%dma_start3A_213 : memref<3136xf32, #tpu.memory_space<hbm>>) target(%arg10 : memref<3136xf32, #tpu.memory_space<vmem>>) target_semaphore(%run_scoped3A : memref<!tpu.dma_semaphore, #tpu.memory_space<semaphore_mem>>)
        %dma_wait3A = tpu.memref_slice %arg7[%add3A_174] : memref<652288xf32, #tpu.memory_space<hbm>> -> memref<3136xf32, #tpu.memory_space<hbm>>
        %dma_wait3A_214 = tpu.memref_slice %arg7[%add3A_174] : memref<652288xf32, #tpu.memory_space<hbm>> -> memref<3136xf32, #tpu.memory_space<hbm>>
        tpu.wait_dma2 semaphore(%run_scoped3A : memref<!tpu.dma_semaphore, #tpu.memory_space<semaphore_mem>>) src(%dma_wait3A_214 : memref<3136xf32, #tpu.memory_space<hbm>>) dst(%arg10 : memref<3136xf32, #tpu.memory_space<vmem>>)
        tpu.yield
      }) : () -> ()
      %scan3A_175 = arith.constant 0 : i32
      %scan3A_176 = arith.constant 0 : i32
      %scan3A_177 = arith.constant 196 : i32
      %scan3A_178 = arith.addi %scan3A_176, %scan3A_177 : i32
      %scan3A_179 = arith.constant 1 : i32
      scf.for %scan3A_213 = %scan3A_176 to %scan3A_178 step %scan3A_179  : i32 {
        %mul3A_214 = arith.constant 16 : i32
        %mul3A_215 = arith.muli %scan3A_213, %mul3A_214 : i32
        %add3A_216 = arith.constant 37632 : i32
        %add3A_217 = arith.addi %add3A_216, %mul3A_215 : i32
        %get3A = arith.index_cast %add3A_217 : i32 to index
        %get3A_218 = tpu.vector_load %arg9[%get3A] {strides = array<i32>} : memref<50176xf32, #tpu.memory_space<vmem>>, vector<16xf32>,
        %mul3A_219 = arith.constant 16 : i32
        %mul3A_220 = arith.muli %scan3A_213, %mul3A_219 : i32
        %get3A_221 = arith.index_cast %mul3A_220 : i32 to index
        %get3A_222 = tpu.vector_load %arg10[%get3A_221] {strides = array<i32>} : memref<3136xf32, #tpu.memory_space<vmem>>, vector<16xf32>,
        %add3A_223 = arith.addf %get3A_218, %get3A_222 : vector<16xf32>
        %swap3A = arith.index_cast %add3A_217 : i32 to index
        %swap3A_224 = tpu.vector_load %arg9[%swap3A] {strides = array<i32>} : memref<50176xf32, #tpu.memory_space<vmem>>, vector<16xf32>,
        tpu.vector_store %arg9[%swap3A], %add3A_223 {strides = array<i32>} : memref<50176xf32, #tpu.memory_space<vmem>>, vector<16xf32>,
      }
      %scan3A_180 = arith.constant 196 : i32
      %mul3A_181 = arith.constant 50176 : i32
      %mul3A_182 = arith.muli %add3A, %mul3A_181 : i32
      %add3A_183 = arith.constant 40768 : i32
      %add3A_184 = arith.addi %mul3A_182, %add3A_183 : i32
      "tpu.region"() ({
        %run_scoped3A = tpu.sem_alloc : memref<!tpu.dma_semaphore, #tpu.memory_space<semaphore_mem>>
        %dma_start3A = tpu.memref_slice %arg7[%add3A_184] : memref<652288xf32, #tpu.memory_space<hbm>> -> memref<3136xf32, #tpu.memory_space<hbm>>
        %dma_start3A_213 = tpu.memref_slice %arg7[%add3A_184] : memref<652288xf32, #tpu.memory_space<hbm>> -> memref<3136xf32, #tpu.memory_space<hbm>>
        tpu.enqueue_dma source(%dma_start3A_213 : memref<3136xf32, #tpu.memory_space<hbm>>) target(%arg10 : memref<3136xf32, #tpu.memory_space<vmem>>) target_semaphore(%run_scoped3A : memref<!tpu.dma_semaphore, #tpu.memory_space<semaphore_mem>>)
        %dma_wait3A = tpu.memref_slice %arg7[%add3A_184] : memref<652288xf32, #tpu.memory_space<hbm>> -> memref<3136xf32, #tpu.memory_space<hbm>>
        %dma_wait3A_214 = tpu.memref_slice %arg7[%add3A_184] : memref<652288xf32, #tpu.memory_space<hbm>> -> memref<3136xf32, #tpu.memory_space<hbm>>
        tpu.wait_dma2 semaphore(%run_scoped3A : memref<!tpu.dma_semaphore, #tpu.memory_space<semaphore_mem>>) src(%dma_wait3A_214 : memref<3136xf32, #tpu.memory_space<hbm>>) dst(%arg10 : memref<3136xf32, #tpu.memory_space<vmem>>)
        tpu.yield
      }) : () -> ()
      %scan3A_185 = arith.constant 0 : i32
      %scan3A_186 = arith.constant 0 : i32
      %scan3A_187 = arith.constant 196 : i32
      %scan3A_188 = arith.addi %scan3A_186, %scan3A_187 : i32
      %scan3A_189 = arith.constant 1 : i32
      scf.for %scan3A_213 = %scan3A_186 to %scan3A_188 step %scan3A_189  : i32 {
        %mul3A_214 = arith.constant 16 : i32
        %mul3A_215 = arith.muli %scan3A_213, %mul3A_214 : i32
        %add3A_216 = arith.constant 40768 : i32
        %add3A_217 = arith.addi %add3A_216, %mul3A_215 : i32
        %get3A = arith.index_cast %add3A_217 : i32 to index
        %get3A_218 = tpu.vector_load %arg9[%get3A] {strides = array<i32>} : memref<50176xf32, #tpu.memory_space<vmem>>, vector<16xf32>,
        %mul3A_219 = arith.constant 16 : i32
        %mul3A_220 = arith.muli %scan3A_213, %mul3A_219 : i32
        %get3A_221 = arith.index_cast %mul3A_220 : i32 to index
        %get3A_222 = tpu.vector_load %arg10[%get3A_221] {strides = array<i32>} : memref<3136xf32, #tpu.memory_space<vmem>>, vector<16xf32>,
        %add3A_223 = arith.addf %get3A_218, %get3A_222 : vector<16xf32>
        %swap3A = arith.index_cast %add3A_217 : i32 to index
        %swap3A_224 = tpu.vector_load %arg9[%swap3A] {strides = array<i32>} : memref<50176xf32, #tpu.memory_space<vmem>>, vector<16xf32>,
        tpu.vector_store %arg9[%swap3A], %add3A_223 {strides = array<i32>} : memref<50176xf32, #tpu.memory_space<vmem>>, vector<16xf32>,
      }
      %scan3A_190 = arith.constant 196 : i32
      %mul3A_191 = arith.constant 50176 : i32
      %mul3A_192 = arith.muli %add3A, %mul3A_191 : i32
      %add3A_193 = arith.constant 43904 : i32
      %add3A_194 = arith.addi %mul3A_192, %add3A_193 : i32
      "tpu.region"() ({
        %run_scoped3A = tpu.sem_alloc : memref<!tpu.dma_semaphore, #tpu.memory_space<semaphore_mem>>
        %dma_start3A = tpu.memref_slice %arg7[%add3A_194] : memref<652288xf32, #tpu.memory_space<hbm>> -> memref<3136xf32, #tpu.memory_space<hbm>>
        %dma_start3A_213 = tpu.memref_slice %arg7[%add3A_194] : memref<652288xf32, #tpu.memory_space<hbm>> -> memref<3136xf32, #tpu.memory_space<hbm>>
        tpu.enqueue_dma source(%dma_start3A_213 : memref<3136xf32, #tpu.memory_space<hbm>>) target(%arg10 : memref<3136xf32, #tpu.memory_space<vmem>>) target_semaphore(%run_scoped3A : memref<!tpu.dma_semaphore, #tpu.memory_space<semaphore_mem>>)
        %dma_wait3A = tpu.memref_slice %arg7[%add3A_194] : memref<652288xf32, #tpu.memory_space<hbm>> -> memref<3136xf32, #tpu.memory_space<hbm>>
        %dma_wait3A_214 = tpu.memref_slice %arg7[%add3A_194] : memref<652288xf32, #tpu.memory_space<hbm>> -> memref<3136xf32, #tpu.memory_space<hbm>>
        tpu.wait_dma2 semaphore(%run_scoped3A : memref<!tpu.dma_semaphore, #tpu.memory_space<semaphore_mem>>) src(%dma_wait3A_214 : memref<3136xf32, #tpu.memory_space<hbm>>) dst(%arg10 : memref<3136xf32, #tpu.memory_space<vmem>>)
        tpu.yield
      }) : () -> ()
      %scan3A_195 = arith.constant 0 : i32
      %scan3A_196 = arith.constant 0 : i32
      %scan3A_197 = arith.constant 196 : i32
      %scan3A_198 = arith.addi %scan3A_196, %scan3A_197 : i32
      %scan3A_199 = arith.constant 1 : i32
      scf.for %scan3A_213 = %scan3A_196 to %scan3A_198 step %scan3A_199  : i32 {
        %mul3A_214 = arith.constant 16 : i32
        %mul3A_215 = arith.muli %scan3A_213, %mul3A_214 : i32
        %add3A_216 = arith.constant 43904 : i32
        %add3A_217 = arith.addi %add3A_216, %mul3A_215 : i32
        %get3A = arith.index_cast %add3A_217 : i32 to index
        %get3A_218 = tpu.vector_load %arg9[%get3A] {strides = array<i32>} : memref<50176xf32, #tpu.memory_space<vmem>>, vector<16xf32>,
        %mul3A_219 = arith.constant 16 : i32
        %mul3A_220 = arith.muli %scan3A_213, %mul3A_219 : i32
        %get3A_221 = arith.index_cast %mul3A_220 : i32 to index
        %get3A_222 = tpu.vector_load %arg10[%get3A_221] {strides = array<i32>} : memref<3136xf32, #tpu.memory_space<vmem>>, vector<16xf32>,
        %add3A_223 = arith.addf %get3A_218, %get3A_222 : vector<16xf32>
        %swap3A = arith.index_cast %add3A_217 : i32 to index
        %swap3A_224 = tpu.vector_load %arg9[%swap3A] {strides = array<i32>} : memref<50176xf32, #tpu.memory_space<vmem>>, vector<16xf32>,
        tpu.vector_store %arg9[%swap3A], %add3A_223 {strides = array<i32>} : memref<50176xf32, #tpu.memory_space<vmem>>, vector<16xf32>,
      }
      %scan3A_200 = arith.constant 196 : i32
      %mul3A_201 = arith.constant 50176 : i32
      %mul3A_202 = arith.muli %add3A, %mul3A_201 : i32
      %add3A_203 = arith.constant 47040 : i32
      %add3A_204 = arith.addi %mul3A_202, %add3A_203 : i32
      "tpu.region"() ({
        %run_scoped3A = tpu.sem_alloc : memref<!tpu.dma_semaphore, #tpu.memory_space<semaphore_mem>>
        %dma_start3A = tpu.memref_slice %arg7[%add3A_204] : memref<652288xf32, #tpu.memory_space<hbm>> -> memref<3136xf32, #tpu.memory_space<hbm>>
        %dma_start3A_213 = tpu.memref_slice %arg7[%add3A_204] : memref<652288xf32, #tpu.memory_space<hbm>> -> memref<3136xf32, #tpu.memory_space<hbm>>
        tpu.enqueue_dma source(%dma_start3A_213 : memref<3136xf32, #tpu.memory_space<hbm>>) target(%arg10 : memref<3136xf32, #tpu.memory_space<vmem>>) target_semaphore(%run_scoped3A : memref<!tpu.dma_semaphore, #tpu.memory_space<semaphore_mem>>)
        %dma_wait3A = tpu.memref_slice %arg7[%add3A_204] : memref<652288xf32, #tpu.memory_space<hbm>> -> memref<3136xf32, #tpu.memory_space<hbm>>
        %dma_wait3A_214 = tpu.memref_slice %arg7[%add3A_204] : memref<652288xf32, #tpu.memory_space<hbm>> -> memref<3136xf32, #tpu.memory_space<hbm>>
        tpu.wait_dma2 semaphore(%run_scoped3A : memref<!tpu.dma_semaphore, #tpu.memory_space<semaphore_mem>>) src(%dma_wait3A_214 : memref<3136xf32, #tpu.memory_space<hbm>>) dst(%arg10 : memref<3136xf32, #tpu.memory_space<vmem>>)
        tpu.yield
      }) : () -> ()
      %scan3A_205 = arith.constant 0 : i32
      %scan3A_206 = arith.constant 0 : i32
      %scan3A_207 = arith.constant 196 : i32
      %scan3A_208 = arith.addi %scan3A_206, %scan3A_207 : i32
      %scan3A_209 = arith.constant 1 : i32
      scf.for %scan3A_213 = %scan3A_206 to %scan3A_208 step %scan3A_209  : i32 {
        %mul3A_214 = arith.constant 16 : i32
        %mul3A_215 = arith.muli %scan3A_213, %mul3A_214 : i32
        %add3A_216 = arith.constant 47040 : i32
        %add3A_217 = arith.addi %add3A_216, %mul3A_215 : i32
        %get3A = arith.index_cast %add3A_217 : i32 to index
        %get3A_218 = tpu.vector_load %arg9[%get3A] {strides = array<i32>} : memref<50176xf32, #tpu.memory_space<vmem>>, vector<16xf32>,
        %mul3A_219 = arith.constant 16 : i32
        %mul3A_220 = arith.muli %scan3A_213, %mul3A_219 : i32
        %get3A_221 = arith.index_cast %mul3A_220 : i32 to index
        %get3A_222 = tpu.vector_load %arg10[%get3A_221] {strides = array<i32>} : memref<3136xf32, #tpu.memory_space<vmem>>, vector<16xf32>,
        %add3A_223 = arith.addf %get3A_218, %get3A_222 : vector<16xf32>
        %swap3A = arith.index_cast %add3A_217 : i32 to index
        %swap3A_224 = tpu.vector_load %arg9[%swap3A] {strides = array<i32>} : memref<50176xf32, #tpu.memory_space<vmem>>, vector<16xf32>,
        tpu.vector_store %arg9[%swap3A], %add3A_223 {strides = array<i32>} : memref<50176xf32, #tpu.memory_space<vmem>>, vector<16xf32>,
      }
      %scan3A_210 = arith.constant 196 : i32
      %mul3A_211 = arith.constant 50176 : i32
      %mul3A_212 = arith.muli %add3A, %mul3A_211 : i32
      "tpu.region"() ({
        %run_scoped3A = tpu.sem_alloc : memref<!tpu.dma_semaphore, #tpu.memory_space<semaphore_mem>>
        %dma_start3A = tpu.memref_slice %arg6[%mul3A_212] : memref<652288xf32, #tpu.memory_space<hbm>> -> memref<50176xf32, #tpu.memory_space<hbm>>
        %dma_start3A_213 = tpu.memref_slice %arg6[%mul3A_212] : memref<652288xf32, #tpu.memory_space<hbm>> -> memref<50176xf32, #tpu.memory_space<hbm>>
        tpu.enqueue_dma source(%arg9 : memref<50176xf32, #tpu.memory_space<vmem>>) target(%dma_start3A_213 : memref<50176xf32, #tpu.memory_space<hbm>>) target_semaphore(%run_scoped3A : memref<!tpu.dma_semaphore, #tpu.memory_space<semaphore_mem>>)
        %dma_wait3A = tpu.memref_slice %arg6[%mul3A_212] : memref<652288xf32, #tpu.memory_space<hbm>> -> memref<50176xf32, #tpu.memory_space<hbm>>
        %dma_wait3A_214 = tpu.memref_slice %arg6[%mul3A_212] : memref<652288xf32, #tpu.memory_space<hbm>> -> memref<50176xf32, #tpu.memory_space<hbm>>
        tpu.wait_dma2 semaphore(%run_scoped3A : memref<!tpu.dma_semaphore, #tpu.memory_space<semaphore_mem>>) src(%arg9 : memref<50176xf32, #tpu.memory_space<vmem>>) dst(%dma_wait3A_214 : memref<50176xf32, #tpu.memory_space<hbm>>)
        tpu.yield
      }) : () -> ()
    } else {
    }
    return
  }
}

module attributes {stable_mosaic.version = 14 : i64} {
  func.func @body(%arg0: memref<13x50176xf32, #tpu.memory_space<vmem>>, %arg1: memref<13x50176xf32, #tpu.memory_space<vmem>>, %arg2: memref<1x1xf32, #tpu.memory_space<smem>>) attributes {dimension_semantics = [], scalar_prefetch = 0 : i64, scratch_operands = 0 : i64, tpu.core_type = #tpu.core_type<tc>} {
    %get3A = arith.constant 0 : index
    %get3A_0 = arith.constant 0 : index
    %get3A_1 = vector.load %arg0[%get3A, %get3A_0] : memref<13x50176xf32, #tpu.memory_space<vmem>>, vector<13x50176xf32>
    %get3A_2 = arith.constant 0 : index
    %get3A_3 = arith.constant 0 : index
    %get3A_4 = vector.load %arg1[%get3A_2, %get3A_3] : memref<13x50176xf32, #tpu.memory_space<vmem>>, vector<13x50176xf32>
    %slice3A = vector.extract_strided_slice %get3A_1 {offsets = [12, 0], sizes = [1, 50176], strides = [1, 1]} : vector<13x50176xf32> to vector<1x50176xf32>
    %mul3A = arith.constant 0.333333343 : f32
    %mul3A_5 = vector.broadcast %mul3A : f32 to vector<1x50176xf32>
    %mul3A_6 = arith.mulf %slice3A, %mul3A_5 : vector<1x50176xf32>
    %mul3A_7 = arith.constant 0.666666686 : f32
    %mul3A_8 = vector.broadcast %mul3A_7 : f32 to vector<1x50176xf32>
    %mul3A_9 = arith.mulf %slice3A, %mul3A_8 : vector<1x50176xf32>
    %max3A = arith.constant 1.000000e+00 : f32
    %max3A_10 = vector.broadcast %max3A : f32 to vector<1x50176xf32>
    %max3A_11 = arith.maximumf %mul3A_9, %max3A_10 : vector<1x50176xf32>
    %slice3A_12 = vector.extract_strided_slice %get3A_1 {offsets = [0, 0], sizes = [12, 50176], strides = [1, 1]} : vector<13x50176xf32> to vector<12x50176xf32>
    %slice3A_13 = vector.extract_strided_slice %get3A_4 {offsets = [0, 0], sizes = [12, 50176], strides = [1, 1]} : vector<13x50176xf32> to vector<12x50176xf32>
    %mul3A_14 = vector.broadcast %mul3A_6 : vector<1x50176xf32> to vector<12x50176xf32>
    %mul3A_15 = arith.mulf %mul3A_14, %slice3A_13 : vector<12x50176xf32>
    %sub3A = arith.subf %slice3A_12, %mul3A_15 : vector<12x50176xf32>
    %div3A = vector.broadcast %max3A_11 : vector<1x50176xf32> to vector<12x50176xf32>
    %div3A_16 = arith.divf %sub3A, %div3A : vector<12x50176xf32>
    %slice3A_17 = vector.extract_strided_slice %get3A_4 {offsets = [0, 0], sizes = [12, 50176], strides = [1, 1]} : vector<13x50176xf32> to vector<12x50176xf32>
    %sub3A_18 = arith.subf %div3A_16, %slice3A_17 : vector<12x50176xf32>
    %abs3A = math.absf %sub3A_18 : vector<12x50176xf32>
    %reduce_sum3A = vector.shape_cast %abs3A : vector<12x50176xf32> to vector<1x12x50176xf32>
    %reduce_sum3A_19 = arith.constant dense<0.000000e+00> : vector<1xf32>
    %reduce_sum3A_20 = vector.multi_reduction <add>, %reduce_sum3A, %reduce_sum3A_19 [1, 2] : vector<1x12x50176xf32> to vector<1xf32>
    %reduce_sum3A_21 = vector.shape_cast %reduce_sum3A_20 : vector<1xf32> to vector<1x1x1xf32>
    %reduce_sum3A_22 = vector.extract %reduce_sum3A_21[0, 0, 0] : f32 from vector<1x1x1xf32>
    %mul3A_23 = arith.constant 1.66666666E-6 : f32
    %mul3A_24 = arith.mulf %reduce_sum3A_22, %mul3A_23 : f32
    %swap3A = arith.constant 0 : index
    %swap3A_25 = arith.constant 0 : index
    %swap3A_26 = memref.load %arg2[%swap3A, %swap3A_25] : memref<1x1xf32, #tpu.memory_space<smem>>
    memref.store %mul3A_24, %arg2[%swap3A, %swap3A_25] : memref<1x1xf32, #tpu.memory_space<smem>>
    return
  }
}

</mosaic_0001>

<sc_bundles>
// kernel: kernel.4.cloned.1.call-start
scs
__scs_entry_jumppad:
0x0: {  	(pc) =	sbr.rel $0x88, $3  }
0x1: {  	(tag) =	ssettag $0x0;
	lr =	simm.s32 $0x1  }
0x2: {  	[smem:$0x3F9E] =	sst lr;
	_ =	strace $0xD0000000  }
0x3: {  	_ = 	snop  }
0x4: {  	_ = 	snop  }
0x5: {  	_ = 	snop  }
0x6: {  	_ = 	snop  }
0x7: {  	_ = 	snop  }
__scs_overlays_trampoline_lowered:
0x8: {  	[smem:$0x3FAD] =	sst s0  }
0x9: {  	[smem:$0x3FAE] =	sst s1  }
0xa: {  	[smem:$0x3FAF] =	sst s2  }
0xb: {  	[smem:$0x3FB0] =	sst s3  }
0xc: {  	[smem:$0x3FB1] =	sst s4  }
0xd: {  	[smem:$0x3FB2] =	sst s5  }
0xe: {  	[smem:$0x3FB3] =	sst s6  }
0xf: {  	[smem:$0x3FB4] =	sst s7  }
0x10: {  	[smem:$0x3FB5] =	sst s8  }
0x11: {  	[smem:$0x3FB6] =	sst s9;
	s0 =	simm.s32 @!p0 $0x0  }
0x12: {  	s1 =	sld [smem:$0x3F9C];
	s0 =	simm.s32 @p0 $0x1  }
0x13: {  	[smem:$0x3FB7] =	sst s0;
	s0 =	simm.s32 @!p1 $0x0  }
0x14: {  	s2 =	sld [smem:$0x3F9B];
	s0 =	simm.s32 @p1 $0x1  }
0x15: {  	[smem:$0x3FB8] =	sst s0;
	s0 =	simm.s32 @!p2 $0x0  }
0x16: {  	s3 =	sld [smem:$0x3FDB];
	s0 =	simm.s32 @p2 $0x1  }
0x17: {  	s4 =	simm.s32 $0x1BF5;
	[smem:$0x3FBA] =	sst s0  }
0x18: {  	s0 =	sld [smem:$0x3F9D];
	_ =	swait.ge [sflag:s4], $0x0  }
0x19: {  	s7 =	sld [smem:$0x3F9E]  }
0x1a: {  	s8 =	sadd.s32 $0xFFFFE003, lr  }
0x1b: {  	s9 =	sadd.s32 $0xFFFFFEF7, lr;
	s5 =	simm.s32 $0xFFFFFFFF;
	p2 =	slt.u32 s8, $0xFFFFF086  }
0x1c: {  	p1 =	slt.u32 s9, $0xF7A;
	s5 =	simm.s32 @!p2 $0x0  }
0x1d: {  	s5 =	simm.s32 @p1 $0x1;
	p0 =	seq.s32 s7, s2  }
0x1e: {  	s7 =	smul.u32 @!p0 $0xF7A, s2;
	p2 =	seq.s32 @!p0 s5, $0x0  }
0x1f: {  	s9 =	smul.u32 $0xF7A, s1;
	s8 =	simm.s32 @!p0 $0x1BF5;
	p2 =	por !p2, p0  }
0x20: {  	[sflag:s8] =	ssyncset.s32 @!p0 $0xFFFFF086;
	s6 =	sadd.s32 @!p0 s3, s7;
	s7 =	simm.s32 @!p0 $0x108  }
0x21: {  	s3 =	sadd.s32 s3, s9;
	s6 =	sadd.s32 @!p0 $0x88, s6;
	s7 =	simm.s32 @p2 $0x1082  }
0x22: {  	[simem:s7], [sflag:s8] =	dma.local @!p0 [hbm:s6], $0xF7A  }
0x23: {  	s9 =	sor.u32 $0xD0000000, s2;
	s6 =	simm.s32 $0x108;
	_ =	swait.ge @!p0 [sflag:s8], $0x0  }
0x24: {  	s3 =	sadd.s32 $0x88, s3;
	s6 =	simm.s32 @!p1 $0x1082;
	[sflag:s4] =	ssyncset.s32 $0xFFFFF086  }
0x25: {  	[simem:s6], [sflag:s4] =	dma.local [hbm:s3], $0xF7A  }
0x26: {  	[smem:$0x3F9E] =	sst s1;
	(tag) =	ssettag s2;
	_ =	strace s9  }
0x27: {  	s1 =	sld [smem:$0x3FAE]  }
0x28: {  	s2 =	sld [smem:$0x3FAF]  }
0x29: {  	s4 =	sld [smem:$0x3FB1]  }
0x2a: {  	p0 =	seq.s32 s5, $0x0;
	s5 =	sld [smem:$0x3FB2]  }
0x2b: {  	s6 =	sld [smem:$0x3FB3]  }
0x2c: {  	s7 =	sld [smem:$0x3FB4]  }
0x2d: {  	s3 =	simm.s32 $0x108;
	s8 =	sld [smem:$0x3FB5]  }
0x2e: {  	s3 =	simm.s32 @!p0 $0x1082;
	s9 =	sld [smem:$0x3FB6]  }
0x2f: {  	lr =	sadd.s32 s0, s3;
	s0 =	sld [smem:$0x3FAD]  }
0x30: {  	s3 =	sld [smem:$0x3FB0]  }
0x31: {  	[smem:$0x3FB9] =	sst s10  }
0x32: {  	s10 =	sld [smem:$0x3FB7];
	_ =	sdelay $0x3  }
0x33: {  	p0 =	seq.s32 s10, $0x1;
	s10 =	sld [smem:$0x3FB9];
	_ =	sdelay $0x3  }
0x34: {  	[smem:$0x3FB9] =	sst s10  }
0x35: {  	s10 =	sld [smem:$0x3FB8];
	_ =	sdelay $0x3  }
0x36: {  	p1 =	seq.s32 s10, $0x1;
	s10 =	sld [smem:$0x3FB9];
	_ =	sdelay $0x3  }
0x37: {  	[smem:$0x3FB9] =	sst s10  }
0x38: {  	s10 =	sld [smem:$0x3FBA]  }
0x39: {  	_ = 	snop;
	(pc) =	sbr.ind lr, $3  }
0x3a: {  	_ = 	snop  }
0x3b: {  	_ = 	snop  }
0x3c: {  	p2 =	seq.s32 s10, $0x1;
	s10 =	sld [smem:$0x3FB9]  }
0x3d: {  	_ =	shalt  }
0x3e: {  	_ =	shalt  }
0x3f: {  	_ =	shalt  }
0x40: {  	_ =	shalt  }
0x41: {  	_ =	shalt  }
0x42: {  	_ =	shalt  }
0x43: {  	_ =	shalt  }
0x44: {  	_ =	shalt  }
0x45: {  	_ =	shalt  }
0x46: {  	_ =	shalt  }
0x47: {  	_ =	shalt  }
0x48: {  	_ =	shalt  }
0x49: {  	_ =	shalt  }
0x4a: {  	_ =	shalt  }
0x4b: {  	_ =	shalt  }
0x4c: {  	_ =	shalt  }
0x4d: {  	_ =	shalt  }
0x4e: {  	_ =	shalt  }
0x4f: {  	_ =	shalt  }
0x50: {  	_ =	shalt  }
0x51: {  	_ =	shalt  }
0x52: {  	_ =	shalt  }
0x53: {  	_ =	shalt  }
0x54: {  	_ =	shalt  }
0x55: {  	_ =	shalt  }
0x56: {  	_ =	shalt  }
0x57: {  	_ =	shalt  }
0x58: {  	_ =	shalt  }
0x59: {  	_ =	shalt  }
0x5a: {  	_ =	shalt  }
0x5b: {  	_ =	shalt  }
0x5c: {  	_ =	shalt  }
0x5d: {  	_ =	shalt  }
0x5e: {  	_ =	shalt  }
0x5f: {  	_ =	shalt  }
0x60: {  	_ =	shalt  }
0x61: {  	_ =	shalt  }
0x62: {  	_ =	shalt  }
0x63: {  	_ =	shalt  }
0x64: {  	_ =	shalt  }
0x65: {  	_ =	shalt  }
0x66: {  	_ =	shalt  }
0x67: {  	_ =	shalt  }
0x68: {  	_ =	shalt  }
0x69: {  	_ =	shalt  }
0x6a: {  	_ =	shalt  }
0x6b: {  	_ =	shalt  }
0x6c: {  	_ =	shalt  }
0x6d: {  	_ =	shalt  }
0x6e: {  	_ =	shalt  }
0x6f: {  	_ =	shalt  }
0x70: {  	_ =	shalt  }
0x71: {  	_ =	shalt  }
0x72: {  	_ =	shalt  }
0x73: {  	_ =	shalt  }
0x74: {  	_ =	shalt  }
0x75: {  	_ =	shalt  }
0x76: {  	_ =	shalt  }
0x77: {  	_ =	shalt  }
0x78: {  	_ =	shalt  }
0x79: {  	_ =	shalt  }
0x7a: {  	_ =	shalt  }
0x7b: {  	_ =	shalt  }
0x7c: {  	_ =	shalt  }
0x7d: {  	_ =	shalt  }
0x7e: {  	_ =	shalt  }
0x7f: {  	_ =	shalt  }
0x80: {  	_ =	shalt  }
0x81: {  	_ =	shalt  }
0x82: {  	_ =	shalt  }
0x83: {  	_ =	shalt  }
0x84: {  	_ =	shalt  }
0x85: {  	_ =	shalt  }
0x86: {  	_ =	shalt  }
0x87: {  	_ =	shalt  }
.Lfunc_end0:
.L_simem_size_0:
called_computation_lowered:
.L_overlay_start_0:
0x88: {  	s2 =	sld [smem:$0x3FD9]  }
0x89: {  	s3 =	sld [smem:$0x3FFE];
	_ =	sdelay $0x1  }
0x8a: {  	s1 =	srdreg.scid  }
0x8b: {  	s0 =	sand.u32 $0x1, s1  }
0x8c: {  	s16 =	sshll.u32 s0, $0xA;
	s2 =	sadd.s32 s3, s2  }
0x8d: {  	s2 =	sadd.s32 s2, s16  }
0x8e: {  	[smem:$0x3FC5] =	sst s2  }
0x8f: {  	_ = 	snop  }
0x90: {  	(tm) =	ssettm $0x1  }
0x91: {  	s17 =	sld [smem:$0x3FFB];
	_ =	sdelay $0x3  }
0x92: {  	_ =	strace s17  }
0x93: {  	s2 =	sld [smem:$0x3FFC];
	_ =	sdelay $0x3  }
0x94: {  	_ =	strace s2  }
0x95: {  	s2 =	sld [smem:$0x3FFD];
	_ =	sdelay $0x3  }
0x96: {  	_ =	strace s2  }
0x97: {  	_ =	strace $0x8FFFFFFF  }
0x98: {  	s18 =	sld [smem:$0x3FDB];
	_ =	sdelay $0x1  }
0x99: {  	s19 =	simm.s32 $_scs_section_size  }
0x9a: {  	s4 =	simm.s32 $_size__tile_overlayer_lowered;
	s5 =	simm.s32 $_tile_overlayer_lowered  }
0x9b: {  	s22 =	simm.s32 $0x1BFF;
	s21 =	sshll.u32 s5, $0x1;
	s2 =	sadd.s32 s19, s18  }
0x9c: {  	s6 =	simm.s32 $0x0;
	s20 =	sshll.u32 s4, $0x1;
	s4 =	sadd.s32 s21, s2  }
0x9d: {  	[timem:s6], [sflag:s22] =	dma.local [hbm:s4], s20  }
0x9e: {  	_ =	swait.ge [sflag:s22], s20  }
0x9f: {  	s3 =	ssub.s32 $0x0, s20;
	[sflag:s22] =	ssyncset.done $0x0  }
0xa0: {  	[sflag:s22] =	ssyncadd.s32 s3;
	_ =	sdelay $0x1  }
0xa1: {  	s23 =	simm.s32 $0x1B8B  }
0xa2: {  	_ =	swait.ge [sflag:s23], $0x1  }
0xa3: {  	[sflag:s23] =	ssyncset.done $0x0  }
0xa4: {  	s25 =	simm.s32 $0x1B8E;
	s24 =	sld [smem:$0x3FFE];
	[sflag:s23] =	ssyncadd.s32 $0xFFFFFFFF  }
0xa5: {  	s26 =	simm.s32 $execute0_lowered;
	[smem:$0x3FD2] =	sst s25  }
0xa6: {  	s4 =	sshll.u32 s26, $0x1;
	_ =	strace $0x80000046;
	[dreg:$0x1] =	wrdreg $0xFFFFFFFF  }
0xa7: {  	s28 =	simm.s32 $_size_execute0_lowered;
	s2 =	sadd.s32 s2, s4;
	[dreg:$0x0] =	wrdreg $0x0  }
0xa8: {  	s4 =	sshll.u32 s28, $0x1;
	[dreg:$0x2] =	wrdreg s2  }
0xa9: {  	[dreg:$0x3] =	wrdreg s4  }
0xaa: {  	[dreg:$0x4] =	wrdreg $0xC0  }
0xab: {  	_ =	task [dreg:s6], $0x5FFFF  }
0xac: {  	[dreg:$0x1] =	wrdreg $0xFFFFFFFF  }
0xad: {  	[dreg:$0x0] =	wrdreg $0x60  }
0xae: {  	[dreg:$0x2] =	wrdreg s24  }
0xaf: {  	[dreg:$0x3] =	wrdreg $0x9  }
0xb0: {  	_ =	task.clear_ibuf [dreg:s6], $0x4FFFF;
	_ =	strace $0x90000046  }
0xb1: {  	s29 =	simm.s32 $0x9;
	_ =	strace $0x80000048  }
0xb2: {  	_ =	swait.ge [sflag:s29], $0x1  }
0xb3: {  	[sflag:s29] =	ssyncadd.s32 $0xFFFFFFFF  }
0xb4: {  	_ =	strace $0x90000048  }
0xb5: {  	_ =	sfence  }
0xb6: {  	s30 =	sld [smem:$0x0];
	_ =	sdelay $0x2  }
0xb7: {  	s31 =	sshll.u32 s1, $0xD;
	s1 =	sshrl.u32 s1, $0x2  }
0xb8: {  	s3 =	sand.u32 $0x4000, s31;
	s1 =	sadd.s32 s1, s30  }
0xb9: {  	s0 =	sor.u32 s3, s0;
	s1 =	sshll.u32 s1, $0x11  }
0xba: {  	s0 =	sor.u32 s1, s0  }
0xbb: {  	s0 =	sadd.s32 $0x8F2B, s0  }
0xbc: {  	[sflag:s0] =	ssyncadd.remote.s32 $0x1  }
0xbd: {  	_ =	sfence.sel $0xFFFF  }
0xbe: {  	[dreg:$0x0] =	wrdreg $0xFFFFFFFF;
	(pc) =	sbr.abs _section_cstart, $3  }
0xbf: {  	[dreg:$0x1] =	wrdreg $0xFFFFFFFF  }
0xc0: {  	_ =	task.clear_ibuf [dreg:s6], $0x2FFFF;
	_ =	strace $0x9FFFFFFF  }
0xc1: {  	(tm) =	ssettm $0x7FFFFFFF  }
tec
execute0_lowered:
.L_overlay_start_1:
0x0: {  	(tag) =	ssettag $0x1  }
0x1: {  	s0 =	srdreg.scid  }
0x2: {  	s8 =	sand.u32 $0x1, s0  }
0x3: {  	s22 =	stileid.u32;
	s0 =	smul.u32 $0x7, s8  }
0x4: {  	s3 =	sshrl.u32 s22, $0x1  }
0x5: {  	s0 =	sadd.s32 s3, s0  }
0x6: {  	s2 =	rddreg [dreg:$0x0];
	s3 =	smul.u32 $0x1880, s0  }
0x7: {  	s1 =	simm.s32 $0x0;
	s4 =	smul.u32 $0xC400, s0;
	s0 =	sand.u32 $0x1, s22  }
0x8: {  	[smem:$0x7FF] =	sst s1;
	s6 =	sadd.s32 $0x6400, s2;
	s11 =	smul.u32 $0x1900, s0  }
0x9: {  	s7 =	sadd.s32 $0x3200, s2;
	s9 =	ssub.s32 $0x2, s8;
	s10 =	smul.u32 $0xC800, s0  }
0xa: {  	p0 =	seq.s32 s8, $0x0;
	s26 =	sshrl.u32 s9, $0x1;
	s12 =	sadd.s32 s6, s11  }
0xb: {  	s8 =	sshrl.u32 s10, $0x3;
	s13 =	sadd.s32 s7, s11;
	[dreg:$0x2] =	wrdreg s12  }
0xc: {  	s15 =	sadd.s32 s2, s11;
	[dreg:$0x3] =	wrdreg s13;
	s14 =	sadd.s32 $0x190, s8  }
0xd: {  	s5 =	sshrl.u32 s4, $0x3;
	[dreg:$0x4] =	wrdreg s15;
	s16 =	sadd.s32 s6, s14  }
0xe: {  	s4 =	ssub.s32 s9, s26;
	s18 =	sadd.s32 s7, s14;
	[dreg:$0x5] =	wrdreg s16  }
0xf: {  	s17 =	sadd.s32 $0x320, s8;
	s9 =	sadd.s32 s2, s14;
	[dreg:$0x6] =	wrdreg s18  }
0x10: {  	s19 =	sadd.s32 s6, s17;
	[dreg:$0x7] =	wrdreg s9  }
0x11: {  	s20 =	sadd.s32 s7, s17;
	[dreg:$0x8] =	wrdreg s19  }
0x12: {  	s23 =	sadd.s32 $0x4B0, s8;
	s21 =	sadd.s32 s2, s17;
	[dreg:$0x9] =	wrdreg s20  }
0x13: {  	s24 =	sadd.s32 s6, s23;
	[dreg:$0xa] =	wrdreg s21  }
0x14: {  	s26 =	sadd.s32 $0x640, s8;
	s25 =	sadd.s32 s7, s23;
	[dreg:$0xb] =	wrdreg s24  }
0x15: {  	s12 =	sadd.s32 s6, s26;
	[dreg:$0xc] =	wrdreg s25  }
0x16: {  	s14 =	sadd.s32 s7, s26;
	[dreg:$0xe] =	wrdreg s12  }
0x17: {  	s13 =	sadd.s32 $0x7D0, s8;
	s10 =	sadd.s32 s2, s26;
	[dreg:$0xf] =	wrdreg s14  }
0x18: {  	s15 =	sadd.s32 s6, s13;
	[dreg:$0x10] =	wrdreg s10  }
0x19: {  	s9 =	sadd.s32 s2, s23;
	[dreg:$0x11] =	wrdreg s15  }
0x1a: {  	s17 =	sadd.s32 $0x960, s8;
	s16 =	sadd.s32 s7, s13;
	[dreg:$0xd] =	wrdreg s9  }
0x1b: {  	s18 =	sadd.s32 s6, s17;
	[dreg:$0x12] =	wrdreg s16  }
0x1c: {  	s11 =	sadd.s32 $0xE10, s8;
	s19 =	sadd.s32 s7, s17;
	[dreg:$0x14] =	wrdreg s18  }
0x1d: {  	s12 =	sadd.s32 s6, s11;
	[dreg:$0x15] =	wrdreg s19  }
0x1e: {  	s20 =	sadd.s32 $0xAF0, s8;
	s9 =	sadd.s32 s2, s13;
	[dreg:$0x1d] =	wrdreg s12  }
0x1f: {  	s21 =	sadd.s32 s6, s20;
	[dreg:$0x13] =	wrdreg s9  }
0x20: {  	s24 =	sadd.s32 s7, s20;
	[dreg:$0x17] =	wrdreg s21  }
0x21: {  	s23 =	sadd.s32 $0xC80, s8;
	s10 =	sadd.s32 s2, s20;
	[dreg:$0x18] =	wrdreg s24  }
0x22: {  	s25 =	sadd.s32 s6, s23;
	[dreg:$0x19] =	wrdreg s10  }
0x23: {  	s26 =	sadd.s32 s7, s23;
	[dreg:$0x1a] =	wrdreg s25  }
0x24: {  	s14 =	sadd.s32 $0xFA0, s8;
	s13 =	sadd.s32 s7, s11;
	[dreg:$0x1b] =	wrdreg s26  }
0x25: {  	s15 =	sadd.s32 s6, s14;
	s16 =	sadd.s32 $0x1130, s8;
	[dreg:$0x1e] =	wrdreg s13  }
0x26: {  	s20 =	sadd.s32 $0x12C0, s8;
	s9 =	sadd.s32 s2, s17;
	[smem:$0x7E6] =	sst s15  }
0x27: {  	s17 =	sadd.s32 s7, s14;
	s10 =	sadd.s32 s2, s14;
	[dreg:$0x16] =	wrdreg s9  }
0x28: {  	s18 =	sadd.s32 s6, s16;
	s19 =	sadd.s32 s7, s16;
	[smem:$0x7E7] =	sst s17  }
0x29: {  	s21 =	sadd.s32 s6, s20;
	s13 =	sadd.s32 $0x1450, s8;
	[smem:$0x7E8] =	sst s10  }
0x2a: {  	s24 =	sadd.s32 $0x15E0, s8;
	s8 =	sadd.s32 $0x1770, s8;
	[smem:$0x7E9] =	sst s18  }
0x2b: {  	s25 =	sadd.s32 s3, s2;
	s26 =	sadd.s32 $0x1D600, s2;
	[smem:$0x7EA] =	sst s19  }
0x2c: {  	s9 =	sadd.s32 s2, s23;
	[smem:$0x7EC] =	sst s21;
	s23 =	sadd.s32 s7, s20  }
0x2d: {  	s10 =	sadd.s32 s2, s20;
	s12 =	sadd.s32 s7, s13;
	s14 =	sadd.s32 s6, s24  }
0x2e: {  	s17 =	sadd.s32 s6, s8;
	s18 =	sadd.s32 s7, s8;
	s19 =	sadd.s32 s2, s8  }
0x2f: {  	s8 =	simm.s32 $0xE;
	s21 =	sadd.s32 s26, s5;
	[dreg:$0x1c] =	wrdreg s9  }
0x30: {  	s9 =	sadd.s32 s2, s11;
	[smem:$0x7ED] =	sst s23;
	s11 =	sadd.s32 s6, s13  }
0x31: {  	s13 =	sadd.s32 s2, s13;
	s8 =	simm.s32 @!p0 $0xC;
	[dreg:$0x1f] =	wrdreg s9  }
0x32: {  	s9 =	sadd.s32 s2, s16;
	s16 =	sadd.s32 s2, s24;
	s2 =	sadd.s32 s5, s2  }
0x33: {  	p0 =	slt.u32 s22, s8;
	[smem:$0x7EB] =	sst s9;
	s8 =	sadd.s32 $0x31600, s2  }
0x34: {  	s9 =	sadd.s32 $0x188, s21;
	_ =	strace $0x80000047;
	[smem:$0x7EE] =	sst s8  }
0x35: {  	s15 =	sadd.s32 s7, s24;
	s24 =	sadd.s32 $0x310, s21;
	[smem:$0x7EF] =	sst s9  }
0x36: {  	s22 =	sadd.s32 $0x9600, s25;
	s25 =	sadd.s32 $0x498, s21;
	[smem:$0x7F0] =	sst s24  }
0x37: {  	s20 =	sadd.s32 s26, s3;
	s26 =	sadd.s32 $0x620, s21;
	[smem:$0x7F1] =	sst s25  }
0x38: {  	s28 =	simm.s32 $0x3;
	s2 =	sadd.s32 $0x7A8, s21;
	[smem:$0x7F2] =	sst s26  }
0x39: {  	s29 =	simm.s32 $0x1;
	s3 =	sadd.s32 $0x930, s21;
	[smem:$0x7F3] =	sst s2  }
0x3a: {  	s23 =	smax.u32 s4, $0x1;
	s4 =	sadd.s32 $0xAB8, s21;
	[smem:$0x7F4] =	sst s3  }
0x3b: {  	s30 =	simm.s32 $0x1BA00;
	s5 =	sadd.s32 $0xC40, s21;
	[smem:$0x7F5] =	sst s4  }
0x3c: {  	s31 =	simm.s32 $0x1C680;
	s6 =	sadd.s32 $0xDC8, s21;
	[smem:$0x7F6] =	sst s5  }
0x3d: {  	p1 =	seq.s32 s0, $0x1;
	s7 =	sadd.s32 $0xF50, s21;
	[smem:$0x7F7] =	sst s6  }
0x3e: {  	p2 =	sne.s32 s0, $0x0;
	[smem:$0x7F8] =	sst s7;
	s8 =	sadd.s32 $0x10D8, s21  }
0x3f: {  	s0 =	simm.s32 $0x1D300;
	s9 =	sadd.s32 $0x1260, s21;
	[smem:$0x7F9] =	sst s8  }
.Ltmp0:
0x40: {  	s24 =	sadd.s32 $0x13E8, s21;
	[smem:$0x7FA] =	sst s9;
	(pc) =	sbr.rel .LBB2_1-.Ltmp0, $4  }
0x41: {  	s25 =	sadd.s32 $0x1570, s21;
	s26 =	sadd.s32 $0x16F8, s21;
	[smem:$0x7FB] =	sst s24  }
0x42: {  	s2 =	simm.s32 $0xC400;
	s3 =	simm.s32 $0x2;
	[smem:$0x7FC] =	sst s25  }
0x43: {  	s4 =	simm.s32 $0x18800;
	s5 =	simm.s32 $0x0;
	[smem:$0x7FD] =	sst s26  }
0x44: {  	v0 =	vimm.f32 $0.0e+00;
	s24 =	simm.s32 $0x19480;
	s25 =	simm.s32 $0x1A100;
	s26 =	simm.s32 $0x1AD80  }
.LBB2_2:
0x45: {  	[bflag:$0x0] =	sbarrier.arrive $0xFFFF  }
.LBB2_71:
0x46: {  	s5 =	sadd.s32 $0x1, s5  }
0x47: {  	p3 =	sne.s32 s5, s23  }
.Ltmp1:
0x48: {  	_ = 	snop;
	(pc) =	sbr.rel @!p3 .LBB2_72-.Ltmp1, $1  }
0x49: {  	_ =	sdelay $0x3  }
.LBB2_1:
.Ltmp2:
0x4a: {  	(pc) =	sbr.rel @!p0 .LBB2_2-.Ltmp2, $1  }
0x4b: {  	_ =	sdelay $0x3  }
0x4c: {  	s6 =	simm.s32 $0x0;
	s7 =	rddreg [dreg:$0x2]  }
0x4d: {  	[tilespmem:s24], [sflag:$0x1] =	stream.linear.gather [hbm4b:s7+s6], $0xC80, $0x38;
	[tilespmem:$0x1DF80] =	vst v63  }
0x4e: {  	s8 =	rddreg [dreg:$0x3]  }
0x4f: {  	[tilespmem:s25], [sflag:$0x1] =	stream.linear.gather [hbm4b:s8+s6], $0xC80, $0x38;
	[tilespmem:$0x1DF80] =	vst v63  }
0x50: {  	s9 =	rddreg [dreg:$0x4]  }
0x51: {  	[tilespmem:s26], [sflag:$0x1] =	stream.linear.gather [hbm4b:s9+s6], $0xC80, $0x38;
	[tilespmem:$0x1DF80] =	vst v63  }
0x52: {  	_ = 	snop  }
0x53: {  	[tilespmem:s6], [sflag:$0x3] =	stream.linear.gather [hbm4b:s22+s6], $0xC400, $0x38;
	[tilespmem:$0x1DF80] =	vst v63  }
0x54: {  	_ =	swait.ge [sflag:s28], $0xC400  }
0x55: {  	[sflag:s28] =	ssyncset.done $0x0  }
0x56: {  	s7 =	simm.s32 $0x0;
	s6 =	simm.s32 $0x40;
	[sflag:s28] =	ssyncadd.s32 $0xFFFF3C00  }
.LBB2_4:
0x57: {  	p3 =	sne.s32 s6, $0x30FC0;
	[tilespmem:s7+$0xC400] =	vst v0;
	s7 =	smov.u32 s6;
	s6 =	sadd.s32 $0x40, s6  }
.Ltmp3:
0x58: {  	(pc) =	sbr.rel @p3 .LBB2_4-.Ltmp3, $2  }
0x59: {  	_ =	sdelay $0x2  }
0x5a: {  	s7 =	sshra.s32 s7, $0x2  }
0x5b: {  	[tilespmem:s7+$0xC400] =	vst v0  }
0x5c: {  	_ =	swait.ge [sflag:s29], $0xC80  }
0x5d: {  	[sflag:s29] =	ssyncset.done $0x0  }
0x5e: {  	[sflag:s29] =	ssyncadd.s32 $0xFFFFF380  }
0x5f: {  	_ =	swait.ge [sflag:s29], $0xC80  }
0x60: {  	[sflag:s29] =	ssyncset.done $0x0  }
0x61: {  	[sflag:s29] =	ssyncadd.s32 $0xFFFFF380  }
0x62: {  	_ =	swait.ge [sflag:s29], $0xC80  }
0x63: {  	[sflag:s29] =	ssyncset.done $0x0  }
0x64: {  	s6 =	rddreg [dreg:$0x5];
	[sflag:s29] =	ssyncadd.s32 $0xFFFFF380  }
0x65: {  	[tilespmem:s30], [sflag:$0x2] =	stream.linear.gather [hbm4b:s6+s1], $0xC80, $0x38;
	[tilespmem:$0x1DF80] =	vst v63  }
0x66: {  	s8 =	rddreg [dreg:$0x6]  }
0x67: {  	[tilespmem:s31], [sflag:$0x2] =	stream.linear.gather [hbm4b:s8+s1], $0xC80, $0x38;
	[tilespmem:$0x1DF80] =	vst v63  }
0x68: {  	s9 =	rddreg [dreg:$0x7];
	s8 =	simm.s32 $0x194A0  }
0x69: {  	[tilespmem:s0], [sflag:$0x2] =	stream.linear.gather [hbm4b:s9+s1], $0xC80, $0x38;
	[tilespmem:$0x1DF80] =	vst v63  }
0x6a: {  	s6 =	simm.s32 $0x1A120;
	v6 =	vld [tilespmem:s8+$0x10]  }
0x6b: {  	v7 =	vld [tilespmem:s6+$0x10]  }
0x6c: {  	s7 =	simm.s32 $0x1ADA0;
	v8 =	vld [tilespmem:s6+$0xFFFFFFE0]  }
0x6d: {  	v9 =	vld [tilespmem:s7+$0x10]  }
0x6e: {  	v10 =	vld [tilespmem:s8+$0xFFFFFFF0]  }
0x6f: {  	v3 =	vld [tilespmem:s6+$0xFFFFFFF0]  }
0x70: {  	v1 =	vld [tilespmem:s8+$0x0]  }
0x71: {  	v2 =	vld [tilespmem:s6+$0x0]  }
0x72: {  	v13 =	vld [tilespmem:s8+$0xFFFFFFE0]  }
0x73: {  	v15 =	vld [tilespmem:s7+$0xFFFFFFE0]  }
0x74: {  	v5 =	vld [tilespmem:s7+$0xFFFFFFF0]  }
0x75: {  	v11 =	vld.idx.msk [tilespmem:v6+s1+$0x0], $0xffff  }
0x76: {  	v12 =	vld.idx.msk [tilespmem:v7+s1+$0x0], $0xffff  }
0x77: {  	v4 =	vld [tilespmem:s7+$0x0]  }
0x78: {  	v14 =	vld.idx.msk [tilespmem:v9+s1+$0x0], $0xffff  }
0x79: {  	v16 =	vld.idx.msk [tilespmem:v8+s1+$0x0], $0xffff  }
0x7a: {  	v59 =	vld.idx.msk [tilespmem:v10+s1+$0x0], $0xffff  }
0x7b: {  	v17 =	vld.idx.msk [tilespmem:v3+s1+$0x0], $0xffff;
	v11 =	vadd.f32 v12, v11  }
0x7c: {  	v60 =	vld.idx.msk [tilespmem:v13+s1+$0x0], $0xffff  }
0x7d: {  	v18 =	vld.idx.msk [tilespmem:v1+s1+$0x0], $0xffff;
	v11 =	vadd.f32 v14, v11  }
0x7e: {  	v61 =	vld.idx.msk [tilespmem:v5+s1+$0x0], $0xffff  }
0x7f: {  	[tilespmem:v6+s2+$0x0] =	vst.idx.add.f32.msk $0xffff, v11  }
0x80: {  	v6 =	vld.idx.msk [tilespmem:v15+s1+$0x0], $0xffff  }
0x81: {  	v19 =	vld.idx.msk [tilespmem:v2+s1+$0x0], $0xffff  }
0x82: {  	[tilespmem:v7+s2+$0x0] =	vst.idx.add.f32.msk $0xffff, v11;
	v7 =	vadd.f32 v17, v59  }
0x83: {  	v14 =	vadd.f32 v16, v60  }
0x84: {  	v62 =	vld.idx.msk [tilespmem:v4+s1+$0x0], $0xffff;
	v7 =	vadd.f32 v61, v7  }
0x85: {  	[tilespmem:v9+s2+$0x0] =	vst.idx.add.f32.msk $0xffff, v11;
	v6 =	vadd.f32 v6, v14  }
0x86: {  	[tilespmem:v10+s2+$0x0] =	vst.idx.add.f32.msk $0xffff, v7  }
0x87: {  	v63 =	vadd.f32 v19, v18;
	[tilespmem:v13+s2+$0x0] =	vst.idx.add.f32.msk $0xffff, v6  }
0x88: {  	[tilespmem:v8+s2+$0x0] =	vst.idx.add.f32.msk $0xffff, v6  }
0x89: {  	s9 =	simm.s32 $0x194E0;
	s8 =	simm.s32 $0x0;
	[tilespmem:v15+s2+$0x0] =	vst.idx.add.f32.msk $0xffff, v6;
	v6 =	vadd.f32 v62, v63  }
.LBB2_6:
0x8a: {  	v8 =	vld [tilespmem:s9+$0x10];
	s6 =	sadd.s32 $0x40, s6  }
0x8b: {  	v9 =	vld [tilespmem:s6+$0x10]  }
0x8c: {  	s7 =	sadd.s32 $0x40, s7;
	v10 =	vld [tilespmem:s6+$0xFFFFFFE0]  }
0x8d: {  	s8 =	sadd.s32 $0x4, s8;
	v11 =	vld [tilespmem:s7+$0x10]  }
0x8e: {  	p3 =	slt.u32 s8, $0xC4;
	v12 =	vld [tilespmem:s9+$0xFFFFFFF0]  }
0x8f: {  	v13 =	vld [tilespmem:s6+$0xFFFFFFF0]  }
0x90: {  	v14 =	vld [tilespmem:s9+$0x0]  }
0x91: {  	v15 =	vld [tilespmem:s6+$0x0]  }
0x92: {  	v16 =	vld.idx.msk [tilespmem:v8+s1+$0x0], $0xffff  }
0x93: {  	v17 =	vld.idx.msk [tilespmem:v9+s1+$0x0], $0xffff  }
0x94: {  	v18 =	vld [tilespmem:s9+$0xFFFFFFE0]  }
0x95: {  	v19 =	vld.idx.msk [tilespmem:v11+s1+$0x0], $0xffff  }
0x96: {  	v20 =	vld [tilespmem:s7+$0xFFFFFFE0]  }
0x97: {  	v21 =	vld [tilespmem:s7+$0xFFFFFFF0]  }
0x98: {  	v22 =	vld [tilespmem:s7+$0x0]  }
0x99: {  	v16 =	vadd.f32 v17, v16;
	v23 =	vld.idx.msk [tilespmem:v10+s1+$0x0], $0xffff  }
0x9a: {  	v17 =	vld.idx.msk [tilespmem:v12+s1+$0x0], $0xffff  }
0x9b: {  	v16 =	vadd.f32 v19, v16;
	v24 =	vld.idx.msk [tilespmem:v13+s1+$0x0], $0xffff  }
0x9c: {  	v19 =	vld.idx.msk [tilespmem:v18+s1+$0x0], $0xffff  }
0x9d: {  	[tilespmem:v8+s2+$0x0] =	vst.idx.add.f32.msk $0xffff, v16  }
0x9e: {  	[tilespmem:v9+s2+$0x0] =	vst.idx.add.f32.msk $0xffff, v16  }
0x9f: {  	[tilespmem:v11+s2+$0x0] =	vst.idx.add.f32.msk $0xffff, v16  }
0xa0: {  	v8 =	vld.idx.msk [tilespmem:v14+s1+$0x0], $0xffff  }
0xa1: {  	v9 =	vadd.f32 v24, v17;
	v11 =	vld.idx.msk [tilespmem:v15+s1+$0x0], $0xffff  }
0xa2: {  	v16 =	vadd.f32 v23, v19;
	v17 =	vld.idx.msk [tilespmem:v20+s1+$0x0], $0xffff  }
0xa3: {  	v19 =	vld.idx.msk [tilespmem:v21+s1+$0x0], $0xffff  }
0xa4: {  	v23 =	vld.idx.msk [tilespmem:v22+s1+$0x0], $0xffff  }
0xa5: {  	[tilespmem:v3+s2+$0x0] =	vst.idx.add.f32.msk $0xffff, v7;
	v3 =	vmov v13  }
0xa6: {  	[tilespmem:v5+s2+$0x0] =	vst.idx.add.f32.msk $0xffff, v7;
	v5 =	vmov v21  }
0xa7: {  	v8 =	vadd.f32 v11, v8;
	[tilespmem:v1+s2+$0x0] =	vst.idx.add.f32.msk $0xffff, v6;
	v1 =	vmov v14  }
0xa8: {  	v11 =	vadd.f32 v17, v16;
	[tilespmem:v2+s2+$0x0] =	vst.idx.add.f32.msk $0xffff, v6;
	v2 =	vmov v15  }
.Ltmp4:
0xa9: {  	v7 =	vadd.f32 v19, v9;
	[tilespmem:v4+s2+$0x0] =	vst.idx.add.f32.msk $0xffff, v6;
	v4 =	vmov v22;
	(pc) =	sbr.rel @p3 .LBB2_6-.Ltmp4, $4  }
0xaa: {  	v6 =	vadd.f32 v23, v8;
	[tilespmem:v18+s2+$0x0] =	vst.idx.add.f32.msk $0xffff, v11  }
0xab: {  	[tilespmem:v10+s2+$0x0] =	vst.idx.add.f32.msk $0xffff, v11  }
0xac: {  	[tilespmem:v20+s2+$0x0] =	vst.idx.add.f32.msk $0xffff, v11  }
0xad: {  	s9 =	sadd.s32 $0x40, s9;
	[tilespmem:v12+s2+$0x0] =	vst.idx.add.f32.msk $0xffff, v7  }
0xae: {  	_ =	sdelay $0x3  }
0xaf: {  	[tilespmem:v3+s2+$0x0] =	vst.idx.add.f32.msk $0xffff, v7  }
0xb0: {  	[tilespmem:v1+s2+$0x0] =	vst.idx.add.f32.msk $0xffff, v6  }
0xb1: {  	[tilespmem:v5+s2+$0x0] =	vst.idx.add.f32.msk $0xffff, v7  }
0xb2: {  	[tilespmem:v2+s2+$0x0] =	vst.idx.add.f32.msk $0xffff, v6  }
0xb3: {  	[tilespmem:v4+s2+$0x0] =	vst.idx.add.f32.msk $0xffff, v6  }
0xb4: {  	_ =	swait.ge [sflag:s3], $0xC80  }
0xb5: {  	[sflag:s3] =	ssyncset.done $0x0  }
0xb6: {  	[sflag:s3] =	ssyncadd.s32 $0xFFFFF380  }
0xb7: {  	_ =	swait.ge [sflag:s3], $0xC80  }
0xb8: {  	[sflag:s3] =	ssyncset.done $0x0  }
0xb9: {  	[sflag:s3] =	ssyncadd.s32 $0xFFFFF380  }
0xba: {  	_ =	swait.ge [sflag:s3], $0xC80  }
0xbb: {  	[sflag:s3] =	ssyncset.done $0x0  }
0xbc: {  	s6 =	rddreg [dreg:$0x8];
	[sflag:s3] =	ssyncadd.s32 $0xFFFFF380  }
0xbd: {  	[tilespmem:s24], [sflag:$0x1] =	stream.linear.gather [hbm4b:s6+s1], $0xC80, $0x38;
	[tilespmem:$0x1DF80] =	vst v63  }
0xbe: {  	s8 =	rddreg [dreg:$0x9]  }
0xbf: {  	[tilespmem:s25], [sflag:$0x1] =	stream.linear.gather [hbm4b:s8+s1], $0xC80, $0x38;
	[tilespmem:$0x1DF80] =	vst v63  }
0xc0: {  	s9 =	rddreg [dreg:$0xa];
	s8 =	simm.s32 $0x1BA20  }
0xc1: {  	[tilespmem:s26], [sflag:$0x1] =	stream.linear.gather [hbm4b:s9+s1], $0xC80, $0x38;
	[tilespmem:$0x1DF80] =	vst v63  }
0xc2: {  	s6 =	simm.s32 $0x1C6A0;
	v6 =	vld [tilespmem:s8+$0x10]  }
0xc3: {  	v7 =	vld [tilespmem:s6+$0x10]  }
0xc4: {  	s7 =	simm.s32 $0x1D320;
	v8 =	vld [tilespmem:s6+$0xFFFFFFE0]  }
0xc5: {  	v9 =	vld [tilespmem:s7+$0x10]  }
0xc6: {  	v10 =	vld [tilespmem:s8+$0xFFFFFFF0]  }
0xc7: {  	v3 =	vld [tilespmem:s6+$0xFFFFFFF0]  }
0xc8: {  	v1 =	vld [tilespmem:s8+$0x0]  }
0xc9: {  	v2 =	vld [tilespmem:s6+$0x0]  }
0xca: {  	v13 =	vld [tilespmem:s8+$0xFFFFFFE0]  }
0xcb: {  	v15 =	vld [tilespmem:s7+$0xFFFFFFE0]  }
0xcc: {  	v5 =	vld [tilespmem:s7+$0xFFFFFFF0]  }
0xcd: {  	v11 =	vld.idx.msk [tilespmem:v6+s1+$0x0], $0xffff  }
0xce: {  	v12 =	vld.idx.msk [tilespmem:v7+s1+$0x0], $0xffff  }
0xcf: {  	v4 =	vld [tilespmem:s7+$0x0]  }
0xd0: {  	v14 =	vld.idx.msk [tilespmem:v9+s1+$0x0], $0xffff  }
0xd1: {  	v16 =	vld.idx.msk [tilespmem:v8+s1+$0x0], $0xffff  }
0xd2: {  	v59 =	vld.idx.msk [tilespmem:v10+s1+$0x0], $0xffff  }
0xd3: {  	v17 =	vld.idx.msk [tilespmem:v3+s1+$0x0], $0xffff;
	v11 =	vadd.f32 v12, v11  }
0xd4: {  	v60 =	vld.idx.msk [tilespmem:v13+s1+$0x0], $0xffff  }
0xd5: {  	v18 =	vld.idx.msk [tilespmem:v1+s1+$0x0], $0xffff;
	v11 =	vadd.f32 v14, v11  }
0xd6: {  	v61 =	vld.idx.msk [tilespmem:v5+s1+$0x0], $0xffff  }
0xd7: {  	[tilespmem:v6+s2+$0x0] =	vst.idx.add.f32.msk $0xffff, v11  }
0xd8: {  	v6 =	vld.idx.msk [tilespmem:v15+s1+$0x0], $0xffff  }
0xd9: {  	v19 =	vld.idx.msk [tilespmem:v2+s1+$0x0], $0xffff  }
0xda: {  	[tilespmem:v7+s2+$0x0] =	vst.idx.add.f32.msk $0xffff, v11;
	v7 =	vadd.f32 v17, v59  }
0xdb: {  	v14 =	vadd.f32 v16, v60  }
0xdc: {  	v62 =	vld.idx.msk [tilespmem:v4+s1+$0x0], $0xffff;
	v7 =	vadd.f32 v61, v7  }
0xdd: {  	[tilespmem:v9+s2+$0x0] =	vst.idx.add.f32.msk $0xffff, v11;
	v6 =	vadd.f32 v6, v14  }
0xde: {  	[tilespmem:v10+s2+$0x0] =	vst.idx.add.f32.msk $0xffff, v7  }
0xdf: {  	v63 =	vadd.f32 v19, v18;
	[tilespmem:v13+s2+$0x0] =	vst.idx.add.f32.msk $0xffff, v6  }
0xe0: {  	[tilespmem:v8+s2+$0x0] =	vst.idx.add.f32.msk $0xffff, v6  }
0xe1: {  	s9 =	simm.s32 $0x1BA60;
	s8 =	simm.s32 $0x0;
	[tilespmem:v15+s2+$0x0] =	vst.idx.add.f32.msk $0xffff, v6;
	v6 =	vadd.f32 v62, v63  }
.LBB2_8:
0xe2: {  	v8 =	vld [tilespmem:s9+$0x10];
	s6 =	sadd.s32 $0x40, s6  }
0xe3: {  	v9 =	vld [tilespmem:s6+$0x10]  }
0xe4: {  	s7 =	sadd.s32 $0x40, s7;
	v10 =	vld [tilespmem:s6+$0xFFFFFFE0]  }
0xe5: {  	s8 =	sadd.s32 $0x4, s8;
	v11 =	vld [tilespmem:s7+$0x10]  }
0xe6: {  	p3 =	slt.u32 s8, $0xC4;
	v12 =	vld [tilespmem:s9+$0xFFFFFFF0]  }
0xe7: {  	v13 =	vld [tilespmem:s6+$0xFFFFFFF0]  }
0xe8: {  	v14 =	vld [tilespmem:s9+$0x0]  }
0xe9: {  	v15 =	vld [tilespmem:s6+$0x0]  }
0xea: {  	v16 =	vld.idx.msk [tilespmem:v8+s1+$0x0], $0xffff  }
0xeb: {  	v17 =	vld.idx.msk [tilespmem:v9+s1+$0x0], $0xffff  }
0xec: {  	v18 =	vld [tilespmem:s9+$0xFFFFFFE0]  }
0xed: {  	v19 =	vld.idx.msk [tilespmem:v11+s1+$0x0], $0xffff  }
0xee: {  	v20 =	vld [tilespmem:s7+$0xFFFFFFE0]  }
0xef: {  	v21 =	vld [tilespmem:s7+$0xFFFFFFF0]  }
0xf0: {  	v22 =	vld [tilespmem:s7+$0x0]  }
0xf1: {  	v16 =	vadd.f32 v17, v16;
	v23 =	vld.idx.msk [tilespmem:v10+s1+$0x0], $0xffff  }
0xf2: {  	v17 =	vld.idx.msk [tilespmem:v12+s1+$0x0], $0xffff  }
0xf3: {  	v16 =	vadd.f32 v19, v16;
	v24 =	vld.idx.msk [tilespmem:v13+s1+$0x0], $0xffff  }
0xf4: {  	v19 =	vld.idx.msk [tilespmem:v18+s1+$0x0], $0xffff  }
0xf5: {  	[tilespmem:v8+s2+$0x0] =	vst.idx.add.f32.msk $0xffff, v16  }
0xf6: {  	[tilespmem:v9+s2+$0x0] =	vst.idx.add.f32.msk $0xffff, v16  }
0xf7: {  	[tilespmem:v11+s2+$0x0] =	vst.idx.add.f32.msk $0xffff, v16  }
0xf8: {  	v8 =	vld.idx.msk [tilespmem:v14+s1+$0x0], $0xffff  }
0xf9: {  	v9 =	vadd.f32 v24, v17;
	v11 =	vld.idx.msk [tilespmem:v15+s1+$0x0], $0xffff  }
0xfa: {  	v16 =	vadd.f32 v23, v19;
	v17 =	vld.idx.msk [tilespmem:v20+s1+$0x0], $0xffff  }
0xfb: {  	v19 =	vld.idx.msk [tilespmem:v21+s1+$0x0], $0xffff  }
0xfc: {  	v23 =	vld.idx.msk [tilespmem:v22+s1+$0x0], $0xffff  }
0xfd: {  	[tilespmem:v3+s2+$0x0] =	vst.idx.add.f32.msk $0xffff, v7;
	v3 =	vmov v13  }
0xfe: {  	[tilespmem:v5+s2+$0x0] =	vst.idx.add.f32.msk $0xffff, v7;
	v5 =	vmov v21  }
0xff: {  	v8 =	vadd.f32 v11, v8;
	[tilespmem:v1+s2+$0x0] =	vst.idx.add.f32.msk $0xffff, v6;
	v1 =	vmov v14  }
0x100: {  	v11 =	vadd.f32 v17, v16;
	[tilespmem:v2+s2+$0x0] =	vst.idx.add.f32.msk $0xffff, v6;
	v2 =	vmov v15  }
.Ltmp5:
0x101: {  	v7 =	vadd.f32 v19, v9;
	[tilespmem:v4+s2+$0x0] =	vst.idx.add.f32.msk $0xffff, v6;
	v4 =	vmov v22;
	(pc) =	sbr.rel @p3 .LBB2_8-.Ltmp5, $4  }
0x102: {  	v6 =	vadd.f32 v23, v8;
	[tilespmem:v18+s2+$0x0] =	vst.idx.add.f32.msk $0xffff, v11  }
0x103: {  	[tilespmem:v10+s2+$0x0] =	vst.idx.add.f32.msk $0xffff, v11  }
0x104: {  	[tilespmem:v20+s2+$0x0] =	vst.idx.add.f32.msk $0xffff, v11  }
0x105: {  	s9 =	sadd.s32 $0x40, s9;
	[tilespmem:v12+s2+$0x0] =	vst.idx.add.f32.msk $0xffff, v7  }
0x106: {  	_ =	sdelay $0x3  }
0x107: {  	[tilespmem:v3+s2+$0x0] =	vst.idx.add.f32.msk $0xffff, v7  }
0x108: {  	[tilespmem:v1+s2+$0x0] =	vst.idx.add.f32.msk $0xffff, v6  }
0x109: {  	[tilespmem:v5+s2+$0x0] =	vst.idx.add.f32.msk $0xffff, v7  }
0x10a: {  	[tilespmem:v2+s2+$0x0] =	vst.idx.add.f32.msk $0xffff, v6  }
0x10b: {  	[tilespmem:v4+s2+$0x0] =	vst.idx.add.f32.msk $0xffff, v6  }
0x10c: {  	_ =	swait.ge [sflag:s29], $0xC80  }
0x10d: {  	[sflag:s29] =	ssyncset.done $0x0  }
0x10e: {  	[sflag:s29] =	ssyncadd.s32 $0xFFFFF380  }
0x10f: {  	_ =	swait.ge [sflag:s29], $0xC80  }
0x110: {  	[sflag:s29] =	ssyncset.done $0x0  }
0x111: {  	[sflag:s29] =	ssyncadd.s32 $0xFFFFF380  }
0x112: {  	_ =	swait.ge [sflag:s29], $0xC80  }
0x113: {  	[sflag:s29] =	ssyncset.done $0x0  }
0x114: {  	s6 =	rddreg [dreg:$0xb];
	[sflag:s29] =	ssyncadd.s32 $0xFFFFF380  }
0x115: {  	[tilespmem:s30], [sflag:$0x2] =	stream.linear.gather [hbm4b:s6+s1], $0xC80, $0x38;
	[tilespmem:$0x1DF80] =	vst v63  }
0x116: {  	s8 =	rddreg [dreg:$0xc]  }
0x117: {  	[tilespmem:s31], [sflag:$0x2] =	stream.linear.gather [hbm4b:s8+s1], $0xC80, $0x38;
	[tilespmem:$0x1DF80] =	vst v63  }
0x118: {  	s9 =	rddreg [dreg:$0xd];
	s8 =	simm.s32 $0x194A0  }
0x119: {  	[tilespmem:s0], [sflag:$0x2] =	stream.linear.gather [hbm4b:s9+s1], $0xC80, $0x38;
	[tilespmem:$0x1DF80] =	vst v63  }
0x11a: {  	s6 =	simm.s32 $0x1A120;
	v6 =	vld [tilespmem:s8+$0x10]  }
0x11b: {  	v7 =	vld [tilespmem:s6+$0x10]  }
0x11c: {  	s7 =	simm.s32 $0x1ADA0;
	v8 =	vld [tilespmem:s6+$0xFFFFFFE0]  }
0x11d: {  	v9 =	vld [tilespmem:s7+$0x10]  }
0x11e: {  	v10 =	vld [tilespmem:s8+$0xFFFFFFF0]  }
0x11f: {  	v3 =	vld [tilespmem:s6+$0xFFFFFFF0]  }
0x120: {  	v1 =	vld [tilespmem:s8+$0x0]  }
0x121: {  	v2 =	vld [tilespmem:s6+$0x0]  }
0x122: {  	v13 =	vld [tilespmem:s8+$0xFFFFFFE0]  }
0x123: {  	v15 =	vld [tilespmem:s7+$0xFFFFFFE0]  }
0x124: {  	v5 =	vld [tilespmem:s7+$0xFFFFFFF0]  }
0x125: {  	v11 =	vld.idx.msk [tilespmem:v6+s1+$0x0], $0xffff  }
0x126: {  	v12 =	vld.idx.msk [tilespmem:v7+s1+$0x0], $0xffff  }
0x127: {  	v4 =	vld [tilespmem:s7+$0x0]  }
0x128: {  	v14 =	vld.idx.msk [tilespmem:v9+s1+$0x0], $0xffff  }
0x129: {  	v16 =	vld.idx.msk [tilespmem:v8+s1+$0x0], $0xffff  }
0x12a: {  	v59 =	vld.idx.msk [tilespmem:v10+s1+$0x0], $0xffff  }
0x12b: {  	v17 =	vld.idx.msk [tilespmem:v3+s1+$0x0], $0xffff;
	v11 =	vadd.f32 v12, v11  }
0x12c: {  	v60 =	vld.idx.msk [tilespmem:v13+s1+$0x0], $0xffff  }
0x12d: {  	v18 =	vld.idx.msk [tilespmem:v1+s1+$0x0], $0xffff;
	v11 =	vadd.f32 v14, v11  }
0x12e: {  	v61 =	vld.idx.msk [tilespmem:v5+s1+$0x0], $0xffff  }
0x12f: {  	[tilespmem:v6+s2+$0x0] =	vst.idx.add.f32.msk $0xffff, v11  }
0x130: {  	v6 =	vld.idx.msk [tilespmem:v15+s1+$0x0], $0xffff  }
0x131: {  	v19 =	vld.idx.msk [tilespmem:v2+s1+$0x0], $0xffff  }
0x132: {  	[tilespmem:v7+s2+$0x0] =	vst.idx.add.f32.msk $0xffff, v11;
	v7 =	vadd.f32 v17, v59  }
0x133: {  	v14 =	vadd.f32 v16, v60  }
0x134: {  	v62 =	vld.idx.msk [tilespmem:v4+s1+$0x0], $0xffff;
	v7 =	vadd.f32 v61, v7  }
0x135: {  	[tilespmem:v9+s2+$0x0] =	vst.idx.add.f32.msk $0xffff, v11;
	v6 =	vadd.f32 v6, v14  }
0x136: {  	[tilespmem:v10+s2+$0x0] =	vst.idx.add.f32.msk $0xffff, v7  }
0x137: {  	v63 =	vadd.f32 v19, v18;
	[tilespmem:v13+s2+$0x0] =	vst.idx.add.f32.msk $0xffff, v6  }
0x138: {  	[tilespmem:v8+s2+$0x0] =	vst.idx.add.f32.msk $0xffff, v6  }
0x139: {  	s9 =	simm.s32 $0x194E0;
	s8 =	simm.s32 $0x0;
	[tilespmem:v15+s2+$0x0] =	vst.idx.add.f32.msk $0xffff, v6;
	v6 =	vadd.f32 v62, v63  }
.LBB2_10:
0x13a: {  	v8 =	vld [tilespmem:s9+$0x10];
	s6 =	sadd.s32 $0x40, s6  }
0x13b: {  	v9 =	vld [tilespmem:s6+$0x10]  }
0x13c: {  	s7 =	sadd.s32 $0x40, s7;
	v10 =	vld [tilespmem:s6+$0xFFFFFFE0]  }
0x13d: {  	s8 =	sadd.s32 $0x4, s8;
	v11 =	vld [tilespmem:s7+$0x10]  }
0x13e: {  	p3 =	slt.u32 s8, $0xC4;
	v12 =	vld [tilespmem:s9+$0xFFFFFFF0]  }
0x13f: {  	v13 =	vld [tilespmem:s6+$0xFFFFFFF0]  }
0x140: {  	v14 =	vld [tilespmem:s9+$0x0]  }
0x141: {  	v15 =	vld [tilespmem:s6+$0x0]  }
0x142: {  	v16 =	vld.idx.msk [tilespmem:v8+s1+$0x0], $0xffff  }
0x143: {  	v17 =	vld.idx.msk [tilespmem:v9+s1+$0x0], $0xffff  }
0x144: {  	v18 =	vld [tilespmem:s9+$0xFFFFFFE0]  }
0x145: {  	v19 =	vld.idx.msk [tilespmem:v11+s1+$0x0], $0xffff  }
0x146: {  	v20 =	vld [tilespmem:s7+$0xFFFFFFE0]  }
0x147: {  	v21 =	vld [tilespmem:s7+$0xFFFFFFF0]  }
0x148: {  	v22 =	vld [tilespmem:s7+$0x0]  }
0x149: {  	v16 =	vadd.f32 v17, v16;
	v23 =	vld.idx.msk [tilespmem:v10+s1+$0x0], $0xffff  }
0x14a: {  	v17 =	vld.idx.msk [tilespmem:v12+s1+$0x0], $0xffff  }
0x14b: {  	v16 =	vadd.f32 v19, v16;
	v24 =	vld.idx.msk [tilespmem:v13+s1+$0x0], $0xffff  }
0x14c: {  	v19 =	vld.idx.msk [tilespmem:v18+s1+$0x0], $0xffff  }
0x14d: {  	[tilespmem:v8+s2+$0x0] =	vst.idx.add.f32.msk $0xffff, v16  }
0x14e: {  	[tilespmem:v9+s2+$0x0] =	vst.idx.add.f32.msk $0xffff, v16  }
0x14f: {  	[tilespmem:v11+s2+$0x0] =	vst.idx.add.f32.msk $0xffff, v16  }
0x150: {  	v8 =	vld.idx.msk [tilespmem:v14+s1+$0x0], $0xffff  }
0x151: {  	v9 =	vadd.f32 v24, v17;
	v11 =	vld.idx.msk [tilespmem:v15+s1+$0x0], $0xffff  }
0x152: {  	v16 =	vadd.f32 v23, v19;
	v17 =	vld.idx.msk [tilespmem:v20+s1+$0x0], $0xffff  }
0x153: {  	v19 =	vld.idx.msk [tilespmem:v21+s1+$0x0], $0xffff  }
0x154: {  	v23 =	vld.idx.msk [tilespmem:v22+s1+$0x0], $0xffff  }
0x155: {  	[tilespmem:v3+s2+$0x0] =	vst.idx.add.f32.msk $0xffff, v7;
	v3 =	vmov v13  }
0x156: {  	[tilespmem:v5+s2+$0x0] =	vst.idx.add.f32.msk $0xffff, v7;
	v5 =	vmov v21  }
0x157: {  	v8 =	vadd.f32 v11, v8;
	[tilespmem:v1+s2+$0x0] =	vst.idx.add.f32.msk $0xffff, v6;
	v1 =	vmov v14  }
0x158: {  	v11 =	vadd.f32 v17, v16;
	[tilespmem:v2+s2+$0x0] =	vst.idx.add.f32.msk $0xffff, v6;
	v2 =	vmov v15  }
.Ltmp6:
0x159: {  	v7 =	vadd.f32 v19, v9;
	[tilespmem:v4+s2+$0x0] =	vst.idx.add.f32.msk $0xffff, v6;
	v4 =	vmov v22;
	(pc) =	sbr.rel @p3 .LBB2_10-.Ltmp6, $4  }
0x15a: {  	v6 =	vadd.f32 v23, v8;
	[tilespmem:v18+s2+$0x0] =	vst.idx.add.f32.msk $0xffff, v11  }
0x15b: {  	[tilespmem:v10+s2+$0x0] =	vst.idx.add.f32.msk $0xffff, v11  }
0x15c: {  	[tilespmem:v20+s2+$0x0] =	vst.idx.add.f32.msk $0xffff, v11  }
0x15d: {  	s9 =	sadd.s32 $0x40, s9;
	[tilespmem:v12+s2+$0x0] =	vst.idx.add.f32.msk $0xffff, v7  }
0x15e: {  	_ =	sdelay $0x3  }
0x15f: {  	[tilespmem:v3+s2+$0x0] =	vst.idx.add.f32.msk $0xffff, v7  }
0x160: {  	[tilespmem:v1+s2+$0x0] =	vst.idx.add.f32.msk $0xffff, v6  }
0x161: {  	[tilespmem:v5+s2+$0x0] =	vst.idx.add.f32.msk $0xffff, v7  }
0x162: {  	[tilespmem:v2+s2+$0x0] =	vst.idx.add.f32.msk $0xffff, v6  }
0x163: {  	[tilespmem:v4+s2+$0x0] =	vst.idx.add.f32.msk $0xffff, v6  }
0x164: {  	_ =	swait.ge [sflag:s3], $0xC80  }
0x165: {  	[sflag:s3] =	ssyncset.done $0x0  }
0x166: {  	[sflag:s3] =	ssyncadd.s32 $0xFFFFF380  }
0x167: {  	_ =	swait.ge [sflag:s3], $0xC80  }
0x168: {  	[sflag:s3] =	ssyncset.done $0x0  }
0x169: {  	[sflag:s3] =	ssyncadd.s32 $0xFFFFF380  }
0x16a: {  	_ =	swait.ge [sflag:s3], $0xC80  }
0x16b: {  	[sflag:s3] =	ssyncset.done $0x0  }
0x16c: {  	s6 =	rddreg [dreg:$0xe];
	[sflag:s3] =	ssyncadd.s32 $0xFFFFF380  }
0x16d: {  	[tilespmem:s24], [sflag:$0x1] =	stream.linear.gather [hbm4b:s6+s1], $0xC80, $0x38;
	[tilespmem:$0x1DF80] =	vst v63  }
0x16e: {  	s8 =	rddreg [dreg:$0xf]  }
0x16f: {  	[tilespmem:s25], [sflag:$0x1] =	stream.linear.gather [hbm4b:s8+s1], $0xC80, $0x38;
	[tilespmem:$0x1DF80] =	vst v63  }
0x170: {  	s9 =	rddreg [dreg:$0x10];
	s8 =	simm.s32 $0x1BA20  }
0x171: {  	[tilespmem:s26], [sflag:$0x1] =	stream.linear.gather [hbm4b:s9+s1], $0xC80, $0x38;
	[tilespmem:$0x1DF80] =	vst v63  }
0x172: {  	s6 =	simm.s32 $0x1C6A0;
	v6 =	vld [tilespmem:s8+$0x10]  }
0x173: {  	v7 =	vld [tilespmem:s6+$0x10]  }
0x174: {  	s7 =	simm.s32 $0x1D320;
	v8 =	vld [tilespmem:s6+$0xFFFFFFE0]  }
0x175: {  	v9 =	vld [tilespmem:s7+$0x10]  }
0x176: {  	v10 =	vld [tilespmem:s8+$0xFFFFFFF0]  }
0x177: {  	v3 =	vld [tilespmem:s6+$0xFFFFFFF0]  }
0x178: {  	v1 =	vld [tilespmem:s8+$0x0]  }
0x179: {  	v2 =	vld [tilespmem:s6+$0x0]  }
0x17a: {  	v13 =	vld [tilespmem:s8+$0xFFFFFFE0]  }
0x17b: {  	v15 =	vld [tilespmem:s7+$0xFFFFFFE0]  }
0x17c: {  	v5 =	vld [tilespmem:s7+$0xFFFFFFF0]  }
0x17d: {  	v11 =	vld.idx.msk [tilespmem:v6+s1+$0x0], $0xffff  }
0x17e: {  	v12 =	vld.idx.msk [tilespmem:v7+s1+$0x0], $0xffff  }
0x17f: {  	v4 =	vld [tilespmem:s7+$0x0]  }
0x180: {  	v14 =	vld.idx.msk [tilespmem:v9+s1+$0x0], $0xffff  }
0x181: {  	v16 =	vld.idx.msk [tilespmem:v8+s1+$0x0], $0xffff  }
0x182: {  	v59 =	vld.idx.msk [tilespmem:v10+s1+$0x0], $0xffff  }
0x183: {  	v17 =	vld.idx.msk [tilespmem:v3+s1+$0x0], $0xffff;
	v11 =	vadd.f32 v12, v11  }
0x184: {  	v60 =	vld.idx.msk [tilespmem:v13+s1+$0x0], $0xffff  }
0x185: {  	v18 =	vld.idx.msk [tilespmem:v1+s1+$0x0], $0xffff;
	v11 =	vadd.f32 v14, v11  }
0x186: {  	v61 =	vld.idx.msk [tilespmem:v5+s1+$0x0], $0xffff  }
0x187: {  	[tilespmem:v6+s2+$0x0] =	vst.idx.add.f32.msk $0xffff, v11  }
0x188: {  	v6 =	vld.idx.msk [tilespmem:v15+s1+$0x0], $0xffff  }
0x189: {  	v19 =	vld.idx.msk [tilespmem:v2+s1+$0x0], $0xffff  }
0x18a: {  	[tilespmem:v7+s2+$0x0] =	vst.idx.add.f32.msk $0xffff, v11;
	v7 =	vadd.f32 v17, v59  }
0x18b: {  	v14 =	vadd.f32 v16, v60  }
0x18c: {  	v62 =	vld.idx.msk [tilespmem:v4+s1+$0x0], $0xffff;
	v7 =	vadd.f32 v61, v7  }
0x18d: {  	[tilespmem:v9+s2+$0x0] =	vst.idx.add.f32.msk $0xffff, v11;
	v6 =	vadd.f32 v6, v14  }
0x18e: {  	[tilespmem:v10+s2+$0x0] =	vst.idx.add.f32.msk $0xffff, v7  }
0x18f: {  	v63 =	vadd.f32 v19, v18;
	[tilespmem:v13+s2+$0x0] =	vst.idx.add.f32.msk $0xffff, v6  }
0x190: {  	[tilespmem:v8+s2+$0x0] =	vst.idx.add.f32.msk $0xffff, v6  }
0x191: {  	s9 =	simm.s32 $0x1BA60;
	s8 =	simm.s32 $0x0;
	[tilespmem:v15+s2+$0x0] =	vst.idx.add.f32.msk $0xffff, v6;
	v6 =	vadd.f32 v62, v63  }
.LBB2_12:
0x192: {  	v8 =	vld [tilespmem:s9+$0x10];
	s6 =	sadd.s32 $0x40, s6  }
0x193: {  	v9 =	vld [tilespmem:s6+$0x10]  }
0x194: {  	s7 =	sadd.s32 $0x40, s7;
	v10 =	vld [tilespmem:s6+$0xFFFFFFE0]  }
0x195: {  	s8 =	sadd.s32 $0x4, s8;
	v11 =	vld [tilespmem:s7+$0x10]  }
0x196: {  	p3 =	slt.u32 s8, $0xC4;
	v12 =	vld [tilespmem:s9+$0xFFFFFFF0]  }
0x197: {  	v13 =	vld [tilespmem:s6+$0xFFFFFFF0]  }
0x198: {  	v14 =	vld [tilespmem:s9+$0x0]  }
0x199: {  	v15 =	vld [tilespmem:s6+$0x0]  }
0x19a: {  	v16 =	vld.idx.msk [tilespmem:v8+s1+$0x0], $0xffff  }
0x19b: {  	v17 =	vld.idx.msk [tilespmem:v9+s1+$0x0], $0xffff  }
0x19c: {  	v18 =	vld [tilespmem:s9+$0xFFFFFFE0]  }
0x19d: {  	v19 =	vld.idx.msk [tilespmem:v11+s1+$0x0], $0xffff  }
0x19e: {  	v20 =	vld [tilespmem:s7+$0xFFFFFFE0]  }
0x19f: {  	v21 =	vld [tilespmem:s7+$0xFFFFFFF0]  }
0x1a0: {  	v22 =	vld [tilespmem:s7+$0x0]  }
0x1a1: {  	v16 =	vadd.f32 v17, v16;
	v23 =	vld.idx.msk [tilespmem:v10+s1+$0x0], $0xffff  }
0x1a2: {  	v17 =	vld.idx.msk [tilespmem:v12+s1+$0x0], $0xffff  }
0x1a3: {  	v16 =	vadd.f32 v19, v16;
	v24 =	vld.idx.msk [tilespmem:v13+s1+$0x0], $0xffff  }
0x1a4: {  	v19 =	vld.idx.msk [tilespmem:v18+s1+$0x0], $0xffff  }
0x1a5: {  	[tilespmem:v8+s2+$0x0] =	vst.idx.add.f32.msk $0xffff, v16  }
0x1a6: {  	[tilespmem:v9+s2+$0x0] =	vst.idx.add.f32.msk $0xffff, v16  }
0x1a7: {  	[tilespmem:v11+s2+$0x0] =	vst.idx.add.f32.msk $0xffff, v16  }
0x1a8: {  	v8 =	vld.idx.msk [tilespmem:v14+s1+$0x0], $0xffff  }
0x1a9: {  	v9 =	vadd.f32 v24, v17;
	v11 =	vld.idx.msk [tilespmem:v15+s1+$0x0], $0xffff  }
0x1aa: {  	v16 =	vadd.f32 v23, v19;
	v17 =	vld.idx.msk [tilespmem:v20+s1+$0x0], $0xffff  }
0x1ab: {  	v19 =	vld.idx.msk [tilespmem:v21+s1+$0x0], $0xffff  }
0x1ac: {  	v23 =	vld.idx.msk [tilespmem:v22+s1+$0x0], $0xffff  }
0x1ad: {  	[tilespmem:v3+s2+$0x0] =	vst.idx.add.f32.msk $0xffff, v7;
	v3 =	vmov v13  }
0x1ae: {  	[tilespmem:v5+s2+$0x0] =	vst.idx.add.f32.msk $0xffff, v7;
	v5 =	vmov v21  }
0x1af: {  	v8 =	vadd.f32 v11, v8;
	[tilespmem:v1+s2+$0x0] =	vst.idx.add.f32.msk $0xffff, v6;
	v1 =	vmov v14  }
0x1b0: {  	v11 =	vadd.f32 v17, v16;
	[tilespmem:v2+s2+$0x0] =	vst.idx.add.f32.msk $0xffff, v6;
	v2 =	vmov v15  }
.Ltmp7:
0x1b1: {  	v7 =	vadd.f32 v19, v9;
	[tilespmem:v4+s2+$0x0] =	vst.idx.add.f32.msk $0xffff, v6;
	v4 =	vmov v22;
	(pc) =	sbr.rel @p3 .LBB2_12-.Ltmp7, $4  }
0x1b2: {  	v6 =	vadd.f32 v23, v8;
	[tilespmem:v18+s2+$0x0] =	vst.idx.add.f32.msk $0xffff, v11  }
0x1b3: {  	[tilespmem:v10+s2+$0x0] =	vst.idx.add.f32.msk $0xffff, v11  }
0x1b4: {  	[tilespmem:v20+s2+$0x0] =	vst.idx.add.f32.msk $0xffff, v11  }
0x1b5: {  	s9 =	sadd.s32 $0x40, s9;
	[tilespmem:v12+s2+$0x0] =	vst.idx.add.f32.msk $0xffff, v7  }
0x1b6: {  	_ =	sdelay $0x3  }
0x1b7: {  	[tilespmem:v3+s2+$0x0] =	vst.idx.add.f32.msk $0xffff, v7  }
0x1b8: {  	[tilespmem:v1+s2+$0x0] =	vst.idx.add.f32.msk $0xffff, v6  }
0x1b9: {  	[tilespmem:v5+s2+$0x0] =	vst.idx.add.f32.msk $0xffff, v7  }
0x1ba: {  	[tilespmem:v2+s2+$0x0] =	vst.idx.add.f32.msk $0xffff, v6  }
0x1bb: {  	[tilespmem:v4+s2+$0x0] =	vst.idx.add.f32.msk $0xffff, v6  }
0x1bc: {  	_ =	swait.ge [sflag:s29], $0xC80  }
0x1bd: {  	[sflag:s29] =	ssyncset.done $0x0  }
0x1be: {  	[sflag:s29] =	ssyncadd.s32 $0xFFFFF380  }
0x1bf: {  	_ =	swait.ge [sflag:s29], $0xC80  }
0x1c0: {  	[sflag:s29] =	ssyncset.done $0x0  }
0x1c1: {  	[sflag:s29] =	ssyncadd.s32 $0xFFFFF380  }
0x1c2: {  	_ =	swait.ge [sflag:s29], $0xC80  }
0x1c3: {  	[sflag:s29] =	ssyncset.done $0x0  }
0x1c4: {  	s6 =	rddreg [dreg:$0x11];
	[sflag:s29] =	ssyncadd.s32 $0xFFFFF380  }
0x1c5: {  	[tilespmem:s30], [sflag:$0x2] =	stream.linear.gather [hbm4b:s6+s1], $0xC80, $0x38;
	[tilespmem:$0x1DF80] =	vst v63  }
0x1c6: {  	s8 =	rddreg [dreg:$0x12]  }
0x1c7: {  	[tilespmem:s31], [sflag:$0x2] =	stream.linear.gather [hbm4b:s8+s1], $0xC80, $0x38;
	[tilespmem:$0x1DF80] =	vst v63  }
0x1c8: {  	s9 =	rddreg [dreg:$0x13];
	s8 =	simm.s32 $0x194A0  }
0x1c9: {  	[tilespmem:s0], [sflag:$0x2] =	stream.linear.gather [hbm4b:s9+s1], $0xC80, $0x38;
	[tilespmem:$0x1DF80] =	vst v63  }
0x1ca: {  	s6 =	simm.s32 $0x1A120;
	v6 =	vld [tilespmem:s8+$0x10]  }
0x1cb: {  	v7 =	vld [tilespmem:s6+$0x10]  }
0x1cc: {  	s7 =	simm.s32 $0x1ADA0;
	v8 =	vld [tilespmem:s6+$0xFFFFFFE0]  }
0x1cd: {  	v9 =	vld [tilespmem:s7+$0x10]  }
0x1ce: {  	v10 =	vld [tilespmem:s8+$0xFFFFFFF0]  }
0x1cf: {  	v3 =	vld [tilespmem:s6+$0xFFFFFFF0]  }
0x1d0: {  	v1 =	vld [tilespmem:s8+$0x0]  }
0x1d1: {  	v2 =	vld [tilespmem:s6+$0x0]  }
0x1d2: {  	v13 =	vld [tilespmem:s8+$0xFFFFFFE0]  }
0x1d3: {  	v15 =	vld [tilespmem:s7+$0xFFFFFFE0]  }
0x1d4: {  	v5 =	vld [tilespmem:s7+$0xFFFFFFF0]  }
0x1d5: {  	v11 =	vld.idx.msk [tilespmem:v6+s1+$0x0], $0xffff  }
0x1d6: {  	v12 =	vld.idx.msk [tilespmem:v7+s1+$0x0], $0xffff  }
0x1d7: {  	v4 =	vld [tilespmem:s7+$0x0]  }
0x1d8: {  	v14 =	vld.idx.msk [tilespmem:v9+s1+$0x0], $0xffff  }
0x1d9: {  	v16 =	vld.idx.msk [tilespmem:v8+s1+$0x0], $0xffff  }
0x1da: {  	v59 =	vld.idx.msk [tilespmem:v10+s1+$0x0], $0xffff  }
0x1db: {  	v17 =	vld.idx.msk [tilespmem:v3+s1+$0x0], $0xffff;
	v11 =	vadd.f32 v12, v11  }
0x1dc: {  	v60 =	vld.idx.msk [tilespmem:v13+s1+$0x0], $0xffff  }
0x1dd: {  	v18 =	vld.idx.msk [tilespmem:v1+s1+$0x0], $0xffff;
	v11 =	vadd.f32 v14, v11  }
0x1de: {  	v61 =	vld.idx.msk [tilespmem:v5+s1+$0x0], $0xffff  }
0x1df: {  	[tilespmem:v6+s2+$0x0] =	vst.idx.add.f32.msk $0xffff, v11  }
0x1e0: {  	v6 =	vld.idx.msk [tilespmem:v15+s1+$0x0], $0xffff  }
0x1e1: {  	v19 =	vld.idx.msk [tilespmem:v2+s1+$0x0], $0xffff  }
0x1e2: {  	[tilespmem:v7+s2+$0x0] =	vst.idx.add.f32.msk $0xffff, v11;
	v7 =	vadd.f32 v17, v59  }
0x1e3: {  	v14 =	vadd.f32 v16, v60  }
0x1e4: {  	v62 =	vld.idx.msk [tilespmem:v4+s1+$0x0], $0xffff;
	v7 =	vadd.f32 v61, v7  }
0x1e5: {  	[tilespmem:v9+s2+$0x0] =	vst.idx.add.f32.msk $0xffff, v11;
	v6 =	vadd.f32 v6, v14  }
0x1e6: {  	[tilespmem:v10+s2+$0x0] =	vst.idx.add.f32.msk $0xffff, v7  }
0x1e7: {  	v63 =	vadd.f32 v19, v18;
	[tilespmem:v13+s2+$0x0] =	vst.idx.add.f32.msk $0xffff, v6  }
0x1e8: {  	[tilespmem:v8+s2+$0x0] =	vst.idx.add.f32.msk $0xffff, v6  }
0x1e9: {  	s9 =	simm.s32 $0x194E0;
	s8 =	simm.s32 $0x0;
	[tilespmem:v15+s2+$0x0] =	vst.idx.add.f32.msk $0xffff, v6;
	v6 =	vadd.f32 v62, v63  }
.LBB2_14:
0x1ea: {  	v8 =	vld [tilespmem:s9+$0x10];
	s6 =	sadd.s32 $0x40, s6  }
0x1eb: {  	v9 =	vld [tilespmem:s6+$0x10]  }
0x1ec: {  	s7 =	sadd.s32 $0x40, s7;
	v10 =	vld [tilespmem:s6+$0xFFFFFFE0]  }
0x1ed: {  	s8 =	sadd.s32 $0x4, s8;
	v11 =	vld [tilespmem:s7+$0x10]  }
0x1ee: {  	p3 =	slt.u32 s8, $0xC4;
	v12 =	vld [tilespmem:s9+$0xFFFFFFF0]  }
0x1ef: {  	v13 =	vld [tilespmem:s6+$0xFFFFFFF0]  }
0x1f0: {  	v14 =	vld [tilespmem:s9+$0x0]  }
0x1f1: {  	v15 =	vld [tilespmem:s6+$0x0]  }
0x1f2: {  	v16 =	vld.idx.msk [tilespmem:v8+s1+$0x0], $0xffff  }
0x1f3: {  	v17 =	vld.idx.msk [tilespmem:v9+s1+$0x0], $0xffff  }
0x1f4: {  	v18 =	vld [tilespmem:s9+$0xFFFFFFE0]  }
0x1f5: {  	v19 =	vld.idx.msk [tilespmem:v11+s1+$0x0], $0xffff  }
0x1f6: {  	v20 =	vld [tilespmem:s7+$0xFFFFFFE0]  }
0x1f7: {  	v21 =	vld [tilespmem:s7+$0xFFFFFFF0]  }
0x1f8: {  	v22 =	vld [tilespmem:s7+$0x0]  }
0x1f9: {  	v16 =	vadd.f32 v17, v16;
	v23 =	vld.idx.msk [tilespmem:v10+s1+$0x0], $0xffff  }
0x1fa: {  	v17 =	vld.idx.msk [tilespmem:v12+s1+$0x0], $0xffff  }
0x1fb: {  	v16 =	vadd.f32 v19, v16;
	v24 =	vld.idx.msk [tilespmem:v13+s1+$0x0], $0xffff  }
0x1fc: {  	v19 =	vld.idx.msk [tilespmem:v18+s1+$0x0], $0xffff  }
0x1fd: {  	[tilespmem:v8+s2+$0x0] =	vst.idx.add.f32.msk $0xffff, v16  }
0x1fe: {  	[tilespmem:v9+s2+$0x0] =	vst.idx.add.f32.msk $0xffff, v16  }
0x1ff: {  	[tilespmem:v11+s2+$0x0] =	vst.idx.add.f32.msk $0xffff, v16  }
0x200: {  	v8 =	vld.idx.msk [tilespmem:v14+s1+$0x0], $0xffff  }
0x201: {  	v9 =	vadd.f32 v24, v17;
	v11 =	vld.idx.msk [tilespmem:v15+s1+$0x0], $0xffff  }
0x202: {  	v16 =	vadd.f32 v23, v19;
	v17 =	vld.idx.msk [tilespmem:v20+s1+$0x0], $0xffff  }
0x203: {  	v19 =	vld.idx.msk [tilespmem:v21+s1+$0x0], $0xffff  }
0x204: {  	v23 =	vld.idx.msk [tilespmem:v22+s1+$0x0], $0xffff  }
0x205: {  	[tilespmem:v3+s2+$0x0] =	vst.idx.add.f32.msk $0xffff, v7;
	v3 =	vmov v13  }
0x206: {  	[tilespmem:v5+s2+$0x0] =	vst.idx.add.f32.msk $0xffff, v7;
	v5 =	vmov v21  }
0x207: {  	v8 =	vadd.f32 v11, v8;
	[tilespmem:v1+s2+$0x0] =	vst.idx.add.f32.msk $0xffff, v6;
	v1 =	vmov v14  }
0x208: {  	v11 =	vadd.f32 v17, v16;
	[tilespmem:v2+s2+$0x0] =	vst.idx.add.f32.msk $0xffff, v6;
	v2 =	vmov v15  }
.Ltmp8:
0x209: {  	v7 =	vadd.f32 v19, v9;
	[tilespmem:v4+s2+$0x0] =	vst.idx.add.f32.msk $0xffff, v6;
	v4 =	vmov v22;
	(pc) =	sbr.rel @p3 .LBB2_14-.Ltmp8, $4  }
0x20a: {  	v6 =	vadd.f32 v23, v8;
	[tilespmem:v18+s2+$0x0] =	vst.idx.add.f32.msk $0xffff, v11  }
0x20b: {  	[tilespmem:v10+s2+$0x0] =	vst.idx.add.f32.msk $0xffff, v11  }
0x20c: {  	[tilespmem:v20+s2+$0x0] =	vst.idx.add.f32.msk $0xffff, v11  }
0x20d: {  	s9 =	sadd.s32 $0x40, s9;
	[tilespmem:v12+s2+$0x0] =	vst.idx.add.f32.msk $0xffff, v7  }
0x20e: {  	_ =	sdelay $0x3  }
0x20f: {  	[tilespmem:v3+s2+$0x0] =	vst.idx.add.f32.msk $0xffff, v7  }
0x210: {  	[tilespmem:v1+s2+$0x0] =	vst.idx.add.f32.msk $0xffff, v6  }
0x211: {  	[tilespmem:v5+s2+$0x0] =	vst.idx.add.f32.msk $0xffff, v7  }
0x212: {  	[tilespmem:v2+s2+$0x0] =	vst.idx.add.f32.msk $0xffff, v6  }
0x213: {  	[tilespmem:v4+s2+$0x0] =	vst.idx.add.f32.msk $0xffff, v6  }
0x214: {  	_ =	swait.ge [sflag:s3], $0xC80  }
0x215: {  	[sflag:s3] =	ssyncset.done $0x0  }
0x216: {  	[sflag:s3] =	ssyncadd.s32 $0xFFFFF380  }
0x217: {  	_ =	swait.ge [sflag:s3], $0xC80  }
0x218: {  	[sflag:s3] =	ssyncset.done $0x0  }
0x219: {  	[sflag:s3] =	ssyncadd.s32 $0xFFFFF380  }
0x21a: {  	_ =	swait.ge [sflag:s3], $0xC80  }
0x21b: {  	[sflag:s3] =	ssyncset.done $0x0  }
0x21c: {  	s6 =	rddreg [dreg:$0x14];
	[sflag:s3] =	ssyncadd.s32 $0xFFFFF380  }
0x21d: {  	[tilespmem:s24], [sflag:$0x1] =	stream.linear.gather [hbm4b:s6+s1], $0xC80, $0x38;
	[tilespmem:$0x1DF80] =	vst v63  }
0x21e: {  	s8 =	rddreg [dreg:$0x15]  }
0x21f: {  	[tilespmem:s25], [sflag:$0x1] =	stream.linear.gather [hbm4b:s8+s1], $0xC80, $0x38;
	[tilespmem:$0x1DF80] =	vst v63  }
0x220: {  	s9 =	rddreg [dreg:$0x16];
	s8 =	simm.s32 $0x1BA20  }
0x221: {  	[tilespmem:s26], [sflag:$0x1] =	stream.linear.gather [hbm4b:s9+s1], $0xC80, $0x38;
	[tilespmem:$0x1DF80] =	vst v63  }
0x222: {  	s6 =	simm.s32 $0x1C6A0;
	v6 =	vld [tilespmem:s8+$0x10]  }
0x223: {  	v7 =	vld [tilespmem:s6+$0x10]  }
0x224: {  	s7 =	simm.s32 $0x1D320;
	v8 =	vld [tilespmem:s6+$0xFFFFFFE0]  }
0x225: {  	v9 =	vld [tilespmem:s7+$0x10]  }
0x226: {  	v10 =	vld [tilespmem:s8+$0xFFFFFFF0]  }
0x227: {  	v3 =	vld [tilespmem:s6+$0xFFFFFFF0]  }
0x228: {  	v1 =	vld [tilespmem:s8+$0x0]  }
0x229: {  	v2 =	vld [tilespmem:s6+$0x0]  }
0x22a: {  	v13 =	vld [tilespmem:s8+$0xFFFFFFE0]  }
0x22b: {  	v15 =	vld [tilespmem:s7+$0xFFFFFFE0]  }
0x22c: {  	v5 =	vld [tilespmem:s7+$0xFFFFFFF0]  }
0x22d: {  	v11 =	vld.idx.msk [tilespmem:v6+s1+$0x0], $0xffff  }
0x22e: {  	v12 =	vld.idx.msk [tilespmem:v7+s1+$0x0], $0xffff  }
0x22f: {  	v4 =	vld [tilespmem:s7+$0x0]  }
0x230: {  	v14 =	vld.idx.msk [tilespmem:v9+s1+$0x0], $0xffff  }
0x231: {  	v16 =	vld.idx.msk [tilespmem:v8+s1+$0x0], $0xffff  }
0x232: {  	v59 =	vld.idx.msk [tilespmem:v10+s1+$0x0], $0xffff  }
0x233: {  	v17 =	vld.idx.msk [tilespmem:v3+s1+$0x0], $0xffff;
	v11 =	vadd.f32 v12, v11  }
0x234: {  	v60 =	vld.idx.msk [tilespmem:v13+s1+$0x0], $0xffff  }
0x235: {  	v18 =	vld.idx.msk [tilespmem:v1+s1+$0x0], $0xffff;
	v11 =	vadd.f32 v14, v11  }
0x236: {  	v61 =	vld.idx.msk [tilespmem:v5+s1+$0x0], $0xffff  }
0x237: {  	[tilespmem:v6+s2+$0x0] =	vst.idx.add.f32.msk $0xffff, v11  }
0x238: {  	v6 =	vld.idx.msk [tilespmem:v15+s1+$0x0], $0xffff  }
0x239: {  	v19 =	vld.idx.msk [tilespmem:v2+s1+$0x0], $0xffff  }
0x23a: {  	[tilespmem:v7+s2+$0x0] =	vst.idx.add.f32.msk $0xffff, v11;
	v7 =	vadd.f32 v17, v59  }
0x23b: {  	v14 =	vadd.f32 v16, v60  }
0x23c: {  	v62 =	vld.idx.msk [tilespmem:v4+s1+$0x0], $0xffff;
	v7 =	vadd.f32 v61, v7  }
0x23d: {  	[tilespmem:v9+s2+$0x0] =	vst.idx.add.f32.msk $0xffff, v11;
	v6 =	vadd.f32 v6, v14  }
0x23e: {  	[tilespmem:v10+s2+$0x0] =	vst.idx.add.f32.msk $0xffff, v7  }
0x23f: {  	v63 =	vadd.f32 v19, v18;
	[tilespmem:v13+s2+$0x0] =	vst.idx.add.f32.msk $0xffff, v6  }
0x240: {  	[tilespmem:v8+s2+$0x0] =	vst.idx.add.f32.msk $0xffff, v6  }
0x241: {  	s9 =	simm.s32 $0x1BA60;
	s8 =	simm.s32 $0x0;
	[tilespmem:v15+s2+$0x0] =	vst.idx.add.f32.msk $0xffff, v6;
	v6 =	vadd.f32 v62, v63  }
.LBB2_16:
0x242: {  	v8 =	vld [tilespmem:s9+$0x10];
	s6 =	sadd.s32 $0x40, s6  }
0x243: {  	v9 =	vld [tilespmem:s6+$0x10]  }
0x244: {  	s7 =	sadd.s32 $0x40, s7;
	v10 =	vld [tilespmem:s6+$0xFFFFFFE0]  }
0x245: {  	s8 =	sadd.s32 $0x4, s8;
	v11 =	vld [tilespmem:s7+$0x10]  }
0x246: {  	p3 =	slt.u32 s8, $0xC4;
	v12 =	vld [tilespmem:s9+$0xFFFFFFF0]  }
0x247: {  	v13 =	vld [tilespmem:s6+$0xFFFFFFF0]  }
0x248: {  	v14 =	vld [tilespmem:s9+$0x0]  }
0x249: {  	v15 =	vld [tilespmem:s6+$0x0]  }
0x24a: {  	v16 =	vld.idx.msk [tilespmem:v8+s1+$0x0], $0xffff  }
0x24b: {  	v17 =	vld.idx.msk [tilespmem:v9+s1+$0x0], $0xffff  }
0x24c: {  	v18 =	vld [tilespmem:s9+$0xFFFFFFE0]  }
0x24d: {  	v19 =	vld.idx.msk [tilespmem:v11+s1+$0x0], $0xffff  }
0x24e: {  	v20 =	vld [tilespmem:s7+$0xFFFFFFE0]  }
0x24f: {  	v21 =	vld [tilespmem:s7+$0xFFFFFFF0]  }
0x250: {  	v22 =	vld [tilespmem:s7+$0x0]  }
0x251: {  	v16 =	vadd.f32 v17, v16;
	v23 =	vld.idx.msk [tilespmem:v10+s1+$0x0], $0xffff  }
0x252: {  	v17 =	vld.idx.msk [tilespmem:v12+s1+$0x0], $0xffff  }
0x253: {  	v16 =	vadd.f32 v19, v16;
	v24 =	vld.idx.msk [tilespmem:v13+s1+$0x0], $0xffff  }
0x254: {  	v19 =	vld.idx.msk [tilespmem:v18+s1+$0x0], $0xffff  }
0x255: {  	[tilespmem:v8+s2+$0x0] =	vst.idx.add.f32.msk $0xffff, v16  }
0x256: {  	[tilespmem:v9+s2+$0x0] =	vst.idx.add.f32.msk $0xffff, v16  }
0x257: {  	[tilespmem:v11+s2+$0x0] =	vst.idx.add.f32.msk $0xffff, v16  }
0x258: {  	v8 =	vld.idx.msk [tilespmem:v14+s1+$0x0], $0xffff  }
0x259: {  	v9 =	vadd.f32 v24, v17;
	v11 =	vld.idx.msk [tilespmem:v15+s1+$0x0], $0xffff  }
0x25a: {  	v16 =	vadd.f32 v23, v19;
	v17 =	vld.idx.msk [tilespmem:v20+s1+$0x0], $0xffff  }
0x25b: {  	v19 =	vld.idx.msk [tilespmem:v21+s1+$0x0], $0xffff  }
0x25c: {  	v23 =	vld.idx.msk [tilespmem:v22+s1+$0x0], $0xffff  }
0x25d: {  	[tilespmem:v3+s2+$0x0] =	vst.idx.add.f32.msk $0xffff, v7;
	v3 =	vmov v13  }
0x25e: {  	[tilespmem:v5+s2+$0x0] =	vst.idx.add.f32.msk $0xffff, v7;
	v5 =	vmov v21  }
0x25f: {  	v8 =	vadd.f32 v11, v8;
	[tilespmem:v1+s2+$0x0] =	vst.idx.add.f32.msk $0xffff, v6;
	v1 =	vmov v14  }
0x260: {  	v11 =	vadd.f32 v17, v16;
	[tilespmem:v2+s2+$0x0] =	vst.idx.add.f32.msk $0xffff, v6;
	v2 =	vmov v15  }
.Ltmp9:
0x261: {  	v7 =	vadd.f32 v19, v9;
	[tilespmem:v4+s2+$0x0] =	vst.idx.add.f32.msk $0xffff, v6;
	v4 =	vmov v22;
	(pc) =	sbr.rel @p3 .LBB2_16-.Ltmp9, $4  }
0x262: {  	v6 =	vadd.f32 v23, v8;
	[tilespmem:v18+s2+$0x0] =	vst.idx.add.f32.msk $0xffff, v11  }
0x263: {  	[tilespmem:v10+s2+$0x0] =	vst.idx.add.f32.msk $0xffff, v11  }
0x264: {  	[tilespmem:v20+s2+$0x0] =	vst.idx.add.f32.msk $0xffff, v11  }
0x265: {  	s9 =	sadd.s32 $0x40, s9;
	[tilespmem:v12+s2+$0x0] =	vst.idx.add.f32.msk $0xffff, v7  }
0x266: {  	_ =	sdelay $0x3  }
0x267: {  	[tilespmem:v3+s2+$0x0] =	vst.idx.add.f32.msk $0xffff, v7  }
0x268: {  	[tilespmem:v1+s2+$0x0] =	vst.idx.add.f32.msk $0xffff, v6  }
0x269: {  	[tilespmem:v5+s2+$0x0] =	vst.idx.add.f32.msk $0xffff, v7  }
0x26a: {  	[tilespmem:v2+s2+$0x0] =	vst.idx.add.f32.msk $0xffff, v6  }
0x26b: {  	[tilespmem:v4+s2+$0x0] =	vst.idx.add.f32.msk $0xffff, v6  }
0x26c: {  	_ =	swait.ge [sflag:s29], $0xC80  }
0x26d: {  	[sflag:s29] =	ssyncset.done $0x0  }
0x26e: {  	[sflag:s29] =	ssyncadd.s32 $0xFFFFF380  }
0x26f: {  	_ =	swait.ge [sflag:s29], $0xC80  }
0x270: {  	[sflag:s29] =	ssyncset.done $0x0  }
0x271: {  	[sflag:s29] =	ssyncadd.s32 $0xFFFFF380  }
0x272: {  	_ =	swait.ge [sflag:s29], $0xC80  }
0x273: {  	[sflag:s29] =	ssyncset.done $0x0  }
0x274: {  	s6 =	rddreg [dreg:$0x17];
	[sflag:s29] =	ssyncadd.s32 $0xFFFFF380  }
0x275: {  	[tilespmem:s30], [sflag:$0x2] =	stream.linear.gather [hbm4b:s6+s1], $0xC80, $0x38;
	[tilespmem:$0x1DF80] =	vst v63  }
0x276: {  	s8 =	rddreg [dreg:$0x18]  }
0x277: {  	[tilespmem:s31], [sflag:$0x2] =	stream.linear.gather [hbm4b:s8+s1], $0xC80, $0x38;
	[tilespmem:$0x1DF80] =	vst v63  }
0x278: {  	s9 =	rddreg [dreg:$0x19];
	s8 =	simm.s32 $0x194A0  }
0x279: {  	[tilespmem:s0], [sflag:$0x2] =	stream.linear.gather [hbm4b:s9+s1], $0xC80, $0x38;
	[tilespmem:$0x1DF80] =	vst v63  }
0x27a: {  	s6 =	simm.s32 $0x1A120;
	v6 =	vld [tilespmem:s8+$0x10]  }
0x27b: {  	v7 =	vld [tilespmem:s6+$0x10]  }
0x27c: {  	s7 =	simm.s32 $0x1ADA0;
	v8 =	vld [tilespmem:s6+$0xFFFFFFE0]  }
0x27d: {  	v9 =	vld [tilespmem:s7+$0x10]  }
0x27e: {  	v10 =	vld [tilespmem:s8+$0xFFFFFFF0]  }
0x27f: {  	v3 =	vld [tilespmem:s6+$0xFFFFFFF0]  }
0x280: {  	v1 =	vld [tilespmem:s8+$0x0]  }
0x281: {  	v2 =	vld [tilespmem:s6+$0x0]  }
0x282: {  	v13 =	vld [tilespmem:s8+$0xFFFFFFE0]  }
0x283: {  	v15 =	vld [tilespmem:s7+$0xFFFFFFE0]  }
0x284: {  	v5 =	vld [tilespmem:s7+$0xFFFFFFF0]  }
0x285: {  	v11 =	vld.idx.msk [tilespmem:v6+s1+$0x0], $0xffff  }
0x286: {  	v12 =	vld.idx.msk [tilespmem:v7+s1+$0x0], $0xffff  }
0x287: {  	v4 =	vld [tilespmem:s7+$0x0]  }
0x288: {  	v14 =	vld.idx.msk [tilespmem:v9+s1+$0x0], $0xffff  }
0x289: {  	v16 =	vld.idx.msk [tilespmem:v8+s1+$0x0], $0xffff  }
0x28a: {  	v59 =	vld.idx.msk [tilespmem:v10+s1+$0x0], $0xffff  }
0x28b: {  	v17 =	vld.idx.msk [tilespmem:v3+s1+$0x0], $0xffff;
	v11 =	vadd.f32 v12, v11  }
0x28c: {  	v60 =	vld.idx.msk [tilespmem:v13+s1+$0x0], $0xffff  }
0x28d: {  	v18 =	vld.idx.msk [tilespmem:v1+s1+$0x0], $0xffff;
	v11 =	vadd.f32 v14, v11  }
0x28e: {  	v61 =	vld.idx.msk [tilespmem:v5+s1+$0x0], $0xffff  }
0x28f: {  	[tilespmem:v6+s2+$0x0] =	vst.idx.add.f32.msk $0xffff, v11  }
0x290: {  	v6 =	vld.idx.msk [tilespmem:v15+s1+$0x0], $0xffff  }
0x291: {  	v19 =	vld.idx.msk [tilespmem:v2+s1+$0x0], $0xffff  }
0x292: {  	[tilespmem:v7+s2+$0x0] =	vst.idx.add.f32.msk $0xffff, v11;
	v7 =	vadd.f32 v17, v59  }
0x293: {  	v14 =	vadd.f32 v16, v60  }
0x294: {  	v62 =	vld.idx.msk [tilespmem:v4+s1+$0x0], $0xffff;
	v7 =	vadd.f32 v61, v7  }
0x295: {  	[tilespmem:v9+s2+$0x0] =	vst.idx.add.f32.msk $0xffff, v11;
	v6 =	vadd.f32 v6, v14  }
0x296: {  	[tilespmem:v10+s2+$0x0] =	vst.idx.add.f32.msk $0xffff, v7  }
0x297: {  	v63 =	vadd.f32 v19, v18;
	[tilespmem:v13+s2+$0x0] =	vst.idx.add.f32.msk $0xffff, v6  }
0x298: {  	[tilespmem:v8+s2+$0x0] =	vst.idx.add.f32.msk $0xffff, v6  }
0x299: {  	s9 =	simm.s32 $0x194E0;
	s8 =	simm.s32 $0x0;
	[tilespmem:v15+s2+$0x0] =	vst.idx.add.f32.msk $0xffff, v6;
	v6 =	vadd.f32 v62, v63  }
.LBB2_18:
0x29a: {  	v8 =	vld [tilespmem:s9+$0x10];
	s6 =	sadd.s32 $0x40, s6  }
0x29b: {  	v9 =	vld [tilespmem:s6+$0x10]  }
0x29c: {  	s7 =	sadd.s32 $0x40, s7;
	v10 =	vld [tilespmem:s6+$0xFFFFFFE0]  }
0x29d: {  	s8 =	sadd.s32 $0x4, s8;
	v11 =	vld [tilespmem:s7+$0x10]  }
0x29e: {  	p3 =	slt.u32 s8, $0xC4;
	v12 =	vld [tilespmem:s9+$0xFFFFFFF0]  }
0x29f: {  	v13 =	vld [tilespmem:s6+$0xFFFFFFF0]  }
0x2a0: {  	v14 =	vld [tilespmem:s9+$0x0]  }
0x2a1: {  	v15 =	vld [tilespmem:s6+$0x0]  }
0x2a2: {  	v16 =	vld.idx.msk [tilespmem:v8+s1+$0x0], $0xffff  }
0x2a3: {  	v17 =	vld.idx.msk [tilespmem:v9+s1+$0x0], $0xffff  }
0x2a4: {  	v18 =	vld [tilespmem:s9+$0xFFFFFFE0]  }
0x2a5: {  	v19 =	vld.idx.msk [tilespmem:v11+s1+$0x0], $0xffff  }
0x2a6: {  	v20 =	vld [tilespmem:s7+$0xFFFFFFE0]  }
0x2a7: {  	v21 =	vld [tilespmem:s7+$0xFFFFFFF0]  }
0x2a8: {  	v22 =	vld [tilespmem:s7+$0x0]  }
0x2a9: {  	v16 =	vadd.f32 v17, v16;
	v23 =	vld.idx.msk [tilespmem:v10+s1+$0x0], $0xffff  }
0x2aa: {  	v17 =	vld.idx.msk [tilespmem:v12+s1+$0x0], $0xffff  }
0x2ab: {  	v16 =	vadd.f32 v19, v16;
	v24 =	vld.idx.msk [tilespmem:v13+s1+$0x0], $0xffff  }
0x2ac: {  	v19 =	vld.idx.msk [tilespmem:v18+s1+$0x0], $0xffff  }
0x2ad: {  	[tilespmem:v8+s2+$0x0] =	vst.idx.add.f32.msk $0xffff, v16  }
0x2ae: {  	[tilespmem:v9+s2+$0x0] =	vst.idx.add.f32.msk $0xffff, v16  }
0x2af: {  	[tilespmem:v11+s2+$0x0] =	vst.idx.add.f32.msk $0xffff, v16  }
0x2b0: {  	v8 =	vld.idx.msk [tilespmem:v14+s1+$0x0], $0xffff  }
0x2b1: {  	v9 =	vadd.f32 v24, v17;
	v11 =	vld.idx.msk [tilespmem:v15+s1+$0x0], $0xffff  }
0x2b2: {  	v16 =	vadd.f32 v23, v19;
	v17 =	vld.idx.msk [tilespmem:v20+s1+$0x0], $0xffff  }
0x2b3: {  	v19 =	vld.idx.msk [tilespmem:v21+s1+$0x0], $0xffff  }
0x2b4: {  	v23 =	vld.idx.msk [tilespmem:v22+s1+$0x0], $0xffff  }
0x2b5: {  	[tilespmem:v3+s2+$0x0] =	vst.idx.add.f32.msk $0xffff, v7;
	v3 =	vmov v13  }
0x2b6: {  	[tilespmem:v5+s2+$0x0] =	vst.idx.add.f32.msk $0xffff, v7;
	v5 =	vmov v21  }
0x2b7: {  	v8 =	vadd.f32 v11, v8;
	[tilespmem:v1+s2+$0x0] =	vst.idx.add.f32.msk $0xffff, v6;
	v1 =	vmov v14  }
0x2b8: {  	v11 =	vadd.f32 v17, v16;
	[tilespmem:v2+s2+$0x0] =	vst.idx.add.f32.msk $0xffff, v6;
	v2 =	vmov v15  }
.Ltmp10:
0x2b9: {  	v7 =	vadd.f32 v19, v9;
	[tilespmem:v4+s2+$0x0] =	vst.idx.add.f32.msk $0xffff, v6;
	v4 =	vmov v22;
	(pc) =	sbr.rel @p3 .LBB2_18-.Ltmp10, $4  }
0x2ba: {  	v6 =	vadd.f32 v23, v8;
	[tilespmem:v18+s2+$0x0] =	vst.idx.add.f32.msk $0xffff, v11  }
0x2bb: {  	[tilespmem:v10+s2+$0x0] =	vst.idx.add.f32.msk $0xffff, v11  }
0x2bc: {  	[tilespmem:v20+s2+$0x0] =	vst.idx.add.f32.msk $0xffff, v11  }
0x2bd: {  	s9 =	sadd.s32 $0x40, s9;
	[tilespmem:v12+s2+$0x0] =	vst.idx.add.f32.msk $0xffff, v7  }
0x2be: {  	_ =	sdelay $0x3  }
0x2bf: {  	[tilespmem:v3+s2+$0x0] =	vst.idx.add.f32.msk $0xffff, v7  }
0x2c0: {  	[tilespmem:v1+s2+$0x0] =	vst.idx.add.f32.msk $0xffff, v6  }
0x2c1: {  	[tilespmem:v5+s2+$0x0] =	vst.idx.add.f32.msk $0xffff, v7  }
0x2c2: {  	[tilespmem:v2+s2+$0x0] =	vst.idx.add.f32.msk $0xffff, v6  }
0x2c3: {  	[tilespmem:v4+s2+$0x0] =	vst.idx.add.f32.msk $0xffff, v6  }
0x2c4: {  	_ =	swait.ge [sflag:s3], $0xC80  }
0x2c5: {  	[sflag:s3] =	ssyncset.done $0x0  }
0x2c6: {  	[sflag:s3] =	ssyncadd.s32 $0xFFFFF380  }
0x2c7: {  	_ =	swait.ge [sflag:s3], $0xC80  }
0x2c8: {  	[sflag:s3] =	ssyncset.done $0x0  }
0x2c9: {  	[sflag:s3] =	ssyncadd.s32 $0xFFFFF380  }
0x2ca: {  	_ =	swait.ge [sflag:s3], $0xC80  }
0x2cb: {  	[sflag:s3] =	ssyncset.done $0x0  }
0x2cc: {  	s6 =	rddreg [dreg:$0x1a];
	[sflag:s3] =	ssyncadd.s32 $0xFFFFF380  }
0x2cd: {  	[tilespmem:s24], [sflag:$0x1] =	stream.linear.gather [hbm4b:s6+s1], $0xC80, $0x38;
	[tilespmem:$0x1DF80] =	vst v63  }
0x2ce: {  	s8 =	rddreg [dreg:$0x1b]  }
0x2cf: {  	[tilespmem:s25], [sflag:$0x1] =	stream.linear.gather [hbm4b:s8+s1], $0xC80, $0x38;
	[tilespmem:$0x1DF80] =	vst v63  }
0x2d0: {  	s9 =	rddreg [dreg:$0x1c];
	s8 =	simm.s32 $0x1BA20  }
0x2d1: {  	[tilespmem:s26], [sflag:$0x1] =	stream.linear.gather [hbm4b:s9+s1], $0xC80, $0x38;
	[tilespmem:$0x1DF80] =	vst v63  }
0x2d2: {  	s6 =	simm.s32 $0x1C6A0;
	v6 =	vld [tilespmem:s8+$0x10]  }
0x2d3: {  	v7 =	vld [tilespmem:s6+$0x10]  }
0x2d4: {  	s7 =	simm.s32 $0x1D320;
	v8 =	vld [tilespmem:s6+$0xFFFFFFE0]  }
0x2d5: {  	v9 =	vld [tilespmem:s7+$0x10]  }
0x2d6: {  	v10 =	vld [tilespmem:s8+$0xFFFFFFF0]  }
0x2d7: {  	v3 =	vld [tilespmem:s6+$0xFFFFFFF0]  }
0x2d8: {  	v1 =	vld [tilespmem:s8+$0x0]  }
0x2d9: {  	v2 =	vld [tilespmem:s6+$0x0]  }
0x2da: {  	v13 =	vld [tilespmem:s8+$0xFFFFFFE0]  }
0x2db: {  	v15 =	vld [tilespmem:s7+$0xFFFFFFE0]  }
0x2dc: {  	v5 =	vld [tilespmem:s7+$0xFFFFFFF0]  }
0x2dd: {  	v11 =	vld.idx.msk [tilespmem:v6+s1+$0x0], $0xffff  }
0x2de: {  	v12 =	vld.idx.msk [tilespmem:v7+s1+$0x0], $0xffff  }
0x2df: {  	v4 =	vld [tilespmem:s7+$0x0]  }
0x2e0: {  	v14 =	vld.idx.msk [tilespmem:v9+s1+$0x0], $0xffff  }
0x2e1: {  	v16 =	vld.idx.msk [tilespmem:v8+s1+$0x0], $0xffff  }
0x2e2: {  	v59 =	vld.idx.msk [tilespmem:v10+s1+$0x0], $0xffff  }
0x2e3: {  	v17 =	vld.idx.msk [tilespmem:v3+s1+$0x0], $0xffff;
	v11 =	vadd.f32 v12, v11  }
0x2e4: {  	v60 =	vld.idx.msk [tilespmem:v13+s1+$0x0], $0xffff  }
0x2e5: {  	v18 =	vld.idx.msk [tilespmem:v1+s1+$0x0], $0xffff;
	v11 =	vadd.f32 v14, v11  }
0x2e6: {  	v61 =	vld.idx.msk [tilespmem:v5+s1+$0x0], $0xffff  }
0x2e7: {  	[tilespmem:v6+s2+$0x0] =	vst.idx.add.f32.msk $0xffff, v11  }
0x2e8: {  	v6 =	vld.idx.msk [tilespmem:v15+s1+$0x0], $0xffff  }
0x2e9: {  	v19 =	vld.idx.msk [tilespmem:v2+s1+$0x0], $0xffff  }
0x2ea: {  	[tilespmem:v7+s2+$0x0] =	vst.idx.add.f32.msk $0xffff, v11;
	v7 =	vadd.f32 v17, v59  }
0x2eb: {  	v14 =	vadd.f32 v16, v60  }
0x2ec: {  	v62 =	vld.idx.msk [tilespmem:v4+s1+$0x0], $0xffff;
	v7 =	vadd.f32 v61, v7  }
0x2ed: {  	[tilespmem:v9+s2+$0x0] =	vst.idx.add.f32.msk $0xffff, v11;
	v6 =	vadd.f32 v6, v14  }
0x2ee: {  	[tilespmem:v10+s2+$0x0] =	vst.idx.add.f32.msk $0xffff, v7  }
0x2ef: {  	v63 =	vadd.f32 v19, v18;
	[tilespmem:v13+s2+$0x0] =	vst.idx.add.f32.msk $0xffff, v6  }
0x2f0: {  	[tilespmem:v8+s2+$0x0] =	vst.idx.add.f32.msk $0xffff, v6  }
0x2f1: {  	s9 =	simm.s32 $0x1BA60;
	s8 =	simm.s32 $0x0;
	[tilespmem:v15+s2+$0x0] =	vst.idx.add.f32.msk $0xffff, v6;
	v6 =	vadd.f32 v62, v63  }
.LBB2_20:
0x2f2: {  	v8 =	vld [tilespmem:s9+$0x10];
	s6 =	sadd.s32 $0x40, s6  }
0x2f3: {  	v9 =	vld [tilespmem:s6+$0x10]  }
0x2f4: {  	s7 =	sadd.s32 $0x40, s7;
	v10 =	vld [tilespmem:s6+$0xFFFFFFE0]  }
0x2f5: {  	s8 =	sadd.s32 $0x4, s8;
	v11 =	vld [tilespmem:s7+$0x10]  }
0x2f6: {  	p3 =	slt.u32 s8, $0xC4;
	v12 =	vld [tilespmem:s9+$0xFFFFFFF0]  }
0x2f7: {  	v13 =	vld [tilespmem:s6+$0xFFFFFFF0]  }
0x2f8: {  	v14 =	vld [tilespmem:s9+$0x0]  }
0x2f9: {  	v15 =	vld [tilespmem:s6+$0x0]  }
0x2fa: {  	v16 =	vld.idx.msk [tilespmem:v8+s1+$0x0], $0xffff  }
0x2fb: {  	v17 =	vld.idx.msk [tilespmem:v9+s1+$0x0], $0xffff  }
0x2fc: {  	v18 =	vld [tilespmem:s9+$0xFFFFFFE0]  }
0x2fd: {  	v19 =	vld.idx.msk [tilespmem:v11+s1+$0x0], $0xffff  }
0x2fe: {  	v20 =	vld [tilespmem:s7+$0xFFFFFFE0]  }
0x2ff: {  	v21 =	vld [tilespmem:s7+$0xFFFFFFF0]  }
0x300: {  	v22 =	vld [tilespmem:s7+$0x0]  }
0x301: {  	v16 =	vadd.f32 v17, v16;
	v23 =	vld.idx.msk [tilespmem:v10+s1+$0x0], $0xffff  }
0x302: {  	v17 =	vld.idx.msk [tilespmem:v12+s1+$0x0], $0xffff  }
0x303: {  	v16 =	vadd.f32 v19, v16;
	v24 =	vld.idx.msk [tilespmem:v13+s1+$0x0], $0xffff  }
0x304: {  	v19 =	vld.idx.msk [tilespmem:v18+s1+$0x0], $0xffff  }
0x305: {  	[tilespmem:v8+s2+$0x0] =	vst.idx.add.f32.msk $0xffff, v16  }
0x306: {  	[tilespmem:v9+s2+$0x0] =	vst.idx.add.f32.msk $0xffff, v16  }
0x307: {  	[tilespmem:v11+s2+$0x0] =	vst.idx.add.f32.msk $0xffff, v16  }
0x308: {  	v8 =	vld.idx.msk [tilespmem:v14+s1+$0x0], $0xffff  }
0x309: {  	v9 =	vadd.f32 v24, v17;
	v11 =	vld.idx.msk [tilespmem:v15+s1+$0x0], $0xffff  }
0x30a: {  	v16 =	vadd.f32 v23, v19;
	v17 =	vld.idx.msk [tilespmem:v20+s1+$0x0], $0xffff  }
0x30b: {  	v19 =	vld.idx.msk [tilespmem:v21+s1+$0x0], $0xffff  }
0x30c: {  	v23 =	vld.idx.msk [tilespmem:v22+s1+$0x0], $0xffff  }
0x30d: {  	[tilespmem:v3+s2+$0x0] =	vst.idx.add.f32.msk $0xffff, v7;
	v3 =	vmov v13  }
0x30e: {  	[tilespmem:v5+s2+$0x0] =	vst.idx.add.f32.msk $0xffff, v7;
	v5 =	vmov v21  }
0x30f: {  	v8 =	vadd.f32 v11, v8;
	[tilespmem:v1+s2+$0x0] =	vst.idx.add.f32.msk $0xffff, v6;
	v1 =	vmov v14  }
0x310: {  	v11 =	vadd.f32 v17, v16;
	[tilespmem:v2+s2+$0x0] =	vst.idx.add.f32.msk $0xffff, v6;
	v2 =	vmov v15  }
.Ltmp11:
0x311: {  	v7 =	vadd.f32 v19, v9;
	[tilespmem:v4+s2+$0x0] =	vst.idx.add.f32.msk $0xffff, v6;
	v4 =	vmov v22;
	(pc) =	sbr.rel @p3 .LBB2_20-.Ltmp11, $4  }
0x312: {  	v6 =	vadd.f32 v23, v8;
	[tilespmem:v18+s2+$0x0] =	vst.idx.add.f32.msk $0xffff, v11  }
0x313: {  	[tilespmem:v10+s2+$0x0] =	vst.idx.add.f32.msk $0xffff, v11  }
0x314: {  	[tilespmem:v20+s2+$0x0] =	vst.idx.add.f32.msk $0xffff, v11  }
0x315: {  	s9 =	sadd.s32 $0x40, s9;
	[tilespmem:v12+s2+$0x0] =	vst.idx.add.f32.msk $0xffff, v7  }
0x316: {  	_ =	sdelay $0x3  }
0x317: {  	[tilespmem:v3+s2+$0x0] =	vst.idx.add.f32.msk $0xffff, v7  }
0x318: {  	[tilespmem:v1+s2+$0x0] =	vst.idx.add.f32.msk $0xffff, v6  }
0x319: {  	[tilespmem:v5+s2+$0x0] =	vst.idx.add.f32.msk $0xffff, v7  }
0x31a: {  	[tilespmem:v2+s2+$0x0] =	vst.idx.add.f32.msk $0xffff, v6  }
0x31b: {  	[tilespmem:v4+s2+$0x0] =	vst.idx.add.f32.msk $0xffff, v6  }
0x31c: {  	_ =	swait.ge [sflag:s29], $0xC80  }
0x31d: {  	[sflag:s29] =	ssyncset.done $0x0  }
0x31e: {  	[sflag:s29] =	ssyncadd.s32 $0xFFFFF380  }
0x31f: {  	_ =	swait.ge [sflag:s29], $0xC80  }
0x320: {  	[sflag:s29] =	ssyncset.done $0x0  }
0x321: {  	[sflag:s29] =	ssyncadd.s32 $0xFFFFF380  }
0x322: {  	_ =	swait.ge [sflag:s29], $0xC80  }
0x323: {  	[sflag:s29] =	ssyncset.done $0x0  }
0x324: {  	s6 =	rddreg [dreg:$0x1d];
	[sflag:s29] =	ssyncadd.s32 $0xFFFFF380  }
0x325: {  	[tilespmem:s30], [sflag:$0x2] =	stream.linear.gather [hbm4b:s6+s1], $0xC80, $0x38;
	[tilespmem:$0x1DF80] =	vst v63  }
0x326: {  	s8 =	rddreg [dreg:$0x1e]  }
0x327: {  	[tilespmem:s31], [sflag:$0x2] =	stream.linear.gather [hbm4b:s8+s1], $0xC80, $0x38;
	[tilespmem:$0x1DF80] =	vst v63  }
0x328: {  	s9 =	rddreg [dreg:$0x1f];
	s8 =	simm.s32 $0x194A0  }
0x329: {  	[tilespmem:s0], [sflag:$0x2] =	stream.linear.gather [hbm4b:s9+s1], $0xC80, $0x38;
	[tilespmem:$0x1DF80] =	vst v63  }
0x32a: {  	s6 =	simm.s32 $0x1A120;
	v6 =	vld [tilespmem:s8+$0x10]  }
0x32b: {  	v7 =	vld [tilespmem:s6+$0x10]  }
0x32c: {  	s7 =	simm.s32 $0x1ADA0;
	v8 =	vld [tilespmem:s6+$0xFFFFFFE0]  }
0x32d: {  	v9 =	vld [tilespmem:s7+$0x10]  }
0x32e: {  	v10 =	vld [tilespmem:s8+$0xFFFFFFF0]  }
0x32f: {  	v3 =	vld [tilespmem:s6+$0xFFFFFFF0]  }
0x330: {  	v1 =	vld [tilespmem:s8+$0x0]  }
0x331: {  	v2 =	vld [tilespmem:s6+$0x0]  }
0x332: {  	v13 =	vld [tilespmem:s8+$0xFFFFFFE0]  }
0x333: {  	v15 =	vld [tilespmem:s7+$0xFFFFFFE0]  }
0x334: {  	v5 =	vld [tilespmem:s7+$0xFFFFFFF0]  }
0x335: {  	v11 =	vld.idx.msk [tilespmem:v6+s1+$0x0], $0xffff  }
0x336: {  	v12 =	vld.idx.msk [tilespmem:v7+s1+$0x0], $0xffff  }
0x337: {  	v4 =	vld [tilespmem:s7+$0x0]  }
0x338: {  	v14 =	vld.idx.msk [tilespmem:v9+s1+$0x0], $0xffff  }
0x339: {  	v16 =	vld.idx.msk [tilespmem:v8+s1+$0x0], $0xffff  }
0x33a: {  	v59 =	vld.idx.msk [tilespmem:v10+s1+$0x0], $0xffff  }
0x33b: {  	v17 =	vld.idx.msk [tilespmem:v3+s1+$0x0], $0xffff;
	v11 =	vadd.f32 v12, v11  }
0x33c: {  	v60 =	vld.idx.msk [tilespmem:v13+s1+$0x0], $0xffff  }
0x33d: {  	v18 =	vld.idx.msk [tilespmem:v1+s1+$0x0], $0xffff;
	v11 =	vadd.f32 v14, v11  }
0x33e: {  	v61 =	vld.idx.msk [tilespmem:v5+s1+$0x0], $0xffff  }
0x33f: {  	[tilespmem:v6+s2+$0x0] =	vst.idx.add.f32.msk $0xffff, v11  }
0x340: {  	v6 =	vld.idx.msk [tilespmem:v15+s1+$0x0], $0xffff  }
0x341: {  	v19 =	vld.idx.msk [tilespmem:v2+s1+$0x0], $0xffff  }
0x342: {  	[tilespmem:v7+s2+$0x0] =	vst.idx.add.f32.msk $0xffff, v11;
	v7 =	vadd.f32 v17, v59  }
0x343: {  	v14 =	vadd.f32 v16, v60  }
0x344: {  	v62 =	vld.idx.msk [tilespmem:v4+s1+$0x0], $0xffff;
	v7 =	vadd.f32 v61, v7  }
0x345: {  	[tilespmem:v9+s2+$0x0] =	vst.idx.add.f32.msk $0xffff, v11;
	v6 =	vadd.f32 v6, v14  }
0x346: {  	[tilespmem:v10+s2+$0x0] =	vst.idx.add.f32.msk $0xffff, v7  }
0x347: {  	v63 =	vadd.f32 v19, v18;
	[tilespmem:v13+s2+$0x0] =	vst.idx.add.f32.msk $0xffff, v6  }
0x348: {  	[tilespmem:v8+s2+$0x0] =	vst.idx.add.f32.msk $0xffff, v6  }
0x349: {  	s9 =	simm.s32 $0x194E0;
	s8 =	simm.s32 $0x0;
	[tilespmem:v15+s2+$0x0] =	vst.idx.add.f32.msk $0xffff, v6;
	v6 =	vadd.f32 v62, v63  }
.LBB2_22:
0x34a: {  	v8 =	vld [tilespmem:s9+$0x10];
	s6 =	sadd.s32 $0x40, s6  }
0x34b: {  	v9 =	vld [tilespmem:s6+$0x10]  }
0x34c: {  	s7 =	sadd.s32 $0x40, s7;
	v10 =	vld [tilespmem:s6+$0xFFFFFFE0]  }
0x34d: {  	s8 =	sadd.s32 $0x4, s8;
	v11 =	vld [tilespmem:s7+$0x10]  }
0x34e: {  	p3 =	slt.u32 s8, $0xC4;
	v12 =	vld [tilespmem:s9+$0xFFFFFFF0]  }
0x34f: {  	v13 =	vld [tilespmem:s6+$0xFFFFFFF0]  }
0x350: {  	v14 =	vld [tilespmem:s9+$0x0]  }
0x351: {  	v15 =	vld [tilespmem:s6+$0x0]  }
0x352: {  	v16 =	vld.idx.msk [tilespmem:v8+s1+$0x0], $0xffff  }
0x353: {  	v17 =	vld.idx.msk [tilespmem:v9+s1+$0x0], $0xffff  }
0x354: {  	v18 =	vld [tilespmem:s9+$0xFFFFFFE0]  }
0x355: {  	v19 =	vld.idx.msk [tilespmem:v11+s1+$0x0], $0xffff  }
0x356: {  	v20 =	vld [tilespmem:s7+$0xFFFFFFE0]  }
0x357: {  	v21 =	vld [tilespmem:s7+$0xFFFFFFF0]  }
0x358: {  	v22 =	vld [tilespmem:s7+$0x0]  }
0x359: {  	v16 =	vadd.f32 v17, v16;
	v23 =	vld.idx.msk [tilespmem:v10+s1+$0x0], $0xffff  }
0x35a: {  	v17 =	vld.idx.msk [tilespmem:v12+s1+$0x0], $0xffff  }
0x35b: {  	v16 =	vadd.f32 v19, v16;
	v24 =	vld.idx.msk [tilespmem:v13+s1+$0x0], $0xffff  }
0x35c: {  	v19 =	vld.idx.msk [tilespmem:v18+s1+$0x0], $0xffff  }
0x35d: {  	[tilespmem:v8+s2+$0x0] =	vst.idx.add.f32.msk $0xffff, v16  }
0x35e: {  	[tilespmem:v9+s2+$0x0] =	vst.idx.add.f32.msk $0xffff, v16  }
0x35f: {  	[tilespmem:v11+s2+$0x0] =	vst.idx.add.f32.msk $0xffff, v16  }
0x360: {  	v8 =	vld.idx.msk [tilespmem:v14+s1+$0x0], $0xffff  }
0x361: {  	v9 =	vadd.f32 v24, v17;
	v11 =	vld.idx.msk [tilespmem:v15+s1+$0x0], $0xffff  }
0x362: {  	v16 =	vadd.f32 v23, v19;
	v17 =	vld.idx.msk [tilespmem:v20+s1+$0x0], $0xffff  }
0x363: {  	v19 =	vld.idx.msk [tilespmem:v21+s1+$0x0], $0xffff  }
0x364: {  	v23 =	vld.idx.msk [tilespmem:v22+s1+$0x0], $0xffff  }
0x365: {  	[tilespmem:v3+s2+$0x0] =	vst.idx.add.f32.msk $0xffff, v7;
	v3 =	vmov v13  }
0x366: {  	[tilespmem:v5+s2+$0x0] =	vst.idx.add.f32.msk $0xffff, v7;
	v5 =	vmov v21  }
0x367: {  	v8 =	vadd.f32 v11, v8;
	[tilespmem:v1+s2+$0x0] =	vst.idx.add.f32.msk $0xffff, v6;
	v1 =	vmov v14  }
0x368: {  	v11 =	vadd.f32 v17, v16;
	[tilespmem:v2+s2+$0x0] =	vst.idx.add.f32.msk $0xffff, v6;
	v2 =	vmov v15  }
.Ltmp12:
0x369: {  	v7 =	vadd.f32 v19, v9;
	[tilespmem:v4+s2+$0x0] =	vst.idx.add.f32.msk $0xffff, v6;
	v4 =	vmov v22;
	(pc) =	sbr.rel @p3 .LBB2_22-.Ltmp12, $4  }
0x36a: {  	v6 =	vadd.f32 v23, v8;
	[tilespmem:v18+s2+$0x0] =	vst.idx.add.f32.msk $0xffff, v11  }
0x36b: {  	[tilespmem:v10+s2+$0x0] =	vst.idx.add.f32.msk $0xffff, v11  }
0x36c: {  	[tilespmem:v20+s2+$0x0] =	vst.idx.add.f32.msk $0xffff, v11  }
0x36d: {  	s9 =	sadd.s32 $0x40, s9;
	[tilespmem:v12+s2+$0x0] =	vst.idx.add.f32.msk $0xffff, v7  }
0x36e: {  	_ =	sdelay $0x3  }
0x36f: {  	[tilespmem:v3+s2+$0x0] =	vst.idx.add.f32.msk $0xffff, v7  }
0x370: {  	[tilespmem:v1+s2+$0x0] =	vst.idx.add.f32.msk $0xffff, v6  }
0x371: {  	[tilespmem:v5+s2+$0x0] =	vst.idx.add.f32.msk $0xffff, v7  }
0x372: {  	[tilespmem:v2+s2+$0x0] =	vst.idx.add.f32.msk $0xffff, v6  }
0x373: {  	[tilespmem:v4+s2+$0x0] =	vst.idx.add.f32.msk $0xffff, v6  }
0x374: {  	_ =	swait.ge [sflag:s3], $0xC80  }
0x375: {  	[sflag:s3] =	ssyncset.done $0x0  }
0x376: {  	[sflag:s3] =	ssyncadd.s32 $0xFFFFF380  }
0x377: {  	_ =	swait.ge [sflag:s3], $0xC80  }
0x378: {  	[sflag:s3] =	ssyncset.done $0x0  }
0x379: {  	[sflag:s3] =	ssyncadd.s32 $0xFFFFF380  }
0x37a: {  	_ =	swait.ge [sflag:s3], $0xC80  }
0x37b: {  	s6 =	sld [smem:$0x7E6]  }
0x37c: {  	[sflag:s3] =	ssyncset.done $0x0  }
0x37d: {  	s8 =	sld [smem:$0x7E7];
	[sflag:s3] =	ssyncadd.s32 $0xFFFFF380  }
0x37e: {  	[tilespmem:s24], [sflag:$0x1] =	stream.linear.gather [hbm4b:s6+s1], $0xC80, $0x38;
	[tilespmem:$0x1DF80] =	vst v63  }
0x37f: {  	s9 =	sld [smem:$0x7E8]  }
0x380: {  	[tilespmem:s25], [sflag:$0x1] =	stream.linear.gather [hbm4b:s8+s1], $0xC80, $0x38;
	[tilespmem:$0x1DF80] =	vst v63  }
0x381: {  	s8 =	simm.s32 $0x1BA20  }
0x382: {  	[tilespmem:s26], [sflag:$0x1] =	stream.linear.gather [hbm4b:s9+s1], $0xC80, $0x38;
	[tilespmem:$0x1DF80] =	vst v63  }
0x383: {  	s6 =	simm.s32 $0x1C6A0;
	v6 =	vld [tilespmem:s8+$0x10]  }
0x384: {  	v7 =	vld [tilespmem:s6+$0x10]  }
0x385: {  	s7 =	simm.s32 $0x1D320;
	v8 =	vld [tilespmem:s6+$0xFFFFFFE0]  }
0x386: {  	v9 =	vld [tilespmem:s7+$0x10]  }
0x387: {  	v10 =	vld [tilespmem:s8+$0xFFFFFFF0]  }
0x388: {  	v3 =	vld [tilespmem:s6+$0xFFFFFFF0]  }
0x389: {  	v1 =	vld [tilespmem:s8+$0x0]  }
0x38a: {  	v2 =	vld [tilespmem:s6+$0x0]  }
0x38b: {  	v13 =	vld [tilespmem:s8+$0xFFFFFFE0]  }
0x38c: {  	v15 =	vld [tilespmem:s7+$0xFFFFFFE0]  }
0x38d: {  	v5 =	vld [tilespmem:s7+$0xFFFFFFF0]  }
0x38e: {  	v11 =	vld.idx.msk [tilespmem:v6+s1+$0x0], $0xffff  }
0x38f: {  	v12 =	vld.idx.msk [tilespmem:v7+s1+$0x0], $0xffff  }
0x390: {  	v4 =	vld [tilespmem:s7+$0x0]  }
0x391: {  	v14 =	vld.idx.msk [tilespmem:v9+s1+$0x0], $0xffff  }
0x392: {  	v16 =	vld.idx.msk [tilespmem:v8+s1+$0x0], $0xffff  }
0x393: {  	v59 =	vld.idx.msk [tilespmem:v10+s1+$0x0], $0xffff  }
0x394: {  	v17 =	vld.idx.msk [tilespmem:v3+s1+$0x0], $0xffff;
	v11 =	vadd.f32 v12, v11  }
0x395: {  	v60 =	vld.idx.msk [tilespmem:v13+s1+$0x0], $0xffff  }
0x396: {  	v18 =	vld.idx.msk [tilespmem:v1+s1+$0x0], $0xffff;
	v11 =	vadd.f32 v14, v11  }
0x397: {  	v61 =	vld.idx.msk [tilespmem:v5+s1+$0x0], $0xffff  }
0x398: {  	[tilespmem:v6+s2+$0x0] =	vst.idx.add.f32.msk $0xffff, v11  }
0x399: {  	v6 =	vld.idx.msk [tilespmem:v15+s1+$0x0], $0xffff  }
0x39a: {  	v19 =	vld.idx.msk [tilespmem:v2+s1+$0x0], $0xffff  }
0x39b: {  	[tilespmem:v7+s2+$0x0] =	vst.idx.add.f32.msk $0xffff, v11;
	v7 =	vadd.f32 v17, v59  }
0x39c: {  	v14 =	vadd.f32 v16, v60  }
0x39d: {  	v62 =	vld.idx.msk [tilespmem:v4+s1+$0x0], $0xffff;
	v7 =	vadd.f32 v61, v7  }
0x39e: {  	[tilespmem:v9+s2+$0x0] =	vst.idx.add.f32.msk $0xffff, v11;
	v6 =	vadd.f32 v6, v14  }
0x39f: {  	[tilespmem:v10+s2+$0x0] =	vst.idx.add.f32.msk $0xffff, v7  }
0x3a0: {  	v63 =	vadd.f32 v19, v18;
	[tilespmem:v13+s2+$0x0] =	vst.idx.add.f32.msk $0xffff, v6  }
0x3a1: {  	[tilespmem:v8+s2+$0x0] =	vst.idx.add.f32.msk $0xffff, v6  }
0x3a2: {  	s9 =	simm.s32 $0x1BA60;
	s8 =	simm.s32 $0x0;
	[tilespmem:v15+s2+$0x0] =	vst.idx.add.f32.msk $0xffff, v6;
	v6 =	vadd.f32 v62, v63  }
.LBB2_24:
0x3a3: {  	v8 =	vld [tilespmem:s9+$0x10];
	s6 =	sadd.s32 $0x40, s6  }
0x3a4: {  	v9 =	vld [tilespmem:s6+$0x10]  }
0x3a5: {  	s7 =	sadd.s32 $0x40, s7;
	v10 =	vld [tilespmem:s6+$0xFFFFFFE0]  }
0x3a6: {  	s8 =	sadd.s32 $0x4, s8;
	v11 =	vld [tilespmem:s7+$0x10]  }
0x3a7: {  	p3 =	slt.u32 s8, $0xC4;
	v12 =	vld [tilespmem:s9+$0xFFFFFFF0]  }
0x3a8: {  	v13 =	vld [tilespmem:s6+$0xFFFFFFF0]  }
0x3a9: {  	v14 =	vld [tilespmem:s9+$0x0]  }
0x3aa: {  	v15 =	vld [tilespmem:s6+$0x0]  }
0x3ab: {  	v16 =	vld.idx.msk [tilespmem:v8+s1+$0x0], $0xffff  }
0x3ac: {  	v17 =	vld.idx.msk [tilespmem:v9+s1+$0x0], $0xffff  }
0x3ad: {  	v18 =	vld [tilespmem:s9+$0xFFFFFFE0]  }
0x3ae: {  	v19 =	vld.idx.msk [tilespmem:v11+s1+$0x0], $0xffff  }
0x3af: {  	v20 =	vld [tilespmem:s7+$0xFFFFFFE0]  }
0x3b0: {  	v21 =	vld [tilespmem:s7+$0xFFFFFFF0]  }
0x3b1: {  	v22 =	vld [tilespmem:s7+$0x0]  }
0x3b2: {  	v16 =	vadd.f32 v17, v16;
	v23 =	vld.idx.msk [tilespmem:v10+s1+$0x0], $0xffff  }
0x3b3: {  	v17 =	vld.idx.msk [tilespmem:v12+s1+$0x0], $0xffff  }
0x3b4: {  	v16 =	vadd.f32 v19, v16;
	v24 =	vld.idx.msk [tilespmem:v13+s1+$0x0], $0xffff  }
0x3b5: {  	v19 =	vld.idx.msk [tilespmem:v18+s1+$0x0], $0xffff  }
0x3b6: {  	[tilespmem:v8+s2+$0x0] =	vst.idx.add.f32.msk $0xffff, v16  }
0x3b7: {  	[tilespmem:v9+s2+$0x0] =	vst.idx.add.f32.msk $0xffff, v16  }
0x3b8: {  	[tilespmem:v11+s2+$0x0] =	vst.idx.add.f32.msk $0xffff, v16  }
0x3b9: {  	v8 =	vld.idx.msk [tilespmem:v14+s1+$0x0], $0xffff  }
0x3ba: {  	v9 =	vadd.f32 v24, v17;
	v11 =	vld.idx.msk [tilespmem:v15+s1+$0x0], $0xffff  }
0x3bb: {  	v16 =	vadd.f32 v23, v19;
	v17 =	vld.idx.msk [tilespmem:v20+s1+$0x0], $0xffff  }
0x3bc: {  	v19 =	vld.idx.msk [tilespmem:v21+s1+$0x0], $0xffff  }
0x3bd: {  	v23 =	vld.idx.msk [tilespmem:v22+s1+$0x0], $0xffff  }
0x3be: {  	[tilespmem:v3+s2+$0x0] =	vst.idx.add.f32.msk $0xffff, v7;
	v3 =	vmov v13  }
0x3bf: {  	[tilespmem:v5+s2+$0x0] =	vst.idx.add.f32.msk $0xffff, v7;
	v5 =	vmov v21  }
0x3c0: {  	v8 =	vadd.f32 v11, v8;
	[tilespmem:v1+s2+$0x0] =	vst.idx.add.f32.msk $0xffff, v6;
	v1 =	vmov v14  }
0x3c1: {  	v11 =	vadd.f32 v17, v16;
	[tilespmem:v2+s2+$0x0] =	vst.idx.add.f32.msk $0xffff, v6;
	v2 =	vmov v15  }
.Ltmp13:
0x3c2: {  	v7 =	vadd.f32 v19, v9;
	[tilespmem:v4+s2+$0x0] =	vst.idx.add.f32.msk $0xffff, v6;
	v4 =	vmov v22;
	(pc) =	sbr.rel @p3 .LBB2_24-.Ltmp13, $4  }
0x3c3: {  	v6 =	vadd.f32 v23, v8;
	[tilespmem:v18+s2+$0x0] =	vst.idx.add.f32.msk $0xffff, v11  }
0x3c4: {  	[tilespmem:v10+s2+$0x0] =	vst.idx.add.f32.msk $0xffff, v11  }
0x3c5: {  	[tilespmem:v20+s2+$0x0] =	vst.idx.add.f32.msk $0xffff, v11  }
0x3c6: {  	s9 =	sadd.s32 $0x40, s9;
	[tilespmem:v12+s2+$0x0] =	vst.idx.add.f32.msk $0xffff, v7  }
0x3c7: {  	_ =	sdelay $0x3  }
0x3c8: {  	[tilespmem:v3+s2+$0x0] =	vst.idx.add.f32.msk $0xffff, v7  }
0x3c9: {  	[tilespmem:v1+s2+$0x0] =	vst.idx.add.f32.msk $0xffff, v6  }
0x3ca: {  	[tilespmem:v5+s2+$0x0] =	vst.idx.add.f32.msk $0xffff, v7  }
0x3cb: {  	[tilespmem:v2+s2+$0x0] =	vst.idx.add.f32.msk $0xffff, v6  }
0x3cc: {  	[tilespmem:v4+s2+$0x0] =	vst.idx.add.f32.msk $0xffff, v6  }
0x3cd: {  	_ =	swait.ge [sflag:s29], $0xC80  }
0x3ce: {  	[sflag:s29] =	ssyncset.done $0x0  }
0x3cf: {  	[sflag:s29] =	ssyncadd.s32 $0xFFFFF380  }
0x3d0: {  	_ =	swait.ge [sflag:s29], $0xC80  }
0x3d1: {  	[sflag:s29] =	ssyncset.done $0x0  }
0x3d2: {  	[sflag:s29] =	ssyncadd.s32 $0xFFFFF380  }
0x3d3: {  	_ =	swait.ge [sflag:s29], $0xC80  }
0x3d4: {  	s6 =	sld [smem:$0x7E9]  }
0x3d5: {  	[sflag:s29] =	ssyncset.done $0x0  }
0x3d6: {  	s8 =	sld [smem:$0x7EA];
	[sflag:s29] =	ssyncadd.s32 $0xFFFFF380  }
0x3d7: {  	[tilespmem:s30], [sflag:$0x2] =	stream.linear.gather [hbm4b:s6+s1], $0xC80, $0x38;
	[tilespmem:$0x1DF80] =	vst v63  }
0x3d8: {  	s9 =	sld [smem:$0x7EB]  }
0x3d9: {  	[tilespmem:s31], [sflag:$0x2] =	stream.linear.gather [hbm4b:s8+s1], $0xC80, $0x38;
	[tilespmem:$0x1DF80] =	vst v63  }
0x3da: {  	s8 =	simm.s32 $0x194A0  }
0x3db: {  	[tilespmem:s0], [sflag:$0x2] =	stream.linear.gather [hbm4b:s9+s1], $0xC80, $0x38;
	[tilespmem:$0x1DF80] =	vst v63  }
0x3dc: {  	s6 =	simm.s32 $0x1A120;
	v6 =	vld [tilespmem:s8+$0x10]  }
0x3dd: {  	v7 =	vld [tilespmem:s6+$0x10]  }
0x3de: {  	s7 =	simm.s32 $0x1ADA0;
	v8 =	vld [tilespmem:s6+$0xFFFFFFE0]  }
0x3df: {  	v9 =	vld [tilespmem:s7+$0x10]  }
0x3e0: {  	v10 =	vld [tilespmem:s8+$0xFFFFFFF0]  }
0x3e1: {  	v3 =	vld [tilespmem:s6+$0xFFFFFFF0]  }
0x3e2: {  	v1 =	vld [tilespmem:s8+$0x0]  }
0x3e3: {  	v2 =	vld [tilespmem:s6+$0x0]  }
0x3e4: {  	v13 =	vld [tilespmem:s8+$0xFFFFFFE0]  }
0x3e5: {  	v15 =	vld [tilespmem:s7+$0xFFFFFFE0]  }
0x3e6: {  	v5 =	vld [tilespmem:s7+$0xFFFFFFF0]  }
0x3e7: {  	v11 =	vld.idx.msk [tilespmem:v6+s1+$0x0], $0xffff  }
0x3e8: {  	v12 =	vld.idx.msk [tilespmem:v7+s1+$0x0], $0xffff  }
0x3e9: {  	v4 =	vld [tilespmem:s7+$0x0]  }
0x3ea: {  	v14 =	vld.idx.msk [tilespmem:v9+s1+$0x0], $0xffff  }
0x3eb: {  	v16 =	vld.idx.msk [tilespmem:v8+s1+$0x0], $0xffff  }
0x3ec: {  	v59 =	vld.idx.msk [tilespmem:v10+s1+$0x0], $0xffff  }
0x3ed: {  	v17 =	vld.idx.msk [tilespmem:v3+s1+$0x0], $0xffff;
	v11 =	vadd.f32 v12, v11  }
0x3ee: {  	v60 =	vld.idx.msk [tilespmem:v13+s1+$0x0], $0xffff  }
0x3ef: {  	v18 =	vld.idx.msk [tilespmem:v1+s1+$0x0], $0xffff;
	v11 =	vadd.f32 v14, v11  }
0x3f0: {  	v61 =	vld.idx.msk [tilespmem:v5+s1+$0x0], $0xffff  }
0x3f1: {  	[tilespmem:v6+s2+$0x0] =	vst.idx.add.f32.msk $0xffff, v11  }
0x3f2: {  	v6 =	vld.idx.msk [tilespmem:v15+s1+$0x0], $0xffff  }
0x3f3: {  	v19 =	vld.idx.msk [tilespmem:v2+s1+$0x0], $0xffff  }
0x3f4: {  	[tilespmem:v7+s2+$0x0] =	vst.idx.add.f32.msk $0xffff, v11;
	v7 =	vadd.f32 v17, v59  }
0x3f5: {  	v14 =	vadd.f32 v16, v60  }
0x3f6: {  	v62 =	vld.idx.msk [tilespmem:v4+s1+$0x0], $0xffff;
	v7 =	vadd.f32 v61, v7  }
0x3f7: {  	[tilespmem:v9+s2+$0x0] =	vst.idx.add.f32.msk $0xffff, v11;
	v6 =	vadd.f32 v6, v14  }
0x3f8: {  	[tilespmem:v10+s2+$0x0] =	vst.idx.add.f32.msk $0xffff, v7  }
0x3f9: {  	v63 =	vadd.f32 v19, v18;
	[tilespmem:v13+s2+$0x0] =	vst.idx.add.f32.msk $0xffff, v6  }
0x3fa: {  	[tilespmem:v8+s2+$0x0] =	vst.idx.add.f32.msk $0xffff, v6  }
0x3fb: {  	s9 =	simm.s32 $0x194E0;
	s8 =	simm.s32 $0x0;
	[tilespmem:v15+s2+$0x0] =	vst.idx.add.f32.msk $0xffff, v6;
	v6 =	vadd.f32 v62, v63  }
.LBB2_26:
0x3fc: {  	v8 =	vld [tilespmem:s9+$0x10];
	s6 =	sadd.s32 $0x40, s6  }
0x3fd: {  	v9 =	vld [tilespmem:s6+$0x10]  }
0x3fe: {  	s7 =	sadd.s32 $0x40, s7;
	v10 =	vld [tilespmem:s6+$0xFFFFFFE0]  }
0x3ff: {  	s8 =	sadd.s32 $0x4, s8;
	v11 =	vld [tilespmem:s7+$0x10]  }
0x400: {  	p3 =	slt.u32 s8, $0xC4;
	v12 =	vld [tilespmem:s9+$0xFFFFFFF0]  }
0x401: {  	v13 =	vld [tilespmem:s6+$0xFFFFFFF0]  }
0x402: {  	v14 =	vld [tilespmem:s9+$0x0]  }
0x403: {  	v15 =	vld [tilespmem:s6+$0x0]  }
0x404: {  	v16 =	vld.idx.msk [tilespmem:v8+s1+$0x0], $0xffff  }
0x405: {  	v17 =	vld.idx.msk [tilespmem:v9+s1+$0x0], $0xffff  }
0x406: {  	v18 =	vld [tilespmem:s9+$0xFFFFFFE0]  }
0x407: {  	v19 =	vld.idx.msk [tilespmem:v11+s1+$0x0], $0xffff  }
0x408: {  	v20 =	vld [tilespmem:s7+$0xFFFFFFE0]  }
0x409: {  	v21 =	vld [tilespmem:s7+$0xFFFFFFF0]  }
0x40a: {  	v22 =	vld [tilespmem:s7+$0x0]  }
0x40b: {  	v16 =	vadd.f32 v17, v16;
	v23 =	vld.idx.msk [tilespmem:v10+s1+$0x0], $0xffff  }
0x40c: {  	v17 =	vld.idx.msk [tilespmem:v12+s1+$0x0], $0xffff  }
0x40d: {  	v16 =	vadd.f32 v19, v16;
	v24 =	vld.idx.msk [tilespmem:v13+s1+$0x0], $0xffff  }
0x40e: {  	v19 =	vld.idx.msk [tilespmem:v18+s1+$0x0], $0xffff  }
0x40f: {  	[tilespmem:v8+s2+$0x0] =	vst.idx.add.f32.msk $0xffff, v16  }
0x410: {  	[tilespmem:v9+s2+$0x0] =	vst.idx.add.f32.msk $0xffff, v16  }
0x411: {  	[tilespmem:v11+s2+$0x0] =	vst.idx.add.f32.msk $0xffff, v16  }
0x412: {  	v8 =	vld.idx.msk [tilespmem:v14+s1+$0x0], $0xffff  }
0x413: {  	v9 =	vadd.f32 v24, v17;
	v11 =	vld.idx.msk [tilespmem:v15+s1+$0x0], $0xffff  }
0x414: {  	v16 =	vadd.f32 v23, v19;
	v17 =	vld.idx.msk [tilespmem:v20+s1+$0x0], $0xffff  }
0x415: {  	v19 =	vld.idx.msk [tilespmem:v21+s1+$0x0], $0xffff  }
0x416: {  	v23 =	vld.idx.msk [tilespmem:v22+s1+$0x0], $0xffff  }
0x417: {  	[tilespmem:v3+s2+$0x0] =	vst.idx.add.f32.msk $0xffff, v7;
	v3 =	vmov v13  }
0x418: {  	[tilespmem:v5+s2+$0x0] =	vst.idx.add.f32.msk $0xffff, v7;
	v5 =	vmov v21  }
0x419: {  	v8 =	vadd.f32 v11, v8;
	[tilespmem:v1+s2+$0x0] =	vst.idx.add.f32.msk $0xffff, v6;
	v1 =	vmov v14  }
0x41a: {  	v11 =	vadd.f32 v17, v16;
	[tilespmem:v2+s2+$0x0] =	vst.idx.add.f32.msk $0xffff, v6;
	v2 =	vmov v15  }
.Ltmp14:
0x41b: {  	v7 =	vadd.f32 v19, v9;
	[tilespmem:v4+s2+$0x0] =	vst.idx.add.f32.msk $0xffff, v6;
	v4 =	vmov v22;
	(pc) =	sbr.rel @p3 .LBB2_26-.Ltmp14, $4  }
0x41c: {  	v6 =	vadd.f32 v23, v8;
	[tilespmem:v18+s2+$0x0] =	vst.idx.add.f32.msk $0xffff, v11  }
0x41d: {  	[tilespmem:v10+s2+$0x0] =	vst.idx.add.f32.msk $0xffff, v11  }
0x41e: {  	[tilespmem:v20+s2+$0x0] =	vst.idx.add.f32.msk $0xffff, v11  }
0x41f: {  	s9 =	sadd.s32 $0x40, s9;
	[tilespmem:v12+s2+$0x0] =	vst.idx.add.f32.msk $0xffff, v7  }
0x420: {  	_ =	sdelay $0x3  }
0x421: {  	[tilespmem:v3+s2+$0x0] =	vst.idx.add.f32.msk $0xffff, v7  }
0x422: {  	[tilespmem:v1+s2+$0x0] =	vst.idx.add.f32.msk $0xffff, v6  }
0x423: {  	[tilespmem:v5+s2+$0x0] =	vst.idx.add.f32.msk $0xffff, v7  }
0x424: {  	[tilespmem:v2+s2+$0x0] =	vst.idx.add.f32.msk $0xffff, v6  }
0x425: {  	[tilespmem:v4+s2+$0x0] =	vst.idx.add.f32.msk $0xffff, v6  }
0x426: {  	_ =	swait.ge [sflag:s3], $0xC80  }
0x427: {  	[sflag:s3] =	ssyncset.done $0x0  }
0x428: {  	[sflag:s3] =	ssyncadd.s32 $0xFFFFF380  }
0x429: {  	_ =	swait.ge [sflag:s3], $0xC80  }
0x42a: {  	[sflag:s3] =	ssyncset.done $0x0  }
0x42b: {  	[sflag:s3] =	ssyncadd.s32 $0xFFFFF380  }
0x42c: {  	_ =	swait.ge [sflag:s3], $0xC80  }
0x42d: {  	s6 =	sld [smem:$0x7EC]  }
0x42e: {  	[sflag:s3] =	ssyncset.done $0x0  }
0x42f: {  	s9 =	sld [smem:$0x7ED];
	[sflag:s3] =	ssyncadd.s32 $0xFFFFF380  }
0x430: {  	[tilespmem:s24], [sflag:$0x1] =	stream.linear.gather [hbm4b:s6+s1], $0xC80, $0x38;
	[tilespmem:$0x1DF80] =	vst v63  }
0x431: {  	_ = 	snop  }
0x432: {  	[tilespmem:s25], [sflag:$0x1] =	stream.linear.gather [hbm4b:s9+s1], $0xC80, $0x38;
	[tilespmem:$0x1DF80] =	vst v63  }
0x433: {  	s8 =	simm.s32 $0x1BA20  }
0x434: {  	[tilespmem:s26], [sflag:$0x1] =	stream.linear.gather [hbm4b:s10+s1], $0xC80, $0x38;
	[tilespmem:$0x1DF80] =	vst v63  }
0x435: {  	s6 =	simm.s32 $0x1C6A0;
	v6 =	vld [tilespmem:s8+$0x10]  }
0x436: {  	v7 =	vld [tilespmem:s6+$0x10]  }
0x437: {  	s7 =	simm.s32 $0x1D320;
	v8 =	vld [tilespmem:s6+$0xFFFFFFE0]  }
0x438: {  	v9 =	vld [tilespmem:s7+$0x10]  }
0x439: {  	v10 =	vld [tilespmem:s8+$0xFFFFFFF0]  }
0x43a: {  	v3 =	vld [tilespmem:s6+$0xFFFFFFF0]  }
0x43b: {  	v1 =	vld [tilespmem:s8+$0x0]  }
0x43c: {  	v2 =	vld [tilespmem:s6+$0x0]  }
0x43d: {  	v13 =	vld [tilespmem:s8+$0xFFFFFFE0]  }
0x43e: {  	v15 =	vld [tilespmem:s7+$0xFFFFFFE0]  }
0x43f: {  	v5 =	vld [tilespmem:s7+$0xFFFFFFF0]  }
0x440: {  	v11 =	vld.idx.msk [tilespmem:v6+s1+$0x0], $0xffff  }
0x441: {  	v12 =	vld.idx.msk [tilespmem:v7+s1+$0x0], $0xffff  }
0x442: {  	v4 =	vld [tilespmem:s7+$0x0]  }
0x443: {  	v14 =	vld.idx.msk [tilespmem:v9+s1+$0x0], $0xffff  }
0x444: {  	v16 =	vld.idx.msk [tilespmem:v8+s1+$0x0], $0xffff  }
0x445: {  	v59 =	vld.idx.msk [tilespmem:v10+s1+$0x0], $0xffff  }
0x446: {  	v17 =	vld.idx.msk [tilespmem:v3+s1+$0x0], $0xffff;
	v11 =	vadd.f32 v12, v11  }
0x447: {  	v60 =	vld.idx.msk [tilespmem:v13+s1+$0x0], $0xffff  }
0x448: {  	v18 =	vld.idx.msk [tilespmem:v1+s1+$0x0], $0xffff;
	v11 =	vadd.f32 v14, v11  }
0x449: {  	v61 =	vld.idx.msk [tilespmem:v5+s1+$0x0], $0xffff  }
0x44a: {  	[tilespmem:v6+s2+$0x0] =	vst.idx.add.f32.msk $0xffff, v11  }
0x44b: {  	v6 =	vld.idx.msk [tilespmem:v15+s1+$0x0], $0xffff  }
0x44c: {  	v19 =	vld.idx.msk [tilespmem:v2+s1+$0x0], $0xffff  }
0x44d: {  	[tilespmem:v7+s2+$0x0] =	vst.idx.add.f32.msk $0xffff, v11;
	v7 =	vadd.f32 v17, v59  }
0x44e: {  	v14 =	vadd.f32 v16, v60  }
0x44f: {  	v62 =	vld.idx.msk [tilespmem:v4+s1+$0x0], $0xffff;
	v7 =	vadd.f32 v61, v7  }
0x450: {  	[tilespmem:v9+s2+$0x0] =	vst.idx.add.f32.msk $0xffff, v11;
	v6 =	vadd.f32 v6, v14  }
0x451: {  	[tilespmem:v10+s2+$0x0] =	vst.idx.add.f32.msk $0xffff, v7  }
0x452: {  	v63 =	vadd.f32 v19, v18;
	[tilespmem:v13+s2+$0x0] =	vst.idx.add.f32.msk $0xffff, v6  }
0x453: {  	[tilespmem:v8+s2+$0x0] =	vst.idx.add.f32.msk $0xffff, v6  }
0x454: {  	s9 =	simm.s32 $0x1BA60;
	s8 =	simm.s32 $0x0;
	[tilespmem:v15+s2+$0x0] =	vst.idx.add.f32.msk $0xffff, v6;
	v6 =	vadd.f32 v62, v63  }
.LBB2_28:
0x455: {  	v8 =	vld [tilespmem:s9+$0x10];
	s6 =	sadd.s32 $0x40, s6  }
0x456: {  	v9 =	vld [tilespmem:s6+$0x10]  }
0x457: {  	s7 =	sadd.s32 $0x40, s7;
	v10 =	vld [tilespmem:s6+$0xFFFFFFE0]  }
0x458: {  	s8 =	sadd.s32 $0x4, s8;
	v11 =	vld [tilespmem:s7+$0x10]  }
0x459: {  	p3 =	slt.u32 s8, $0xC4;
	v12 =	vld [tilespmem:s9+$0xFFFFFFF0]  }
0x45a: {  	v13 =	vld [tilespmem:s6+$0xFFFFFFF0]  }
0x45b: {  	v14 =	vld [tilespmem:s9+$0x0]  }
0x45c: {  	v15 =	vld [tilespmem:s6+$0x0]  }
0x45d: {  	v16 =	vld.idx.msk [tilespmem:v8+s1+$0x0], $0xffff  }
0x45e: {  	v17 =	vld.idx.msk [tilespmem:v9+s1+$0x0], $0xffff  }
0x45f: {  	v18 =	vld [tilespmem:s9+$0xFFFFFFE0]  }
0x460: {  	v19 =	vld.idx.msk [tilespmem:v11+s1+$0x0], $0xffff  }
0x461: {  	v20 =	vld [tilespmem:s7+$0xFFFFFFE0]  }
0x462: {  	v21 =	vld [tilespmem:s7+$0xFFFFFFF0]  }
0x463: {  	v22 =	vld [tilespmem:s7+$0x0]  }
0x464: {  	v16 =	vadd.f32 v17, v16;
	v23 =	vld.idx.msk [tilespmem:v10+s1+$0x0], $0xffff  }
0x465: {  	v17 =	vld.idx.msk [tilespmem:v12+s1+$0x0], $0xffff  }
0x466: {  	v16 =	vadd.f32 v19, v16;
	v24 =	vld.idx.msk [tilespmem:v13+s1+$0x0], $0xffff  }
0x467: {  	v19 =	vld.idx.msk [tilespmem:v18+s1+$0x0], $0xffff  }
0x468: {  	[tilespmem:v8+s2+$0x0] =	vst.idx.add.f32.msk $0xffff, v16  }
0x469: {  	[tilespmem:v9+s2+$0x0] =	vst.idx.add.f32.msk $0xffff, v16  }
0x46a: {  	[tilespmem:v11+s2+$0x0] =	vst.idx.add.f32.msk $0xffff, v16  }
0x46b: {  	v8 =	vld.idx.msk [tilespmem:v14+s1+$0x0], $0xffff  }
0x46c: {  	v9 =	vadd.f32 v24, v17;
	v11 =	vld.idx.msk [tilespmem:v15+s1+$0x0], $0xffff  }
0x46d: {  	v16 =	vadd.f32 v23, v19;
	v17 =	vld.idx.msk [tilespmem:v20+s1+$0x0], $0xffff  }
0x46e: {  	v19 =	vld.idx.msk [tilespmem:v21+s1+$0x0], $0xffff  }
0x46f: {  	v23 =	vld.idx.msk [tilespmem:v22+s1+$0x0], $0xffff  }
0x470: {  	[tilespmem:v3+s2+$0x0] =	vst.idx.add.f32.msk $0xffff, v7;
	v3 =	vmov v13  }
0x471: {  	[tilespmem:v5+s2+$0x0] =	vst.idx.add.f32.msk $0xffff, v7;
	v5 =	vmov v21  }
0x472: {  	v8 =	vadd.f32 v11, v8;
	[tilespmem:v1+s2+$0x0] =	vst.idx.add.f32.msk $0xffff, v6;
	v1 =	vmov v14  }
0x473: {  	v11 =	vadd.f32 v17, v16;
	[tilespmem:v2+s2+$0x0] =	vst.idx.add.f32.msk $0xffff, v6;
	v2 =	vmov v15  }
.Ltmp15:
0x474: {  	v7 =	vadd.f32 v19, v9;
	[tilespmem:v4+s2+$0x0] =	vst.idx.add.f32.msk $0xffff, v6;
	v4 =	vmov v22;
	(pc) =	sbr.rel @p3 .LBB2_28-.Ltmp15, $4  }
0x475: {  	v6 =	vadd.f32 v23, v8;
	[tilespmem:v18+s2+$0x0] =	vst.idx.add.f32.msk $0xffff, v11  }
0x476: {  	[tilespmem:v10+s2+$0x0] =	vst.idx.add.f32.msk $0xffff, v11  }
0x477: {  	[tilespmem:v20+s2+$0x0] =	vst.idx.add.f32.msk $0xffff, v11  }
0x478: {  	s9 =	sadd.s32 $0x40, s9;
	[tilespmem:v12+s2+$0x0] =	vst.idx.add.f32.msk $0xffff, v7  }
0x479: {  	_ =	sdelay $0x3  }
0x47a: {  	[tilespmem:v3+s2+$0x0] =	vst.idx.add.f32.msk $0xffff, v7  }
0x47b: {  	[tilespmem:v1+s2+$0x0] =	vst.idx.add.f32.msk $0xffff, v6  }
0x47c: {  	[tilespmem:v5+s2+$0x0] =	vst.idx.add.f32.msk $0xffff, v7  }
0x47d: {  	[tilespmem:v2+s2+$0x0] =	vst.idx.add.f32.msk $0xffff, v6  }
0x47e: {  	[tilespmem:v4+s2+$0x0] =	vst.idx.add.f32.msk $0xffff, v6  }
0x47f: {  	_ =	swait.ge [sflag:s29], $0xC80  }
0x480: {  	[sflag:s29] =	ssyncset.done $0x0  }
0x481: {  	[sflag:s29] =	ssyncadd.s32 $0xFFFFF380  }
0x482: {  	_ =	swait.ge [sflag:s29], $0xC80  }
0x483: {  	[sflag:s29] =	ssyncset.done $0x0  }
0x484: {  	[sflag:s29] =	ssyncadd.s32 $0xFFFFF380  }
0x485: {  	_ =	swait.ge [sflag:s29], $0xC80  }
0x486: {  	[sflag:s29] =	ssyncset.done $0x0  }
0x487: {  	[sflag:s29] =	ssyncadd.s32 $0xFFFFF380  }
0x488: {  	[tilespmem:s30], [sflag:$0x2] =	stream.linear.gather [hbm4b:s11+s1], $0xC80, $0x38;
	[tilespmem:$0x1DF80] =	vst v63  }
0x489: {  	_ = 	snop  }
0x48a: {  	[tilespmem:s31], [sflag:$0x2] =	stream.linear.gather [hbm4b:s12+s1], $0xC80, $0x38;
	[tilespmem:$0x1DF80] =	vst v63  }
0x48b: {  	s8 =	simm.s32 $0x194A0  }
0x48c: {  	[tilespmem:s0], [sflag:$0x2] =	stream.linear.gather [hbm4b:s13+s1], $0xC80, $0x38;
	[tilespmem:$0x1DF80] =	vst v63  }
0x48d: {  	s6 =	simm.s32 $0x1A120;
	v6 =	vld [tilespmem:s8+$0x10]  }
0x48e: {  	v7 =	vld [tilespmem:s6+$0x10]  }
0x48f: {  	s7 =	simm.s32 $0x1ADA0;
	v8 =	vld [tilespmem:s6+$0xFFFFFFE0]  }
0x490: {  	v9 =	vld [tilespmem:s7+$0x10]  }
0x491: {  	v10 =	vld [tilespmem:s8+$0xFFFFFFF0]  }
0x492: {  	v3 =	vld [tilespmem:s6+$0xFFFFFFF0]  }
0x493: {  	v1 =	vld [tilespmem:s8+$0x0]  }
0x494: {  	v2 =	vld [tilespmem:s6+$0x0]  }
0x495: {  	v13 =	vld [tilespmem:s8+$0xFFFFFFE0]  }
0x496: {  	v15 =	vld [tilespmem:s7+$0xFFFFFFE0]  }
0x497: {  	v5 =	vld [tilespmem:s7+$0xFFFFFFF0]  }
0x498: {  	v11 =	vld.idx.msk [tilespmem:v6+s1+$0x0], $0xffff  }
0x499: {  	v12 =	vld.idx.msk [tilespmem:v7+s1+$0x0], $0xffff  }
0x49a: {  	v4 =	vld [tilespmem:s7+$0x0]  }
0x49b: {  	v14 =	vld.idx.msk [tilespmem:v9+s1+$0x0], $0xffff  }
0x49c: {  	v16 =	vld.idx.msk [tilespmem:v8+s1+$0x0], $0xffff  }
0x49d: {  	v59 =	vld.idx.msk [tilespmem:v10+s1+$0x0], $0xffff  }
0x49e: {  	v17 =	vld.idx.msk [tilespmem:v3+s1+$0x0], $0xffff;
	v11 =	vadd.f32 v12, v11  }
0x49f: {  	v60 =	vld.idx.msk [tilespmem:v13+s1+$0x0], $0xffff  }
0x4a0: {  	v18 =	vld.idx.msk [tilespmem:v1+s1+$0x0], $0xffff;
	v11 =	vadd.f32 v14, v11  }
0x4a1: {  	v61 =	vld.idx.msk [tilespmem:v5+s1+$0x0], $0xffff  }
0x4a2: {  	[tilespmem:v6+s2+$0x0] =	vst.idx.add.f32.msk $0xffff, v11  }
0x4a3: {  	v6 =	vld.idx.msk [tilespmem:v15+s1+$0x0], $0xffff  }
0x4a4: {  	v19 =	vld.idx.msk [tilespmem:v2+s1+$0x0], $0xffff  }
0x4a5: {  	[tilespmem:v7+s2+$0x0] =	vst.idx.add.f32.msk $0xffff, v11;
	v7 =	vadd.f32 v17, v59  }
0x4a6: {  	v14 =	vadd.f32 v16, v60  }
0x4a7: {  	v62 =	vld.idx.msk [tilespmem:v4+s1+$0x0], $0xffff;
	v7 =	vadd.f32 v61, v7  }
0x4a8: {  	[tilespmem:v9+s2+$0x0] =	vst.idx.add.f32.msk $0xffff, v11;
	v6 =	vadd.f32 v6, v14  }
0x4a9: {  	[tilespmem:v10+s2+$0x0] =	vst.idx.add.f32.msk $0xffff, v7  }
0x4aa: {  	v63 =	vadd.f32 v19, v18;
	[tilespmem:v13+s2+$0x0] =	vst.idx.add.f32.msk $0xffff, v6  }
0x4ab: {  	[tilespmem:v8+s2+$0x0] =	vst.idx.add.f32.msk $0xffff, v6  }
0x4ac: {  	s9 =	simm.s32 $0x194E0;
	s8 =	simm.s32 $0x0;
	[tilespmem:v15+s2+$0x0] =	vst.idx.add.f32.msk $0xffff, v6;
	v6 =	vadd.f32 v62, v63  }
.LBB2_30:
0x4ad: {  	v8 =	vld [tilespmem:s9+$0x10];
	s6 =	sadd.s32 $0x40, s6  }
0x4ae: {  	v9 =	vld [tilespmem:s6+$0x10]  }
0x4af: {  	s7 =	sadd.s32 $0x40, s7;
	v10 =	vld [tilespmem:s6+$0xFFFFFFE0]  }
0x4b0: {  	s8 =	sadd.s32 $0x4, s8;
	v11 =	vld [tilespmem:s7+$0x10]  }
0x4b1: {  	p3 =	slt.u32 s8, $0xC4;
	v12 =	vld [tilespmem:s9+$0xFFFFFFF0]  }
0x4b2: {  	v13 =	vld [tilespmem:s6+$0xFFFFFFF0]  }
0x4b3: {  	v14 =	vld [tilespmem:s9+$0x0]  }
0x4b4: {  	v15 =	vld [tilespmem:s6+$0x0]  }
0x4b5: {  	v16 =	vld.idx.msk [tilespmem:v8+s1+$0x0], $0xffff  }
0x4b6: {  	v17 =	vld.idx.msk [tilespmem:v9+s1+$0x0], $0xffff  }
0x4b7: {  	v18 =	vld [tilespmem:s9+$0xFFFFFFE0]  }
0x4b8: {  	v19 =	vld.idx.msk [tilespmem:v11+s1+$0x0], $0xffff  }
0x4b9: {  	v20 =	vld [tilespmem:s7+$0xFFFFFFE0]  }
0x4ba: {  	v21 =	vld [tilespmem:s7+$0xFFFFFFF0]  }
0x4bb: {  	v22 =	vld [tilespmem:s7+$0x0]  }
0x4bc: {  	v16 =	vadd.f32 v17, v16;
	v23 =	vld.idx.msk [tilespmem:v10+s1+$0x0], $0xffff  }
0x4bd: {  	v17 =	vld.idx.msk [tilespmem:v12+s1+$0x0], $0xffff  }
0x4be: {  	v16 =	vadd.f32 v19, v16;
	v24 =	vld.idx.msk [tilespmem:v13+s1+$0x0], $0xffff  }
0x4bf: {  	v19 =	vld.idx.msk [tilespmem:v18+s1+$0x0], $0xffff  }
0x4c0: {  	[tilespmem:v8+s2+$0x0] =	vst.idx.add.f32.msk $0xffff, v16  }
0x4c1: {  	[tilespmem:v9+s2+$0x0] =	vst.idx.add.f32.msk $0xffff, v16  }
0x4c2: {  	[tilespmem:v11+s2+$0x0] =	vst.idx.add.f32.msk $0xffff, v16  }
0x4c3: {  	v8 =	vld.idx.msk [tilespmem:v14+s1+$0x0], $0xffff  }
0x4c4: {  	v9 =	vadd.f32 v24, v17;
	v11 =	vld.idx.msk [tilespmem:v15+s1+$0x0], $0xffff  }
0x4c5: {  	v16 =	vadd.f32 v23, v19;
	v17 =	vld.idx.msk [tilespmem:v20+s1+$0x0], $0xffff  }
0x4c6: {  	v19 =	vld.idx.msk [tilespmem:v21+s1+$0x0], $0xffff  }
0x4c7: {  	v23 =	vld.idx.msk [tilespmem:v22+s1+$0x0], $0xffff  }
0x4c8: {  	[tilespmem:v3+s2+$0x0] =	vst.idx.add.f32.msk $0xffff, v7;
	v3 =	vmov v13  }
0x4c9: {  	[tilespmem:v5+s2+$0x0] =	vst.idx.add.f32.msk $0xffff, v7;
	v5 =	vmov v21  }
0x4ca: {  	v8 =	vadd.f32 v11, v8;
	[tilespmem:v1+s2+$0x0] =	vst.idx.add.f32.msk $0xffff, v6;
	v1 =	vmov v14  }
0x4cb: {  	v11 =	vadd.f32 v17, v16;
	[tilespmem:v2+s2+$0x0] =	vst.idx.add.f32.msk $0xffff, v6;
	v2 =	vmov v15  }
.Ltmp16:
0x4cc: {  	v7 =	vadd.f32 v19, v9;
	[tilespmem:v4+s2+$0x0] =	vst.idx.add.f32.msk $0xffff, v6;
	v4 =	vmov v22;
	(pc) =	sbr.rel @p3 .LBB2_30-.Ltmp16, $4  }
0x4cd: {  	v6 =	vadd.f32 v23, v8;
	[tilespmem:v18+s2+$0x0] =	vst.idx.add.f32.msk $0xffff, v11  }
0x4ce: {  	[tilespmem:v10+s2+$0x0] =	vst.idx.add.f32.msk $0xffff, v11  }
0x4cf: {  	[tilespmem:v20+s2+$0x0] =	vst.idx.add.f32.msk $0xffff, v11  }
0x4d0: {  	s9 =	sadd.s32 $0x40, s9;
	[tilespmem:v12+s2+$0x0] =	vst.idx.add.f32.msk $0xffff, v7  }
0x4d1: {  	_ =	sdelay $0x3  }
0x4d2: {  	[tilespmem:v3+s2+$0x0] =	vst.idx.add.f32.msk $0xffff, v7  }
0x4d3: {  	[tilespmem:v1+s2+$0x0] =	vst.idx.add.f32.msk $0xffff, v6  }
0x4d4: {  	[tilespmem:v5+s2+$0x0] =	vst.idx.add.f32.msk $0xffff, v7  }
0x4d5: {  	[tilespmem:v2+s2+$0x0] =	vst.idx.add.f32.msk $0xffff, v6  }
0x4d6: {  	[tilespmem:v4+s2+$0x0] =	vst.idx.add.f32.msk $0xffff, v6  }
0x4d7: {  	_ =	swait.ge [sflag:s3], $0xC80  }
0x4d8: {  	[sflag:s3] =	ssyncset.done $0x0  }
0x4d9: {  	[sflag:s3] =	ssyncadd.s32 $0xFFFFF380  }
0x4da: {  	_ =	swait.ge [sflag:s3], $0xC80  }
0x4db: {  	[sflag:s3] =	ssyncset.done $0x0  }
0x4dc: {  	[sflag:s3] =	ssyncadd.s32 $0xFFFFF380  }
0x4dd: {  	_ =	swait.ge [sflag:s3], $0xC80  }
0x4de: {  	[sflag:s3] =	ssyncset.done $0x0  }
0x4df: {  	[sflag:s3] =	ssyncadd.s32 $0xFFFFF380  }
0x4e0: {  	[tilespmem:s24], [sflag:$0x1] =	stream.linear.gather [hbm4b:s14+s1], $0xC80, $0x38;
	[tilespmem:$0x1DF80] =	vst v63  }
0x4e1: {  	_ = 	snop  }
0x4e2: {  	[tilespmem:s25], [sflag:$0x1] =	stream.linear.gather [hbm4b:s15+s1], $0xC80, $0x38;
	[tilespmem:$0x1DF80] =	vst v63  }
0x4e3: {  	s8 =	simm.s32 $0x1BA20  }
0x4e4: {  	[tilespmem:s26], [sflag:$0x1] =	stream.linear.gather [hbm4b:s16+s1], $0xC80, $0x38;
	[tilespmem:$0x1DF80] =	vst v63  }
0x4e5: {  	s6 =	simm.s32 $0x1C6A0;
	v6 =	vld [tilespmem:s8+$0x10]  }
0x4e6: {  	v7 =	vld [tilespmem:s6+$0x10]  }
0x4e7: {  	s7 =	simm.s32 $0x1D320;
	v8 =	vld [tilespmem:s6+$0xFFFFFFE0]  }
0x4e8: {  	v9 =	vld [tilespmem:s7+$0x10]  }
0x4e9: {  	v10 =	vld [tilespmem:s8+$0xFFFFFFF0]  }
0x4ea: {  	v3 =	vld [tilespmem:s6+$0xFFFFFFF0]  }
0x4eb: {  	v1 =	vld [tilespmem:s8+$0x0]  }
0x4ec: {  	v2 =	vld [tilespmem:s6+$0x0]  }
0x4ed: {  	v13 =	vld [tilespmem:s8+$0xFFFFFFE0]  }
0x4ee: {  	v15 =	vld [tilespmem:s7+$0xFFFFFFE0]  }
0x4ef: {  	v5 =	vld [tilespmem:s7+$0xFFFFFFF0]  }
0x4f0: {  	v11 =	vld.idx.msk [tilespmem:v6+s1+$0x0], $0xffff  }
0x4f1: {  	v12 =	vld.idx.msk [tilespmem:v7+s1+$0x0], $0xffff  }
0x4f2: {  	v4 =	vld [tilespmem:s7+$0x0]  }
0x4f3: {  	v14 =	vld.idx.msk [tilespmem:v9+s1+$0x0], $0xffff  }
0x4f4: {  	v16 =	vld.idx.msk [tilespmem:v8+s1+$0x0], $0xffff  }
0x4f5: {  	v59 =	vld.idx.msk [tilespmem:v10+s1+$0x0], $0xffff  }
0x4f6: {  	v17 =	vld.idx.msk [tilespmem:v3+s1+$0x0], $0xffff;
	v11 =	vadd.f32 v12, v11  }
0x4f7: {  	v60 =	vld.idx.msk [tilespmem:v13+s1+$0x0], $0xffff  }
0x4f8: {  	v18 =	vld.idx.msk [tilespmem:v1+s1+$0x0], $0xffff;
	v11 =	vadd.f32 v14, v11  }
0x4f9: {  	v61 =	vld.idx.msk [tilespmem:v5+s1+$0x0], $0xffff  }
0x4fa: {  	[tilespmem:v6+s2+$0x0] =	vst.idx.add.f32.msk $0xffff, v11  }
0x4fb: {  	v6 =	vld.idx.msk [tilespmem:v15+s1+$0x0], $0xffff  }
0x4fc: {  	v19 =	vld.idx.msk [tilespmem:v2+s1+$0x0], $0xffff  }
0x4fd: {  	[tilespmem:v7+s2+$0x0] =	vst.idx.add.f32.msk $0xffff, v11;
	v7 =	vadd.f32 v17, v59  }
0x4fe: {  	v14 =	vadd.f32 v16, v60  }
0x4ff: {  	v62 =	vld.idx.msk [tilespmem:v4+s1+$0x0], $0xffff;
	v7 =	vadd.f32 v61, v7  }
0x500: {  	[tilespmem:v9+s2+$0x0] =	vst.idx.add.f32.msk $0xffff, v11;
	v6 =	vadd.f32 v6, v14  }
0x501: {  	[tilespmem:v10+s2+$0x0] =	vst.idx.add.f32.msk $0xffff, v7  }
0x502: {  	v63 =	vadd.f32 v19, v18;
	[tilespmem:v13+s2+$0x0] =	vst.idx.add.f32.msk $0xffff, v6  }
0x503: {  	[tilespmem:v8+s2+$0x0] =	vst.idx.add.f32.msk $0xffff, v6  }
0x504: {  	s9 =	simm.s32 $0x1BA60;
	s8 =	simm.s32 $0x0;
	[tilespmem:v15+s2+$0x0] =	vst.idx.add.f32.msk $0xffff, v6;
	v6 =	vadd.f32 v62, v63  }
.LBB2_32:
0x505: {  	v8 =	vld [tilespmem:s9+$0x10];
	s6 =	sadd.s32 $0x40, s6  }
0x506: {  	v9 =	vld [tilespmem:s6+$0x10]  }
0x507: {  	s7 =	sadd.s32 $0x40, s7;
	v10 =	vld [tilespmem:s6+$0xFFFFFFE0]  }
0x508: {  	s8 =	sadd.s32 $0x4, s8;
	v11 =	vld [tilespmem:s7+$0x10]  }
0x509: {  	p3 =	slt.u32 s8, $0xC4;
	v12 =	vld [tilespmem:s9+$0xFFFFFFF0]  }
0x50a: {  	v13 =	vld [tilespmem:s6+$0xFFFFFFF0]  }
0x50b: {  	v14 =	vld [tilespmem:s9+$0x0]  }
0x50c: {  	v15 =	vld [tilespmem:s6+$0x0]  }
0x50d: {  	v16 =	vld.idx.msk [tilespmem:v8+s1+$0x0], $0xffff  }
0x50e: {  	v17 =	vld.idx.msk [tilespmem:v9+s1+$0x0], $0xffff  }
0x50f: {  	v18 =	vld [tilespmem:s9+$0xFFFFFFE0]  }
0x510: {  	v19 =	vld.idx.msk [tilespmem:v11+s1+$0x0], $0xffff  }
0x511: {  	v20 =	vld [tilespmem:s7+$0xFFFFFFE0]  }
0x512: {  	v21 =	vld [tilespmem:s7+$0xFFFFFFF0]  }
0x513: {  	v22 =	vld [tilespmem:s7+$0x0]  }
0x514: {  	v16 =	vadd.f32 v17, v16;
	v23 =	vld.idx.msk [tilespmem:v10+s1+$0x0], $0xffff  }
0x515: {  	v17 =	vld.idx.msk [tilespmem:v12+s1+$0x0], $0xffff  }
0x516: {  	v16 =	vadd.f32 v19, v16;
	v24 =	vld.idx.msk [tilespmem:v13+s1+$0x0], $0xffff  }
0x517: {  	v19 =	vld.idx.msk [tilespmem:v18+s1+$0x0], $0xffff  }
0x518: {  	[tilespmem:v8+s2+$0x0] =	vst.idx.add.f32.msk $0xffff, v16  }
0x519: {  	[tilespmem:v9+s2+$0x0] =	vst.idx.add.f32.msk $0xffff, v16  }
0x51a: {  	[tilespmem:v11+s2+$0x0] =	vst.idx.add.f32.msk $0xffff, v16  }
0x51b: {  	v8 =	vld.idx.msk [tilespmem:v14+s1+$0x0], $0xffff  }
0x51c: {  	v9 =	vadd.f32 v24, v17;
	v11 =	vld.idx.msk [tilespmem:v15+s1+$0x0], $0xffff  }
0x51d: {  	v16 =	vadd.f32 v23, v19;
	v17 =	vld.idx.msk [tilespmem:v20+s1+$0x0], $0xffff  }
0x51e: {  	v19 =	vld.idx.msk [tilespmem:v21+s1+$0x0], $0xffff  }
0x51f: {  	v23 =	vld.idx.msk [tilespmem:v22+s1+$0x0], $0xffff  }
0x520: {  	[tilespmem:v3+s2+$0x0] =	vst.idx.add.f32.msk $0xffff, v7;
	v3 =	vmov v13  }
0x521: {  	[tilespmem:v5+s2+$0x0] =	vst.idx.add.f32.msk $0xffff, v7;
	v5 =	vmov v21  }
0x522: {  	v8 =	vadd.f32 v11, v8;
	[tilespmem:v1+s2+$0x0] =	vst.idx.add.f32.msk $0xffff, v6;
	v1 =	vmov v14  }
0x523: {  	v11 =	vadd.f32 v17, v16;
	[tilespmem:v2+s2+$0x0] =	vst.idx.add.f32.msk $0xffff, v6;
	v2 =	vmov v15  }
.Ltmp17:
0x524: {  	v7 =	vadd.f32 v19, v9;
	[tilespmem:v4+s2+$0x0] =	vst.idx.add.f32.msk $0xffff, v6;
	v4 =	vmov v22;
	(pc) =	sbr.rel @p3 .LBB2_32-.Ltmp17, $4  }
0x525: {  	v6 =	vadd.f32 v23, v8;
	[tilespmem:v18+s2+$0x0] =	vst.idx.add.f32.msk $0xffff, v11  }
0x526: {  	[tilespmem:v10+s2+$0x0] =	vst.idx.add.f32.msk $0xffff, v11  }
0x527: {  	[tilespmem:v20+s2+$0x0] =	vst.idx.add.f32.msk $0xffff, v11  }
0x528: {  	s9 =	sadd.s32 $0x40, s9;
	[tilespmem:v12+s2+$0x0] =	vst.idx.add.f32.msk $0xffff, v7  }
0x529: {  	_ =	sdelay $0x3  }
0x52a: {  	[tilespmem:v3+s2+$0x0] =	vst.idx.add.f32.msk $0xffff, v7  }
0x52b: {  	[tilespmem:v1+s2+$0x0] =	vst.idx.add.f32.msk $0xffff, v6  }
0x52c: {  	[tilespmem:v5+s2+$0x0] =	vst.idx.add.f32.msk $0xffff, v7  }
0x52d: {  	[tilespmem:v2+s2+$0x0] =	vst.idx.add.f32.msk $0xffff, v6  }
0x52e: {  	[tilespmem:v4+s2+$0x0] =	vst.idx.add.f32.msk $0xffff, v6  }
0x52f: {  	_ =	swait.ge [sflag:s29], $0xC80  }
0x530: {  	[sflag:s29] =	ssyncset.done $0x0  }
0x531: {  	[sflag:s29] =	ssyncadd.s32 $0xFFFFF380  }
0x532: {  	_ =	swait.ge [sflag:s29], $0xC80  }
0x533: {  	[sflag:s29] =	ssyncset.done $0x0  }
0x534: {  	[sflag:s29] =	ssyncadd.s32 $0xFFFFF380  }
0x535: {  	_ =	swait.ge [sflag:s29], $0xC80  }
0x536: {  	[sflag:s29] =	ssyncset.done $0x0  }
0x537: {  	[sflag:s29] =	ssyncadd.s32 $0xFFFFF380  }
0x538: {  	[tilespmem:s30], [sflag:$0x2] =	stream.linear.gather [hbm4b:s17+s1], $0xC80, $0x38;
	[tilespmem:$0x1DF80] =	vst v63  }
0x539: {  	_ = 	snop  }
0x53a: {  	[tilespmem:s31], [sflag:$0x2] =	stream.linear.gather [hbm4b:s18+s1], $0xC80, $0x38;
	[tilespmem:$0x1DF80] =	vst v63  }
0x53b: {  	s8 =	simm.s32 $0x194A0  }
0x53c: {  	[tilespmem:s0], [sflag:$0x2] =	stream.linear.gather [hbm4b:s19+s1], $0xC80, $0x38;
	[tilespmem:$0x1DF80] =	vst v63  }
0x53d: {  	s6 =	simm.s32 $0x1A120;
	v6 =	vld [tilespmem:s8+$0x10]  }
0x53e: {  	v7 =	vld [tilespmem:s6+$0x10]  }
0x53f: {  	s7 =	simm.s32 $0x1ADA0;
	v8 =	vld [tilespmem:s6+$0xFFFFFFE0]  }
0x540: {  	v9 =	vld [tilespmem:s7+$0x10]  }
0x541: {  	v10 =	vld [tilespmem:s8+$0xFFFFFFF0]  }
0x542: {  	v3 =	vld [tilespmem:s6+$0xFFFFFFF0]  }
0x543: {  	v1 =	vld [tilespmem:s8+$0x0]  }
0x544: {  	v2 =	vld [tilespmem:s6+$0x0]  }
0x545: {  	v13 =	vld [tilespmem:s8+$0xFFFFFFE0]  }
0x546: {  	v15 =	vld [tilespmem:s7+$0xFFFFFFE0]  }
0x547: {  	v5 =	vld [tilespmem:s7+$0xFFFFFFF0]  }
0x548: {  	v11 =	vld.idx.msk [tilespmem:v6+s1+$0x0], $0xffff  }
0x549: {  	v12 =	vld.idx.msk [tilespmem:v7+s1+$0x0], $0xffff  }
0x54a: {  	v4 =	vld [tilespmem:s7+$0x0]  }
0x54b: {  	v14 =	vld.idx.msk [tilespmem:v9+s1+$0x0], $0xffff  }
0x54c: {  	v16 =	vld.idx.msk [tilespmem:v8+s1+$0x0], $0xffff  }
0x54d: {  	v59 =	vld.idx.msk [tilespmem:v10+s1+$0x0], $0xffff  }
0x54e: {  	v17 =	vld.idx.msk [tilespmem:v3+s1+$0x0], $0xffff;
	v11 =	vadd.f32 v12, v11  }
0x54f: {  	v60 =	vld.idx.msk [tilespmem:v13+s1+$0x0], $0xffff  }
0x550: {  	v18 =	vld.idx.msk [tilespmem:v1+s1+$0x0], $0xffff;
	v11 =	vadd.f32 v14, v11  }
0x551: {  	v61 =	vld.idx.msk [tilespmem:v5+s1+$0x0], $0xffff  }
0x552: {  	[tilespmem:v6+s2+$0x0] =	vst.idx.add.f32.msk $0xffff, v11  }
0x553: {  	v6 =	vld.idx.msk [tilespmem:v15+s1+$0x0], $0xffff  }
0x554: {  	v19 =	vld.idx.msk [tilespmem:v2+s1+$0x0], $0xffff  }
0x555: {  	[tilespmem:v7+s2+$0x0] =	vst.idx.add.f32.msk $0xffff, v11;
	v7 =	vadd.f32 v17, v59  }
0x556: {  	v14 =	vadd.f32 v16, v60  }
0x557: {  	v62 =	vld.idx.msk [tilespmem:v4+s1+$0x0], $0xffff;
	v7 =	vadd.f32 v61, v7  }
0x558: {  	[tilespmem:v9+s2+$0x0] =	vst.idx.add.f32.msk $0xffff, v11;
	v6 =	vadd.f32 v6, v14  }
0x559: {  	[tilespmem:v10+s2+$0x0] =	vst.idx.add.f32.msk $0xffff, v7  }
0x55a: {  	v63 =	vadd.f32 v19, v18;
	[tilespmem:v13+s2+$0x0] =	vst.idx.add.f32.msk $0xffff, v6  }
0x55b: {  	[tilespmem:v8+s2+$0x0] =	vst.idx.add.f32.msk $0xffff, v6  }
0x55c: {  	s9 =	simm.s32 $0x194E0;
	s8 =	simm.s32 $0x0;
	[tilespmem:v15+s2+$0x0] =	vst.idx.add.f32.msk $0xffff, v6;
	v6 =	vadd.f32 v62, v63  }
.LBB2_34:
0x55d: {  	v8 =	vld [tilespmem:s9+$0x10];
	s6 =	sadd.s32 $0x40, s6  }
0x55e: {  	v9 =	vld [tilespmem:s6+$0x10]  }
0x55f: {  	s7 =	sadd.s32 $0x40, s7;
	v10 =	vld [tilespmem:s6+$0xFFFFFFE0]  }
0x560: {  	s8 =	sadd.s32 $0x4, s8;
	v11 =	vld [tilespmem:s7+$0x10]  }
0x561: {  	p3 =	slt.u32 s8, $0xC4;
	v12 =	vld [tilespmem:s9+$0xFFFFFFF0]  }
0x562: {  	v13 =	vld [tilespmem:s6+$0xFFFFFFF0]  }
0x563: {  	v14 =	vld [tilespmem:s9+$0x0]  }
0x564: {  	v15 =	vld [tilespmem:s6+$0x0]  }
0x565: {  	v16 =	vld.idx.msk [tilespmem:v8+s1+$0x0], $0xffff  }
0x566: {  	v17 =	vld.idx.msk [tilespmem:v9+s1+$0x0], $0xffff  }
0x567: {  	v18 =	vld [tilespmem:s9+$0xFFFFFFE0]  }
0x568: {  	v19 =	vld.idx.msk [tilespmem:v11+s1+$0x0], $0xffff  }
0x569: {  	v20 =	vld [tilespmem:s7+$0xFFFFFFE0]  }
0x56a: {  	v21 =	vld [tilespmem:s7+$0xFFFFFFF0]  }
0x56b: {  	v22 =	vld [tilespmem:s7+$0x0]  }
0x56c: {  	v16 =	vadd.f32 v17, v16;
	v23 =	vld.idx.msk [tilespmem:v10+s1+$0x0], $0xffff  }
0x56d: {  	v17 =	vld.idx.msk [tilespmem:v12+s1+$0x0], $0xffff  }
0x56e: {  	v16 =	vadd.f32 v19, v16;
	v24 =	vld.idx.msk [tilespmem:v13+s1+$0x0], $0xffff  }
0x56f: {  	v19 =	vld.idx.msk [tilespmem:v18+s1+$0x0], $0xffff  }
0x570: {  	[tilespmem:v8+s2+$0x0] =	vst.idx.add.f32.msk $0xffff, v16  }
0x571: {  	[tilespmem:v9+s2+$0x0] =	vst.idx.add.f32.msk $0xffff, v16  }
0x572: {  	[tilespmem:v11+s2+$0x0] =	vst.idx.add.f32.msk $0xffff, v16  }
0x573: {  	v8 =	vld.idx.msk [tilespmem:v14+s1+$0x0], $0xffff  }
0x574: {  	v9 =	vadd.f32 v24, v17;
	v11 =	vld.idx.msk [tilespmem:v15+s1+$0x0], $0xffff  }
0x575: {  	v16 =	vadd.f32 v23, v19;
	v17 =	vld.idx.msk [tilespmem:v20+s1+$0x0], $0xffff  }
0x576: {  	v19 =	vld.idx.msk [tilespmem:v21+s1+$0x0], $0xffff  }
0x577: {  	v23 =	vld.idx.msk [tilespmem:v22+s1+$0x0], $0xffff  }
0x578: {  	[tilespmem:v3+s2+$0x0] =	vst.idx.add.f32.msk $0xffff, v7;
	v3 =	vmov v13  }
0x579: {  	[tilespmem:v5+s2+$0x0] =	vst.idx.add.f32.msk $0xffff, v7;
	v5 =	vmov v21  }
0x57a: {  	v8 =	vadd.f32 v11, v8;
	[tilespmem:v1+s2+$0x0] =	vst.idx.add.f32.msk $0xffff, v6;
	v1 =	vmov v14  }
0x57b: {  	v11 =	vadd.f32 v17, v16;
	[tilespmem:v2+s2+$0x0] =	vst.idx.add.f32.msk $0xffff, v6;
	v2 =	vmov v15  }
.Ltmp18:
0x57c: {  	v7 =	vadd.f32 v19, v9;
	[tilespmem:v4+s2+$0x0] =	vst.idx.add.f32.msk $0xffff, v6;
	v4 =	vmov v22;
	(pc) =	sbr.rel @p3 .LBB2_34-.Ltmp18, $4  }
0x57d: {  	v6 =	vadd.f32 v23, v8;
	[tilespmem:v18+s2+$0x0] =	vst.idx.add.f32.msk $0xffff, v11  }
0x57e: {  	[tilespmem:v10+s2+$0x0] =	vst.idx.add.f32.msk $0xffff, v11  }
0x57f: {  	[tilespmem:v20+s2+$0x0] =	vst.idx.add.f32.msk $0xffff, v11  }
0x580: {  	s9 =	sadd.s32 $0x40, s9;
	[tilespmem:v12+s2+$0x0] =	vst.idx.add.f32.msk $0xffff, v7  }
0x581: {  	_ =	sdelay $0x3  }
0x582: {  	[tilespmem:v3+s2+$0x0] =	vst.idx.add.f32.msk $0xffff, v7  }
0x583: {  	[tilespmem:v1+s2+$0x0] =	vst.idx.add.f32.msk $0xffff, v6  }
0x584: {  	[tilespmem:v5+s2+$0x0] =	vst.idx.add.f32.msk $0xffff, v7  }
0x585: {  	[tilespmem:v2+s2+$0x0] =	vst.idx.add.f32.msk $0xffff, v6  }
0x586: {  	[tilespmem:v4+s2+$0x0] =	vst.idx.add.f32.msk $0xffff, v6  }
0x587: {  	_ =	swait.ge [sflag:s3], $0xC80  }
0x588: {  	[sflag:s3] =	ssyncset.done $0x0  }
0x589: {  	[sflag:s3] =	ssyncadd.s32 $0xFFFFF380  }
0x58a: {  	_ =	swait.ge [sflag:s3], $0xC80  }
0x58b: {  	[sflag:s3] =	ssyncset.done $0x0  }
0x58c: {  	[sflag:s3] =	ssyncadd.s32 $0xFFFFF380  }
0x58d: {  	_ =	swait.ge [sflag:s3], $0xC80  }
0x58e: {  	[sflag:s3] =	ssyncset.done $0x0  }
0x58f: {  	s8 =	simm.s32 $0x1BA20;
	[sflag:s3] =	ssyncadd.s32 $0xFFFFF380  }
0x590: {  	s6 =	simm.s32 $0x1C6A0;
	v6 =	vld [tilespmem:s8+$0x10]  }
0x591: {  	v7 =	vld [tilespmem:s6+$0x10]  }
0x592: {  	s7 =	simm.s32 $0x1D320;
	v8 =	vld [tilespmem:s6+$0xFFFFFFE0]  }
0x593: {  	v9 =	vld [tilespmem:s7+$0x10]  }
0x594: {  	v10 =	vld [tilespmem:s8+$0xFFFFFFF0]  }
0x595: {  	v3 =	vld [tilespmem:s6+$0xFFFFFFF0]  }
0x596: {  	v1 =	vld [tilespmem:s8+$0x0]  }
0x597: {  	v2 =	vld [tilespmem:s6+$0x0]  }
0x598: {  	v13 =	vld [tilespmem:s8+$0xFFFFFFE0]  }
0x599: {  	v15 =	vld [tilespmem:s7+$0xFFFFFFE0]  }
0x59a: {  	v5 =	vld [tilespmem:s7+$0xFFFFFFF0]  }
0x59b: {  	v11 =	vld.idx.msk [tilespmem:v6+s1+$0x0], $0xffff  }
0x59c: {  	v12 =	vld.idx.msk [tilespmem:v7+s1+$0x0], $0xffff  }
0x59d: {  	v4 =	vld [tilespmem:s7+$0x0]  }
0x59e: {  	v14 =	vld.idx.msk [tilespmem:v9+s1+$0x0], $0xffff  }
0x59f: {  	v16 =	vld.idx.msk [tilespmem:v8+s1+$0x0], $0xffff  }
0x5a0: {  	v59 =	vld.idx.msk [tilespmem:v10+s1+$0x0], $0xffff  }
0x5a1: {  	v17 =	vld.idx.msk [tilespmem:v3+s1+$0x0], $0xffff;
	v11 =	vadd.f32 v12, v11  }
0x5a2: {  	v60 =	vld.idx.msk [tilespmem:v13+s1+$0x0], $0xffff  }
0x5a3: {  	v18 =	vld.idx.msk [tilespmem:v1+s1+$0x0], $0xffff;
	v11 =	vadd.f32 v14, v11  }
0x5a4: {  	v61 =	vld.idx.msk [tilespmem:v5+s1+$0x0], $0xffff  }
0x5a5: {  	[tilespmem:v6+s2+$0x0] =	vst.idx.add.f32.msk $0xffff, v11  }
0x5a6: {  	v6 =	vld.idx.msk [tilespmem:v15+s1+$0x0], $0xffff  }
0x5a7: {  	v19 =	vld.idx.msk [tilespmem:v2+s1+$0x0], $0xffff  }
0x5a8: {  	[tilespmem:v7+s2+$0x0] =	vst.idx.add.f32.msk $0xffff, v11;
	v7 =	vadd.f32 v17, v59  }
0x5a9: {  	v14 =	vadd.f32 v16, v60  }
0x5aa: {  	v62 =	vld.idx.msk [tilespmem:v4+s1+$0x0], $0xffff;
	v7 =	vadd.f32 v61, v7  }
0x5ab: {  	[tilespmem:v9+s2+$0x0] =	vst.idx.add.f32.msk $0xffff, v11;
	v6 =	vadd.f32 v6, v14  }
0x5ac: {  	[tilespmem:v10+s2+$0x0] =	vst.idx.add.f32.msk $0xffff, v7  }
0x5ad: {  	v63 =	vadd.f32 v19, v18;
	[tilespmem:v13+s2+$0x0] =	vst.idx.add.f32.msk $0xffff, v6  }
0x5ae: {  	[tilespmem:v8+s2+$0x0] =	vst.idx.add.f32.msk $0xffff, v6  }
0x5af: {  	s9 =	simm.s32 $0x1BA60;
	s8 =	simm.s32 $0x0;
	[tilespmem:v15+s2+$0x0] =	vst.idx.add.f32.msk $0xffff, v6;
	v6 =	vadd.f32 v62, v63  }
.LBB2_36:
0x5b0: {  	v8 =	vld [tilespmem:s9+$0x10];
	s6 =	sadd.s32 $0x40, s6  }
0x5b1: {  	v9 =	vld [tilespmem:s6+$0x10]  }
0x5b2: {  	s7 =	sadd.s32 $0x40, s7;
	v10 =	vld [tilespmem:s6+$0xFFFFFFE0]  }
0x5b3: {  	s8 =	sadd.s32 $0x4, s8;
	v11 =	vld [tilespmem:s7+$0x10]  }
0x5b4: {  	p3 =	slt.u32 s8, $0xC4;
	v12 =	vld [tilespmem:s9+$0xFFFFFFF0]  }
0x5b5: {  	v13 =	vld [tilespmem:s6+$0xFFFFFFF0]  }
0x5b6: {  	v14 =	vld [tilespmem:s9+$0x0]  }
0x5b7: {  	v15 =	vld [tilespmem:s6+$0x0]  }
0x5b8: {  	v16 =	vld.idx.msk [tilespmem:v8+s1+$0x0], $0xffff  }
0x5b9: {  	v17 =	vld.idx.msk [tilespmem:v9+s1+$0x0], $0xffff  }
0x5ba: {  	v18 =	vld [tilespmem:s9+$0xFFFFFFE0]  }
0x5bb: {  	v19 =	vld.idx.msk [tilespmem:v11+s1+$0x0], $0xffff  }
0x5bc: {  	v20 =	vld [tilespmem:s7+$0xFFFFFFE0]  }
0x5bd: {  	v21 =	vld [tilespmem:s7+$0xFFFFFFF0]  }
0x5be: {  	v22 =	vld [tilespmem:s7+$0x0]  }
0x5bf: {  	v16 =	vadd.f32 v17, v16;
	v23 =	vld.idx.msk [tilespmem:v10+s1+$0x0], $0xffff  }
0x5c0: {  	v17 =	vld.idx.msk [tilespmem:v12+s1+$0x0], $0xffff  }
0x5c1: {  	v16 =	vadd.f32 v19, v16;
	v24 =	vld.idx.msk [tilespmem:v13+s1+$0x0], $0xffff  }
0x5c2: {  	v19 =	vld.idx.msk [tilespmem:v18+s1+$0x0], $0xffff  }
0x5c3: {  	[tilespmem:v8+s2+$0x0] =	vst.idx.add.f32.msk $0xffff, v16  }
0x5c4: {  	[tilespmem:v9+s2+$0x0] =	vst.idx.add.f32.msk $0xffff, v16  }
0x5c5: {  	[tilespmem:v11+s2+$0x0] =	vst.idx.add.f32.msk $0xffff, v16  }
0x5c6: {  	v8 =	vld.idx.msk [tilespmem:v14+s1+$0x0], $0xffff  }
0x5c7: {  	v9 =	vadd.f32 v24, v17;
	v11 =	vld.idx.msk [tilespmem:v15+s1+$0x0], $0xffff  }
0x5c8: {  	v16 =	vadd.f32 v23, v19;
	v17 =	vld.idx.msk [tilespmem:v20+s1+$0x0], $0xffff  }
0x5c9: {  	v19 =	vld.idx.msk [tilespmem:v21+s1+$0x0], $0xffff  }
0x5ca: {  	v23 =	vld.idx.msk [tilespmem:v22+s1+$0x0], $0xffff  }
0x5cb: {  	[tilespmem:v3+s2+$0x0] =	vst.idx.add.f32.msk $0xffff, v7;
	v3 =	vmov v13  }
0x5cc: {  	[tilespmem:v5+s2+$0x0] =	vst.idx.add.f32.msk $0xffff, v7;
	v5 =	vmov v21  }
0x5cd: {  	v8 =	vadd.f32 v11, v8;
	[tilespmem:v1+s2+$0x0] =	vst.idx.add.f32.msk $0xffff, v6;
	v1 =	vmov v14  }
0x5ce: {  	v11 =	vadd.f32 v17, v16;
	[tilespmem:v2+s2+$0x0] =	vst.idx.add.f32.msk $0xffff, v6;
	v2 =	vmov v15  }
.Ltmp19:
0x5cf: {  	v7 =	vadd.f32 v19, v9;
	[tilespmem:v4+s2+$0x0] =	vst.idx.add.f32.msk $0xffff, v6;
	v4 =	vmov v22;
	(pc) =	sbr.rel @p3 .LBB2_36-.Ltmp19, $4  }
0x5d0: {  	v6 =	vadd.f32 v23, v8;
	[tilespmem:v18+s2+$0x0] =	vst.idx.add.f32.msk $0xffff, v11  }
0x5d1: {  	[tilespmem:v10+s2+$0x0] =	vst.idx.add.f32.msk $0xffff, v11  }
0x5d2: {  	[tilespmem:v20+s2+$0x0] =	vst.idx.add.f32.msk $0xffff, v11  }
0x5d3: {  	s9 =	sadd.s32 $0x40, s9;
	[tilespmem:v12+s2+$0x0] =	vst.idx.add.f32.msk $0xffff, v7  }
0x5d4: {  	_ =	sdelay $0x3  }
0x5d5: {  	[tilespmem:v3+s2+$0x0] =	vst.idx.add.f32.msk $0xffff, v7  }
0x5d6: {  	[tilespmem:v1+s2+$0x0] =	vst.idx.add.f32.msk $0xffff, v6  }
0x5d7: {  	[tilespmem:v5+s2+$0x0] =	vst.idx.add.f32.msk $0xffff, v7  }
0x5d8: {  	[tilespmem:v2+s2+$0x0] =	vst.idx.add.f32.msk $0xffff, v6  }
0x5d9: {  	s6 =	simm.s32 @p1 $0x0;
	s7 =	simm.s32 @p1 $0xC400;
	[tilespmem:v4+s2+$0x0] =	vst.idx.add.f32.msk $0xffff, v6  }
0x5da: {  	[hbm4b:s20+s6] =	stream.linear.scatter @p1 [tilespmem:s7], [sflag:$0x3], $0xC400, $0x38;
	[tilespmem:$0x1DF80] =	vst v63  }
0x5db: {  	s6 =	simm.s32 @p1 $0x3  }
.Ltmp20:
0x5dc: {  	_ =	swait.ge @p1 [sflag:s6], $0xC400;
	(pc) =	sbr.rel @p2 .LBB2_71-.Ltmp20, $3  }
0x5dd: {  	[sflag:s6] =	ssyncset.done @p1 $0x0  }
0x5de: {  	[sflag:s6] =	ssyncadd.s32 @p1 $0xFFFF3C00  }
0x5df: {  	[bflag:$0x0] =	sbarrier.arrive $0xFFFF;
	_ =	sdelay $0x1  }
0x5e0: {  	s6 =	simm.s32 $0x0  }
0x5e1: {  	[tilespmem:s4], [sflag:$0x3] =	stream.linear.gather [hbm4b:s21+s6], $0xC40, $0x38;
	[tilespmem:$0x1DF80] =	vst v63  }
0x5e2: {  	_ =	swait.ge [sflag:s28], $0xC40  }
0x5e3: {  	[sflag:s28] =	ssyncset.done $0x0  }
0x5e4: {  	s6 =	simm.s32 $0x0;
	[sflag:s28] =	ssyncadd.s32 $0xFFFFF3C0  }
0x5e5: {  	s7 =	simm.s32 $0x40;
	v1 =	vld [tilespmem:s6+$0x18800]  }
.LBB2_39:
0x5e6: {  	p3 =	sne.s32 s7, $0x30C0;
	v2 =	vld [tilespmem:s6+$0xC400];
	_ =	sdelay $0x2  }
.Ltmp21:
0x5e7: {  	(pc) =	sbr.rel @p3 .LBB2_39-.Ltmp21, $4  }
0x5e8: {  	_ = 	snop  }
0x5e9: {  	v2 =	vadd.f32 v1, v2  }
0x5ea: {  	s8 =	sshra.s32 s7, $0x2  }
0x5eb: {  	s7 =	sadd.s32 $0x40, s7;
	v1 =	vld [tilespmem:s8+$0x18800];
	[tilespmem:s6+$0xC400] =	vst v2;
	s6 =	smov.u32 s8  }
0x5ec: {  	v2 =	vld [tilespmem:s6+$0xC400];
	_ =	sdelay $0x4  }
0x5ed: {  	s7 =	sld [smem:$0x7EF];
	v1 =	vadd.f32 v1, v2;
	_ =	sdelay $0x1  }
0x5ee: {  	s9 =	simm.s32 $0x0;
	[tilespmem:s6+$0xC400] =	vst v1  }
0x5ef: {  	[tilespmem:s4], [sflag:$0x3] =	stream.linear.gather [hbm4b:s7+s9], $0xC40, $0x38;
	[tilespmem:$0x1DF80] =	vst v63  }
0x5f0: {  	_ =	swait.ge [sflag:s28], $0xC40  }
0x5f1: {  	[sflag:s28] =	ssyncset.done $0x0  }
0x5f2: {  	s6 =	simm.s32 $0x0;
	[sflag:s28] =	ssyncadd.s32 $0xFFFFF3C0  }
0x5f3: {  	s7 =	simm.s32 $0x40;
	v1 =	vld [tilespmem:s6+$0x18800]  }
.LBB2_41:
0x5f4: {  	p3 =	sne.s32 s7, $0x30C0;
	v2 =	vld [tilespmem:s6+$0xD040];
	_ =	sdelay $0x2  }
.Ltmp22:
0x5f5: {  	(pc) =	sbr.rel @p3 .LBB2_41-.Ltmp22, $4  }
0x5f6: {  	_ = 	snop  }
0x5f7: {  	v2 =	vadd.f32 v1, v2  }
0x5f8: {  	s8 =	sshra.s32 s7, $0x2  }
0x5f9: {  	s7 =	sadd.s32 $0x40, s7;
	v1 =	vld [tilespmem:s8+$0x18800];
	[tilespmem:s6+$0xD040] =	vst v2;
	s6 =	smov.u32 s8  }
0x5fa: {  	v2 =	vld [tilespmem:s6+$0xD040];
	_ =	sdelay $0x4  }
0x5fb: {  	s8 =	sld [smem:$0x7F0];
	v1 =	vadd.f32 v1, v2;
	_ =	sdelay $0x1  }
0x5fc: {  	s7 =	simm.s32 $0x0;
	[tilespmem:s6+$0xD040] =	vst v1;
	s6 =	simm.s32 $0x18800  }
0x5fd: {  	[tilespmem:s6], [sflag:$0x3] =	stream.linear.gather [hbm4b:s8+s7], $0xC40, $0x38;
	[tilespmem:$0x1DF80] =	vst v63  }
0x5fe: {  	_ =	swait.ge [sflag:s28], $0xC40  }
0x5ff: {  	[sflag:s28] =	ssyncset.done $0x0  }
0x600: {  	[sflag:s28] =	ssyncadd.s32 $0xFFFFF3C0  }
0x601: {  	s7 =	sand.u32 $0xFF0, s7;
	s8 =	simm.s32 $0x10;
	v1 =	vld [tilespmem:s6+$0x0]  }
.LBB2_43:
0x602: {  	p3 =	sne.s32 s8, $0xC30;
	v2 =	vld [tilespmem:s7+$0xDC80];
	_ =	sdelay $0x3  }
.Ltmp23:
0x603: {  	(pc) =	sbr.rel @p3 .LBB2_43-.Ltmp23, $3  }
0x604: {  	v1 =	vadd.f32 v1, v2;
	_ =	sdelay $0x1  }
0x605: {  	s6 =	sadd.s32 $0x10, s6;
	[tilespmem:s7+$0xDC80] =	vst v1  }
0x606: {  	s7 =	sand.u32 $0xFF0, s8;
	s8 =	sadd.s32 $0x10, s8;
	v1 =	vld [tilespmem:s6+$0x0]  }
0x607: {  	v2 =	vld [tilespmem:s7+$0xDC80];
	_ =	sdelay $0x4  }
0x608: {  	s9 =	sld [smem:$0x7F1];
	v1 =	vadd.f32 v1, v2;
	_ =	sdelay $0x1  }
0x609: {  	s6 =	simm.s32 $0x0;
	[tilespmem:s7+$0xDC80] =	vst v1  }
0x60a: {  	[tilespmem:s4], [sflag:$0x3] =	stream.linear.gather [hbm4b:s9+s6], $0xC40, $0x38;
	[tilespmem:$0x1DF80] =	vst v63  }
0x60b: {  	_ =	swait.ge [sflag:s28], $0xC40  }
0x60c: {  	[sflag:s28] =	ssyncset.done $0x0  }
0x60d: {  	s6 =	simm.s32 $0x0;
	[sflag:s28] =	ssyncadd.s32 $0xFFFFF3C0  }
0x60e: {  	s7 =	simm.s32 $0x40;
	v1 =	vld [tilespmem:s6+$0x18800]  }
.LBB2_45:
0x60f: {  	p3 =	sne.s32 s7, $0x30C0;
	v2 =	vld [tilespmem:s6+$0xE8C0];
	_ =	sdelay $0x2  }
.Ltmp24:
0x610: {  	(pc) =	sbr.rel @p3 .LBB2_45-.Ltmp24, $4  }
0x611: {  	_ = 	snop  }
0x612: {  	v2 =	vadd.f32 v1, v2  }
0x613: {  	s8 =	sshra.s32 s7, $0x2  }
0x614: {  	s7 =	sadd.s32 $0x40, s7;
	v1 =	vld [tilespmem:s8+$0x18800];
	[tilespmem:s6+$0xE8C0] =	vst v2;
	s6 =	smov.u32 s8  }
0x615: {  	v2 =	vld [tilespmem:s6+$0xE8C0];
	_ =	sdelay $0x4  }
0x616: {  	s8 =	sld [smem:$0x7F2];
	v1 =	vadd.f32 v1, v2;
	_ =	sdelay $0x1  }
0x617: {  	s7 =	simm.s32 $0x0;
	[tilespmem:s6+$0xE8C0] =	vst v1;
	s6 =	simm.s32 $0x18800  }
0x618: {  	[tilespmem:s6], [sflag:$0x3] =	stream.linear.gather [hbm4b:s8+s7], $0xC40, $0x38;
	[tilespmem:$0x1DF80] =	vst v63  }
0x619: {  	_ =	swait.ge [sflag:s28], $0xC40  }
0x61a: {  	[sflag:s28] =	ssyncset.done $0x0  }
0x61b: {  	[sflag:s28] =	ssyncadd.s32 $0xFFFFF3C0  }
0x61c: {  	s7 =	sand.u32 $0xFF0, s7;
	s8 =	simm.s32 $0x10;
	v1 =	vld [tilespmem:s6+$0x0]  }
.LBB2_47:
0x61d: {  	p3 =	sne.s32 s8, $0xC30;
	v2 =	vld [tilespmem:s7+$0xF500];
	_ =	sdelay $0x3  }
.Ltmp25:
0x61e: {  	(pc) =	sbr.rel @p3 .LBB2_47-.Ltmp25, $3  }
0x61f: {  	v1 =	vadd.f32 v1, v2;
	_ =	sdelay $0x1  }
0x620: {  	s6 =	sadd.s32 $0x10, s6;
	[tilespmem:s7+$0xF500] =	vst v1  }
0x621: {  	s7 =	sand.u32 $0xFF0, s8;
	s8 =	sadd.s32 $0x10, s8;
	v1 =	vld [tilespmem:s6+$0x0]  }
0x622: {  	v2 =	vld [tilespmem:s7+$0xF500];
	_ =	sdelay $0x4  }
0x623: {  	s9 =	sld [smem:$0x7F3];
	v1 =	vadd.f32 v1, v2;
	_ =	sdelay $0x1  }
0x624: {  	s6 =	simm.s32 $0x0;
	[tilespmem:s7+$0xF500] =	vst v1  }
0x625: {  	[tilespmem:s4], [sflag:$0x3] =	stream.linear.gather [hbm4b:s9+s6], $0xC40, $0x38;
	[tilespmem:$0x1DF80] =	vst v63  }
0x626: {  	_ =	swait.ge [sflag:s28], $0xC40  }
0x627: {  	[sflag:s28] =	ssyncset.done $0x0  }
0x628: {  	s6 =	simm.s32 $0x0;
	[sflag:s28] =	ssyncadd.s32 $0xFFFFF3C0  }
0x629: {  	s7 =	simm.s32 $0x40;
	v1 =	vld [tilespmem:s6+$0x18800]  }
.LBB2_49:
0x62a: {  	p3 =	sne.s32 s7, $0x30C0;
	v2 =	vld [tilespmem:s6+$0x10140];
	_ =	sdelay $0x2  }
.Ltmp26:
0x62b: {  	(pc) =	sbr.rel @p3 .LBB2_49-.Ltmp26, $4  }
0x62c: {  	_ = 	snop  }
0x62d: {  	v2 =	vadd.f32 v1, v2  }
0x62e: {  	s8 =	sshra.s32 s7, $0x2  }
0x62f: {  	s7 =	sadd.s32 $0x40, s7;
	v1 =	vld [tilespmem:s8+$0x18800];
	[tilespmem:s6+$0x10140] =	vst v2;
	s6 =	smov.u32 s8  }
0x630: {  	v2 =	vld [tilespmem:s6+$0x10140];
	_ =	sdelay $0x4  }
0x631: {  	s8 =	sld [smem:$0x7F4];
	v1 =	vadd.f32 v1, v2;
	_ =	sdelay $0x1  }
0x632: {  	s7 =	simm.s32 $0x0;
	[tilespmem:s6+$0x10140] =	vst v1;
	s6 =	simm.s32 $0x18800  }
0x633: {  	[tilespmem:s6], [sflag:$0x3] =	stream.linear.gather [hbm4b:s8+s7], $0xC40, $0x38;
	[tilespmem:$0x1DF80] =	vst v63  }
0x634: {  	_ =	swait.ge [sflag:s28], $0xC40  }
0x635: {  	[sflag:s28] =	ssyncset.done $0x0  }
0x636: {  	[sflag:s28] =	ssyncadd.s32 $0xFFFFF3C0  }
0x637: {  	s7 =	sand.u32 $0xFF0, s7;
	s8 =	simm.s32 $0x10;
	v1 =	vld [tilespmem:s6+$0x0]  }
.LBB2_51:
0x638: {  	p3 =	sne.s32 s8, $0xC30;
	v2 =	vld [tilespmem:s7+$0x10D80];
	_ =	sdelay $0x3  }
.Ltmp27:
0x639: {  	(pc) =	sbr.rel @p3 .LBB2_51-.Ltmp27, $3  }
0x63a: {  	v1 =	vadd.f32 v1, v2;
	_ =	sdelay $0x1  }
0x63b: {  	s6 =	sadd.s32 $0x10, s6;
	[tilespmem:s7+$0x10D80] =	vst v1  }
0x63c: {  	s7 =	sand.u32 $0xFF0, s8;
	s8 =	sadd.s32 $0x10, s8;
	v1 =	vld [tilespmem:s6+$0x0]  }
0x63d: {  	v2 =	vld [tilespmem:s7+$0x10D80];
	_ =	sdelay $0x4  }
0x63e: {  	s9 =	sld [smem:$0x7F5];
	v1 =	vadd.f32 v1, v2;
	_ =	sdelay $0x1  }
0x63f: {  	s6 =	simm.s32 $0x0;
	[tilespmem:s7+$0x10D80] =	vst v1  }
0x640: {  	[tilespmem:s4], [sflag:$0x3] =	stream.linear.gather [hbm4b:s9+s6], $0xC40, $0x38;
	[tilespmem:$0x1DF80] =	vst v63  }
0x641: {  	_ =	swait.ge [sflag:s28], $0xC40  }
0x642: {  	[sflag:s28] =	ssyncset.done $0x0  }
0x643: {  	s6 =	simm.s32 $0x0;
	[sflag:s28] =	ssyncadd.s32 $0xFFFFF3C0  }
0x644: {  	s7 =	simm.s32 $0x40;
	v1 =	vld [tilespmem:s6+$0x18800]  }
.LBB2_53:
0x645: {  	p3 =	sne.s32 s7, $0x30C0;
	v2 =	vld [tilespmem:s6+$0x119C0];
	_ =	sdelay $0x2  }
.Ltmp28:
0x646: {  	(pc) =	sbr.rel @p3 .LBB2_53-.Ltmp28, $4  }
0x647: {  	_ = 	snop  }
0x648: {  	v2 =	vadd.f32 v1, v2  }
0x649: {  	s8 =	sshra.s32 s7, $0x2  }
0x64a: {  	s7 =	sadd.s32 $0x40, s7;
	v1 =	vld [tilespmem:s8+$0x18800];
	[tilespmem:s6+$0x119C0] =	vst v2;
	s6 =	smov.u32 s8  }
0x64b: {  	v2 =	vld [tilespmem:s6+$0x119C0];
	_ =	sdelay $0x4  }
0x64c: {  	s8 =	sld [smem:$0x7F6];
	v1 =	vadd.f32 v1, v2;
	_ =	sdelay $0x1  }
0x64d: {  	s7 =	simm.s32 $0x0;
	[tilespmem:s6+$0x119C0] =	vst v1;
	s6 =	simm.s32 $0x18800  }
0x64e: {  	[tilespmem:s6], [sflag:$0x3] =	stream.linear.gather [hbm4b:s8+s7], $0xC40, $0x38;
	[tilespmem:$0x1DF80] =	vst v63  }
0x64f: {  	_ =	swait.ge [sflag:s28], $0xC40  }
0x650: {  	[sflag:s28] =	ssyncset.done $0x0  }
0x651: {  	[sflag:s28] =	ssyncadd.s32 $0xFFFFF3C0  }
0x652: {  	s7 =	sand.u32 $0xFF0, s7;
	s8 =	simm.s32 $0x10;
	v1 =	vld [tilespmem:s6+$0x0]  }
.LBB2_55:
0x653: {  	p3 =	sne.s32 s8, $0xC30;
	v2 =	vld [tilespmem:s7+$0x12600];
	_ =	sdelay $0x3  }
.Ltmp29:
0x654: {  	(pc) =	sbr.rel @p3 .LBB2_55-.Ltmp29, $3  }
0x655: {  	v1 =	vadd.f32 v1, v2;
	_ =	sdelay $0x1  }
0x656: {  	s6 =	sadd.s32 $0x10, s6;
	[tilespmem:s7+$0x12600] =	vst v1  }
0x657: {  	s7 =	sand.u32 $0xFF0, s8;
	s8 =	sadd.s32 $0x10, s8;
	v1 =	vld [tilespmem:s6+$0x0]  }
0x658: {  	v2 =	vld [tilespmem:s7+$0x12600];
	_ =	sdelay $0x4  }
0x659: {  	s9 =	sld [smem:$0x7F7];
	v1 =	vadd.f32 v1, v2;
	_ =	sdelay $0x1  }
0x65a: {  	s6 =	simm.s32 $0x0;
	[tilespmem:s7+$0x12600] =	vst v1  }
0x65b: {  	[tilespmem:s4], [sflag:$0x3] =	stream.linear.gather [hbm4b:s9+s6], $0xC40, $0x38;
	[tilespmem:$0x1DF80] =	vst v63  }
0x65c: {  	_ =	swait.ge [sflag:s28], $0xC40  }
0x65d: {  	[sflag:s28] =	ssyncset.done $0x0  }
0x65e: {  	s6 =	simm.s32 $0x0;
	[sflag:s28] =	ssyncadd.s32 $0xFFFFF3C0  }
0x65f: {  	s7 =	simm.s32 $0x40;
	v1 =	vld [tilespmem:s6+$0x18800]  }
.LBB2_57:
0x660: {  	p3 =	sne.s32 s7, $0x30C0;
	v2 =	vld [tilespmem:s6+$0x13240];
	_ =	sdelay $0x2  }
.Ltmp30:
0x661: {  	(pc) =	sbr.rel @p3 .LBB2_57-.Ltmp30, $4  }
0x662: {  	_ = 	snop  }
0x663: {  	v2 =	vadd.f32 v1, v2  }
0x664: {  	s8 =	sshra.s32 s7, $0x2  }
0x665: {  	s7 =	sadd.s32 $0x40, s7;
	v1 =	vld [tilespmem:s8+$0x18800];
	[tilespmem:s6+$0x13240] =	vst v2;
	s6 =	smov.u32 s8  }
0x666: {  	v2 =	vld [tilespmem:s6+$0x13240];
	_ =	sdelay $0x4  }
0x667: {  	s8 =	sld [smem:$0x7F8];
	v1 =	vadd.f32 v1, v2;
	_ =	sdelay $0x1  }
0x668: {  	s7 =	simm.s32 $0x0;
	[tilespmem:s6+$0x13240] =	vst v1;
	s6 =	simm.s32 $0x18800  }
0x669: {  	[tilespmem:s6], [sflag:$0x3] =	stream.linear.gather [hbm4b:s8+s7], $0xC40, $0x38;
	[tilespmem:$0x1DF80] =	vst v63  }
0x66a: {  	_ =	swait.ge [sflag:s28], $0xC40  }
0x66b: {  	[sflag:s28] =	ssyncset.done $0x0  }
0x66c: {  	[sflag:s28] =	ssyncadd.s32 $0xFFFFF3C0  }
0x66d: {  	s7 =	sand.u32 $0xFF0, s7;
	s8 =	simm.s32 $0x10;
	v1 =	vld [tilespmem:s6+$0x0]  }
.LBB2_59:
0x66e: {  	p3 =	sne.s32 s8, $0xC30;
	v2 =	vld [tilespmem:s7+$0x13E80];
	_ =	sdelay $0x3  }
.Ltmp31:
0x66f: {  	(pc) =	sbr.rel @p3 .LBB2_59-.Ltmp31, $3  }
0x670: {  	v1 =	vadd.f32 v1, v2;
	_ =	sdelay $0x1  }
0x671: {  	s6 =	sadd.s32 $0x10, s6;
	[tilespmem:s7+$0x13E80] =	vst v1  }
0x672: {  	s7 =	sand.u32 $0xFF0, s8;
	s8 =	sadd.s32 $0x10, s8;
	v1 =	vld [tilespmem:s6+$0x0]  }
0x673: {  	v2 =	vld [tilespmem:s7+$0x13E80];
	_ =	sdelay $0x4  }
0x674: {  	s9 =	sld [smem:$0x7F9];
	v1 =	vadd.f32 v1, v2;
	_ =	sdelay $0x1  }
0x675: {  	s6 =	simm.s32 $0x0;
	[tilespmem:s7+$0x13E80] =	vst v1  }
0x676: {  	[tilespmem:s4], [sflag:$0x3] =	stream.linear.gather [hbm4b:s9+s6], $0xC40, $0x38;
	[tilespmem:$0x1DF80] =	vst v63  }
0x677: {  	_ =	swait.ge [sflag:s28], $0xC40  }
0x678: {  	[sflag:s28] =	ssyncset.done $0x0  }
0x679: {  	s6 =	simm.s32 $0x0;
	[sflag:s28] =	ssyncadd.s32 $0xFFFFF3C0  }
0x67a: {  	s7 =	simm.s32 $0x40;
	v1 =	vld [tilespmem:s6+$0x18800]  }
.LBB2_61:
0x67b: {  	p3 =	sne.s32 s7, $0x30C0;
	v2 =	vld [tilespmem:s6+$0x14AC0];
	_ =	sdelay $0x2  }
.Ltmp32:
0x67c: {  	(pc) =	sbr.rel @p3 .LBB2_61-.Ltmp32, $4  }
0x67d: {  	_ = 	snop  }
0x67e: {  	v2 =	vadd.f32 v1, v2  }
0x67f: {  	s8 =	sshra.s32 s7, $0x2  }
0x680: {  	s7 =	sadd.s32 $0x40, s7;
	v1 =	vld [tilespmem:s8+$0x18800];
	[tilespmem:s6+$0x14AC0] =	vst v2;
	s6 =	smov.u32 s8  }
0x681: {  	v2 =	vld [tilespmem:s6+$0x14AC0];
	_ =	sdelay $0x4  }
0x682: {  	s8 =	sld [smem:$0x7FA];
	v1 =	vadd.f32 v1, v2;
	_ =	sdelay $0x1  }
0x683: {  	s7 =	simm.s32 $0x0;
	[tilespmem:s6+$0x14AC0] =	vst v1;
	s6 =	simm.s32 $0x18800  }
0x684: {  	[tilespmem:s6], [sflag:$0x3] =	stream.linear.gather [hbm4b:s8+s7], $0xC40, $0x38;
	[tilespmem:$0x1DF80] =	vst v63  }
0x685: {  	_ =	swait.ge [sflag:s28], $0xC40  }
0x686: {  	[sflag:s28] =	ssyncset.done $0x0  }
0x687: {  	[sflag:s28] =	ssyncadd.s32 $0xFFFFF3C0  }
0x688: {  	s7 =	sand.u32 $0xFF0, s7;
	s8 =	simm.s32 $0x10;
	v1 =	vld [tilespmem:s6+$0x0]  }
.LBB2_63:
0x689: {  	p3 =	sne.s32 s8, $0xC30;
	v2 =	vld [tilespmem:s7+$0x15700];
	_ =	sdelay $0x3  }
.Ltmp33:
0x68a: {  	(pc) =	sbr.rel @p3 .LBB2_63-.Ltmp33, $3  }
0x68b: {  	v1 =	vadd.f32 v1, v2;
	_ =	sdelay $0x1  }
0x68c: {  	s6 =	sadd.s32 $0x10, s6;
	[tilespmem:s7+$0x15700] =	vst v1  }
0x68d: {  	s7 =	sand.u32 $0xFF0, s8;
	s8 =	sadd.s32 $0x10, s8;
	v1 =	vld [tilespmem:s6+$0x0]  }
0x68e: {  	v2 =	vld [tilespmem:s7+$0x15700];
	_ =	sdelay $0x4  }
0x68f: {  	s9 =	sld [smem:$0x7FB];
	v1 =	vadd.f32 v1, v2;
	_ =	sdelay $0x1  }
0x690: {  	s6 =	simm.s32 $0x0;
	[tilespmem:s7+$0x15700] =	vst v1  }
0x691: {  	[tilespmem:s4], [sflag:$0x3] =	stream.linear.gather [hbm4b:s9+s6], $0xC40, $0x38;
	[tilespmem:$0x1DF80] =	vst v63  }
0x692: {  	_ =	swait.ge [sflag:s28], $0xC40  }
0x693: {  	[sflag:s28] =	ssyncset.done $0x0  }
0x694: {  	s6 =	simm.s32 $0x0;
	[sflag:s28] =	ssyncadd.s32 $0xFFFFF3C0  }
0x695: {  	s7 =	simm.s32 $0x40;
	v1 =	vld [tilespmem:s6+$0x18800]  }
.LBB2_65:
0x696: {  	p3 =	sne.s32 s7, $0x30C0;
	v2 =	vld [tilespmem:s6+$0x16340];
	_ =	sdelay $0x2  }
.Ltmp34:
0x697: {  	(pc) =	sbr.rel @p3 .LBB2_65-.Ltmp34, $4  }
0x698: {  	_ = 	snop  }
0x699: {  	v2 =	vadd.f32 v1, v2  }
0x69a: {  	s8 =	sshra.s32 s7, $0x2  }
0x69b: {  	s7 =	sadd.s32 $0x40, s7;
	v1 =	vld [tilespmem:s8+$0x18800];
	[tilespmem:s6+$0x16340] =	vst v2;
	s6 =	smov.u32 s8  }
0x69c: {  	v2 =	vld [tilespmem:s6+$0x16340];
	_ =	sdelay $0x4  }
0x69d: {  	s8 =	sld [smem:$0x7FC];
	v1 =	vadd.f32 v1, v2;
	_ =	sdelay $0x1  }
0x69e: {  	s7 =	simm.s32 $0x0;
	[tilespmem:s6+$0x16340] =	vst v1;
	s6 =	simm.s32 $0x18800  }
0x69f: {  	[tilespmem:s6], [sflag:$0x3] =	stream.linear.gather [hbm4b:s8+s7], $0xC40, $0x38;
	[tilespmem:$0x1DF80] =	vst v63  }
0x6a0: {  	_ =	swait.ge [sflag:s28], $0xC40  }
0x6a1: {  	[sflag:s28] =	ssyncset.done $0x0  }
0x6a2: {  	[sflag:s28] =	ssyncadd.s32 $0xFFFFF3C0  }
0x6a3: {  	s7 =	sand.u32 $0xFF0, s7;
	s8 =	simm.s32 $0x10;
	v1 =	vld [tilespmem:s6+$0x0]  }
.LBB2_67:
0x6a4: {  	p3 =	sne.s32 s8, $0xC30;
	v2 =	vld [tilespmem:s7+$0x16F80];
	_ =	sdelay $0x3  }
.Ltmp35:
0x6a5: {  	(pc) =	sbr.rel @p3 .LBB2_67-.Ltmp35, $3  }
0x6a6: {  	v1 =	vadd.f32 v1, v2;
	_ =	sdelay $0x1  }
0x6a7: {  	s6 =	sadd.s32 $0x10, s6;
	[tilespmem:s7+$0x16F80] =	vst v1  }
0x6a8: {  	s7 =	sand.u32 $0xFF0, s8;
	s8 =	sadd.s32 $0x10, s8;
	v1 =	vld [tilespmem:s6+$0x0]  }
0x6a9: {  	v2 =	vld [tilespmem:s7+$0x16F80];
	_ =	sdelay $0x4  }
0x6aa: {  	s9 =	sld [smem:$0x7FD];
	v1 =	vadd.f32 v1, v2;
	_ =	sdelay $0x1  }
0x6ab: {  	s6 =	simm.s32 $0x0;
	[tilespmem:s7+$0x16F80] =	vst v1  }
0x6ac: {  	[tilespmem:s4], [sflag:$0x3] =	stream.linear.gather [hbm4b:s9+s6], $0xC40, $0x38;
	[tilespmem:$0x1DF80] =	vst v63  }
0x6ad: {  	_ =	swait.ge [sflag:s28], $0xC40  }
0x6ae: {  	[sflag:s28] =	ssyncset.done $0x0  }
0x6af: {  	s6 =	simm.s32 $0x0;
	[sflag:s28] =	ssyncadd.s32 $0xFFFFF3C0  }
0x6b0: {  	s7 =	simm.s32 $0x40;
	v1 =	vld [tilespmem:s6+$0x18800]  }
.LBB2_69:
0x6b1: {  	p3 =	sne.s32 s7, $0x30C0;
	v2 =	vld [tilespmem:s6+$0x17BC0];
	_ =	sdelay $0x2  }
.Ltmp36:
0x6b2: {  	(pc) =	sbr.rel @p3 .LBB2_69-.Ltmp36, $4  }
0x6b3: {  	_ = 	snop  }
0x6b4: {  	v2 =	vadd.f32 v1, v2  }
0x6b5: {  	s8 =	sshra.s32 s7, $0x2  }
0x6b6: {  	s7 =	sadd.s32 $0x40, s7;
	v1 =	vld [tilespmem:s8+$0x18800];
	[tilespmem:s6+$0x17BC0] =	vst v2;
	s6 =	smov.u32 s8  }
0x6b7: {  	v2 =	vld [tilespmem:s6+$0x17BC0];
	_ =	sdelay $0x4  }
0x6b8: {  	s9 =	sld [smem:$0x7EE];
	v1 =	vadd.f32 v1, v2;
	_ =	sdelay $0x1  }
.Ltmp37:
0x6b9: {  	[tilespmem:s6+$0x17BC0] =	vst v1;
	(pc) =	sbr.rel .LBB2_71-.Ltmp37, $4  }
0x6ba: {  	[hbm4b:s9+s1] =	stream.linear.scatter [tilespmem:s2], [sflag:$0x3], $0xC400, $0x38;
	[tilespmem:$0x1DF80] =	vst v63  }
0x6bb: {  	_ =	swait.ge [sflag:s28], $0xC400  }
0x6bc: {  	[sflag:s28] =	ssyncset.done $0x0  }
0x6bd: {  	[sflag:s28] =	ssyncadd.s32 $0xFFFF3C00  }
.LBB2_72:
0x6be: {  	_ =	sfence.sel $0x180000  }
0x6bf: {  	[bflag:$0x0] =	sbarrier.arrive $0xFFFF  }
0x6c0: {  	_ =	strace $0x90000047  }
0x6c1: {  	s0 =	stileid.u32;
	[bflag:$0x2] =	sbarrier.arrive $0xFFFF  }
0x6c2: {  	p0 =	sne.s32 s0, $0x0;
	s0 =	rddreg [dreg:$0x1]  }
0x6c3: {  	s0 =	sadd.s32 @!p0 $0x100000, s0  }
0x6c4: {  	[sflag:s0] =	ssyncadd.tile.s32 @!p0 $0x1;
	_ =	shalt  }
.Lfunc_end2:
_tile_overlayer_lowered:
.L_overlay_start_2:
0x6c5: {  	(tag) =	ssettag $0x2  }
0x6c6: {  	s0 =	rddreg [dreg:$0x0];
	s2 =	stileid.u32  }
0x6c7: {  	s1 =	rddreg [dreg:$0x1];
	p0 =	sne.s32 s2, $0x0  }
0x6c8: {  	s3 =	rddreg [dreg:$0x2];
	[bflag:$0x3] =	sbarrier.arrive $0xFFFF;
	s2 =	simm.s32 @!p0 $0x1C03  }
0x6c9: {  	[timem:s3], [sflag:s2] =	dma.local @!p0 [hbm:s0], s1  }
0x6ca: {  	s0 =	simm.s32 @!p0 $0x3  }
0x6cb: {  	_ =	swait.ge @!p0 [sflag:s0], s1  }
0x6cc: {  	s1 =	ssub.s32 @!p0 $0x0, s1;
	[sflag:s0] =	ssyncset.done @!p0 $0x0  }
0x6cd: {  	[sflag:s0] =	ssyncadd.s32 @!p0 s1  }
0x6ce: {  	[bflag:$0x3] =	sbarrier.arrive $0xFFFF  }
0x6cf: {  	_ =	shalt  }

</sc_bundles>
